<compile_context>
chip_gen: v7x
topology: tpu7x:2x2x1
jax: 0.10.2.dev20260603
libtpu: 0.0.44.dev20260713+nightly
codegen_flags: <defaults>
</compile_context>

<pallas_src>
import dataclasses
import functools

import jax
import jax.numpy as jnp
from jax import lax
from jax.experimental import pallas as pl
from jax.experimental.pallas import tpu as pltpu
from jax.experimental.pallas import tpu_sc as plsc

N = 10000
NP = 10240
E = 320000
NC = 2
NS = 16
NW = NC * NS
EPW = E // NW
HALF = NP // NC
ACCR = HALF + 8
RPT = HALF // NS

ES = E // NS
ESR = 250
ESC = 80
CH = 128
MAXCH = 160
CAP = MAXCH * CH

_MESH = plsc.VectorSubcoreMesh(core_axis_name="c", subcore_axis_name="s")

_SC_CP = pltpu.CompilerParams()
if "needs_layout_passes" in pltpu.CompilerParams.__dataclass_fields__:
    _SC_CP = dataclasses.replace(_SC_CP, needs_layout_passes=False)


@functools.partial(
    pl.kernel,
    out_type=jax.ShapeDtypeStruct((NW, NP), jnp.float32),
    mesh=_MESH,
    compiler_params=_SC_CP,
    scratch_types=[
        pltpu.VMEM((EPW,), jnp.int32),
        pltpu.VMEM((NP,), jnp.float32),
    ],
)
def _deg_kernel(dst_hbm, out_hbm, dstv, hist):
    c = lax.axis_index("c")
    s = lax.axis_index("s")
    wid = c * NS + s
    pltpu.sync_copy(dst_hbm.at[wid], dstv)

    @pl.loop(0, NP, step=16)
    def _(i):
        hist[pl.ds(i, 16)] = jnp.zeros((16,), jnp.float32)

    ones = jnp.full((16,), 1.0, jnp.float32)

    @pl.loop(0, EPW, step=16)
    def _(i):
        idx = dstv[pl.ds(i, 16)]
        plsc.addupdate_scatter(hist, [idx], ones)

    pltpu.sync_copy(hist, out_hbm.at[wid])


@functools.partial(
    pl.kernel,
    out_type=(
        jax.ShapeDtypeStruct((NC, NS, 2, CAP), jnp.int32),
        jax.ShapeDtypeStruct((NC, NS, 16), jnp.int32),
    ),
    mesh=_MESH,
    compiler_params=_SC_CP,
    scratch_types=[
        pltpu.VMEM((2, ESR, ESC), jnp.int32),
        pltpu.VMEM((CAP,), jnp.int32),
        pltpu.VMEM((CAP,), jnp.int32),
        pltpu.VMEM((16,), jnp.int32),
        pltpu.SMEM((1,), jnp.int32),
    ],
)
def _comp_kernel(sd_hbm, comp_hbm, np_hbm, raw, comp_s, comp_d, npv, offs):
    c = lax.axis_index("c")
    s = lax.axis_index("s")
    lo = c * HALF
    pltpu.sync_copy(sd_hbm.at[s], raw)
    offs[0] = 0
    lane = lax.iota(jnp.int32, 16)

    @pl.loop(0, ESR)
    def _(r):
        @pl.loop(0, ESC, step=16)
        def _(j):
            sv = raw.at[0].at[r][pl.ds(j, 16)]
            dv = raw.at[1].at[r][pl.ds(j, 16)]
            dl = dv - lo
            ok = (dl >= 0) & (dl < HALF)
            oki = ok.astype(jnp.int32)
            cum = lax.cumsum(oki)
            pos = offs[0] + cum - oki
            plsc.store_scatter(comp_s, [pos], sv, mask=ok)
            plsc.store_scatter(comp_d, [pos], dl, mask=ok)
            offs[0] = offs[0] + jnp.sum(oki)

    cnt = offs[0]

    @pl.loop(0, 16)
    def _(j):
        pos = cnt + j * 16 + lane
        plsc.store_scatter(comp_s, [pos], (j * 16 + lane) * 8)
        plsc.store_scatter(comp_d, [pos], HALF + (lane & 7))

    npairs = (cnt + 2 * CH - 1) // (2 * CH)
    npv[...] = jnp.zeros((16,), jnp.int32) + npairs
    pltpu.sync_copy(npv, np_hbm.at[c, s])
    pltpu.sync_copy(comp_s, comp_hbm.at[c, s, 0])
    pltpu.sync_copy(comp_d, comp_hbm.at[c, s, 1])


@functools.partial(
    pl.kernel,
    out_type=jax.ShapeDtypeStruct((NP, 128), jnp.float32),
    mesh=_MESH,
    compiler_params=_SC_CP,
    scratch_types=[
        pltpu.VMEM((2, MAXCH, CH), jnp.int32),
        pltpu.VMEM((2, CH, 128), jnp.float32),
        pltpu.VMEM_SHARED((ACCR, 128), jnp.float32),
        pltpu.VMEM((16,), jnp.int32),
        pltpu.SemaphoreType.DMA,
        pltpu.SemaphoreType.DMA,
    ],
)
def _agg_kernel(h_hbm, comp_hbm, np_hbm, out_hbm, compv, rows, acc, npv,
                sem_a, sem_b):
    c = lax.axis_index("c")
    s = lax.axis_index("s")
    lo = c * HALF
    rs = s * RPT
    pltpu.sync_copy(h_hbm.at[pl.ds(lo + rs, RPT)], acc.at[pl.ds(rs, RPT)])
    pltpu.sync_copy(comp_hbm.at[c, s], compv)
    pltpu.sync_copy(np_hbm.at[c, s], npv)
    srcv = compv.at[0]
    dstv = compv.at[1]
    npairs = jnp.minimum(jnp.max(npv[...]), MAXCH // 2)
    nch = npairs * 2

    @pl.when(npairs > 0)
    def _():
        pltpu.async_copy(h_hbm.at[srcv.at[0]], rows.at[0], sem_a)
        pltpu.async_copy(h_hbm.at[srcv.at[1]], rows.at[1], sem_b)

    plsc.subcore_barrier()

    @pl.loop(0, npairs)
    def _(j):
        k = j * 2
        pltpu.make_async_copy(h_hbm.at[srcv.at[k]], rows.at[0], sem_a).wait()
        pltpu.sync_copy(rows.at[0], acc.at[dstv.at[k]], add=True)

        @pl.when(k + 2 < nch)
        def _():
            pltpu.async_copy(h_hbm.at[srcv.at[k + 2]], rows.at[0], sem_a)

        pltpu.make_async_copy(
            h_hbm.at[srcv.at[k + 1]], rows.at[1], sem_b).wait()
        pltpu.sync_copy(rows.at[1], acc.at[dstv.at[k + 1]], add=True)

        @pl.when(k + 3 < nch)
        def _():
            pltpu.async_copy(h_hbm.at[srcv.at[k + 3]], rows.at[1], sem_b)

    plsc.subcore_barrier()
    pltpu.sync_copy(acc.at[pl.ds(rs, RPT)], out_hbm.at[pl.ds(lo + rs, RPT)])


_R = 2048


def _dinv_of(hist_blk):
    return lax.rsqrt(jnp.sum(hist_blk, axis=0) + 1.0)


def _tc_first(hist, xp, W1):
    def body(hist_ref, x_ref, w_ref, out_ref):
        dinv = _dinv_of(hist_ref[...])
        h = jnp.dot(x_ref[...], w_ref[...], preferred_element_type=jnp.float32,
                    precision=lax.Precision.HIGHEST)
        out_ref[...] = h * dinv[:, None]

    return pl.pallas_call(
        body,
        grid=(NP // _R,),
        in_specs=[
            pl.BlockSpec((NW, _R), lambda i: (0, i)),
            pl.BlockSpec((_R, 128), lambda i: (i, 0)),
            pl.BlockSpec((128, 128), lambda i: (0, 0)),
        ],
        out_specs=pl.BlockSpec((_R, 128), lambda i: (i, 0)),
        out_shape=jax.ShapeDtypeStruct((NP, 128), jnp.float32),
    )(hist, xp, W1)


def _tc_mid(hist, p, hp, b_prev, W=None):

    def body(hist_ref, p_ref, h_ref, b_ref, w_ref, out_ref):
        dinv = _dinv_of(hist_ref[...])
        sgg = (p_ref[...] - h_ref[...]) * dinv[:, None] + b_ref[...]
        a = jnp.maximum(sgg, 0.0)
        if w_ref is not None:
            a = jnp.dot(a, w_ref[...], preferred_element_type=jnp.float32,
                        precision=lax.Precision.HIGHEST)
        out_ref[...] = a * dinv[:, None]

    in_specs = [
        pl.BlockSpec((NW, _R), lambda i: (0, i)),
        pl.BlockSpec((_R, 128), lambda i: (i, 0)),
        pl.BlockSpec((_R, 128), lambda i: (i, 0)),
        pl.BlockSpec((1, 128), lambda i: (0, 0)),
    ]
    args = [hist, p, hp, b_prev]
    if W is not None:
        in_specs.append(pl.BlockSpec((128, 128), lambda i: (0, 0)))
        args.append(W)
        fn = body
    else:
        fn = lambda h_, p_, hp_, b_, o_: body(h_, p_, hp_, b_, None, o_)

    return pl.pallas_call(
        fn,
        grid=(NP // _R,),
        in_specs=in_specs,
        out_specs=pl.BlockSpec((_R, 128), lambda i: (i, 0)),
        out_shape=jax.ShapeDtypeStruct((NP, 128), jnp.float32),
    )(*args)


def _tc_final(hist, p, hp, W4, b4):
    def body(hist_ref, p_ref, h_ref, w_ref, b_ref, out_ref):
        dinv = _dinv_of(hist_ref[...])
        agg = (p_ref[...] - h_ref[...]) * dinv[:, None]
        sgg = jnp.dot(agg, w_ref[...], preferred_element_type=jnp.float32,
                      precision=lax.Precision.HIGHEST)
        sgg = sgg + b_ref[...]
        m = jnp.max(sgg, axis=1, keepdims=True)
        sh = sgg - m
        lse = jnp.log(jnp.sum(jnp.exp(sh), axis=1, keepdims=True))
        out_ref[...] = sh - lse

    return pl.pallas_call(
        body,
        grid=(NP // _R,),
        in_specs=[
            pl.BlockSpec((NW, _R), lambda i: (0, i)),
            pl.BlockSpec((_R, 128), lambda i: (i, 0)),
            pl.BlockSpec((_R, 128), lambda i: (i, 0)),
            pl.BlockSpec((128, 16), lambda i: (0, 0)),
            pl.BlockSpec((1, 16), lambda i: (0, 0)),
        ],
        out_specs=pl.BlockSpec((_R, 16), lambda i: (i, 0)),
        out_shape=jax.ShapeDtypeStruct((NP, 16), jnp.float32),
    )(hist, p, hp, W4, b4)


def kernel(x, edge_index, W1, b1, W2, b2, W3, b3, W4, b4):
    ei = edge_index.astype(jnp.int32)
    sd = ei.reshape(2, NS, ESR, ESC).transpose(1, 0, 2, 3)
    dst_flat = ei[1].reshape(NW, EPW)

    xp = jnp.pad(x, ((0, NP - N), (0, 0)))
    b1r, b2r, b3r = b1.reshape(1, 128), b2.reshape(1, 128), b3.reshape(1, 128)

    hist = _deg_kernel(dst_flat)
    comp, npair = _comp_kernel(sd)
    comp = comp.reshape(NC, NS, 2, MAXCH, CH)

    hp1 = _tc_first(hist, xp, W1)
    p1 = _agg_kernel(hp1, comp, npair)
    hp2 = _tc_mid(hist, p1, hp1, b1r, W2)
    p2 = _agg_kernel(hp2, comp, npair)
    hp3 = _tc_mid(hist, p2, hp2, b2r, W3)
    p3 = _agg_kernel(hp3, comp, npair)
    g3 = _tc_mid(hist, p3, hp3, b3r, None)
    p4 = _agg_kernel(g3, comp, npair)
    out = _tc_final(hist, p4, g3, W4, b4.reshape(1, 16))
    return out[:N]

# --- scband reference (transcript-rebuilt; emitter-appended) ---
"""Pipeline reference for scband-gcn-net-14233521619461 (READ-ONLY COPY).

The authoritative reference and input builder live on the scoring server;
editing this copy changes nothing except your own understanding.
"""

import jax, jax.numpy as jnp
import numpy as np

N = 10000
E = 320000
D_IN = 128
D_H = 128
N_CLS = 16


def setup_inputs(seed: int = 0) -> dict:
    key = jax.random.key(seed)
    ks = jax.random.split(key, 12)
    x = jax.random.normal(ks[0], (N, D_IN), dtype=jnp.float32)
    edge_index = jax.random.randint(ks[1], (2, E), 0, N, dtype=jnp.int32).astype(jnp.int64)
    W1 = jax.random.normal(ks[2], (D_IN, D_H), dtype=jnp.float32) / np.sqrt(D_IN)
    b1 = jnp.zeros((D_H,), dtype=jnp.float32)
    W2 = jax.random.normal(ks[3], (D_H, D_H), dtype=jnp.float32) / np.sqrt(D_H)
    b2 = jnp.zeros((D_H,), dtype=jnp.float32)
    W3 = jax.random.normal(ks[4], (D_H, D_H), dtype=jnp.float32) / np.sqrt(D_H)
    b3 = jnp.zeros((D_H,), dtype=jnp.float32)
    W4 = jax.random.normal(ks[5], (D_H, N_CLS), dtype=jnp.float32) / np.sqrt(D_H)
    b4 = jnp.zeros((N_CLS,), dtype=jnp.float32)
    return {"x": x, "edge_index": edge_index, "W1": W1, "b1": b1, "W2": W2, "b2": b2, "W3": W3, "b3": b3, "W4": W4, "b4": b4}


def _gcn_layer(x, src, dst, W, b):
    # GCNConv: x' = D^{-1/2} (A + I) D^{-1/2} X W + b  (self-loops included in src/dst)
    h = x @ W
    n = x.shape[0]
    ones = jnp.ones(src.shape[0], dtype=h.dtype)
    deg = jnp.zeros((n,), dtype=h.dtype).at[dst].add(ones)
    dinv = jnp.where(deg > 0, jax.lax.rsqrt(jnp.maximum(deg, 1e-12)), 0.0)
    norm = dinv[src] * dinv[dst]
    msg = h[src] * norm[:, None]
    out = jnp.zeros_like(h).at[dst].add(msg)
    return out + b


def reference(x, edge_index, W1, b1, W2, b2, W3, b3, W4, b4):
    n = x.shape[0]
    loop = jnp.arange(n, dtype=edge_index.dtype)
    src = jnp.concatenate([edge_index[0], loop])
    dst = jnp.concatenate([edge_index[1], loop])
    # dropout is identity in eval mode (training=False)
    h = jax.nn.relu(_gcn_layer(x, src, dst, W1, b1))
    h = jax.nn.relu(_gcn_layer(h, src, dst, W2, b2))
    h = jax.nn.relu(_gcn_layer(h, src, dst, W3, b3))
    h = _gcn_layer(h, src, dst, W4, b4)
    return jax.nn.log_softmax(h, axis=1)

if __name__ == "__main__":
    import jax
    _d = setup_inputs()
    print(jax.jit(kernel)(*tuple(_d.values())))

</pallas_src>

<mosaic_0001>
#map = affine_map<(d0, d1) -> (0, 0)>
#map1 = affine_map<(d0, d1) -> (0, 0, 0, 0, 0)>
#map2 = affine_map<(d0, d1) -> (0, 0, 0)>
module attributes {stable_mosaic.version = 14 : i64} {
  func.func @_agg_kernel(%arg0: i32, %arg1: i32, %arg2: memref<10240x128xf32, #tpu.memory_space<hbm>>, %arg3: memref<2x16x2x160x128xi32, #tpu.memory_space<hbm>>, %arg4: memref<2x16x16xi32, #tpu.memory_space<hbm>>, %arg5: memref<10240x128xf32, #tpu.memory_space<hbm>>, %arg6: memref<2x160x128xi32, #tpu.memory_space<vmem>>, %arg7: memref<2x128x128xf32, #tpu.memory_space<vmem>>, %arg8: memref<5128x128xf32, #tpu.memory_space<vmem_shared>>, %arg9: memref<16xi32, #tpu.memory_space<vmem>>, %arg10: memref<!tpu.dma_semaphore, #tpu.memory_space<semaphore_mem>>, %arg11: memref<!tpu.dma_semaphore, #tpu.memory_space<semaphore_mem>>) attributes {dimension_semantics = [#tpu.dimension_semantics<core_parallel>, #tpu.dimension_semantics<subcore_parallel>], iteration_bounds = array<i64: 2, 16>, scalar_prefetch = 0 : i64, scratch_operands = 6 : i64, tpu.core_type = #tpu.core_type<sc_vector_subcore>, window_params = [{transform_indices = #map}, {transform_indices = #map1}, {transform_indices = #map2}, {transform_indices = #map}]} {
    %mul3A = arith.constant 5120 : i32
    %mul3A_0 = arith.muli %arg0, %mul3A : i32
    %mul3A_1 = arith.constant 320 : i32
    %mul3A_2 = arith.muli %arg1, %mul3A_1 : i32
    %add3A = arith.addi %mul3A_0, %mul3A_2 : i32
    "tpu.region"() ({
      %run_scoped3A = tpu.sem_alloc : memref<!tpu.dma_semaphore, #tpu.memory_space<semaphore_mem>>
      %dma_start3A = arith.constant 0 : i32
      %dma_start3A_37 = tpu.memref_slice %arg8[%mul3A_2, %dma_start3A] : memref<5128x128xf32, #tpu.memory_space<vmem_shared>> -> memref<320x128xf32, #tpu.memory_space<vmem_shared>>
      %dma_start3A_38 = arith.constant 0 : i32
      %dma_start3A_39 = tpu.memref_slice %arg2[%add3A, %dma_start3A_38] : memref<10240x128xf32, #tpu.memory_space<hbm>> -> memref<320x128xf32, #tpu.memory_space<hbm>>
      tpu.enqueue_dma source(%dma_start3A_39 : memref<320x128xf32, #tpu.memory_space<hbm>>) target(%dma_start3A_37 : memref<320x128xf32, #tpu.memory_space<vmem_shared>>) target_semaphore(%run_scoped3A : memref<!tpu.dma_semaphore, #tpu.memory_space<semaphore_mem>>)
      %dma_wait3A = arith.constant 0 : i32
      %dma_wait3A_40 = tpu.memref_slice %arg8[%mul3A_2, %dma_wait3A] : memref<5128x128xf32, #tpu.memory_space<vmem_shared>> -> memref<320x128xf32, #tpu.memory_space<vmem_shared>>
      %dma_wait3A_41 = arith.constant 0 : i32
      %dma_wait3A_42 = tpu.memref_slice %arg2[%add3A, %dma_wait3A_41] : memref<10240x128xf32, #tpu.memory_space<hbm>> -> memref<320x128xf32, #tpu.memory_space<hbm>>
      tpu.wait_dma2 semaphore(%run_scoped3A : memref<!tpu.dma_semaphore, #tpu.memory_space<semaphore_mem>>) src(%dma_wait3A_42 : memref<320x128xf32, #tpu.memory_space<hbm>>) dst(%dma_wait3A_40 : memref<320x128xf32, #tpu.memory_space<vmem_shared>>)
      tpu.yield
    }) : () -> ()
    "tpu.region"() ({
      %run_scoped3A = tpu.sem_alloc : memref<!tpu.dma_semaphore, #tpu.memory_space<semaphore_mem>>
      %dma_start3A = arith.constant 0 : i32
      %dma_start3A_37 = arith.constant 0 : i32
      %dma_start3A_38 = arith.constant 0 : i32
      %dma_start3A_39 = tpu.memref_slice %arg3[%arg0, %arg1, %dma_start3A, %dma_start3A_37, %dma_start3A_38] : memref<2x16x2x160x128xi32, #tpu.memory_space<hbm>> -> memref<1x1x2x160x128xi32, #tpu.memory_space<hbm>>
      %dma_start3A_40 = tpu.memref_squeeze %dma_start3A_39 : memref<1x1x2x160x128xi32, #tpu.memory_space<hbm>> -> memref<2x160x128xi32, #tpu.memory_space<hbm>>
      %dma_start3A_41 = arith.constant 0 : i32
      %dma_start3A_42 = arith.constant 0 : i32
      %dma_start3A_43 = arith.constant 0 : i32
      %dma_start3A_44 = tpu.memref_slice %arg3[%arg0, %arg1, %dma_start3A_41, %dma_start3A_42, %dma_start3A_43] : memref<2x16x2x160x128xi32, #tpu.memory_space<hbm>> -> memref<1x1x2x160x128xi32, #tpu.memory_space<hbm>>
      %dma_start3A_45 = tpu.memref_squeeze %dma_start3A_44 : memref<1x1x2x160x128xi32, #tpu.memory_space<hbm>> -> memref<2x160x128xi32, #tpu.memory_space<hbm>>
      tpu.enqueue_dma source(%dma_start3A_45 : memref<2x160x128xi32, #tpu.memory_space<hbm>>) target(%arg6 : memref<2x160x128xi32, #tpu.memory_space<vmem>>) target_semaphore(%run_scoped3A : memref<!tpu.dma_semaphore, #tpu.memory_space<semaphore_mem>>)
      %dma_wait3A = arith.constant 0 : i32
      %dma_wait3A_46 = arith.constant 0 : i32
      %dma_wait3A_47 = arith.constant 0 : i32
      %dma_wait3A_48 = tpu.memref_slice %arg3[%arg0, %arg1, %dma_wait3A, %dma_wait3A_46, %dma_wait3A_47] : memref<2x16x2x160x128xi32, #tpu.memory_space<hbm>> -> memref<1x1x2x160x128xi32, #tpu.memory_space<hbm>>
      %dma_wait3A_49 = tpu.memref_squeeze %dma_wait3A_48 : memref<1x1x2x160x128xi32, #tpu.memory_space<hbm>> -> memref<2x160x128xi32, #tpu.memory_space<hbm>>
      %dma_wait3A_50 = arith.constant 0 : i32
      %dma_wait3A_51 = arith.constant 0 : i32
      %dma_wait3A_52 = arith.constant 0 : i32
      %dma_wait3A_53 = tpu.memref_slice %arg3[%arg0, %arg1, %dma_wait3A_50, %dma_wait3A_51, %dma_wait3A_52] : memref<2x16x2x160x128xi32, #tpu.memory_space<hbm>> -> memref<1x1x2x160x128xi32, #tpu.memory_space<hbm>>
      %dma_wait3A_54 = tpu.memref_squeeze %dma_wait3A_53 : memref<1x1x2x160x128xi32, #tpu.memory_space<hbm>> -> memref<2x160x128xi32, #tpu.memory_space<hbm>>
      tpu.wait_dma2 semaphore(%run_scoped3A : memref<!tpu.dma_semaphore, #tpu.memory_space<semaphore_mem>>) src(%dma_wait3A_54 : memref<2x160x128xi32, #tpu.memory_space<hbm>>) dst(%arg6 : memref<2x160x128xi32, #tpu.memory_space<vmem>>)
      tpu.yield
    }) : () -> ()
    "tpu.region"() ({
      %run_scoped3A = tpu.sem_alloc : memref<!tpu.dma_semaphore, #tpu.memory_space<semaphore_mem>>
      %dma_start3A = arith.constant 0 : i32
      %dma_start3A_37 = tpu.memref_slice %arg4[%arg0, %arg1, %dma_start3A] : memref<2x16x16xi32, #tpu.memory_space<hbm>> -> memref<1x1x16xi32, #tpu.memory_space<hbm>>
      %dma_start3A_38 = tpu.memref_squeeze %dma_start3A_37 : memref<1x1x16xi32, #tpu.memory_space<hbm>> -> memref<16xi32, #tpu.memory_space<hbm>>
      %dma_start3A_39 = arith.constant 0 : i32
      %dma_start3A_40 = tpu.memref_slice %arg4[%arg0, %arg1, %dma_start3A_39] : memref<2x16x16xi32, #tpu.memory_space<hbm>> -> memref<1x1x16xi32, #tpu.memory_space<hbm>>
      %dma_start3A_41 = tpu.memref_squeeze %dma_start3A_40 : memref<1x1x16xi32, #tpu.memory_space<hbm>> -> memref<16xi32, #tpu.memory_space<hbm>>
      tpu.enqueue_dma source(%dma_start3A_41 : memref<16xi32, #tpu.memory_space<hbm>>) target(%arg9 : memref<16xi32, #tpu.memory_space<vmem>>) target_semaphore(%run_scoped3A : memref<!tpu.dma_semaphore, #tpu.memory_space<semaphore_mem>>)
      %dma_wait3A = arith.constant 0 : i32
      %dma_wait3A_42 = tpu.memref_slice %arg4[%arg0, %arg1, %dma_wait3A] : memref<2x16x16xi32, #tpu.memory_space<hbm>> -> memref<1x1x16xi32, #tpu.memory_space<hbm>>
      %dma_wait3A_43 = tpu.memref_squeeze %dma_wait3A_42 : memref<1x1x16xi32, #tpu.memory_space<hbm>> -> memref<16xi32, #tpu.memory_space<hbm>>
      %dma_wait3A_44 = arith.constant 0 : i32
      %dma_wait3A_45 = tpu.memref_slice %arg4[%arg0, %arg1, %dma_wait3A_44] : memref<2x16x16xi32, #tpu.memory_space<hbm>> -> memref<1x1x16xi32, #tpu.memory_space<hbm>>
      %dma_wait3A_46 = tpu.memref_squeeze %dma_wait3A_45 : memref<1x1x16xi32, #tpu.memory_space<hbm>> -> memref<16xi32, #tpu.memory_space<hbm>>
      tpu.wait_dma2 semaphore(%run_scoped3A : memref<!tpu.dma_semaphore, #tpu.memory_space<semaphore_mem>>) src(%dma_wait3A_46 : memref<16xi32, #tpu.memory_space<hbm>>) dst(%arg9 : memref<16xi32, #tpu.memory_space<vmem>>)
      tpu.yield
    }) : () -> ()
    %get3A = arith.constant 0 : index
    %get3A_3 = tpu.vector_load %arg9[%get3A] {strides = array<i32>} : memref<16xi32, #tpu.memory_space<vmem>>, vector<16xi32>,
    %reduce_max3A = arith.constant true
    %reduce_max3A_4 = vector.broadcast %reduce_max3A : i1 to vector<16xi1>
    %reduce_max3A_5 = arith.constant -2147483648 : i32
    %reduce_max3A_6 = vector.broadcast %reduce_max3A_5 : i32 to vector<16xi32>
    %reduce_max3A_7 = arith.xori %get3A_3, %reduce_max3A_6 : vector<16xi32>
    %reduce_max3A_8 = tpu.scan <max>, %reduce_max3A_7 masked %reduce_max3A_4 : vector<16xi32>, vector<16xi1> -> vector<16xi32>
    %reduce_max3A_9 = arith.xori %reduce_max3A_8, %reduce_max3A_6 : vector<16xi32>
    %reduce_max3A_10 = vector.extract %reduce_max3A_9[15] : i32 from vector<16xi32>
    %min3A = arith.constant 80 : i32
    %min3A_11 = arith.minsi %reduce_max3A_10, %min3A : i32
    %mul3A_12 = arith.constant 2 : i32
    %mul3A_13 = arith.muli %min3A_11, %mul3A_12 : i32
    %gt3A = arith.constant 0 : i32
    %gt3A_14 = arith.cmpi sgt, %min3A_11, %gt3A : i32
    %convert_element_type3A = arith.extui %gt3A_14 : i1 to i32
    %cond3A = arith.constant 0 : i32
    %cond3A_15 = arith.constant 0 : i32
    %cond3A_16 = arith.cmpi ne, %convert_element_type3A, %cond3A_15 : i32
    scf.if %cond3A_16 {
      %dma_start3A = arith.constant 0 : i32
      %dma_start3A_37 = arith.constant 0 : i32
      %dma_start3A_38 = arith.constant 0 : i32
      %dma_start3A_39 = arith.constant 0 : i32
      %dma_start3A_40 = tpu.memref_slice %arg7[%dma_start3A_37, %dma_start3A_38, %dma_start3A_39] : memref<2x128x128xf32, #tpu.memory_space<vmem>> -> memref<1x128x128xf32, #tpu.memory_space<vmem>>
      %dma_start3A_41 = tpu.memref_squeeze %dma_start3A_40 : memref<1x128x128xf32, #tpu.memory_space<vmem>> -> memref<128x128xf32, #tpu.memory_space<vmem>>
      %dma_start3A_42 = arith.constant 0 : i32
      %dma_start3A_43 = arith.constant 0 : i32
      %dma_start3A_44 = tpu.memref_slice %arg6[%cond3A, %dma_start3A_42, %dma_start3A_43] : memref<2x160x128xi32, #tpu.memory_space<vmem>> -> memref<1x160x128xi32, #tpu.memory_space<vmem>>
      %dma_start3A_45 = tpu.memref_squeeze %dma_start3A_44 : memref<1x160x128xi32, #tpu.memory_space<vmem>> -> memref<160x128xi32, #tpu.memory_space<vmem>>
      %dma_start3A_46 = arith.constant 0 : i32
      %dma_start3A_47 = tpu.memref_slice %dma_start3A_45[%dma_start3A, %dma_start3A_46] : memref<160x128xi32, #tpu.memory_space<vmem>> -> memref<1x128xi32, #tpu.memory_space<vmem>>
      %dma_start3A_48 = tpu.memref_squeeze %dma_start3A_47 : memref<1x128xi32, #tpu.memory_space<vmem>> -> memref<128xi32, #tpu.memory_space<vmem>>
      %dma_start3A_49 = arith.constant 0 : i32
      %dma_start3A_50 = arith.constant 0 : i32
      %dma_start3A_51 = tpu.memref_slice %arg2[%dma_start3A_49, %dma_start3A_50] : memref<10240x128xf32, #tpu.memory_space<hbm>> -> memref<10240x128xf32, #tpu.memory_space<hbm>>
      tpu.enqueue_indirect_dma source(%dma_start3A_51 : memref<10240x128xf32, #tpu.memory_space<hbm>>) target(%dma_start3A_41 : memref<128x128xf32, #tpu.memory_space<vmem>>) offsets(%dma_start3A_48 : memref<128xi32, #tpu.memory_space<vmem>>) semaphore(%arg10 : memref<!tpu.dma_semaphore, #tpu.memory_space<semaphore_mem>>)
      %dma_start3A_52 = arith.constant 1 : i32
      %dma_start3A_53 = arith.constant 1 : i32
      %dma_start3A_54 = arith.constant 0 : i32
      %dma_start3A_55 = arith.constant 0 : i32
      %dma_start3A_56 = tpu.memref_slice %arg7[%dma_start3A_53, %dma_start3A_54, %dma_start3A_55] : memref<2x128x128xf32, #tpu.memory_space<vmem>> -> memref<1x128x128xf32, #tpu.memory_space<vmem>>
      %dma_start3A_57 = tpu.memref_squeeze %dma_start3A_56 : memref<1x128x128xf32, #tpu.memory_space<vmem>> -> memref<128x128xf32, #tpu.memory_space<vmem>>
      %dma_start3A_58 = arith.constant 0 : i32
      %dma_start3A_59 = arith.constant 0 : i32
      %dma_start3A_60 = tpu.memref_slice %arg6[%cond3A, %dma_start3A_58, %dma_start3A_59] : memref<2x160x128xi32, #tpu.memory_space<vmem>> -> memref<1x160x128xi32, #tpu.memory_space<vmem>>
      %dma_start3A_61 = tpu.memref_squeeze %dma_start3A_60 : memref<1x160x128xi32, #tpu.memory_space<vmem>> -> memref<160x128xi32, #tpu.memory_space<vmem>>
      %dma_start3A_62 = arith.constant 0 : i32
      %dma_start3A_63 = tpu.memref_slice %dma_start3A_61[%dma_start3A_52, %dma_start3A_62] : memref<160x128xi32, #tpu.memory_space<vmem>> -> memref<1x128xi32, #tpu.memory_space<vmem>>
      %dma_start3A_64 = tpu.memref_squeeze %dma_start3A_63 : memref<1x128xi32, #tpu.memory_space<vmem>> -> memref<128xi32, #tpu.memory_space<vmem>>
      %dma_start3A_65 = arith.constant 0 : i32
      %dma_start3A_66 = arith.constant 0 : i32
      %dma_start3A_67 = tpu.memref_slice %arg2[%dma_start3A_65, %dma_start3A_66] : memref<10240x128xf32, #tpu.memory_space<hbm>> -> memref<10240x128xf32, #tpu.memory_space<hbm>>
      tpu.enqueue_indirect_dma source(%dma_start3A_67 : memref<10240x128xf32, #tpu.memory_space<hbm>>) target(%dma_start3A_57 : memref<128x128xf32, #tpu.memory_space<vmem>>) offsets(%dma_start3A_64 : memref<128xi32, #tpu.memory_space<vmem>>) semaphore(%arg11 : memref<!tpu.dma_semaphore, #tpu.memory_space<semaphore_mem>>)
    } else {
    }
    %barrier3A = arith.constant 0 : index
    tpu.barrier barrier_id(%barrier3A)
    %sub3A = arith.constant 0 : i32
    %sub3A_17 = arith.subi %min3A_11, %sub3A : i32
    %sub3A_18 = arith.constant 1 : i32
    %sub3A_19 = arith.constant 1 : i32
    %sub3A_20 = arith.subi %sub3A_18, %sub3A_19 : i32
    %add3A_21 = arith.addi %sub3A_17, %sub3A_20 : i32
    %div3A = arith.constant 1 : i32
    %div3A_22 = arith.divsi %add3A_21, %div3A : i32
    %while3A = arith.constant 1 : i32
    %while3A_23 = arith.constant 0 : i32
    %while3A_24 = arith.constant 0 : i32
    %while3A_25 = arith.constant 1 : i32
    %while3A_26 = arith.constant 0 : i32
    %while3A_27 = arith.subi %div3A_22, %while3A_26 : i32
    %while3A_28 = arith.addi %while3A_26, %while3A_27 : i32
    %while3A_29 = arith.constant 1 : i32
    %while3A_30 = arith.divsi %while3A_27, %while3A_29 : i32
    %while3A_31 = arith.muli %while3A_30, %while3A_29 : i32
    %while3A_32 = arith.addi %while3A_26, %while3A_31 : i32
    %while3A_33 = arith.constant 1 : i32
    scf.for %while3A_37 = %while3A_26 to %while3A_32 step %while3A_33  : i32 {
      %mul3A_38 = arith.muli %while3A_37, %while3A : i32
      %add3A_39 = arith.addi %while3A_23, %mul3A_38 : i32
      %mul3A_40 = arith.constant 2 : i32
      %mul3A_41 = arith.muli %add3A_39, %mul3A_40 : i32
      %dma_wait3A = arith.constant 0 : i32
      %dma_wait3A_42 = arith.constant 0 : i32
      %dma_wait3A_43 = arith.constant 0 : i32
      %dma_wait3A_44 = tpu.memref_slice %arg7[%dma_wait3A, %dma_wait3A_42, %dma_wait3A_43] : memref<2x128x128xf32, #tpu.memory_space<vmem>> -> memref<1x128x128xf32, #tpu.memory_space<vmem>>
      %dma_wait3A_45 = tpu.memref_squeeze %dma_wait3A_44 : memref<1x128x128xf32, #tpu.memory_space<vmem>> -> memref<128x128xf32, #tpu.memory_space<vmem>>
      %dma_wait3A_46 = arith.constant 0 : i32
      %dma_wait3A_47 = arith.constant 0 : i32
      %dma_wait3A_48 = tpu.memref_slice %arg6[%while3A_24, %dma_wait3A_46, %dma_wait3A_47] : memref<2x160x128xi32, #tpu.memory_space<vmem>> -> memref<1x160x128xi32, #tpu.memory_space<vmem>>
      %dma_wait3A_49 = tpu.memref_squeeze %dma_wait3A_48 : memref<1x160x128xi32, #tpu.memory_space<vmem>> -> memref<160x128xi32, #tpu.memory_space<vmem>>
      %dma_wait3A_50 = arith.constant 0 : i32
      %dma_wait3A_51 = tpu.memref_slice %dma_wait3A_49[%mul3A_41, %dma_wait3A_50] : memref<160x128xi32, #tpu.memory_space<vmem>> -> memref<1x128xi32, #tpu.memory_space<vmem>>
      %dma_wait3A_52 = tpu.memref_squeeze %dma_wait3A_51 : memref<1x128xi32, #tpu.memory_space<vmem>> -> memref<128xi32, #tpu.memory_space<vmem>>
      %dma_wait3A_53 = arith.constant 0 : i32
      %dma_wait3A_54 = arith.constant 0 : i32
      %dma_wait3A_55 = tpu.memref_slice %arg2[%dma_wait3A_53, %dma_wait3A_54] : memref<10240x128xf32, #tpu.memory_space<hbm>> -> memref<10240x128xf32, #tpu.memory_space<hbm>>
      tpu.wait_indirect_dma semaphore(%arg10 : memref<!tpu.dma_semaphore, #tpu.memory_space<semaphore_mem>>) src(%dma_wait3A_55 : memref<10240x128xf32, #tpu.memory_space<hbm>>) dst(%dma_wait3A_45 : memref<128x128xf32, #tpu.memory_space<vmem>>)
      %run_scoped3A = arith.constant 0 : i32
      "tpu.region"() ({
        %run_scoped3A_87 = tpu.sem_alloc : memref<!tpu.dma_semaphore, #tpu.memory_space<semaphore_mem>>
        %dma_start3A = arith.constant 0 : i32
        %dma_start3A_88 = arith.constant 0 : i32
        %dma_start3A_89 = tpu.memref_slice %arg7[%run_scoped3A, %dma_start3A, %dma_start3A_88] : memref<2x128x128xf32, #tpu.memory_space<vmem>> -> memref<1x128x128xf32, #tpu.memory_space<vmem>>
        %dma_start3A_90 = tpu.memref_squeeze %dma_start3A_89 : memref<1x128x128xf32, #tpu.memory_space<vmem>> -> memref<128x128xf32, #tpu.memory_space<vmem>>
        %dma_start3A_91 = arith.constant 0 : i32
        %dma_start3A_92 = arith.constant 0 : i32
        %dma_start3A_93 = tpu.memref_slice %arg6[%while3A_25, %dma_start3A_91, %dma_start3A_92] : memref<2x160x128xi32, #tpu.memory_space<vmem>> -> memref<1x160x128xi32, #tpu.memory_space<vmem>>
        %dma_start3A_94 = tpu.memref_squeeze %dma_start3A_93 : memref<1x160x128xi32, #tpu.memory_space<vmem>> -> memref<160x128xi32, #tpu.memory_space<vmem>>
        %dma_start3A_95 = arith.constant 0 : i32
        %dma_start3A_96 = tpu.memref_slice %dma_start3A_94[%mul3A_41, %dma_start3A_95] : memref<160x128xi32, #tpu.memory_space<vmem>> -> memref<1x128xi32, #tpu.memory_space<vmem>>
        %dma_start3A_97 = tpu.memref_squeeze %dma_start3A_96 : memref<1x128xi32, #tpu.memory_space<vmem>> -> memref<128xi32, #tpu.memory_space<vmem>>
        %dma_start3A_98 = arith.constant 0 : i32
        %dma_start3A_99 = arith.constant 0 : i32
        %dma_start3A_100 = tpu.memref_slice %arg8[%dma_start3A_98, %dma_start3A_99] : memref<5128x128xf32, #tpu.memory_space<vmem_shared>> -> memref<5128x128xf32, #tpu.memory_space<vmem_shared>>
        tpu.enqueue_indirect_dma source(%dma_start3A_90 : memref<128x128xf32, #tpu.memory_space<vmem>>) target(%dma_start3A_100 : memref<5128x128xf32, #tpu.memory_space<vmem_shared>>) offsets(%dma_start3A_97 : memref<128xi32, #tpu.memory_space<vmem>>) semaphore(%run_scoped3A_87 : memref<!tpu.dma_semaphore, #tpu.memory_space<semaphore_mem>>) {add = true}
        %dma_wait3A_101 = arith.constant 0 : i32
        %dma_wait3A_102 = arith.constant 0 : i32
        %dma_wait3A_103 = tpu.memref_slice %arg7[%run_scoped3A, %dma_wait3A_101, %dma_wait3A_102] : memref<2x128x128xf32, #tpu.memory_space<vmem>> -> memref<1x128x128xf32, #tpu.memory_space<vmem>>
        %dma_wait3A_104 = tpu.memref_squeeze %dma_wait3A_103 : memref<1x128x128xf32, #tpu.memory_space<vmem>> -> memref<128x128xf32, #tpu.memory_space<vmem>>
        %dma_wait3A_105 = arith.constant 0 : i32
        %dma_wait3A_106 = arith.constant 0 : i32
        %dma_wait3A_107 = tpu.memref_slice %arg6[%while3A_25, %dma_wait3A_105, %dma_wait3A_106] : memref<2x160x128xi32, #tpu.memory_space<vmem>> -> memref<1x160x128xi32, #tpu.memory_space<vmem>>
        %dma_wait3A_108 = tpu.memref_squeeze %dma_wait3A_107 : memref<1x160x128xi32, #tpu.memory_space<vmem>> -> memref<160x128xi32, #tpu.memory_space<vmem>>
        %dma_wait3A_109 = arith.constant 0 : i32
        %dma_wait3A_110 = tpu.memref_slice %dma_wait3A_108[%mul3A_41, %dma_wait3A_109] : memref<160x128xi32, #tpu.memory_space<vmem>> -> memref<1x128xi32, #tpu.memory_space<vmem>>
        %dma_wait3A_111 = tpu.memref_squeeze %dma_wait3A_110 : memref<1x128xi32, #tpu.memory_space<vmem>> -> memref<128xi32, #tpu.memory_space<vmem>>
        %dma_wait3A_112 = arith.constant 0 : i32
        %dma_wait3A_113 = arith.constant 0 : i32
        %dma_wait3A_114 = tpu.memref_slice %arg8[%dma_wait3A_112, %dma_wait3A_113] : memref<5128x128xf32, #tpu.memory_space<vmem_shared>> -> memref<5128x128xf32, #tpu.memory_space<vmem_shared>>
        tpu.wait_indirect_dma semaphore(%run_scoped3A_87 : memref<!tpu.dma_semaphore, #tpu.memory_space<semaphore_mem>>) src(%dma_wait3A_104 : memref<128x128xf32, #tpu.memory_space<vmem>>) dst(%dma_wait3A_114 : memref<5128x128xf32, #tpu.memory_space<vmem_shared>>)
        tpu.yield
      }) : () -> ()
      %add3A_56 = arith.constant 2 : i32
      %add3A_57 = arith.addi %mul3A_41, %add3A_56 : i32
      %lt3A = arith.cmpi slt, %add3A_57, %mul3A_13 : i32
      %convert_element_type3A_58 = arith.extui %lt3A : i1 to i32
      %cond3A_59 = arith.constant 0 : i32
      %cond3A_60 = arith.cmpi ne, %convert_element_type3A_58, %cond3A_59 : i32
      scf.if %cond3A_60 {
        %add3A_87 = arith.constant 2 : i32
        %add3A_88 = arith.addi %mul3A_41, %add3A_87 : i32
        %dma_start3A = arith.constant 0 : i32
        %dma_start3A_89 = arith.constant 0 : i32
        %dma_start3A_90 = arith.constant 0 : i32
        %dma_start3A_91 = tpu.memref_slice %arg7[%dma_start3A, %dma_start3A_89, %dma_start3A_90] : memref<2x128x128xf32, #tpu.memory_space<vmem>> -> memref<1x128x128xf32, #tpu.memory_space<vmem>>
        %dma_start3A_92 = tpu.memref_squeeze %dma_start3A_91 : memref<1x128x128xf32, #tpu.memory_space<vmem>> -> memref<128x128xf32, #tpu.memory_space<vmem>>
        %dma_start3A_93 = arith.constant 0 : i32
        %dma_start3A_94 = arith.constant 0 : i32
        %dma_start3A_95 = tpu.memref_slice %arg6[%while3A_24, %dma_start3A_93, %dma_start3A_94] : memref<2x160x128xi32, #tpu.memory_space<vmem>> -> memref<1x160x128xi32, #tpu.memory_space<vmem>>
        %dma_start3A_96 = tpu.memref_squeeze %dma_start3A_95 : memref<1x160x128xi32, #tpu.memory_space<vmem>> -> memref<160x128xi32, #tpu.memory_space<vmem>>
        %dma_start3A_97 = arith.constant 0 : i32
        %dma_start3A_98 = tpu.memref_slice %dma_start3A_96[%add3A_88, %dma_start3A_97] : memref<160x128xi32, #tpu.memory_space<vmem>> -> memref<1x128xi32, #tpu.memory_space<vmem>>
        %dma_start3A_99 = tpu.memref_squeeze %dma_start3A_98 : memref<1x128xi32, #tpu.memory_space<vmem>> -> memref<128xi32, #tpu.memory_space<vmem>>
        %dma_start3A_100 = arith.constant 0 : i32
        %dma_start3A_101 = arith.constant 0 : i32
        %dma_start3A_102 = tpu.memref_slice %arg2[%dma_start3A_100, %dma_start3A_101] : memref<10240x128xf32, #tpu.memory_space<hbm>> -> memref<10240x128xf32, #tpu.memory_space<hbm>>
        tpu.enqueue_indirect_dma source(%dma_start3A_102 : memref<10240x128xf32, #tpu.memory_space<hbm>>) target(%dma_start3A_92 : memref<128x128xf32, #tpu.memory_space<vmem>>) offsets(%dma_start3A_99 : memref<128xi32, #tpu.memory_space<vmem>>) semaphore(%arg10 : memref<!tpu.dma_semaphore, #tpu.memory_space<semaphore_mem>>)
      } else {
      }
      %add3A_61 = arith.constant 1 : i32
      %add3A_62 = arith.addi %mul3A_41, %add3A_61 : i32
      %dma_wait3A_63 = arith.constant 1 : i32
      %dma_wait3A_64 = arith.constant 0 : i32
      %dma_wait3A_65 = arith.constant 0 : i32
      %dma_wait3A_66 = tpu.memref_slice %arg7[%dma_wait3A_63, %dma_wait3A_64, %dma_wait3A_65] : memref<2x128x128xf32, #tpu.memory_space<vmem>> -> memref<1x128x128xf32, #tpu.memory_space<vmem>>
      %dma_wait3A_67 = tpu.memref_squeeze %dma_wait3A_66 : memref<1x128x128xf32, #tpu.memory_space<vmem>> -> memref<128x128xf32, #tpu.memory_space<vmem>>
      %dma_wait3A_68 = arith.constant 0 : i32
      %dma_wait3A_69 = arith.constant 0 : i32
      %dma_wait3A_70 = tpu.memref_slice %arg6[%while3A_24, %dma_wait3A_68, %dma_wait3A_69] : memref<2x160x128xi32, #tpu.memory_space<vmem>> -> memref<1x160x128xi32, #tpu.memory_space<vmem>>
      %dma_wait3A_71 = tpu.memref_squeeze %dma_wait3A_70 : memref<1x160x128xi32, #tpu.memory_space<vmem>> -> memref<160x128xi32, #tpu.memory_space<vmem>>
      %dma_wait3A_72 = arith.constant 0 : i32
      %dma_wait3A_73 = tpu.memref_slice %dma_wait3A_71[%add3A_62, %dma_wait3A_72] : memref<160x128xi32, #tpu.memory_space<vmem>> -> memref<1x128xi32, #tpu.memory_space<vmem>>
      %dma_wait3A_74 = tpu.memref_squeeze %dma_wait3A_73 : memref<1x128xi32, #tpu.memory_space<vmem>> -> memref<128xi32, #tpu.memory_space<vmem>>
      %dma_wait3A_75 = arith.constant 0 : i32
      %dma_wait3A_76 = arith.constant 0 : i32
      %dma_wait3A_77 = tpu.memref_slice %arg2[%dma_wait3A_75, %dma_wait3A_76] : memref<10240x128xf32, #tpu.memory_space<hbm>> -> memref<10240x128xf32, #tpu.memory_space<hbm>>
      tpu.wait_indirect_dma semaphore(%arg11 : memref<!tpu.dma_semaphore, #tpu.memory_space<semaphore_mem>>) src(%dma_wait3A_77 : memref<10240x128xf32, #tpu.memory_space<hbm>>) dst(%dma_wait3A_67 : memref<128x128xf32, #tpu.memory_space<vmem>>)
      %add3A_78 = arith.constant 1 : i32
      %add3A_79 = arith.addi %mul3A_41, %add3A_78 : i32
      %run_scoped3A_80 = arith.constant 1 : i32
      "tpu.region"() ({
        %run_scoped3A_87 = tpu.sem_alloc : memref<!tpu.dma_semaphore, #tpu.memory_space<semaphore_mem>>
        %dma_start3A = arith.constant 0 : i32
        %dma_start3A_88 = arith.constant 0 : i32
        %dma_start3A_89 = tpu.memref_slice %arg7[%run_scoped3A_80, %dma_start3A, %dma_start3A_88] : memref<2x128x128xf32, #tpu.memory_space<vmem>> -> memref<1x128x128xf32, #tpu.memory_space<vmem>>
        %dma_start3A_90 = tpu.memref_squeeze %dma_start3A_89 : memref<1x128x128xf32, #tpu.memory_space<vmem>> -> memref<128x128xf32, #tpu.memory_space<vmem>>
        %dma_start3A_91 = arith.constant 0 : i32
        %dma_start3A_92 = arith.constant 0 : i32
        %dma_start3A_93 = tpu.memref_slice %arg6[%while3A_25, %dma_start3A_91, %dma_start3A_92] : memref<2x160x128xi32, #tpu.memory_space<vmem>> -> memref<1x160x128xi32, #tpu.memory_space<vmem>>
        %dma_start3A_94 = tpu.memref_squeeze %dma_start3A_93 : memref<1x160x128xi32, #tpu.memory_space<vmem>> -> memref<160x128xi32, #tpu.memory_space<vmem>>
        %dma_start3A_95 = arith.constant 0 : i32
        %dma_start3A_96 = tpu.memref_slice %dma_start3A_94[%add3A_79, %dma_start3A_95] : memref<160x128xi32, #tpu.memory_space<vmem>> -> memref<1x128xi32, #tpu.memory_space<vmem>>
        %dma_start3A_97 = tpu.memref_squeeze %dma_start3A_96 : memref<1x128xi32, #tpu.memory_space<vmem>> -> memref<128xi32, #tpu.memory_space<vmem>>
        %dma_start3A_98 = arith.constant 0 : i32
        %dma_start3A_99 = arith.constant 0 : i32
        %dma_start3A_100 = tpu.memref_slice %arg8[%dma_start3A_98, %dma_start3A_99] : memref<5128x128xf32, #tpu.memory_space<vmem_shared>> -> memref<5128x128xf32, #tpu.memory_space<vmem_shared>>
        tpu.enqueue_indirect_dma source(%dma_start3A_90 : memref<128x128xf32, #tpu.memory_space<vmem>>) target(%dma_start3A_100 : memref<5128x128xf32, #tpu.memory_space<vmem_shared>>) offsets(%dma_start3A_97 : memref<128xi32, #tpu.memory_space<vmem>>) semaphore(%run_scoped3A_87 : memref<!tpu.dma_semaphore, #tpu.memory_space<semaphore_mem>>) {add = true}
        %dma_wait3A_101 = arith.constant 0 : i32
        %dma_wait3A_102 = arith.constant 0 : i32
        %dma_wait3A_103 = tpu.memref_slice %arg7[%run_scoped3A_80, %dma_wait3A_101, %dma_wait3A_102] : memref<2x128x128xf32, #tpu.memory_space<vmem>> -> memref<1x128x128xf32, #tpu.memory_space<vmem>>
        %dma_wait3A_104 = tpu.memref_squeeze %dma_wait3A_103 : memref<1x128x128xf32, #tpu.memory_space<vmem>> -> memref<128x128xf32, #tpu.memory_space<vmem>>
        %dma_wait3A_105 = arith.constant 0 : i32
        %dma_wait3A_106 = arith.constant 0 : i32
        %dma_wait3A_107 = tpu.memref_slice %arg6[%while3A_25, %dma_wait3A_105, %dma_wait3A_106] : memref<2x160x128xi32, #tpu.memory_space<vmem>> -> memref<1x160x128xi32, #tpu.memory_space<vmem>>
        %dma_wait3A_108 = tpu.memref_squeeze %dma_wait3A_107 : memref<1x160x128xi32, #tpu.memory_space<vmem>> -> memref<160x128xi32, #tpu.memory_space<vmem>>
        %dma_wait3A_109 = arith.constant 0 : i32
        %dma_wait3A_110 = tpu.memref_slice %dma_wait3A_108[%add3A_79, %dma_wait3A_109] : memref<160x128xi32, #tpu.memory_space<vmem>> -> memref<1x128xi32, #tpu.memory_space<vmem>>
        %dma_wait3A_111 = tpu.memref_squeeze %dma_wait3A_110 : memref<1x128xi32, #tpu.memory_space<vmem>> -> memref<128xi32, #tpu.memory_space<vmem>>
        %dma_wait3A_112 = arith.constant 0 : i32
        %dma_wait3A_113 = arith.constant 0 : i32
        %dma_wait3A_114 = tpu.memref_slice %arg8[%dma_wait3A_112, %dma_wait3A_113] : memref<5128x128xf32, #tpu.memory_space<vmem_shared>> -> memref<5128x128xf32, #tpu.memory_space<vmem_shared>>
        tpu.wait_indirect_dma semaphore(%run_scoped3A_87 : memref<!tpu.dma_semaphore, #tpu.memory_space<semaphore_mem>>) src(%dma_wait3A_104 : memref<128x128xf32, #tpu.memory_space<vmem>>) dst(%dma_wait3A_114 : memref<5128x128xf32, #tpu.memory_space<vmem_shared>>)
        tpu.yield
      }) : () -> ()
      %add3A_81 = arith.constant 3 : i32
      %add3A_82 = arith.addi %mul3A_41, %add3A_81 : i32
      %lt3A_83 = arith.cmpi slt, %add3A_82, %mul3A_13 : i32
      %convert_element_type3A_84 = arith.extui %lt3A_83 : i1 to i32
      %cond3A_85 = arith.constant 0 : i32
      %cond3A_86 = arith.cmpi ne, %convert_element_type3A_84, %cond3A_85 : i32
      scf.if %cond3A_86 {
        %add3A_87 = arith.constant 3 : i32
        %add3A_88 = arith.addi %mul3A_41, %add3A_87 : i32
        %dma_start3A = arith.constant 1 : i32
        %dma_start3A_89 = arith.constant 0 : i32
        %dma_start3A_90 = arith.constant 0 : i32
        %dma_start3A_91 = tpu.memref_slice %arg7[%dma_start3A, %dma_start3A_89, %dma_start3A_90] : memref<2x128x128xf32, #tpu.memory_space<vmem>> -> memref<1x128x128xf32, #tpu.memory_space<vmem>>
        %dma_start3A_92 = tpu.memref_squeeze %dma_start3A_91 : memref<1x128x128xf32, #tpu.memory_space<vmem>> -> memref<128x128xf32, #tpu.memory_space<vmem>>
        %dma_start3A_93 = arith.constant 0 : i32
        %dma_start3A_94 = arith.constant 0 : i32
        %dma_start3A_95 = tpu.memref_slice %arg6[%while3A_24, %dma_start3A_93, %dma_start3A_94] : memref<2x160x128xi32, #tpu.memory_space<vmem>> -> memref<1x160x128xi32, #tpu.memory_space<vmem>>
        %dma_start3A_96 = tpu.memref_squeeze %dma_start3A_95 : memref<1x160x128xi32, #tpu.memory_space<vmem>> -> memref<160x128xi32, #tpu.memory_space<vmem>>
        %dma_start3A_97 = arith.constant 0 : i32
        %dma_start3A_98 = tpu.memref_slice %dma_start3A_96[%add3A_88, %dma_start3A_97] : memref<160x128xi32, #tpu.memory_space<vmem>> -> memref<1x128xi32, #tpu.memory_space<vmem>>
        %dma_start3A_99 = tpu.memref_squeeze %dma_start3A_98 : memref<1x128xi32, #tpu.memory_space<vmem>> -> memref<128xi32, #tpu.memory_space<vmem>>
        %dma_start3A_100 = arith.constant 0 : i32
        %dma_start3A_101 = arith.constant 0 : i32
        %dma_start3A_102 = tpu.memref_slice %arg2[%dma_start3A_100, %dma_start3A_101] : memref<10240x128xf32, #tpu.memory_space<hbm>> -> memref<10240x128xf32, #tpu.memory_space<hbm>>
        tpu.enqueue_indirect_dma source(%dma_start3A_102 : memref<10240x128xf32, #tpu.memory_space<hbm>>) target(%dma_start3A_92 : memref<128x128xf32, #tpu.memory_space<vmem>>) offsets(%dma_start3A_99 : memref<128xi32, #tpu.memory_space<vmem>>) semaphore(%arg11 : memref<!tpu.dma_semaphore, #tpu.memory_space<semaphore_mem>>)
      } else {
      }
    }
    %while3A_34 = arith.constant 1 : i32
    scf.for %while3A_37 = %while3A_32 to %while3A_28 step %while3A_34  : i32 {
      %mul3A_38 = arith.muli %while3A_37, %while3A : i32
      %add3A_39 = arith.addi %while3A_23, %mul3A_38 : i32
      %mul3A_40 = arith.constant 2 : i32
      %mul3A_41 = arith.muli %add3A_39, %mul3A_40 : i32
      %dma_wait3A = arith.constant 0 : i32
      %dma_wait3A_42 = arith.constant 0 : i32
      %dma_wait3A_43 = arith.constant 0 : i32
      %dma_wait3A_44 = tpu.memref_slice %arg7[%dma_wait3A, %dma_wait3A_42, %dma_wait3A_43] : memref<2x128x128xf32, #tpu.memory_space<vmem>> -> memref<1x128x128xf32, #tpu.memory_space<vmem>>
      %dma_wait3A_45 = tpu.memref_squeeze %dma_wait3A_44 : memref<1x128x128xf32, #tpu.memory_space<vmem>> -> memref<128x128xf32, #tpu.memory_space<vmem>>
      %dma_wait3A_46 = arith.constant 0 : i32
      %dma_wait3A_47 = arith.constant 0 : i32
      %dma_wait3A_48 = tpu.memref_slice %arg6[%while3A_24, %dma_wait3A_46, %dma_wait3A_47] : memref<2x160x128xi32, #tpu.memory_space<vmem>> -> memref<1x160x128xi32, #tpu.memory_space<vmem>>
      %dma_wait3A_49 = tpu.memref_squeeze %dma_wait3A_48 : memref<1x160x128xi32, #tpu.memory_space<vmem>> -> memref<160x128xi32, #tpu.memory_space<vmem>>
      %dma_wait3A_50 = arith.constant 0 : i32
      %dma_wait3A_51 = tpu.memref_slice %dma_wait3A_49[%mul3A_41, %dma_wait3A_50] : memref<160x128xi32, #tpu.memory_space<vmem>> -> memref<1x128xi32, #tpu.memory_space<vmem>>
      %dma_wait3A_52 = tpu.memref_squeeze %dma_wait3A_51 : memref<1x128xi32, #tpu.memory_space<vmem>> -> memref<128xi32, #tpu.memory_space<vmem>>
      %dma_wait3A_53 = arith.constant 0 : i32
      %dma_wait3A_54 = arith.constant 0 : i32
      %dma_wait3A_55 = tpu.memref_slice %arg2[%dma_wait3A_53, %dma_wait3A_54] : memref<10240x128xf32, #tpu.memory_space<hbm>> -> memref<10240x128xf32, #tpu.memory_space<hbm>>
      tpu.wait_indirect_dma semaphore(%arg10 : memref<!tpu.dma_semaphore, #tpu.memory_space<semaphore_mem>>) src(%dma_wait3A_55 : memref<10240x128xf32, #tpu.memory_space<hbm>>) dst(%dma_wait3A_45 : memref<128x128xf32, #tpu.memory_space<vmem>>)
      %run_scoped3A = arith.constant 0 : i32
      "tpu.region"() ({
        %run_scoped3A_87 = tpu.sem_alloc : memref<!tpu.dma_semaphore, #tpu.memory_space<semaphore_mem>>
        %dma_start3A = arith.constant 0 : i32
        %dma_start3A_88 = arith.constant 0 : i32
        %dma_start3A_89 = tpu.memref_slice %arg7[%run_scoped3A, %dma_start3A, %dma_start3A_88] : memref<2x128x128xf32, #tpu.memory_space<vmem>> -> memref<1x128x128xf32, #tpu.memory_space<vmem>>
        %dma_start3A_90 = tpu.memref_squeeze %dma_start3A_89 : memref<1x128x128xf32, #tpu.memory_space<vmem>> -> memref<128x128xf32, #tpu.memory_space<vmem>>
        %dma_start3A_91 = arith.constant 0 : i32
        %dma_start3A_92 = arith.constant 0 : i32
        %dma_start3A_93 = tpu.memref_slice %arg6[%while3A_25, %dma_start3A_91, %dma_start3A_92] : memref<2x160x128xi32, #tpu.memory_space<vmem>> -> memref<1x160x128xi32, #tpu.memory_space<vmem>>
        %dma_start3A_94 = tpu.memref_squeeze %dma_start3A_93 : memref<1x160x128xi32, #tpu.memory_space<vmem>> -> memref<160x128xi32, #tpu.memory_space<vmem>>
        %dma_start3A_95 = arith.constant 0 : i32
        %dma_start3A_96 = tpu.memref_slice %dma_start3A_94[%mul3A_41, %dma_start3A_95] : memref<160x128xi32, #tpu.memory_space<vmem>> -> memref<1x128xi32, #tpu.memory_space<vmem>>
        %dma_start3A_97 = tpu.memref_squeeze %dma_start3A_96 : memref<1x128xi32, #tpu.memory_space<vmem>> -> memref<128xi32, #tpu.memory_space<vmem>>
        %dma_start3A_98 = arith.constant 0 : i32
        %dma_start3A_99 = arith.constant 0 : i32
        %dma_start3A_100 = tpu.memref_slice %arg8[%dma_start3A_98, %dma_start3A_99] : memref<5128x128xf32, #tpu.memory_space<vmem_shared>> -> memref<5128x128xf32, #tpu.memory_space<vmem_shared>>
        tpu.enqueue_indirect_dma source(%dma_start3A_90 : memref<128x128xf32, #tpu.memory_space<vmem>>) target(%dma_start3A_100 : memref<5128x128xf32, #tpu.memory_space<vmem_shared>>) offsets(%dma_start3A_97 : memref<128xi32, #tpu.memory_space<vmem>>) semaphore(%run_scoped3A_87 : memref<!tpu.dma_semaphore, #tpu.memory_space<semaphore_mem>>) {add = true}
        %dma_wait3A_101 = arith.constant 0 : i32
        %dma_wait3A_102 = arith.constant 0 : i32
        %dma_wait3A_103 = tpu.memref_slice %arg7[%run_scoped3A, %dma_wait3A_101, %dma_wait3A_102] : memref<2x128x128xf32, #tpu.memory_space<vmem>> -> memref<1x128x128xf32, #tpu.memory_space<vmem>>
        %dma_wait3A_104 = tpu.memref_squeeze %dma_wait3A_103 : memref<1x128x128xf32, #tpu.memory_space<vmem>> -> memref<128x128xf32, #tpu.memory_space<vmem>>
        %dma_wait3A_105 = arith.constant 0 : i32
        %dma_wait3A_106 = arith.constant 0 : i32
        %dma_wait3A_107 = tpu.memref_slice %arg6[%while3A_25, %dma_wait3A_105, %dma_wait3A_106] : memref<2x160x128xi32, #tpu.memory_space<vmem>> -> memref<1x160x128xi32, #tpu.memory_space<vmem>>
        %dma_wait3A_108 = tpu.memref_squeeze %dma_wait3A_107 : memref<1x160x128xi32, #tpu.memory_space<vmem>> -> memref<160x128xi32, #tpu.memory_space<vmem>>
        %dma_wait3A_109 = arith.constant 0 : i32
        %dma_wait3A_110 = tpu.memref_slice %dma_wait3A_108[%mul3A_41, %dma_wait3A_109] : memref<160x128xi32, #tpu.memory_space<vmem>> -> memref<1x128xi32, #tpu.memory_space<vmem>>
        %dma_wait3A_111 = tpu.memref_squeeze %dma_wait3A_110 : memref<1x128xi32, #tpu.memory_space<vmem>> -> memref<128xi32, #tpu.memory_space<vmem>>
        %dma_wait3A_112 = arith.constant 0 : i32
        %dma_wait3A_113 = arith.constant 0 : i32
        %dma_wait3A_114 = tpu.memref_slice %arg8[%dma_wait3A_112, %dma_wait3A_113] : memref<5128x128xf32, #tpu.memory_space<vmem_shared>> -> memref<5128x128xf32, #tpu.memory_space<vmem_shared>>
        tpu.wait_indirect_dma semaphore(%run_scoped3A_87 : memref<!tpu.dma_semaphore, #tpu.memory_space<semaphore_mem>>) src(%dma_wait3A_104 : memref<128x128xf32, #tpu.memory_space<vmem>>) dst(%dma_wait3A_114 : memref<5128x128xf32, #tpu.memory_space<vmem_shared>>)
        tpu.yield
      }) : () -> ()
      %add3A_56 = arith.constant 2 : i32
      %add3A_57 = arith.addi %mul3A_41, %add3A_56 : i32
      %lt3A = arith.cmpi slt, %add3A_57, %mul3A_13 : i32
      %convert_element_type3A_58 = arith.extui %lt3A : i1 to i32
      %cond3A_59 = arith.constant 0 : i32
      %cond3A_60 = arith.cmpi ne, %convert_element_type3A_58, %cond3A_59 : i32
      scf.if %cond3A_60 {
        %add3A_87 = arith.constant 2 : i32
        %add3A_88 = arith.addi %mul3A_41, %add3A_87 : i32
        %dma_start3A = arith.constant 0 : i32
        %dma_start3A_89 = arith.constant 0 : i32
        %dma_start3A_90 = arith.constant 0 : i32
        %dma_start3A_91 = tpu.memref_slice %arg7[%dma_start3A, %dma_start3A_89, %dma_start3A_90] : memref<2x128x128xf32, #tpu.memory_space<vmem>> -> memref<1x128x128xf32, #tpu.memory_space<vmem>>
        %dma_start3A_92 = tpu.memref_squeeze %dma_start3A_91 : memref<1x128x128xf32, #tpu.memory_space<vmem>> -> memref<128x128xf32, #tpu.memory_space<vmem>>
        %dma_start3A_93 = arith.constant 0 : i32
        %dma_start3A_94 = arith.constant 0 : i32
        %dma_start3A_95 = tpu.memref_slice %arg6[%while3A_24, %dma_start3A_93, %dma_start3A_94] : memref<2x160x128xi32, #tpu.memory_space<vmem>> -> memref<1x160x128xi32, #tpu.memory_space<vmem>>
        %dma_start3A_96 = tpu.memref_squeeze %dma_start3A_95 : memref<1x160x128xi32, #tpu.memory_space<vmem>> -> memref<160x128xi32, #tpu.memory_space<vmem>>
        %dma_start3A_97 = arith.constant 0 : i32
        %dma_start3A_98 = tpu.memref_slice %dma_start3A_96[%add3A_88, %dma_start3A_97] : memref<160x128xi32, #tpu.memory_space<vmem>> -> memref<1x128xi32, #tpu.memory_space<vmem>>
        %dma_start3A_99 = tpu.memref_squeeze %dma_start3A_98 : memref<1x128xi32, #tpu.memory_space<vmem>> -> memref<128xi32, #tpu.memory_space<vmem>>
        %dma_start3A_100 = arith.constant 0 : i32
        %dma_start3A_101 = arith.constant 0 : i32
        %dma_start3A_102 = tpu.memref_slice %arg2[%dma_start3A_100, %dma_start3A_101] : memref<10240x128xf32, #tpu.memory_space<hbm>> -> memref<10240x128xf32, #tpu.memory_space<hbm>>
        tpu.enqueue_indirect_dma source(%dma_start3A_102 : memref<10240x128xf32, #tpu.memory_space<hbm>>) target(%dma_start3A_92 : memref<128x128xf32, #tpu.memory_space<vmem>>) offsets(%dma_start3A_99 : memref<128xi32, #tpu.memory_space<vmem>>) semaphore(%arg10 : memref<!tpu.dma_semaphore, #tpu.memory_space<semaphore_mem>>)
      } else {
      }
      %add3A_61 = arith.constant 1 : i32
      %add3A_62 = arith.addi %mul3A_41, %add3A_61 : i32
      %dma_wait3A_63 = arith.constant 1 : i32
      %dma_wait3A_64 = arith.constant 0 : i32
      %dma_wait3A_65 = arith.constant 0 : i32
      %dma_wait3A_66 = tpu.memref_slice %arg7[%dma_wait3A_63, %dma_wait3A_64, %dma_wait3A_65] : memref<2x128x128xf32, #tpu.memory_space<vmem>> -> memref<1x128x128xf32, #tpu.memory_space<vmem>>
      %dma_wait3A_67 = tpu.memref_squeeze %dma_wait3A_66 : memref<1x128x128xf32, #tpu.memory_space<vmem>> -> memref<128x128xf32, #tpu.memory_space<vmem>>
      %dma_wait3A_68 = arith.constant 0 : i32
      %dma_wait3A_69 = arith.constant 0 : i32
      %dma_wait3A_70 = tpu.memref_slice %arg6[%while3A_24, %dma_wait3A_68, %dma_wait3A_69] : memref<2x160x128xi32, #tpu.memory_space<vmem>> -> memref<1x160x128xi32, #tpu.memory_space<vmem>>
      %dma_wait3A_71 = tpu.memref_squeeze %dma_wait3A_70 : memref<1x160x128xi32, #tpu.memory_space<vmem>> -> memref<160x128xi32, #tpu.memory_space<vmem>>
      %dma_wait3A_72 = arith.constant 0 : i32
      %dma_wait3A_73 = tpu.memref_slice %dma_wait3A_71[%add3A_62, %dma_wait3A_72] : memref<160x128xi32, #tpu.memory_space<vmem>> -> memref<1x128xi32, #tpu.memory_space<vmem>>
      %dma_wait3A_74 = tpu.memref_squeeze %dma_wait3A_73 : memref<1x128xi32, #tpu.memory_space<vmem>> -> memref<128xi32, #tpu.memory_space<vmem>>
      %dma_wait3A_75 = arith.constant 0 : i32
      %dma_wait3A_76 = arith.constant 0 : i32
      %dma_wait3A_77 = tpu.memref_slice %arg2[%dma_wait3A_75, %dma_wait3A_76] : memref<10240x128xf32, #tpu.memory_space<hbm>> -> memref<10240x128xf32, #tpu.memory_space<hbm>>
      tpu.wait_indirect_dma semaphore(%arg11 : memref<!tpu.dma_semaphore, #tpu.memory_space<semaphore_mem>>) src(%dma_wait3A_77 : memref<10240x128xf32, #tpu.memory_space<hbm>>) dst(%dma_wait3A_67 : memref<128x128xf32, #tpu.memory_space<vmem>>)
      %add3A_78 = arith.constant 1 : i32
      %add3A_79 = arith.addi %mul3A_41, %add3A_78 : i32
      %run_scoped3A_80 = arith.constant 1 : i32
      "tpu.region"() ({
        %run_scoped3A_87 = tpu.sem_alloc : memref<!tpu.dma_semaphore, #tpu.memory_space<semaphore_mem>>
        %dma_start3A = arith.constant 0 : i32
        %dma_start3A_88 = arith.constant 0 : i32
        %dma_start3A_89 = tpu.memref_slice %arg7[%run_scoped3A_80, %dma_start3A, %dma_start3A_88] : memref<2x128x128xf32, #tpu.memory_space<vmem>> -> memref<1x128x128xf32, #tpu.memory_space<vmem>>
        %dma_start3A_90 = tpu.memref_squeeze %dma_start3A_89 : memref<1x128x128xf32, #tpu.memory_space<vmem>> -> memref<128x128xf32, #tpu.memory_space<vmem>>
        %dma_start3A_91 = arith.constant 0 : i32
        %dma_start3A_92 = arith.constant 0 : i32
        %dma_start3A_93 = tpu.memref_slice %arg6[%while3A_25, %dma_start3A_91, %dma_start3A_92] : memref<2x160x128xi32, #tpu.memory_space<vmem>> -> memref<1x160x128xi32, #tpu.memory_space<vmem>>
        %dma_start3A_94 = tpu.memref_squeeze %dma_start3A_93 : memref<1x160x128xi32, #tpu.memory_space<vmem>> -> memref<160x128xi32, #tpu.memory_space<vmem>>
        %dma_start3A_95 = arith.constant 0 : i32
        %dma_start3A_96 = tpu.memref_slice %dma_start3A_94[%add3A_79, %dma_start3A_95] : memref<160x128xi32, #tpu.memory_space<vmem>> -> memref<1x128xi32, #tpu.memory_space<vmem>>
        %dma_start3A_97 = tpu.memref_squeeze %dma_start3A_96 : memref<1x128xi32, #tpu.memory_space<vmem>> -> memref<128xi32, #tpu.memory_space<vmem>>
        %dma_start3A_98 = arith.constant 0 : i32
        %dma_start3A_99 = arith.constant 0 : i32
        %dma_start3A_100 = tpu.memref_slice %arg8[%dma_start3A_98, %dma_start3A_99] : memref<5128x128xf32, #tpu.memory_space<vmem_shared>> -> memref<5128x128xf32, #tpu.memory_space<vmem_shared>>
        tpu.enqueue_indirect_dma source(%dma_start3A_90 : memref<128x128xf32, #tpu.memory_space<vmem>>) target(%dma_start3A_100 : memref<5128x128xf32, #tpu.memory_space<vmem_shared>>) offsets(%dma_start3A_97 : memref<128xi32, #tpu.memory_space<vmem>>) semaphore(%run_scoped3A_87 : memref<!tpu.dma_semaphore, #tpu.memory_space<semaphore_mem>>) {add = true}
        %dma_wait3A_101 = arith.constant 0 : i32
        %dma_wait3A_102 = arith.constant 0 : i32
        %dma_wait3A_103 = tpu.memref_slice %arg7[%run_scoped3A_80, %dma_wait3A_101, %dma_wait3A_102] : memref<2x128x128xf32, #tpu.memory_space<vmem>> -> memref<1x128x128xf32, #tpu.memory_space<vmem>>
        %dma_wait3A_104 = tpu.memref_squeeze %dma_wait3A_103 : memref<1x128x128xf32, #tpu.memory_space<vmem>> -> memref<128x128xf32, #tpu.memory_space<vmem>>
        %dma_wait3A_105 = arith.constant 0 : i32
        %dma_wait3A_106 = arith.constant 0 : i32
        %dma_wait3A_107 = tpu.memref_slice %arg6[%while3A_25, %dma_wait3A_105, %dma_wait3A_106] : memref<2x160x128xi32, #tpu.memory_space<vmem>> -> memref<1x160x128xi32, #tpu.memory_space<vmem>>
        %dma_wait3A_108 = tpu.memref_squeeze %dma_wait3A_107 : memref<1x160x128xi32, #tpu.memory_space<vmem>> -> memref<160x128xi32, #tpu.memory_space<vmem>>
        %dma_wait3A_109 = arith.constant 0 : i32
        %dma_wait3A_110 = tpu.memref_slice %dma_wait3A_108[%add3A_79, %dma_wait3A_109] : memref<160x128xi32, #tpu.memory_space<vmem>> -> memref<1x128xi32, #tpu.memory_space<vmem>>
        %dma_wait3A_111 = tpu.memref_squeeze %dma_wait3A_110 : memref<1x128xi32, #tpu.memory_space<vmem>> -> memref<128xi32, #tpu.memory_space<vmem>>
        %dma_wait3A_112 = arith.constant 0 : i32
        %dma_wait3A_113 = arith.constant 0 : i32
        %dma_wait3A_114 = tpu.memref_slice %arg8[%dma_wait3A_112, %dma_wait3A_113] : memref<5128x128xf32, #tpu.memory_space<vmem_shared>> -> memref<5128x128xf32, #tpu.memory_space<vmem_shared>>
        tpu.wait_indirect_dma semaphore(%run_scoped3A_87 : memref<!tpu.dma_semaphore, #tpu.memory_space<semaphore_mem>>) src(%dma_wait3A_104 : memref<128x128xf32, #tpu.memory_space<vmem>>) dst(%dma_wait3A_114 : memref<5128x128xf32, #tpu.memory_space<vmem_shared>>)
        tpu.yield
      }) : () -> ()
      %add3A_81 = arith.constant 3 : i32
      %add3A_82 = arith.addi %mul3A_41, %add3A_81 : i32
      %lt3A_83 = arith.cmpi slt, %add3A_82, %mul3A_13 : i32
      %convert_element_type3A_84 = arith.extui %lt3A_83 : i1 to i32
      %cond3A_85 = arith.constant 0 : i32
      %cond3A_86 = arith.cmpi ne, %convert_element_type3A_84, %cond3A_85 : i32
      scf.if %cond3A_86 {
        %add3A_87 = arith.constant 3 : i32
        %add3A_88 = arith.addi %mul3A_41, %add3A_87 : i32
        %dma_start3A = arith.constant 1 : i32
        %dma_start3A_89 = arith.constant 0 : i32
        %dma_start3A_90 = arith.constant 0 : i32
        %dma_start3A_91 = tpu.memref_slice %arg7[%dma_start3A, %dma_start3A_89, %dma_start3A_90] : memref<2x128x128xf32, #tpu.memory_space<vmem>> -> memref<1x128x128xf32, #tpu.memory_space<vmem>>
        %dma_start3A_92 = tpu.memref_squeeze %dma_start3A_91 : memref<1x128x128xf32, #tpu.memory_space<vmem>> -> memref<128x128xf32, #tpu.memory_space<vmem>>
        %dma_start3A_93 = arith.constant 0 : i32
        %dma_start3A_94 = arith.constant 0 : i32
        %dma_start3A_95 = tpu.memref_slice %arg6[%while3A_24, %dma_start3A_93, %dma_start3A_94] : memref<2x160x128xi32, #tpu.memory_space<vmem>> -> memref<1x160x128xi32, #tpu.memory_space<vmem>>
        %dma_start3A_96 = tpu.memref_squeeze %dma_start3A_95 : memref<1x160x128xi32, #tpu.memory_space<vmem>> -> memref<160x128xi32, #tpu.memory_space<vmem>>
        %dma_start3A_97 = arith.constant 0 : i32
        %dma_start3A_98 = tpu.memref_slice %dma_start3A_96[%add3A_88, %dma_start3A_97] : memref<160x128xi32, #tpu.memory_space<vmem>> -> memref<1x128xi32, #tpu.memory_space<vmem>>
        %dma_start3A_99 = tpu.memref_squeeze %dma_start3A_98 : memref<1x128xi32, #tpu.memory_space<vmem>> -> memref<128xi32, #tpu.memory_space<vmem>>
        %dma_start3A_100 = arith.constant 0 : i32
        %dma_start3A_101 = arith.constant 0 : i32
        %dma_start3A_102 = tpu.memref_slice %arg2[%dma_start3A_100, %dma_start3A_101] : memref<10240x128xf32, #tpu.memory_space<hbm>> -> memref<10240x128xf32, #tpu.memory_space<hbm>>
        tpu.enqueue_indirect_dma source(%dma_start3A_102 : memref<10240x128xf32, #tpu.memory_space<hbm>>) target(%dma_start3A_92 : memref<128x128xf32, #tpu.memory_space<vmem>>) offsets(%dma_start3A_99 : memref<128xi32, #tpu.memory_space<vmem>>) semaphore(%arg11 : memref<!tpu.dma_semaphore, #tpu.memory_space<semaphore_mem>>)
      } else {
      }
    }
    %barrier3A_35 = arith.constant 0 : index
    tpu.barrier barrier_id(%barrier3A_35)
    %add3A_36 = arith.addi %mul3A_0, %mul3A_2 : i32
    "tpu.region"() ({
      %run_scoped3A = tpu.sem_alloc : memref<!tpu.dma_semaphore, #tpu.memory_space<semaphore_mem>>
      %dma_start3A = arith.constant 0 : i32
      %dma_start3A_37 = tpu.memref_slice %arg5[%add3A_36, %dma_start3A] : memref<10240x128xf32, #tpu.memory_space<hbm>> -> memref<320x128xf32, #tpu.memory_space<hbm>>
      %dma_start3A_38 = arith.constant 0 : i32
      %dma_start3A_39 = tpu.memref_slice %arg8[%mul3A_2, %dma_start3A_38] : memref<5128x128xf32, #tpu.memory_space<vmem_shared>> -> memref<320x128xf32, #tpu.memory_space<vmem_shared>>
      tpu.enqueue_dma source(%dma_start3A_39 : memref<320x128xf32, #tpu.memory_space<vmem_shared>>) target(%dma_start3A_37 : memref<320x128xf32, #tpu.memory_space<hbm>>) target_semaphore(%run_scoped3A : memref<!tpu.dma_semaphore, #tpu.memory_space<semaphore_mem>>)
      %dma_wait3A = arith.constant 0 : i32
      %dma_wait3A_40 = tpu.memref_slice %arg5[%add3A_36, %dma_wait3A] : memref<10240x128xf32, #tpu.memory_space<hbm>> -> memref<320x128xf32, #tpu.memory_space<hbm>>
      %dma_wait3A_41 = arith.constant 0 : i32
      %dma_wait3A_42 = tpu.memref_slice %arg8[%mul3A_2, %dma_wait3A_41] : memref<5128x128xf32, #tpu.memory_space<vmem_shared>> -> memref<320x128xf32, #tpu.memory_space<vmem_shared>>
      tpu.wait_dma2 semaphore(%run_scoped3A : memref<!tpu.dma_semaphore, #tpu.memory_space<semaphore_mem>>) src(%dma_wait3A_42 : memref<320x128xf32, #tpu.memory_space<vmem_shared>>) dst(%dma_wait3A_40 : memref<320x128xf32, #tpu.memory_space<hbm>>)
      tpu.yield
    }) : () -> ()
    return
  }
}

#map = affine_map<(d0, d1) -> (0, 0, 0, 0)>
#map1 = affine_map<(d0, d1) -> (0, 0, 0)>
module attributes {stable_mosaic.version = 14 : i64} {
  func.func @_comp_kernel(%arg0: i32, %arg1: i32, %arg2: memref<16x2x250x80xi32, #tpu.memory_space<hbm>>, %arg3: memref<2x16x2x20480xi32, #tpu.memory_space<hbm>>, %arg4: memref<2x16x16xi32, #tpu.memory_space<hbm>>, %arg5: memref<2x250x80xi32, #tpu.memory_space<vmem>>, %arg6: memref<20480xi32, #tpu.memory_space<vmem>>, %arg7: memref<20480xi32, #tpu.memory_space<vmem>>, %arg8: memref<16xi32, #tpu.memory_space<vmem>>, %arg9: memref<1xi32, #tpu.memory_space<smem>>) attributes {dimension_semantics = [#tpu.dimension_semantics<core_parallel>, #tpu.dimension_semantics<subcore_parallel>], iteration_bounds = array<i64: 2, 16>, scalar_prefetch = 0 : i64, scratch_operands = 5 : i64, tpu.core_type = #tpu.core_type<sc_vector_subcore>, window_params = [{transform_indices = #map}, {transform_indices = #map}, {transform_indices = #map1}]} {
    %mul3A = arith.constant 5120 : i32
    %mul3A_0 = arith.muli %arg0, %mul3A : i32
    "tpu.region"() ({
      %run_scoped3A_40 = tpu.sem_alloc : memref<!tpu.dma_semaphore, #tpu.memory_space<semaphore_mem>>
      %dma_start3A = arith.constant 0 : i32
      %dma_start3A_41 = arith.constant 0 : i32
      %dma_start3A_42 = arith.constant 0 : i32
      %dma_start3A_43 = tpu.memref_slice %arg2[%arg1, %dma_start3A, %dma_start3A_41, %dma_start3A_42] : memref<16x2x250x80xi32, #tpu.memory_space<hbm>> -> memref<1x2x250x80xi32, #tpu.memory_space<hbm>>
      %dma_start3A_44 = tpu.memref_squeeze %dma_start3A_43 : memref<1x2x250x80xi32, #tpu.memory_space<hbm>> -> memref<2x250x80xi32, #tpu.memory_space<hbm>>
      %dma_start3A_45 = arith.constant 0 : i32
      %dma_start3A_46 = arith.constant 0 : i32
      %dma_start3A_47 = arith.constant 0 : i32
      %dma_start3A_48 = tpu.memref_slice %arg2[%arg1, %dma_start3A_45, %dma_start3A_46, %dma_start3A_47] : memref<16x2x250x80xi32, #tpu.memory_space<hbm>> -> memref<1x2x250x80xi32, #tpu.memory_space<hbm>>
      %dma_start3A_49 = tpu.memref_squeeze %dma_start3A_48 : memref<1x2x250x80xi32, #tpu.memory_space<hbm>> -> memref<2x250x80xi32, #tpu.memory_space<hbm>>
      tpu.enqueue_dma source(%dma_start3A_49 : memref<2x250x80xi32, #tpu.memory_space<hbm>>) target(%arg5 : memref<2x250x80xi32, #tpu.memory_space<vmem>>) target_semaphore(%run_scoped3A_40 : memref<!tpu.dma_semaphore, #tpu.memory_space<semaphore_mem>>)
      %dma_wait3A = arith.constant 0 : i32
      %dma_wait3A_50 = arith.constant 0 : i32
      %dma_wait3A_51 = arith.constant 0 : i32
      %dma_wait3A_52 = tpu.memref_slice %arg2[%arg1, %dma_wait3A, %dma_wait3A_50, %dma_wait3A_51] : memref<16x2x250x80xi32, #tpu.memory_space<hbm>> -> memref<1x2x250x80xi32, #tpu.memory_space<hbm>>
      %dma_wait3A_53 = tpu.memref_squeeze %dma_wait3A_52 : memref<1x2x250x80xi32, #tpu.memory_space<hbm>> -> memref<2x250x80xi32, #tpu.memory_space<hbm>>
      %dma_wait3A_54 = arith.constant 0 : i32
      %dma_wait3A_55 = arith.constant 0 : i32
      %dma_wait3A_56 = arith.constant 0 : i32
      %dma_wait3A_57 = tpu.memref_slice %arg2[%arg1, %dma_wait3A_54, %dma_wait3A_55, %dma_wait3A_56] : memref<16x2x250x80xi32, #tpu.memory_space<hbm>> -> memref<1x2x250x80xi32, #tpu.memory_space<hbm>>
      %dma_wait3A_58 = tpu.memref_squeeze %dma_wait3A_57 : memref<1x2x250x80xi32, #tpu.memory_space<hbm>> -> memref<2x250x80xi32, #tpu.memory_space<hbm>>
      tpu.wait_dma2 semaphore(%run_scoped3A_40 : memref<!tpu.dma_semaphore, #tpu.memory_space<semaphore_mem>>) src(%dma_wait3A_58 : memref<2x250x80xi32, #tpu.memory_space<hbm>>) dst(%arg5 : memref<2x250x80xi32, #tpu.memory_space<vmem>>)
      tpu.yield
    }) : () -> ()
    %swap3A = arith.constant 0 : i32
    %swap3A_1 = arith.constant 0 : i32
    %swap3A_2 = arith.index_cast %swap3A_1 : i32 to index
    %swap3A_3 = memref.load %arg9[%swap3A_2] : memref<1xi32, #tpu.memory_space<smem>>
    memref.store %swap3A, %arg9[%swap3A_2] : memref<1xi32, #tpu.memory_space<smem>>
    %iota3A = tpu.iota {dimensions = array<i32: 0>} : vector<16xi32>
    %scan3A = arith.constant 0 : i32
    %scan3A_4 = arith.constant 250 : i32
    %scan3A_5 = arith.addi %scan3A, %scan3A_4 : i32
    %scan3A_6 = arith.constant 1 : i32
    scf.for %scan3A_40 = %scan3A to %scan3A_5 step %scan3A_6  : i32 {
      %mul3A_41 = arith.constant 1 : i32
      %mul3A_42 = arith.muli %scan3A_40, %mul3A_41 : i32
      %add3A_43 = arith.constant 0 : i32
      %add3A_44 = arith.addi %add3A_43, %mul3A_42 : i32
      %scan3A_45 = arith.constant 0 : i32
      %scan3A_46 = arith.constant 5 : i32
      %scan3A_47 = arith.addi %scan3A_45, %scan3A_46 : i32
      %scan3A_48 = arith.constant 1 : i32
      scf.for %scan3A_50 = %scan3A_45 to %scan3A_47 step %scan3A_48  : i32 {
        %mul3A_51 = arith.constant 16 : i32
        %mul3A_52 = arith.muli %scan3A_50, %mul3A_51 : i32
        %add3A_53 = arith.constant 0 : i32
        %add3A_54 = arith.addi %add3A_53, %mul3A_52 : i32
        %get3A_55 = arith.constant 0 : i32
        %get3A_56 = arith.constant 0 : i32
        %get3A_57 = arith.constant 0 : i32
        %get3A_58 = tpu.memref_slice %arg5[%get3A_55, %get3A_56, %get3A_57] : memref<2x250x80xi32, #tpu.memory_space<vmem>> -> memref<1x250x80xi32, #tpu.memory_space<vmem>>
        %get3A_59 = tpu.memref_squeeze %get3A_58 : memref<1x250x80xi32, #tpu.memory_space<vmem>> -> memref<250x80xi32, #tpu.memory_space<vmem>>
        %get3A_60 = arith.constant 0 : i32
        %get3A_61 = tpu.memref_slice %get3A_59[%add3A_44, %get3A_60] : memref<250x80xi32, #tpu.memory_space<vmem>> -> memref<1x80xi32, #tpu.memory_space<vmem>>
        %get3A_62 = tpu.memref_squeeze %get3A_61 : memref<1x80xi32, #tpu.memory_space<vmem>> -> memref<80xi32, #tpu.memory_space<vmem>>
        %get3A_63 = arith.index_cast %add3A_54 : i32 to index
        %get3A_64 = tpu.vector_load %get3A_62[%get3A_63] {strides = array<i32>} : memref<80xi32, #tpu.memory_space<vmem>>, vector<16xi32>,
        %get3A_65 = arith.constant 1 : i32
        %get3A_66 = arith.constant 0 : i32
        %get3A_67 = arith.constant 0 : i32
        %get3A_68 = tpu.memref_slice %arg5[%get3A_65, %get3A_66, %get3A_67] : memref<2x250x80xi32, #tpu.memory_space<vmem>> -> memref<1x250x80xi32, #tpu.memory_space<vmem>>
        %get3A_69 = tpu.memref_squeeze %get3A_68 : memref<1x250x80xi32, #tpu.memory_space<vmem>> -> memref<250x80xi32, #tpu.memory_space<vmem>>
        %get3A_70 = arith.constant 0 : i32
        %get3A_71 = tpu.memref_slice %get3A_69[%add3A_44, %get3A_70] : memref<250x80xi32, #tpu.memory_space<vmem>> -> memref<1x80xi32, #tpu.memory_space<vmem>>
        %get3A_72 = tpu.memref_squeeze %get3A_71 : memref<1x80xi32, #tpu.memory_space<vmem>> -> memref<80xi32, #tpu.memory_space<vmem>>
        %get3A_73 = arith.index_cast %add3A_54 : i32 to index
        %get3A_74 = tpu.vector_load %get3A_72[%get3A_73] {strides = array<i32>} : memref<80xi32, #tpu.memory_space<vmem>>, vector<16xi32>,
        %sub3A_75 = vector.broadcast %mul3A_0 : i32 to vector<16xi32>
        %sub3A_76 = arith.subi %get3A_74, %sub3A_75 : vector<16xi32>
        %ge3A = arith.constant 0 : i32
        %ge3A_77 = vector.broadcast %ge3A : i32 to vector<16xi32>
        %ge3A_78 = arith.cmpi sge, %sub3A_76, %ge3A_77 : vector<16xi32>
        %lt3A = arith.constant 5120 : i32
        %lt3A_79 = vector.broadcast %lt3A : i32 to vector<16xi32>
        %lt3A_80 = arith.cmpi slt, %sub3A_76, %lt3A_79 : vector<16xi32>
        %and3A_81 = arith.andi %ge3A_78, %lt3A_80 : vector<16xi1>
        %convert_element_type3A = arith.extui %and3A_81 : vector<16xi1> to vector<16xi32>
        %cumsum3A = arith.constant true
        %cumsum3A_82 = vector.broadcast %cumsum3A : i1 to vector<16xi1>
        %cumsum3A_83 = tpu.scan <sum>, %convert_element_type3A masked %cumsum3A_82 : vector<16xi32>, vector<16xi1> -> vector<16xi32>
        %get3A_84 = arith.constant 0 : i32
        %get3A_85 = arith.index_cast %get3A_84 : i32 to index
        %get3A_86 = memref.load %arg9[%get3A_85] : memref<1xi32, #tpu.memory_space<smem>>
        %add3A_87 = vector.broadcast %get3A_86 : i32 to vector<16xi32>
        %add3A_88 = arith.addi %add3A_87, %cumsum3A_83 : vector<16xi32>
        %sub3A_89 = arith.subi %add3A_88, %convert_element_type3A : vector<16xi32>
        tpu.vector_store_idx %arg6[%sub3A_89], %get3A_64 masked %and3A_81 : memref<20480xi32, #tpu.memory_space<vmem>>[vector<16xi32>], vector<16xi32>, vector<16xi1>
        tpu.vector_store_idx %arg7[%sub3A_89], %sub3A_76 masked %and3A_81 : memref<20480xi32, #tpu.memory_space<vmem>>[vector<16xi32>], vector<16xi32>, vector<16xi1>
        %get3A_90 = arith.constant 0 : i32
        %get3A_91 = arith.index_cast %get3A_90 : i32 to index
        %get3A_92 = memref.load %arg9[%get3A_91] : memref<1xi32, #tpu.memory_space<smem>>
        %reduce_sum3A = arith.constant true
        %reduce_sum3A_93 = vector.broadcast %reduce_sum3A : i1 to vector<16xi1>
        %reduce_sum3A_94 = tpu.scan <sum>, %convert_element_type3A masked %reduce_sum3A_93 : vector<16xi32>, vector<16xi1> -> vector<16xi32>
        %reduce_sum3A_95 = vector.extract %reduce_sum3A_94[15] : i32 from vector<16xi32>
        %add3A_96 = arith.addi %get3A_92, %reduce_sum3A_95 : i32
        %swap3A_97 = arith.constant 0 : i32
        %swap3A_98 = arith.index_cast %swap3A_97 : i32 to index
        %swap3A_99 = memref.load %arg9[%swap3A_98] : memref<1xi32, #tpu.memory_space<smem>>
        memref.store %add3A_96, %arg9[%swap3A_98] : memref<1xi32, #tpu.memory_space<smem>>
      }
      %scan3A_49 = arith.constant 5 : i32
    }
    %scan3A_7 = arith.constant 250 : i32
    %get3A = arith.constant 0 : i32
    %get3A_8 = arith.index_cast %get3A : i32 to index
    %get3A_9 = memref.load %arg9[%get3A_8] : memref<1xi32, #tpu.memory_space<smem>>
    %scan3A_10 = arith.constant 0 : i32
    %scan3A_11 = arith.constant 16 : i32
    %scan3A_12 = arith.addi %scan3A_10, %scan3A_11 : i32
    %scan3A_13 = arith.constant 1 : i32
    scf.for %scan3A_40 = %scan3A_10 to %scan3A_12 step %scan3A_13  : i32 {
      %mul3A_41 = arith.constant 1 : i32
      %mul3A_42 = arith.muli %scan3A_40, %mul3A_41 : i32
      %add3A_43 = arith.constant 0 : i32
      %add3A_44 = arith.addi %add3A_43, %mul3A_42 : i32
      %mul3A_45 = arith.constant 16 : i32
      %mul3A_46 = arith.muli %add3A_44, %mul3A_45 : i32
      %add3A_47 = arith.addi %get3A_9, %mul3A_46 : i32
      %add3A_48 = vector.broadcast %add3A_47 : i32 to vector<16xi32>
      %add3A_49 = arith.addi %add3A_48, %iota3A : vector<16xi32>
      %mul3A_50 = arith.constant 16 : i32
      %mul3A_51 = arith.muli %add3A_44, %mul3A_50 : i32
      %add3A_52 = vector.broadcast %mul3A_51 : i32 to vector<16xi32>
      %add3A_53 = arith.addi %add3A_52, %iota3A : vector<16xi32>
      %mul3A_54 = arith.constant 8 : i32
      %mul3A_55 = vector.broadcast %mul3A_54 : i32 to vector<16xi32>
      %mul3A_56 = arith.muli %add3A_53, %mul3A_55 : vector<16xi32>
      tpu.vector_store_idx %arg6[%add3A_49], %mul3A_56 : memref<20480xi32, #tpu.memory_space<vmem>>[vector<16xi32>], vector<16xi32>,
      %and3A_57 = arith.constant 7 : i32
      %and3A_58 = vector.broadcast %and3A_57 : i32 to vector<16xi32>
      %and3A_59 = arith.andi %iota3A, %and3A_58 : vector<16xi32>
      %add3A_60 = arith.constant 5120 : i32
      %add3A_61 = vector.broadcast %add3A_60 : i32 to vector<16xi32>
      %add3A_62 = arith.addi %add3A_61, %and3A_59 : vector<16xi32>
      tpu.vector_store_idx %arg7[%add3A_49], %add3A_62 : memref<20480xi32, #tpu.memory_space<vmem>>[vector<16xi32>], vector<16xi32>,
    }
    %scan3A_14 = arith.constant 16 : i32
    %add3A = arith.constant 256 : i32
    %add3A_15 = arith.addi %get3A_9, %add3A : i32
    %sub3A = arith.constant 1 : i32
    %sub3A_16 = arith.subi %add3A_15, %sub3A : i32
    %jit3A = arith.constant 256 : i32
    %div3A = arith.divsi %sub3A_16, %jit3A : i32
    %sign3A = arith.constant 0 : i32
    %sign3A_17 = arith.cmpi sgt, %sub3A_16, %sign3A : i32
    %sign3A_18 = arith.extui %sign3A_17 : i1 to i32
    %sign3A_19 = arith.constant 0 : i32
    %sign3A_20 = arith.cmpi slt, %sub3A_16, %sign3A_19 : i32
    %sign3A_21 = arith.extui %sign3A_20 : i1 to i32
    %sign3A_22 = arith.subi %sign3A_18, %sign3A_21 : i32
    %sign3A_23 = arith.constant 0 : i32
    %sign3A_24 = arith.cmpi sgt, %jit3A, %sign3A_23 : i32
    %sign3A_25 = arith.extui %sign3A_24 : i1 to i32
    %sign3A_26 = arith.constant 0 : i32
    %sign3A_27 = arith.cmpi slt, %jit3A, %sign3A_26 : i32
    %sign3A_28 = arith.extui %sign3A_27 : i1 to i32
    %sign3A_29 = arith.subi %sign3A_25, %sign3A_28 : i32
    %ne3A = arith.cmpi ne, %sign3A_22, %sign3A_29 : i32
    %rem3A = arith.remsi %sub3A_16, %jit3A : i32
    %ne3A_30 = arith.constant 0 : i32
    %ne3A_31 = arith.cmpi ne, %rem3A, %ne3A_30 : i32
    %and3A = arith.andi %ne3A, %ne3A_31 : i1
    %sub3A_32 = arith.constant 1 : i32
    %sub3A_33 = arith.subi %div3A, %sub3A_32 : i32
    %select_n3A = arith.select %and3A, %sub3A_33, %div3A : i32
    %broadcast_in_dim3A = arith.constant 0 : i32
    %broadcast_in_dim3A_34 = vector.broadcast %broadcast_in_dim3A : i32 to vector<16xi32>
    %add3A_35 = vector.broadcast %select_n3A : i32 to vector<16xi32>
    %add3A_36 = arith.addi %broadcast_in_dim3A_34, %add3A_35 : vector<16xi32>
    %swap3A_37 = arith.constant 0 : index
    %swap3A_38 = tpu.vector_load %arg8[%swap3A_37] {strides = array<i32>} : memref<16xi32, #tpu.memory_space<vmem>>, vector<16xi32>,
    tpu.vector_store %arg8[%swap3A_37], %add3A_36 {strides = array<i32>} : memref<16xi32, #tpu.memory_space<vmem>>, vector<16xi32>,
    "tpu.region"() ({
      %run_scoped3A_40 = tpu.sem_alloc : memref<!tpu.dma_semaphore, #tpu.memory_space<semaphore_mem>>
      %dma_start3A = arith.constant 0 : i32
      %dma_start3A_41 = tpu.memref_slice %arg4[%arg0, %arg1, %dma_start3A] : memref<2x16x16xi32, #tpu.memory_space<hbm>> -> memref<1x1x16xi32, #tpu.memory_space<hbm>>
      %dma_start3A_42 = tpu.memref_squeeze %dma_start3A_41 : memref<1x1x16xi32, #tpu.memory_space<hbm>> -> memref<16xi32, #tpu.memory_space<hbm>>
      %dma_start3A_43 = arith.constant 0 : i32
      %dma_start3A_44 = tpu.memref_slice %arg4[%arg0, %arg1, %dma_start3A_43] : memref<2x16x16xi32, #tpu.memory_space<hbm>> -> memref<1x1x16xi32, #tpu.memory_space<hbm>>
      %dma_start3A_45 = tpu.memref_squeeze %dma_start3A_44 : memref<1x1x16xi32, #tpu.memory_space<hbm>> -> memref<16xi32, #tpu.memory_space<hbm>>
      tpu.enqueue_dma source(%arg8 : memref<16xi32, #tpu.memory_space<vmem>>) target(%dma_start3A_45 : memref<16xi32, #tpu.memory_space<hbm>>) target_semaphore(%run_scoped3A_40 : memref<!tpu.dma_semaphore, #tpu.memory_space<semaphore_mem>>)
      %dma_wait3A = arith.constant 0 : i32
      %dma_wait3A_46 = tpu.memref_slice %arg4[%arg0, %arg1, %dma_wait3A] : memref<2x16x16xi32, #tpu.memory_space<hbm>> -> memref<1x1x16xi32, #tpu.memory_space<hbm>>
      %dma_wait3A_47 = tpu.memref_squeeze %dma_wait3A_46 : memref<1x1x16xi32, #tpu.memory_space<hbm>> -> memref<16xi32, #tpu.memory_space<hbm>>
      %dma_wait3A_48 = arith.constant 0 : i32
      %dma_wait3A_49 = tpu.memref_slice %arg4[%arg0, %arg1, %dma_wait3A_48] : memref<2x16x16xi32, #tpu.memory_space<hbm>> -> memref<1x1x16xi32, #tpu.memory_space<hbm>>
      %dma_wait3A_50 = tpu.memref_squeeze %dma_wait3A_49 : memref<1x1x16xi32, #tpu.memory_space<hbm>> -> memref<16xi32, #tpu.memory_space<hbm>>
      tpu.wait_dma2 semaphore(%run_scoped3A_40 : memref<!tpu.dma_semaphore, #tpu.memory_space<semaphore_mem>>) src(%arg8 : memref<16xi32, #tpu.memory_space<vmem>>) dst(%dma_wait3A_50 : memref<16xi32, #tpu.memory_space<hbm>>)
      tpu.yield
    }) : () -> ()
    %run_scoped3A = arith.constant 0 : i32
    "tpu.region"() ({
      %run_scoped3A_40 = tpu.sem_alloc : memref<!tpu.dma_semaphore, #tpu.memory_space<semaphore_mem>>
      %dma_start3A = arith.constant 0 : i32
      %dma_start3A_41 = tpu.memref_slice %arg3[%arg0, %arg1, %run_scoped3A, %dma_start3A] : memref<2x16x2x20480xi32, #tpu.memory_space<hbm>> -> memref<1x1x1x20480xi32, #tpu.memory_space<hbm>>
      %dma_start3A_42 = tpu.memref_squeeze %dma_start3A_41 : memref<1x1x1x20480xi32, #tpu.memory_space<hbm>> -> memref<20480xi32, #tpu.memory_space<hbm>>
      %dma_start3A_43 = arith.constant 0 : i32
      %dma_start3A_44 = tpu.memref_slice %arg3[%arg0, %arg1, %run_scoped3A, %dma_start3A_43] : memref<2x16x2x20480xi32, #tpu.memory_space<hbm>> -> memref<1x1x1x20480xi32, #tpu.memory_space<hbm>>
      %dma_start3A_45 = tpu.memref_squeeze %dma_start3A_44 : memref<1x1x1x20480xi32, #tpu.memory_space<hbm>> -> memref<20480xi32, #tpu.memory_space<hbm>>
      tpu.enqueue_dma source(%arg6 : memref<20480xi32, #tpu.memory_space<vmem>>) target(%dma_start3A_45 : memref<20480xi32, #tpu.memory_space<hbm>>) target_semaphore(%run_scoped3A_40 : memref<!tpu.dma_semaphore, #tpu.memory_space<semaphore_mem>>)
      %dma_wait3A = arith.constant 0 : i32
      %dma_wait3A_46 = tpu.memref_slice %arg3[%arg0, %arg1, %run_scoped3A, %dma_wait3A] : memref<2x16x2x20480xi32, #tpu.memory_space<hbm>> -> memref<1x1x1x20480xi32, #tpu.memory_space<hbm>>
      %dma_wait3A_47 = tpu.memref_squeeze %dma_wait3A_46 : memref<1x1x1x20480xi32, #tpu.memory_space<hbm>> -> memref<20480xi32, #tpu.memory_space<hbm>>
      %dma_wait3A_48 = arith.constant 0 : i32
      %dma_wait3A_49 = tpu.memref_slice %arg3[%arg0, %arg1, %run_scoped3A, %dma_wait3A_48] : memref<2x16x2x20480xi32, #tpu.memory_space<hbm>> -> memref<1x1x1x20480xi32, #tpu.memory_space<hbm>>
      %dma_wait3A_50 = tpu.memref_squeeze %dma_wait3A_49 : memref<1x1x1x20480xi32, #tpu.memory_space<hbm>> -> memref<20480xi32, #tpu.memory_space<hbm>>
      tpu.wait_dma2 semaphore(%run_scoped3A_40 : memref<!tpu.dma_semaphore, #tpu.memory_space<semaphore_mem>>) src(%arg6 : memref<20480xi32, #tpu.memory_space<vmem>>) dst(%dma_wait3A_50 : memref<20480xi32, #tpu.memory_space<hbm>>)
      tpu.yield
    }) : () -> ()
    %run_scoped3A_39 = arith.constant 1 : i32
    "tpu.region"() ({
      %run_scoped3A_40 = tpu.sem_alloc : memref<!tpu.dma_semaphore, #tpu.memory_space<semaphore_mem>>
      %dma_start3A = arith.constant 0 : i32
      %dma_start3A_41 = tpu.memref_slice %arg3[%arg0, %arg1, %run_scoped3A_39, %dma_start3A] : memref<2x16x2x20480xi32, #tpu.memory_space<hbm>> -> memref<1x1x1x20480xi32, #tpu.memory_space<hbm>>
      %dma_start3A_42 = tpu.memref_squeeze %dma_start3A_41 : memref<1x1x1x20480xi32, #tpu.memory_space<hbm>> -> memref<20480xi32, #tpu.memory_space<hbm>>
      %dma_start3A_43 = arith.constant 0 : i32
      %dma_start3A_44 = tpu.memref_slice %arg3[%arg0, %arg1, %run_scoped3A_39, %dma_start3A_43] : memref<2x16x2x20480xi32, #tpu.memory_space<hbm>> -> memref<1x1x1x20480xi32, #tpu.memory_space<hbm>>
      %dma_start3A_45 = tpu.memref_squeeze %dma_start3A_44 : memref<1x1x1x20480xi32, #tpu.memory_space<hbm>> -> memref<20480xi32, #tpu.memory_space<hbm>>
      tpu.enqueue_dma source(%arg7 : memref<20480xi32, #tpu.memory_space<vmem>>) target(%dma_start3A_45 : memref<20480xi32, #tpu.memory_space<hbm>>) target_semaphore(%run_scoped3A_40 : memref<!tpu.dma_semaphore, #tpu.memory_space<semaphore_mem>>)
      %dma_wait3A = arith.constant 0 : i32
      %dma_wait3A_46 = tpu.memref_slice %arg3[%arg0, %arg1, %run_scoped3A_39, %dma_wait3A] : memref<2x16x2x20480xi32, #tpu.memory_space<hbm>> -> memref<1x1x1x20480xi32, #tpu.memory_space<hbm>>
      %dma_wait3A_47 = tpu.memref_squeeze %dma_wait3A_46 : memref<1x1x1x20480xi32, #tpu.memory_space<hbm>> -> memref<20480xi32, #tpu.memory_space<hbm>>
      %dma_wait3A_48 = arith.constant 0 : i32
      %dma_wait3A_49 = tpu.memref_slice %arg3[%arg0, %arg1, %run_scoped3A_39, %dma_wait3A_48] : memref<2x16x2x20480xi32, #tpu.memory_space<hbm>> -> memref<1x1x1x20480xi32, #tpu.memory_space<hbm>>
      %dma_wait3A_50 = tpu.memref_squeeze %dma_wait3A_49 : memref<1x1x1x20480xi32, #tpu.memory_space<hbm>> -> memref<20480xi32, #tpu.memory_space<hbm>>
      tpu.wait_dma2 semaphore(%run_scoped3A_40 : memref<!tpu.dma_semaphore, #tpu.memory_space<semaphore_mem>>) src(%arg7 : memref<20480xi32, #tpu.memory_space<vmem>>) dst(%dma_wait3A_50 : memref<20480xi32, #tpu.memory_space<hbm>>)
      tpu.yield
    }) : () -> ()
    return
  }
}

#map = affine_map<(d0, d1) -> (0, 0)>
module attributes {stable_mosaic.version = 14 : i64} {
  func.func @_deg_kernel(%arg0: i32, %arg1: i32, %arg2: memref<32x10000xi32, #tpu.memory_space<hbm>>, %arg3: memref<32x10240xf32, #tpu.memory_space<hbm>>, %arg4: memref<10000xi32, #tpu.memory_space<vmem>>, %arg5: memref<10240xf32, #tpu.memory_space<vmem>>) attributes {dimension_semantics = [#tpu.dimension_semantics<core_parallel>, #tpu.dimension_semantics<subcore_parallel>], iteration_bounds = array<i64: 2, 16>, scalar_prefetch = 0 : i64, scratch_operands = 2 : i64, tpu.core_type = #tpu.core_type<sc_vector_subcore>, window_params = [{transform_indices = #map}, {transform_indices = #map}]} {
    %mul3A = arith.constant 16 : i32
    %mul3A_0 = arith.muli %arg0, %mul3A : i32
    %add3A = arith.addi %mul3A_0, %arg1 : i32
    "tpu.region"() ({
      %run_scoped3A = tpu.sem_alloc : memref<!tpu.dma_semaphore, #tpu.memory_space<semaphore_mem>>
      %dma_start3A = arith.constant 0 : i32
      %dma_start3A_11 = tpu.memref_slice %arg2[%add3A, %dma_start3A] : memref<32x10000xi32, #tpu.memory_space<hbm>> -> memref<1x10000xi32, #tpu.memory_space<hbm>>
      %dma_start3A_12 = tpu.memref_squeeze %dma_start3A_11 : memref<1x10000xi32, #tpu.memory_space<hbm>> -> memref<10000xi32, #tpu.memory_space<hbm>>
      %dma_start3A_13 = arith.constant 0 : i32
      %dma_start3A_14 = tpu.memref_slice %arg2[%add3A, %dma_start3A_13] : memref<32x10000xi32, #tpu.memory_space<hbm>> -> memref<1x10000xi32, #tpu.memory_space<hbm>>
      %dma_start3A_15 = tpu.memref_squeeze %dma_start3A_14 : memref<1x10000xi32, #tpu.memory_space<hbm>> -> memref<10000xi32, #tpu.memory_space<hbm>>
      tpu.enqueue_dma source(%dma_start3A_15 : memref<10000xi32, #tpu.memory_space<hbm>>) target(%arg4 : memref<10000xi32, #tpu.memory_space<vmem>>) target_semaphore(%run_scoped3A : memref<!tpu.dma_semaphore, #tpu.memory_space<semaphore_mem>>)
      %dma_wait3A = arith.constant 0 : i32
      %dma_wait3A_16 = tpu.memref_slice %arg2[%add3A, %dma_wait3A] : memref<32x10000xi32, #tpu.memory_space<hbm>> -> memref<1x10000xi32, #tpu.memory_space<hbm>>
      %dma_wait3A_17 = tpu.memref_squeeze %dma_wait3A_16 : memref<1x10000xi32, #tpu.memory_space<hbm>> -> memref<10000xi32, #tpu.memory_space<hbm>>
      %dma_wait3A_18 = arith.constant 0 : i32
      %dma_wait3A_19 = tpu.memref_slice %arg2[%add3A, %dma_wait3A_18] : memref<32x10000xi32, #tpu.memory_space<hbm>> -> memref<1x10000xi32, #tpu.memory_space<hbm>>
      %dma_wait3A_20 = tpu.memref_squeeze %dma_wait3A_19 : memref<1x10000xi32, #tpu.memory_space<hbm>> -> memref<10000xi32, #tpu.memory_space<hbm>>
      tpu.wait_dma2 semaphore(%run_scoped3A : memref<!tpu.dma_semaphore, #tpu.memory_space<semaphore_mem>>) src(%dma_wait3A_20 : memref<10000xi32, #tpu.memory_space<hbm>>) dst(%arg4 : memref<10000xi32, #tpu.memory_space<vmem>>)
      tpu.yield
    }) : () -> ()
    %scan3A = arith.constant 0 : i32
    %scan3A_1 = arith.constant 640 : i32
    %scan3A_2 = arith.addi %scan3A, %scan3A_1 : i32
    %scan3A_3 = arith.constant 1 : i32
    scf.for %scan3A_11 = %scan3A to %scan3A_2 step %scan3A_3  : i32 {
      %mul3A_12 = arith.constant 16 : i32
      %mul3A_13 = arith.muli %scan3A_11, %mul3A_12 : i32
      %add3A_14 = arith.constant 0 : i32
      %add3A_15 = arith.addi %add3A_14, %mul3A_13 : i32
      %broadcast_in_dim3A_16 = arith.constant 0.000000e+00 : f32
      %broadcast_in_dim3A_17 = vector.broadcast %broadcast_in_dim3A_16 : f32 to vector<16xf32>
      %swap3A = arith.index_cast %add3A_15 : i32 to index
      %swap3A_18 = tpu.vector_load %arg5[%swap3A] {strides = array<i32>} : memref<10240xf32, #tpu.memory_space<vmem>>, vector<16xf32>,
      tpu.vector_store %arg5[%swap3A], %broadcast_in_dim3A_17 {strides = array<i32>} : memref<10240xf32, #tpu.memory_space<vmem>>, vector<16xf32>,
    }
    %scan3A_4 = arith.constant 640 : i32
    %broadcast_in_dim3A = arith.constant 1.000000e+00 : f32
    %broadcast_in_dim3A_5 = vector.broadcast %broadcast_in_dim3A : f32 to vector<16xf32>
    %scan3A_6 = arith.constant 0 : i32
    %scan3A_7 = arith.constant 625 : i32
    %scan3A_8 = arith.addi %scan3A_6, %scan3A_7 : i32
    %scan3A_9 = arith.constant 1 : i32
    scf.for %scan3A_11 = %scan3A_6 to %scan3A_8 step %scan3A_9  : i32 {
      %mul3A_12 = arith.constant 16 : i32
      %mul3A_13 = arith.muli %scan3A_11, %mul3A_12 : i32
      %add3A_14 = arith.constant 0 : i32
      %add3A_15 = arith.addi %add3A_14, %mul3A_13 : i32
      %get3A = arith.index_cast %add3A_15 : i32 to index
      %get3A_16 = tpu.vector_load %arg4[%get3A] {strides = array<i32>} : memref<10000xi32, #tpu.memory_space<vmem>>, vector<16xi32>,
      tpu.vector_store_idx %arg5[%get3A_16], %broadcast_in_dim3A_5 {add = true} : memref<10240xf32, #tpu.memory_space<vmem>>[vector<16xi32>], vector<16xf32>,
    }
    %scan3A_10 = arith.constant 625 : i32
    "tpu.region"() ({
      %run_scoped3A = tpu.sem_alloc : memref<!tpu.dma_semaphore, #tpu.memory_space<semaphore_mem>>
      %dma_start3A = arith.constant 0 : i32
      %dma_start3A_11 = tpu.memref_slice %arg3[%add3A, %dma_start3A] : memref<32x10240xf32, #tpu.memory_space<hbm>> -> memref<1x10240xf32, #tpu.memory_space<hbm>>
      %dma_start3A_12 = tpu.memref_squeeze %dma_start3A_11 : memref<1x10240xf32, #tpu.memory_space<hbm>> -> memref<10240xf32, #tpu.memory_space<hbm>>
      %dma_start3A_13 = arith.constant 0 : i32
      %dma_start3A_14 = tpu.memref_slice %arg3[%add3A, %dma_start3A_13] : memref<32x10240xf32, #tpu.memory_space<hbm>> -> memref<1x10240xf32, #tpu.memory_space<hbm>>
      %dma_start3A_15 = tpu.memref_squeeze %dma_start3A_14 : memref<1x10240xf32, #tpu.memory_space<hbm>> -> memref<10240xf32, #tpu.memory_space<hbm>>
      tpu.enqueue_dma source(%arg5 : memref<10240xf32, #tpu.memory_space<vmem>>) target(%dma_start3A_15 : memref<10240xf32, #tpu.memory_space<hbm>>) target_semaphore(%run_scoped3A : memref<!tpu.dma_semaphore, #tpu.memory_space<semaphore_mem>>)
      %dma_wait3A = arith.constant 0 : i32
      %dma_wait3A_16 = tpu.memref_slice %arg3[%add3A, %dma_wait3A] : memref<32x10240xf32, #tpu.memory_space<hbm>> -> memref<1x10240xf32, #tpu.memory_space<hbm>>
      %dma_wait3A_17 = tpu.memref_squeeze %dma_wait3A_16 : memref<1x10240xf32, #tpu.memory_space<hbm>> -> memref<10240xf32, #tpu.memory_space<hbm>>
      %dma_wait3A_18 = arith.constant 0 : i32
      %dma_wait3A_19 = tpu.memref_slice %arg3[%add3A, %dma_wait3A_18] : memref<32x10240xf32, #tpu.memory_space<hbm>> -> memref<1x10240xf32, #tpu.memory_space<hbm>>
      %dma_wait3A_20 = tpu.memref_squeeze %dma_wait3A_19 : memref<1x10240xf32, #tpu.memory_space<hbm>> -> memref<10240xf32, #tpu.memory_space<hbm>>
      tpu.wait_dma2 semaphore(%run_scoped3A : memref<!tpu.dma_semaphore, #tpu.memory_space<semaphore_mem>>) src(%arg5 : memref<10240xf32, #tpu.memory_space<vmem>>) dst(%dma_wait3A_20 : memref<10240xf32, #tpu.memory_space<hbm>>)
      tpu.yield
    }) : () -> ()
    return
  }
}

#map = affine_map<(d0, d1) -> (0, 0)>
#map1 = affine_map<(d0, d1) -> (0, 0, 0, 0, 0)>
#map2 = affine_map<(d0, d1) -> (0, 0, 0)>
module attributes {stable_mosaic.version = 14 : i64} {
  func.func @_agg_kernel(%arg0: i32, %arg1: i32, %arg2: memref<10240x128xf32, #tpu.memory_space<hbm>>, %arg3: memref<2x16x2x160x128xi32, #tpu.memory_space<hbm>>, %arg4: memref<2x16x16xi32, #tpu.memory_space<hbm>>, %arg5: memref<10240x128xf32, #tpu.memory_space<hbm>>, %arg6: memref<2x160x128xi32, #tpu.memory_space<vmem>>, %arg7: memref<2x128x128xf32, #tpu.memory_space<vmem>>, %arg8: memref<5128x128xf32, #tpu.memory_space<vmem_shared>>, %arg9: memref<16xi32, #tpu.memory_space<vmem>>, %arg10: memref<!tpu.dma_semaphore, #tpu.memory_space<semaphore_mem>>, %arg11: memref<!tpu.dma_semaphore, #tpu.memory_space<semaphore_mem>>) attributes {dimension_semantics = [#tpu.dimension_semantics<core_parallel>, #tpu.dimension_semantics<subcore_parallel>], iteration_bounds = array<i64: 2, 16>, scalar_prefetch = 0 : i64, scratch_operands = 6 : i64, tpu.core_type = #tpu.core_type<sc_vector_subcore>, window_params = [{transform_indices = #map}, {transform_indices = #map1}, {transform_indices = #map2}, {transform_indices = #map}]} {
    %mul3A = arith.constant 5120 : i32
    %mul3A_0 = arith.muli %arg0, %mul3A : i32
    %mul3A_1 = arith.constant 320 : i32
    %mul3A_2 = arith.muli %arg1, %mul3A_1 : i32
    %add3A = arith.addi %mul3A_0, %mul3A_2 : i32
    "tpu.region"() ({
      %run_scoped3A = tpu.sem_alloc : memref<!tpu.dma_semaphore, #tpu.memory_space<semaphore_mem>>
      %dma_start3A = arith.constant 0 : i32
      %dma_start3A_37 = tpu.memref_slice %arg8[%mul3A_2, %dma_start3A] : memref<5128x128xf32, #tpu.memory_space<vmem_shared>> -> memref<320x128xf32, #tpu.memory_space<vmem_shared>>
      %dma_start3A_38 = arith.constant 0 : i32
      %dma_start3A_39 = tpu.memref_slice %arg2[%add3A, %dma_start3A_38] : memref<10240x128xf32, #tpu.memory_space<hbm>> -> memref<320x128xf32, #tpu.memory_space<hbm>>
      tpu.enqueue_dma source(%dma_start3A_39 : memref<320x128xf32, #tpu.memory_space<hbm>>) target(%dma_start3A_37 : memref<320x128xf32, #tpu.memory_space<vmem_shared>>) target_semaphore(%run_scoped3A : memref<!tpu.dma_semaphore, #tpu.memory_space<semaphore_mem>>)
      %dma_wait3A = arith.constant 0 : i32
      %dma_wait3A_40 = tpu.memref_slice %arg8[%mul3A_2, %dma_wait3A] : memref<5128x128xf32, #tpu.memory_space<vmem_shared>> -> memref<320x128xf32, #tpu.memory_space<vmem_shared>>
      %dma_wait3A_41 = arith.constant 0 : i32
      %dma_wait3A_42 = tpu.memref_slice %arg2[%add3A, %dma_wait3A_41] : memref<10240x128xf32, #tpu.memory_space<hbm>> -> memref<320x128xf32, #tpu.memory_space<hbm>>
      tpu.wait_dma2 semaphore(%run_scoped3A : memref<!tpu.dma_semaphore, #tpu.memory_space<semaphore_mem>>) src(%dma_wait3A_42 : memref<320x128xf32, #tpu.memory_space<hbm>>) dst(%dma_wait3A_40 : memref<320x128xf32, #tpu.memory_space<vmem_shared>>)
      tpu.yield
    }) : () -> ()
    "tpu.region"() ({
      %run_scoped3A = tpu.sem_alloc : memref<!tpu.dma_semaphore, #tpu.memory_space<semaphore_mem>>
      %dma_start3A = arith.constant 0 : i32
      %dma_start3A_37 = arith.constant 0 : i32
      %dma_start3A_38 = arith.constant 0 : i32
      %dma_start3A_39 = tpu.memref_slice %arg3[%arg0, %arg1, %dma_start3A, %dma_start3A_37, %dma_start3A_38] : memref<2x16x2x160x128xi32, #tpu.memory_space<hbm>> -> memref<1x1x2x160x128xi32, #tpu.memory_space<hbm>>
      %dma_start3A_40 = tpu.memref_squeeze %dma_start3A_39 : memref<1x1x2x160x128xi32, #tpu.memory_space<hbm>> -> memref<2x160x128xi32, #tpu.memory_space<hbm>>
      %dma_start3A_41 = arith.constant 0 : i32
      %dma_start3A_42 = arith.constant 0 : i32
      %dma_start3A_43 = arith.constant 0 : i32
      %dma_start3A_44 = tpu.memref_slice %arg3[%arg0, %arg1, %dma_start3A_41, %dma_start3A_42, %dma_start3A_43] : memref<2x16x2x160x128xi32, #tpu.memory_space<hbm>> -> memref<1x1x2x160x128xi32, #tpu.memory_space<hbm>>
      %dma_start3A_45 = tpu.memref_squeeze %dma_start3A_44 : memref<1x1x2x160x128xi32, #tpu.memory_space<hbm>> -> memref<2x160x128xi32, #tpu.memory_space<hbm>>
      tpu.enqueue_dma source(%dma_start3A_45 : memref<2x160x128xi32, #tpu.memory_space<hbm>>) target(%arg6 : memref<2x160x128xi32, #tpu.memory_space<vmem>>) target_semaphore(%run_scoped3A : memref<!tpu.dma_semaphore, #tpu.memory_space<semaphore_mem>>)
      %dma_wait3A = arith.constant 0 : i32
      %dma_wait3A_46 = arith.constant 0 : i32
      %dma_wait3A_47 = arith.constant 0 : i32
      %dma_wait3A_48 = tpu.memref_slice %arg3[%arg0, %arg1, %dma_wait3A, %dma_wait3A_46, %dma_wait3A_47] : memref<2x16x2x160x128xi32, #tpu.memory_space<hbm>> -> memref<1x1x2x160x128xi32, #tpu.memory_space<hbm>>
      %dma_wait3A_49 = tpu.memref_squeeze %dma_wait3A_48 : memref<1x1x2x160x128xi32, #tpu.memory_space<hbm>> -> memref<2x160x128xi32, #tpu.memory_space<hbm>>
      %dma_wait3A_50 = arith.constant 0 : i32
      %dma_wait3A_51 = arith.constant 0 : i32
      %dma_wait3A_52 = arith.constant 0 : i32
      %dma_wait3A_53 = tpu.memref_slice %arg3[%arg0, %arg1, %dma_wait3A_50, %dma_wait3A_51, %dma_wait3A_52] : memref<2x16x2x160x128xi32, #tpu.memory_space<hbm>> -> memref<1x1x2x160x128xi32, #tpu.memory_space<hbm>>
      %dma_wait3A_54 = tpu.memref_squeeze %dma_wait3A_53 : memref<1x1x2x160x128xi32, #tpu.memory_space<hbm>> -> memref<2x160x128xi32, #tpu.memory_space<hbm>>
      tpu.wait_dma2 semaphore(%run_scoped3A : memref<!tpu.dma_semaphore, #tpu.memory_space<semaphore_mem>>) src(%dma_wait3A_54 : memref<2x160x128xi32, #tpu.memory_space<hbm>>) dst(%arg6 : memref<2x160x128xi32, #tpu.memory_space<vmem>>)
      tpu.yield
    }) : () -> ()
    "tpu.region"() ({
      %run_scoped3A = tpu.sem_alloc : memref<!tpu.dma_semaphore, #tpu.memory_space<semaphore_mem>>
      %dma_start3A = arith.constant 0 : i32
      %dma_start3A_37 = tpu.memref_slice %arg4[%arg0, %arg1, %dma_start3A] : memref<2x16x16xi32, #tpu.memory_space<hbm>> -> memref<1x1x16xi32, #tpu.memory_space<hbm>>
      %dma_start3A_38 = tpu.memref_squeeze %dma_start3A_37 : memref<1x1x16xi32, #tpu.memory_space<hbm>> -> memref<16xi32, #tpu.memory_space<hbm>>
      %dma_start3A_39 = arith.constant 0 : i32
      %dma_start3A_40 = tpu.memref_slice %arg4[%arg0, %arg1, %dma_start3A_39] : memref<2x16x16xi32, #tpu.memory_space<hbm>> -> memref<1x1x16xi32, #tpu.memory_space<hbm>>
      %dma_start3A_41 = tpu.memref_squeeze %dma_start3A_40 : memref<1x1x16xi32, #tpu.memory_space<hbm>> -> memref<16xi32, #tpu.memory_space<hbm>>
      tpu.enqueue_dma source(%dma_start3A_41 : memref<16xi32, #tpu.memory_space<hbm>>) target(%arg9 : memref<16xi32, #tpu.memory_space<vmem>>) target_semaphore(%run_scoped3A : memref<!tpu.dma_semaphore, #tpu.memory_space<semaphore_mem>>)
      %dma_wait3A = arith.constant 0 : i32
      %dma_wait3A_42 = tpu.memref_slice %arg4[%arg0, %arg1, %dma_wait3A] : memref<2x16x16xi32, #tpu.memory_space<hbm>> -> memref<1x1x16xi32, #tpu.memory_space<hbm>>
      %dma_wait3A_43 = tpu.memref_squeeze %dma_wait3A_42 : memref<1x1x16xi32, #tpu.memory_space<hbm>> -> memref<16xi32, #tpu.memory_space<hbm>>
      %dma_wait3A_44 = arith.constant 0 : i32
      %dma_wait3A_45 = tpu.memref_slice %arg4[%arg0, %arg1, %dma_wait3A_44] : memref<2x16x16xi32, #tpu.memory_space<hbm>> -> memref<1x1x16xi32, #tpu.memory_space<hbm>>
      %dma_wait3A_46 = tpu.memref_squeeze %dma_wait3A_45 : memref<1x1x16xi32, #tpu.memory_space<hbm>> -> memref<16xi32, #tpu.memory_space<hbm>>
      tpu.wait_dma2 semaphore(%run_scoped3A : memref<!tpu.dma_semaphore, #tpu.memory_space<semaphore_mem>>) src(%dma_wait3A_46 : memref<16xi32, #tpu.memory_space<hbm>>) dst(%arg9 : memref<16xi32, #tpu.memory_space<vmem>>)
      tpu.yield
    }) : () -> ()
    %get3A = arith.constant 0 : index
    %get3A_3 = tpu.vector_load %arg9[%get3A] {strides = array<i32>} : memref<16xi32, #tpu.memory_space<vmem>>, vector<16xi32>,
    %reduce_max3A = arith.constant true
    %reduce_max3A_4 = vector.broadcast %reduce_max3A : i1 to vector<16xi1>
    %reduce_max3A_5 = arith.constant -2147483648 : i32
    %reduce_max3A_6 = vector.broadcast %reduce_max3A_5 : i32 to vector<16xi32>
    %reduce_max3A_7 = arith.xori %get3A_3, %reduce_max3A_6 : vector<16xi32>
    %reduce_max3A_8 = tpu.scan <max>, %reduce_max3A_7 masked %reduce_max3A_4 : vector<16xi32>, vector<16xi1> -> vector<16xi32>
    %reduce_max3A_9 = arith.xori %reduce_max3A_8, %reduce_max3A_6 : vector<16xi32>
    %reduce_max3A_10 = vector.extract %reduce_max3A_9[15] : i32 from vector<16xi32>
    %min3A = arith.constant 80 : i32
    %min3A_11 = arith.minsi %reduce_max3A_10, %min3A : i32
    %mul3A_12 = arith.constant 2 : i32
    %mul3A_13 = arith.muli %min3A_11, %mul3A_12 : i32
    %gt3A = arith.constant 0 : i32
    %gt3A_14 = arith.cmpi sgt, %min3A_11, %gt3A : i32
    %convert_element_type3A = arith.extui %gt3A_14 : i1 to i32
    %cond3A = arith.constant 0 : i32
    %cond3A_15 = arith.constant 0 : i32
    %cond3A_16 = arith.cmpi ne, %convert_element_type3A, %cond3A_15 : i32
    scf.if %cond3A_16 {
      %dma_start3A = arith.constant 0 : i32
      %dma_start3A_37 = arith.constant 0 : i32
      %dma_start3A_38 = arith.constant 0 : i32
      %dma_start3A_39 = arith.constant 0 : i32
      %dma_start3A_40 = tpu.memref_slice %arg7[%dma_start3A_37, %dma_start3A_38, %dma_start3A_39] : memref<2x128x128xf32, #tpu.memory_space<vmem>> -> memref<1x128x128xf32, #tpu.memory_space<vmem>>
      %dma_start3A_41 = tpu.memref_squeeze %dma_start3A_40 : memref<1x128x128xf32, #tpu.memory_space<vmem>> -> memref<128x128xf32, #tpu.memory_space<vmem>>
      %dma_start3A_42 = arith.constant 0 : i32
      %dma_start3A_43 = arith.constant 0 : i32
      %dma_start3A_44 = tpu.memref_slice %arg6[%cond3A, %dma_start3A_42, %dma_start3A_43] : memref<2x160x128xi32, #tpu.memory_space<vmem>> -> memref<1x160x128xi32, #tpu.memory_space<vmem>>
      %dma_start3A_45 = tpu.memref_squeeze %dma_start3A_44 : memref<1x160x128xi32, #tpu.memory_space<vmem>> -> memref<160x128xi32, #tpu.memory_space<vmem>>
      %dma_start3A_46 = arith.constant 0 : i32
      %dma_start3A_47 = tpu.memref_slice %dma_start3A_45[%dma_start3A, %dma_start3A_46] : memref<160x128xi32, #tpu.memory_space<vmem>> -> memref<1x128xi32, #tpu.memory_space<vmem>>
      %dma_start3A_48 = tpu.memref_squeeze %dma_start3A_47 : memref<1x128xi32, #tpu.memory_space<vmem>> -> memref<128xi32, #tpu.memory_space<vmem>>
      %dma_start3A_49 = arith.constant 0 : i32
      %dma_start3A_50 = arith.constant 0 : i32
      %dma_start3A_51 = tpu.memref_slice %arg2[%dma_start3A_49, %dma_start3A_50] : memref<10240x128xf32, #tpu.memory_space<hbm>> -> memref<10240x128xf32, #tpu.memory_space<hbm>>
      tpu.enqueue_indirect_dma source(%dma_start3A_51 : memref<10240x128xf32, #tpu.memory_space<hbm>>) target(%dma_start3A_41 : memref<128x128xf32, #tpu.memory_space<vmem>>) offsets(%dma_start3A_48 : memref<128xi32, #tpu.memory_space<vmem>>) semaphore(%arg10 : memref<!tpu.dma_semaphore, #tpu.memory_space<semaphore_mem>>)
      %dma_start3A_52 = arith.constant 1 : i32
      %dma_start3A_53 = arith.constant 1 : i32
      %dma_start3A_54 = arith.constant 0 : i32
      %dma_start3A_55 = arith.constant 0 : i32
      %dma_start3A_56 = tpu.memref_slice %arg7[%dma_start3A_53, %dma_start3A_54, %dma_start3A_55] : memref<2x128x128xf32, #tpu.memory_space<vmem>> -> memref<1x128x128xf32, #tpu.memory_space<vmem>>
      %dma_start3A_57 = tpu.memref_squeeze %dma_start3A_56 : memref<1x128x128xf32, #tpu.memory_space<vmem>> -> memref<128x128xf32, #tpu.memory_space<vmem>>
      %dma_start3A_58 = arith.constant 0 : i32
      %dma_start3A_59 = arith.constant 0 : i32
      %dma_start3A_60 = tpu.memref_slice %arg6[%cond3A, %dma_start3A_58, %dma_start3A_59] : memref<2x160x128xi32, #tpu.memory_space<vmem>> -> memref<1x160x128xi32, #tpu.memory_space<vmem>>
      %dma_start3A_61 = tpu.memref_squeeze %dma_start3A_60 : memref<1x160x128xi32, #tpu.memory_space<vmem>> -> memref<160x128xi32, #tpu.memory_space<vmem>>
      %dma_start3A_62 = arith.constant 0 : i32
      %dma_start3A_63 = tpu.memref_slice %dma_start3A_61[%dma_start3A_52, %dma_start3A_62] : memref<160x128xi32, #tpu.memory_space<vmem>> -> memref<1x128xi32, #tpu.memory_space<vmem>>
      %dma_start3A_64 = tpu.memref_squeeze %dma_start3A_63 : memref<1x128xi32, #tpu.memory_space<vmem>> -> memref<128xi32, #tpu.memory_space<vmem>>
      %dma_start3A_65 = arith.constant 0 : i32
      %dma_start3A_66 = arith.constant 0 : i32
      %dma_start3A_67 = tpu.memref_slice %arg2[%dma_start3A_65, %dma_start3A_66] : memref<10240x128xf32, #tpu.memory_space<hbm>> -> memref<10240x128xf32, #tpu.memory_space<hbm>>
      tpu.enqueue_indirect_dma source(%dma_start3A_67 : memref<10240x128xf32, #tpu.memory_space<hbm>>) target(%dma_start3A_57 : memref<128x128xf32, #tpu.memory_space<vmem>>) offsets(%dma_start3A_64 : memref<128xi32, #tpu.memory_space<vmem>>) semaphore(%arg11 : memref<!tpu.dma_semaphore, #tpu.memory_space<semaphore_mem>>)
    } else {
    }
    %barrier3A = arith.constant 0 : index
    tpu.barrier barrier_id(%barrier3A)
    %sub3A = arith.constant 0 : i32
    %sub3A_17 = arith.subi %min3A_11, %sub3A : i32
    %sub3A_18 = arith.constant 1 : i32
    %sub3A_19 = arith.constant 1 : i32
    %sub3A_20 = arith.subi %sub3A_18, %sub3A_19 : i32
    %add3A_21 = arith.addi %sub3A_17, %sub3A_20 : i32
    %div3A = arith.constant 1 : i32
    %div3A_22 = arith.divsi %add3A_21, %div3A : i32
    %while3A = arith.constant 1 : i32
    %while3A_23 = arith.constant 0 : i32
    %while3A_24 = arith.constant 0 : i32
    %while3A_25 = arith.constant 1 : i32
    %while3A_26 = arith.constant 0 : i32
    %while3A_27 = arith.subi %div3A_22, %while3A_26 : i32
    %while3A_28 = arith.addi %while3A_26, %while3A_27 : i32
    %while3A_29 = arith.constant 1 : i32
    %while3A_30 = arith.divsi %while3A_27, %while3A_29 : i32
    %while3A_31 = arith.muli %while3A_30, %while3A_29 : i32
    %while3A_32 = arith.addi %while3A_26, %while3A_31 : i32
    %while3A_33 = arith.constant 1 : i32
    scf.for %while3A_37 = %while3A_26 to %while3A_32 step %while3A_33  : i32 {
      %mul3A_38 = arith.muli %while3A_37, %while3A : i32
      %add3A_39 = arith.addi %while3A_23, %mul3A_38 : i32
      %mul3A_40 = arith.constant 2 : i32
      %mul3A_41 = arith.muli %add3A_39, %mul3A_40 : i32
      %dma_wait3A = arith.constant 0 : i32
      %dma_wait3A_42 = arith.constant 0 : i32
      %dma_wait3A_43 = arith.constant 0 : i32
      %dma_wait3A_44 = tpu.memref_slice %arg7[%dma_wait3A, %dma_wait3A_42, %dma_wait3A_43] : memref<2x128x128xf32, #tpu.memory_space<vmem>> -> memref<1x128x128xf32, #tpu.memory_space<vmem>>
      %dma_wait3A_45 = tpu.memref_squeeze %dma_wait3A_44 : memref<1x128x128xf32, #tpu.memory_space<vmem>> -> memref<128x128xf32, #tpu.memory_space<vmem>>
      %dma_wait3A_46 = arith.constant 0 : i32
      %dma_wait3A_47 = arith.constant 0 : i32
      %dma_wait3A_48 = tpu.memref_slice %arg6[%while3A_24, %dma_wait3A_46, %dma_wait3A_47] : memref<2x160x128xi32, #tpu.memory_space<vmem>> -> memref<1x160x128xi32, #tpu.memory_space<vmem>>
      %dma_wait3A_49 = tpu.memref_squeeze %dma_wait3A_48 : memref<1x160x128xi32, #tpu.memory_space<vmem>> -> memref<160x128xi32, #tpu.memory_space<vmem>>
      %dma_wait3A_50 = arith.constant 0 : i32
      %dma_wait3A_51 = tpu.memref_slice %dma_wait3A_49[%mul3A_41, %dma_wait3A_50] : memref<160x128xi32, #tpu.memory_space<vmem>> -> memref<1x128xi32, #tpu.memory_space<vmem>>
      %dma_wait3A_52 = tpu.memref_squeeze %dma_wait3A_51 : memref<1x128xi32, #tpu.memory_space<vmem>> -> memref<128xi32, #tpu.memory_space<vmem>>
      %dma_wait3A_53 = arith.constant 0 : i32
      %dma_wait3A_54 = arith.constant 0 : i32
      %dma_wait3A_55 = tpu.memref_slice %arg2[%dma_wait3A_53, %dma_wait3A_54] : memref<10240x128xf32, #tpu.memory_space<hbm>> -> memref<10240x128xf32, #tpu.memory_space<hbm>>
      tpu.wait_indirect_dma semaphore(%arg10 : memref<!tpu.dma_semaphore, #tpu.memory_space<semaphore_mem>>) src(%dma_wait3A_55 : memref<10240x128xf32, #tpu.memory_space<hbm>>) dst(%dma_wait3A_45 : memref<128x128xf32, #tpu.memory_space<vmem>>)
      %run_scoped3A = arith.constant 0 : i32
      "tpu.region"() ({
        %run_scoped3A_87 = tpu.sem_alloc : memref<!tpu.dma_semaphore, #tpu.memory_space<semaphore_mem>>
        %dma_start3A = arith.constant 0 : i32
        %dma_start3A_88 = arith.constant 0 : i32
        %dma_start3A_89 = tpu.memref_slice %arg7[%run_scoped3A, %dma_start3A, %dma_start3A_88] : memref<2x128x128xf32, #tpu.memory_space<vmem>> -> memref<1x128x128xf32, #tpu.memory_space<vmem>>
        %dma_start3A_90 = tpu.memref_squeeze %dma_start3A_89 : memref<1x128x128xf32, #tpu.memory_space<vmem>> -> memref<128x128xf32, #tpu.memory_space<vmem>>
        %dma_start3A_91 = arith.constant 0 : i32
        %dma_start3A_92 = arith.constant 0 : i32
        %dma_start3A_93 = tpu.memref_slice %arg6[%while3A_25, %dma_start3A_91, %dma_start3A_92] : memref<2x160x128xi32, #tpu.memory_space<vmem>> -> memref<1x160x128xi32, #tpu.memory_space<vmem>>
        %dma_start3A_94 = tpu.memref_squeeze %dma_start3A_93 : memref<1x160x128xi32, #tpu.memory_space<vmem>> -> memref<160x128xi32, #tpu.memory_space<vmem>>
        %dma_start3A_95 = arith.constant 0 : i32
        %dma_start3A_96 = tpu.memref_slice %dma_start3A_94[%mul3A_41, %dma_start3A_95] : memref<160x128xi32, #tpu.memory_space<vmem>> -> memref<1x128xi32, #tpu.memory_space<vmem>>
        %dma_start3A_97 = tpu.memref_squeeze %dma_start3A_96 : memref<1x128xi32, #tpu.memory_space<vmem>> -> memref<128xi32, #tpu.memory_space<vmem>>
        %dma_start3A_98 = arith.constant 0 : i32
        %dma_start3A_99 = arith.constant 0 : i32
        %dma_start3A_100 = tpu.memref_slice %arg8[%dma_start3A_98, %dma_start3A_99] : memref<5128x128xf32, #tpu.memory_space<vmem_shared>> -> memref<5128x128xf32, #tpu.memory_space<vmem_shared>>
        tpu.enqueue_indirect_dma source(%dma_start3A_90 : memref<128x128xf32, #tpu.memory_space<vmem>>) target(%dma_start3A_100 : memref<5128x128xf32, #tpu.memory_space<vmem_shared>>) offsets(%dma_start3A_97 : memref<128xi32, #tpu.memory_space<vmem>>) semaphore(%run_scoped3A_87 : memref<!tpu.dma_semaphore, #tpu.memory_space<semaphore_mem>>) {add = true}
        %dma_wait3A_101 = arith.constant 0 : i32
        %dma_wait3A_102 = arith.constant 0 : i32
        %dma_wait3A_103 = tpu.memref_slice %arg7[%run_scoped3A, %dma_wait3A_101, %dma_wait3A_102] : memref<2x128x128xf32, #tpu.memory_space<vmem>> -> memref<1x128x128xf32, #tpu.memory_space<vmem>>
        %dma_wait3A_104 = tpu.memref_squeeze %dma_wait3A_103 : memref<1x128x128xf32, #tpu.memory_space<vmem>> -> memref<128x128xf32, #tpu.memory_space<vmem>>
        %dma_wait3A_105 = arith.constant 0 : i32
        %dma_wait3A_106 = arith.constant 0 : i32
        %dma_wait3A_107 = tpu.memref_slice %arg6[%while3A_25, %dma_wait3A_105, %dma_wait3A_106] : memref<2x160x128xi32, #tpu.memory_space<vmem>> -> memref<1x160x128xi32, #tpu.memory_space<vmem>>
        %dma_wait3A_108 = tpu.memref_squeeze %dma_wait3A_107 : memref<1x160x128xi32, #tpu.memory_space<vmem>> -> memref<160x128xi32, #tpu.memory_space<vmem>>
        %dma_wait3A_109 = arith.constant 0 : i32
        %dma_wait3A_110 = tpu.memref_slice %dma_wait3A_108[%mul3A_41, %dma_wait3A_109] : memref<160x128xi32, #tpu.memory_space<vmem>> -> memref<1x128xi32, #tpu.memory_space<vmem>>
        %dma_wait3A_111 = tpu.memref_squeeze %dma_wait3A_110 : memref<1x128xi32, #tpu.memory_space<vmem>> -> memref<128xi32, #tpu.memory_space<vmem>>
        %dma_wait3A_112 = arith.constant 0 : i32
        %dma_wait3A_113 = arith.constant 0 : i32
        %dma_wait3A_114 = tpu.memref_slice %arg8[%dma_wait3A_112, %dma_wait3A_113] : memref<5128x128xf32, #tpu.memory_space<vmem_shared>> -> memref<5128x128xf32, #tpu.memory_space<vmem_shared>>
        tpu.wait_indirect_dma semaphore(%run_scoped3A_87 : memref<!tpu.dma_semaphore, #tpu.memory_space<semaphore_mem>>) src(%dma_wait3A_104 : memref<128x128xf32, #tpu.memory_space<vmem>>) dst(%dma_wait3A_114 : memref<5128x128xf32, #tpu.memory_space<vmem_shared>>)
        tpu.yield
      }) : () -> ()
      %add3A_56 = arith.constant 2 : i32
      %add3A_57 = arith.addi %mul3A_41, %add3A_56 : i32
      %lt3A = arith.cmpi slt, %add3A_57, %mul3A_13 : i32
      %convert_element_type3A_58 = arith.extui %lt3A : i1 to i32
      %cond3A_59 = arith.constant 0 : i32
      %cond3A_60 = arith.cmpi ne, %convert_element_type3A_58, %cond3A_59 : i32
      scf.if %cond3A_60 {
        %add3A_87 = arith.constant 2 : i32
        %add3A_88 = arith.addi %mul3A_41, %add3A_87 : i32
        %dma_start3A = arith.constant 0 : i32
        %dma_start3A_89 = arith.constant 0 : i32
        %dma_start3A_90 = arith.constant 0 : i32
        %dma_start3A_91 = tpu.memref_slice %arg7[%dma_start3A, %dma_start3A_89, %dma_start3A_90] : memref<2x128x128xf32, #tpu.memory_space<vmem>> -> memref<1x128x128xf32, #tpu.memory_space<vmem>>
        %dma_start3A_92 = tpu.memref_squeeze %dma_start3A_91 : memref<1x128x128xf32, #tpu.memory_space<vmem>> -> memref<128x128xf32, #tpu.memory_space<vmem>>
        %dma_start3A_93 = arith.constant 0 : i32
        %dma_start3A_94 = arith.constant 0 : i32
        %dma_start3A_95 = tpu.memref_slice %arg6[%while3A_24, %dma_start3A_93, %dma_start3A_94] : memref<2x160x128xi32, #tpu.memory_space<vmem>> -> memref<1x160x128xi32, #tpu.memory_space<vmem>>
        %dma_start3A_96 = tpu.memref_squeeze %dma_start3A_95 : memref<1x160x128xi32, #tpu.memory_space<vmem>> -> memref<160x128xi32, #tpu.memory_space<vmem>>
        %dma_start3A_97 = arith.constant 0 : i32
        %dma_start3A_98 = tpu.memref_slice %dma_start3A_96[%add3A_88, %dma_start3A_97] : memref<160x128xi32, #tpu.memory_space<vmem>> -> memref<1x128xi32, #tpu.memory_space<vmem>>
        %dma_start3A_99 = tpu.memref_squeeze %dma_start3A_98 : memref<1x128xi32, #tpu.memory_space<vmem>> -> memref<128xi32, #tpu.memory_space<vmem>>
        %dma_start3A_100 = arith.constant 0 : i32
        %dma_start3A_101 = arith.constant 0 : i32
        %dma_start3A_102 = tpu.memref_slice %arg2[%dma_start3A_100, %dma_start3A_101] : memref<10240x128xf32, #tpu.memory_space<hbm>> -> memref<10240x128xf32, #tpu.memory_space<hbm>>
        tpu.enqueue_indirect_dma source(%dma_start3A_102 : memref<10240x128xf32, #tpu.memory_space<hbm>>) target(%dma_start3A_92 : memref<128x128xf32, #tpu.memory_space<vmem>>) offsets(%dma_start3A_99 : memref<128xi32, #tpu.memory_space<vmem>>) semaphore(%arg10 : memref<!tpu.dma_semaphore, #tpu.memory_space<semaphore_mem>>)
      } else {
      }
      %add3A_61 = arith.constant 1 : i32
      %add3A_62 = arith.addi %mul3A_41, %add3A_61 : i32
      %dma_wait3A_63 = arith.constant 1 : i32
      %dma_wait3A_64 = arith.constant 0 : i32
      %dma_wait3A_65 = arith.constant 0 : i32
      %dma_wait3A_66 = tpu.memref_slice %arg7[%dma_wait3A_63, %dma_wait3A_64, %dma_wait3A_65] : memref<2x128x128xf32, #tpu.memory_space<vmem>> -> memref<1x128x128xf32, #tpu.memory_space<vmem>>
      %dma_wait3A_67 = tpu.memref_squeeze %dma_wait3A_66 : memref<1x128x128xf32, #tpu.memory_space<vmem>> -> memref<128x128xf32, #tpu.memory_space<vmem>>
      %dma_wait3A_68 = arith.constant 0 : i32
      %dma_wait3A_69 = arith.constant 0 : i32
      %dma_wait3A_70 = tpu.memref_slice %arg6[%while3A_24, %dma_wait3A_68, %dma_wait3A_69] : memref<2x160x128xi32, #tpu.memory_space<vmem>> -> memref<1x160x128xi32, #tpu.memory_space<vmem>>
      %dma_wait3A_71 = tpu.memref_squeeze %dma_wait3A_70 : memref<1x160x128xi32, #tpu.memory_space<vmem>> -> memref<160x128xi32, #tpu.memory_space<vmem>>
      %dma_wait3A_72 = arith.constant 0 : i32
      %dma_wait3A_73 = tpu.memref_slice %dma_wait3A_71[%add3A_62, %dma_wait3A_72] : memref<160x128xi32, #tpu.memory_space<vmem>> -> memref<1x128xi32, #tpu.memory_space<vmem>>
      %dma_wait3A_74 = tpu.memref_squeeze %dma_wait3A_73 : memref<1x128xi32, #tpu.memory_space<vmem>> -> memref<128xi32, #tpu.memory_space<vmem>>
      %dma_wait3A_75 = arith.constant 0 : i32
      %dma_wait3A_76 = arith.constant 0 : i32
      %dma_wait3A_77 = tpu.memref_slice %arg2[%dma_wait3A_75, %dma_wait3A_76] : memref<10240x128xf32, #tpu.memory_space<hbm>> -> memref<10240x128xf32, #tpu.memory_space<hbm>>
      tpu.wait_indirect_dma semaphore(%arg11 : memref<!tpu.dma_semaphore, #tpu.memory_space<semaphore_mem>>) src(%dma_wait3A_77 : memref<10240x128xf32, #tpu.memory_space<hbm>>) dst(%dma_wait3A_67 : memref<128x128xf32, #tpu.memory_space<vmem>>)
      %add3A_78 = arith.constant 1 : i32
      %add3A_79 = arith.addi %mul3A_41, %add3A_78 : i32
      %run_scoped3A_80 = arith.constant 1 : i32
      "tpu.region"() ({
        %run_scoped3A_87 = tpu.sem_alloc : memref<!tpu.dma_semaphore, #tpu.memory_space<semaphore_mem>>
        %dma_start3A = arith.constant 0 : i32
        %dma_start3A_88 = arith.constant 0 : i32
        %dma_start3A_89 = tpu.memref_slice %arg7[%run_scoped3A_80, %dma_start3A, %dma_start3A_88] : memref<2x128x128xf32, #tpu.memory_space<vmem>> -> memref<1x128x128xf32, #tpu.memory_space<vmem>>
        %dma_start3A_90 = tpu.memref_squeeze %dma_start3A_89 : memref<1x128x128xf32, #tpu.memory_space<vmem>> -> memref<128x128xf32, #tpu.memory_space<vmem>>
        %dma_start3A_91 = arith.constant 0 : i32
        %dma_start3A_92 = arith.constant 0 : i32
        %dma_start3A_93 = tpu.memref_slice %arg6[%while3A_25, %dma_start3A_91, %dma_start3A_92] : memref<2x160x128xi32, #tpu.memory_space<vmem>> -> memref<1x160x128xi32, #tpu.memory_space<vmem>>
        %dma_start3A_94 = tpu.memref_squeeze %dma_start3A_93 : memref<1x160x128xi32, #tpu.memory_space<vmem>> -> memref<160x128xi32, #tpu.memory_space<vmem>>
        %dma_start3A_95 = arith.constant 0 : i32
        %dma_start3A_96 = tpu.memref_slice %dma_start3A_94[%add3A_79, %dma_start3A_95] : memref<160x128xi32, #tpu.memory_space<vmem>> -> memref<1x128xi32, #tpu.memory_space<vmem>>
        %dma_start3A_97 = tpu.memref_squeeze %dma_start3A_96 : memref<1x128xi32, #tpu.memory_space<vmem>> -> memref<128xi32, #tpu.memory_space<vmem>>
        %dma_start3A_98 = arith.constant 0 : i32
        %dma_start3A_99 = arith.constant 0 : i32
        %dma_start3A_100 = tpu.memref_slice %arg8[%dma_start3A_98, %dma_start3A_99] : memref<5128x128xf32, #tpu.memory_space<vmem_shared>> -> memref<5128x128xf32, #tpu.memory_space<vmem_shared>>
        tpu.enqueue_indirect_dma source(%dma_start3A_90 : memref<128x128xf32, #tpu.memory_space<vmem>>) target(%dma_start3A_100 : memref<5128x128xf32, #tpu.memory_space<vmem_shared>>) offsets(%dma_start3A_97 : memref<128xi32, #tpu.memory_space<vmem>>) semaphore(%run_scoped3A_87 : memref<!tpu.dma_semaphore, #tpu.memory_space<semaphore_mem>>) {add = true}
        %dma_wait3A_101 = arith.constant 0 : i32
        %dma_wait3A_102 = arith.constant 0 : i32
        %dma_wait3A_103 = tpu.memref_slice %arg7[%run_scoped3A_80, %dma_wait3A_101, %dma_wait3A_102] : memref<2x128x128xf32, #tpu.memory_space<vmem>> -> memref<1x128x128xf32, #tpu.memory_space<vmem>>
        %dma_wait3A_104 = tpu.memref_squeeze %dma_wait3A_103 : memref<1x128x128xf32, #tpu.memory_space<vmem>> -> memref<128x128xf32, #tpu.memory_space<vmem>>
        %dma_wait3A_105 = arith.constant 0 : i32
        %dma_wait3A_106 = arith.constant 0 : i32
        %dma_wait3A_107 = tpu.memref_slice %arg6[%while3A_25, %dma_wait3A_105, %dma_wait3A_106] : memref<2x160x128xi32, #tpu.memory_space<vmem>> -> memref<1x160x128xi32, #tpu.memory_space<vmem>>
        %dma_wait3A_108 = tpu.memref_squeeze %dma_wait3A_107 : memref<1x160x128xi32, #tpu.memory_space<vmem>> -> memref<160x128xi32, #tpu.memory_space<vmem>>
        %dma_wait3A_109 = arith.constant 0 : i32
        %dma_wait3A_110 = tpu.memref_slice %dma_wait3A_108[%add3A_79, %dma_wait3A_109] : memref<160x128xi32, #tpu.memory_space<vmem>> -> memref<1x128xi32, #tpu.memory_space<vmem>>
        %dma_wait3A_111 = tpu.memref_squeeze %dma_wait3A_110 : memref<1x128xi32, #tpu.memory_space<vmem>> -> memref<128xi32, #tpu.memory_space<vmem>>
        %dma_wait3A_112 = arith.constant 0 : i32
        %dma_wait3A_113 = arith.constant 0 : i32
        %dma_wait3A_114 = tpu.memref_slice %arg8[%dma_wait3A_112, %dma_wait3A_113] : memref<5128x128xf32, #tpu.memory_space<vmem_shared>> -> memref<5128x128xf32, #tpu.memory_space<vmem_shared>>
        tpu.wait_indirect_dma semaphore(%run_scoped3A_87 : memref<!tpu.dma_semaphore, #tpu.memory_space<semaphore_mem>>) src(%dma_wait3A_104 : memref<128x128xf32, #tpu.memory_space<vmem>>) dst(%dma_wait3A_114 : memref<5128x128xf32, #tpu.memory_space<vmem_shared>>)
        tpu.yield
      }) : () -> ()
      %add3A_81 = arith.constant 3 : i32
      %add3A_82 = arith.addi %mul3A_41, %add3A_81 : i32
      %lt3A_83 = arith.cmpi slt, %add3A_82, %mul3A_13 : i32
      %convert_element_type3A_84 = arith.extui %lt3A_83 : i1 to i32
      %cond3A_85 = arith.constant 0 : i32
      %cond3A_86 = arith.cmpi ne, %convert_element_type3A_84, %cond3A_85 : i32
      scf.if %cond3A_86 {
        %add3A_87 = arith.constant 3 : i32
        %add3A_88 = arith.addi %mul3A_41, %add3A_87 : i32
        %dma_start3A = arith.constant 1 : i32
        %dma_start3A_89 = arith.constant 0 : i32
        %dma_start3A_90 = arith.constant 0 : i32
        %dma_start3A_91 = tpu.memref_slice %arg7[%dma_start3A, %dma_start3A_89, %dma_start3A_90] : memref<2x128x128xf32, #tpu.memory_space<vmem>> -> memref<1x128x128xf32, #tpu.memory_space<vmem>>
        %dma_start3A_92 = tpu.memref_squeeze %dma_start3A_91 : memref<1x128x128xf32, #tpu.memory_space<vmem>> -> memref<128x128xf32, #tpu.memory_space<vmem>>
        %dma_start3A_93 = arith.constant 0 : i32
        %dma_start3A_94 = arith.constant 0 : i32
        %dma_start3A_95 = tpu.memref_slice %arg6[%while3A_24, %dma_start3A_93, %dma_start3A_94] : memref<2x160x128xi32, #tpu.memory_space<vmem>> -> memref<1x160x128xi32, #tpu.memory_space<vmem>>
        %dma_start3A_96 = tpu.memref_squeeze %dma_start3A_95 : memref<1x160x128xi32, #tpu.memory_space<vmem>> -> memref<160x128xi32, #tpu.memory_space<vmem>>
        %dma_start3A_97 = arith.constant 0 : i32
        %dma_start3A_98 = tpu.memref_slice %dma_start3A_96[%add3A_88, %dma_start3A_97] : memref<160x128xi32, #tpu.memory_space<vmem>> -> memref<1x128xi32, #tpu.memory_space<vmem>>
        %dma_start3A_99 = tpu.memref_squeeze %dma_start3A_98 : memref<1x128xi32, #tpu.memory_space<vmem>> -> memref<128xi32, #tpu.memory_space<vmem>>
        %dma_start3A_100 = arith.constant 0 : i32
        %dma_start3A_101 = arith.constant 0 : i32
        %dma_start3A_102 = tpu.memref_slice %arg2[%dma_start3A_100, %dma_start3A_101] : memref<10240x128xf32, #tpu.memory_space<hbm>> -> memref<10240x128xf32, #tpu.memory_space<hbm>>
        tpu.enqueue_indirect_dma source(%dma_start3A_102 : memref<10240x128xf32, #tpu.memory_space<hbm>>) target(%dma_start3A_92 : memref<128x128xf32, #tpu.memory_space<vmem>>) offsets(%dma_start3A_99 : memref<128xi32, #tpu.memory_space<vmem>>) semaphore(%arg11 : memref<!tpu.dma_semaphore, #tpu.memory_space<semaphore_mem>>)
      } else {
      }
    }
    %while3A_34 = arith.constant 1 : i32
    scf.for %while3A_37 = %while3A_32 to %while3A_28 step %while3A_34  : i32 {
      %mul3A_38 = arith.muli %while3A_37, %while3A : i32
      %add3A_39 = arith.addi %while3A_23, %mul3A_38 : i32
      %mul3A_40 = arith.constant 2 : i32
      %mul3A_41 = arith.muli %add3A_39, %mul3A_40 : i32
      %dma_wait3A = arith.constant 0 : i32
      %dma_wait3A_42 = arith.constant 0 : i32
      %dma_wait3A_43 = arith.constant 0 : i32
      %dma_wait3A_44 = tpu.memref_slice %arg7[%dma_wait3A, %dma_wait3A_42, %dma_wait3A_43] : memref<2x128x128xf32, #tpu.memory_space<vmem>> -> memref<1x128x128xf32, #tpu.memory_space<vmem>>
      %dma_wait3A_45 = tpu.memref_squeeze %dma_wait3A_44 : memref<1x128x128xf32, #tpu.memory_space<vmem>> -> memref<128x128xf32, #tpu.memory_space<vmem>>
      %dma_wait3A_46 = arith.constant 0 : i32
      %dma_wait3A_47 = arith.constant 0 : i32
      %dma_wait3A_48 = tpu.memref_slice %arg6[%while3A_24, %dma_wait3A_46, %dma_wait3A_47] : memref<2x160x128xi32, #tpu.memory_space<vmem>> -> memref<1x160x128xi32, #tpu.memory_space<vmem>>
      %dma_wait3A_49 = tpu.memref_squeeze %dma_wait3A_48 : memref<1x160x128xi32, #tpu.memory_space<vmem>> -> memref<160x128xi32, #tpu.memory_space<vmem>>
      %dma_wait3A_50 = arith.constant 0 : i32
      %dma_wait3A_51 = tpu.memref_slice %dma_wait3A_49[%mul3A_41, %dma_wait3A_50] : memref<160x128xi32, #tpu.memory_space<vmem>> -> memref<1x128xi32, #tpu.memory_space<vmem>>
      %dma_wait3A_52 = tpu.memref_squeeze %dma_wait3A_51 : memref<1x128xi32, #tpu.memory_space<vmem>> -> memref<128xi32, #tpu.memory_space<vmem>>
      %dma_wait3A_53 = arith.constant 0 : i32
      %dma_wait3A_54 = arith.constant 0 : i32
      %dma_wait3A_55 = tpu.memref_slice %arg2[%dma_wait3A_53, %dma_wait3A_54] : memref<10240x128xf32, #tpu.memory_space<hbm>> -> memref<10240x128xf32, #tpu.memory_space<hbm>>
      tpu.wait_indirect_dma semaphore(%arg10 : memref<!tpu.dma_semaphore, #tpu.memory_space<semaphore_mem>>) src(%dma_wait3A_55 : memref<10240x128xf32, #tpu.memory_space<hbm>>) dst(%dma_wait3A_45 : memref<128x128xf32, #tpu.memory_space<vmem>>)
      %run_scoped3A = arith.constant 0 : i32
      "tpu.region"() ({
        %run_scoped3A_87 = tpu.sem_alloc : memref<!tpu.dma_semaphore, #tpu.memory_space<semaphore_mem>>
        %dma_start3A = arith.constant 0 : i32
        %dma_start3A_88 = arith.constant 0 : i32
        %dma_start3A_89 = tpu.memref_slice %arg7[%run_scoped3A, %dma_start3A, %dma_start3A_88] : memref<2x128x128xf32, #tpu.memory_space<vmem>> -> memref<1x128x128xf32, #tpu.memory_space<vmem>>
        %dma_start3A_90 = tpu.memref_squeeze %dma_start3A_89 : memref<1x128x128xf32, #tpu.memory_space<vmem>> -> memref<128x128xf32, #tpu.memory_space<vmem>>
        %dma_start3A_91 = arith.constant 0 : i32
        %dma_start3A_92 = arith.constant 0 : i32
        %dma_start3A_93 = tpu.memref_slice %arg6[%while3A_25, %dma_start3A_91, %dma_start3A_92] : memref<2x160x128xi32, #tpu.memory_space<vmem>> -> memref<1x160x128xi32, #tpu.memory_space<vmem>>
        %dma_start3A_94 = tpu.memref_squeeze %dma_start3A_93 : memref<1x160x128xi32, #tpu.memory_space<vmem>> -> memref<160x128xi32, #tpu.memory_space<vmem>>
        %dma_start3A_95 = arith.constant 0 : i32
        %dma_start3A_96 = tpu.memref_slice %dma_start3A_94[%mul3A_41, %dma_start3A_95] : memref<160x128xi32, #tpu.memory_space<vmem>> -> memref<1x128xi32, #tpu.memory_space<vmem>>
        %dma_start3A_97 = tpu.memref_squeeze %dma_start3A_96 : memref<1x128xi32, #tpu.memory_space<vmem>> -> memref<128xi32, #tpu.memory_space<vmem>>
        %dma_start3A_98 = arith.constant 0 : i32
        %dma_start3A_99 = arith.constant 0 : i32
        %dma_start3A_100 = tpu.memref_slice %arg8[%dma_start3A_98, %dma_start3A_99] : memref<5128x128xf32, #tpu.memory_space<vmem_shared>> -> memref<5128x128xf32, #tpu.memory_space<vmem_shared>>
        tpu.enqueue_indirect_dma source(%dma_start3A_90 : memref<128x128xf32, #tpu.memory_space<vmem>>) target(%dma_start3A_100 : memref<5128x128xf32, #tpu.memory_space<vmem_shared>>) offsets(%dma_start3A_97 : memref<128xi32, #tpu.memory_space<vmem>>) semaphore(%run_scoped3A_87 : memref<!tpu.dma_semaphore, #tpu.memory_space<semaphore_mem>>) {add = true}
        %dma_wait3A_101 = arith.constant 0 : i32
        %dma_wait3A_102 = arith.constant 0 : i32
        %dma_wait3A_103 = tpu.memref_slice %arg7[%run_scoped3A, %dma_wait3A_101, %dma_wait3A_102] : memref<2x128x128xf32, #tpu.memory_space<vmem>> -> memref<1x128x128xf32, #tpu.memory_space<vmem>>
        %dma_wait3A_104 = tpu.memref_squeeze %dma_wait3A_103 : memref<1x128x128xf32, #tpu.memory_space<vmem>> -> memref<128x128xf32, #tpu.memory_space<vmem>>
        %dma_wait3A_105 = arith.constant 0 : i32
        %dma_wait3A_106 = arith.constant 0 : i32
        %dma_wait3A_107 = tpu.memref_slice %arg6[%while3A_25, %dma_wait3A_105, %dma_wait3A_106] : memref<2x160x128xi32, #tpu.memory_space<vmem>> -> memref<1x160x128xi32, #tpu.memory_space<vmem>>
        %dma_wait3A_108 = tpu.memref_squeeze %dma_wait3A_107 : memref<1x160x128xi32, #tpu.memory_space<vmem>> -> memref<160x128xi32, #tpu.memory_space<vmem>>
        %dma_wait3A_109 = arith.constant 0 : i32
        %dma_wait3A_110 = tpu.memref_slice %dma_wait3A_108[%mul3A_41, %dma_wait3A_109] : memref<160x128xi32, #tpu.memory_space<vmem>> -> memref<1x128xi32, #tpu.memory_space<vmem>>
        %dma_wait3A_111 = tpu.memref_squeeze %dma_wait3A_110 : memref<1x128xi32, #tpu.memory_space<vmem>> -> memref<128xi32, #tpu.memory_space<vmem>>
        %dma_wait3A_112 = arith.constant 0 : i32
        %dma_wait3A_113 = arith.constant 0 : i32
        %dma_wait3A_114 = tpu.memref_slice %arg8[%dma_wait3A_112, %dma_wait3A_113] : memref<5128x128xf32, #tpu.memory_space<vmem_shared>> -> memref<5128x128xf32, #tpu.memory_space<vmem_shared>>
        tpu.wait_indirect_dma semaphore(%run_scoped3A_87 : memref<!tpu.dma_semaphore, #tpu.memory_space<semaphore_mem>>) src(%dma_wait3A_104 : memref<128x128xf32, #tpu.memory_space<vmem>>) dst(%dma_wait3A_114 : memref<5128x128xf32, #tpu.memory_space<vmem_shared>>)
        tpu.yield
      }) : () -> ()
      %add3A_56 = arith.constant 2 : i32
      %add3A_57 = arith.addi %mul3A_41, %add3A_56 : i32
      %lt3A = arith.cmpi slt, %add3A_57, %mul3A_13 : i32
      %convert_element_type3A_58 = arith.extui %lt3A : i1 to i32
      %cond3A_59 = arith.constant 0 : i32
      %cond3A_60 = arith.cmpi ne, %convert_element_type3A_58, %cond3A_59 : i32
      scf.if %cond3A_60 {
        %add3A_87 = arith.constant 2 : i32
        %add3A_88 = arith.addi %mul3A_41, %add3A_87 : i32
        %dma_start3A = arith.constant 0 : i32
        %dma_start3A_89 = arith.constant 0 : i32
        %dma_start3A_90 = arith.constant 0 : i32
        %dma_start3A_91 = tpu.memref_slice %arg7[%dma_start3A, %dma_start3A_89, %dma_start3A_90] : memref<2x128x128xf32, #tpu.memory_space<vmem>> -> memref<1x128x128xf32, #tpu.memory_space<vmem>>
        %dma_start3A_92 = tpu.memref_squeeze %dma_start3A_91 : memref<1x128x128xf32, #tpu.memory_space<vmem>> -> memref<128x128xf32, #tpu.memory_space<vmem>>
        %dma_start3A_93 = arith.constant 0 : i32
        %dma_start3A_94 = arith.constant 0 : i32
        %dma_start3A_95 = tpu.memref_slice %arg6[%while3A_24, %dma_start3A_93, %dma_start3A_94] : memref<2x160x128xi32, #tpu.memory_space<vmem>> -> memref<1x160x128xi32, #tpu.memory_space<vmem>>
        %dma_start3A_96 = tpu.memref_squeeze %dma_start3A_95 : memref<1x160x128xi32, #tpu.memory_space<vmem>> -> memref<160x128xi32, #tpu.memory_space<vmem>>
        %dma_start3A_97 = arith.constant 0 : i32
        %dma_start3A_98 = tpu.memref_slice %dma_start3A_96[%add3A_88, %dma_start3A_97] : memref<160x128xi32, #tpu.memory_space<vmem>> -> memref<1x128xi32, #tpu.memory_space<vmem>>
        %dma_start3A_99 = tpu.memref_squeeze %dma_start3A_98 : memref<1x128xi32, #tpu.memory_space<vmem>> -> memref<128xi32, #tpu.memory_space<vmem>>
        %dma_start3A_100 = arith.constant 0 : i32
        %dma_start3A_101 = arith.constant 0 : i32
        %dma_start3A_102 = tpu.memref_slice %arg2[%dma_start3A_100, %dma_start3A_101] : memref<10240x128xf32, #tpu.memory_space<hbm>> -> memref<10240x128xf32, #tpu.memory_space<hbm>>
        tpu.enqueue_indirect_dma source(%dma_start3A_102 : memref<10240x128xf32, #tpu.memory_space<hbm>>) target(%dma_start3A_92 : memref<128x128xf32, #tpu.memory_space<vmem>>) offsets(%dma_start3A_99 : memref<128xi32, #tpu.memory_space<vmem>>) semaphore(%arg10 : memref<!tpu.dma_semaphore, #tpu.memory_space<semaphore_mem>>)
      } else {
      }
      %add3A_61 = arith.constant 1 : i32
      %add3A_62 = arith.addi %mul3A_41, %add3A_61 : i32
      %dma_wait3A_63 = arith.constant 1 : i32
      %dma_wait3A_64 = arith.constant 0 : i32
      %dma_wait3A_65 = arith.constant 0 : i32
      %dma_wait3A_66 = tpu.memref_slice %arg7[%dma_wait3A_63, %dma_wait3A_64, %dma_wait3A_65] : memref<2x128x128xf32, #tpu.memory_space<vmem>> -> memref<1x128x128xf32, #tpu.memory_space<vmem>>
      %dma_wait3A_67 = tpu.memref_squeeze %dma_wait3A_66 : memref<1x128x128xf32, #tpu.memory_space<vmem>> -> memref<128x128xf32, #tpu.memory_space<vmem>>
      %dma_wait3A_68 = arith.constant 0 : i32
      %dma_wait3A_69 = arith.constant 0 : i32
      %dma_wait3A_70 = tpu.memref_slice %arg6[%while3A_24, %dma_wait3A_68, %dma_wait3A_69] : memref<2x160x128xi32, #tpu.memory_space<vmem>> -> memref<1x160x128xi32, #tpu.memory_space<vmem>>
      %dma_wait3A_71 = tpu.memref_squeeze %dma_wait3A_70 : memref<1x160x128xi32, #tpu.memory_space<vmem>> -> memref<160x128xi32, #tpu.memory_space<vmem>>
      %dma_wait3A_72 = arith.constant 0 : i32
      %dma_wait3A_73 = tpu.memref_slice %dma_wait3A_71[%add3A_62, %dma_wait3A_72] : memref<160x128xi32, #tpu.memory_space<vmem>> -> memref<1x128xi32, #tpu.memory_space<vmem>>
      %dma_wait3A_74 = tpu.memref_squeeze %dma_wait3A_73 : memref<1x128xi32, #tpu.memory_space<vmem>> -> memref<128xi32, #tpu.memory_space<vmem>>
      %dma_wait3A_75 = arith.constant 0 : i32
      %dma_wait3A_76 = arith.constant 0 : i32
      %dma_wait3A_77 = tpu.memref_slice %arg2[%dma_wait3A_75, %dma_wait3A_76] : memref<10240x128xf32, #tpu.memory_space<hbm>> -> memref<10240x128xf32, #tpu.memory_space<hbm>>
      tpu.wait_indirect_dma semaphore(%arg11 : memref<!tpu.dma_semaphore, #tpu.memory_space<semaphore_mem>>) src(%dma_wait3A_77 : memref<10240x128xf32, #tpu.memory_space<hbm>>) dst(%dma_wait3A_67 : memref<128x128xf32, #tpu.memory_space<vmem>>)
      %add3A_78 = arith.constant 1 : i32
      %add3A_79 = arith.addi %mul3A_41, %add3A_78 : i32
      %run_scoped3A_80 = arith.constant 1 : i32
      "tpu.region"() ({
        %run_scoped3A_87 = tpu.sem_alloc : memref<!tpu.dma_semaphore, #tpu.memory_space<semaphore_mem>>
        %dma_start3A = arith.constant 0 : i32
        %dma_start3A_88 = arith.constant 0 : i32
        %dma_start3A_89 = tpu.memref_slice %arg7[%run_scoped3A_80, %dma_start3A, %dma_start3A_88] : memref<2x128x128xf32, #tpu.memory_space<vmem>> -> memref<1x128x128xf32, #tpu.memory_space<vmem>>
        %dma_start3A_90 = tpu.memref_squeeze %dma_start3A_89 : memref<1x128x128xf32, #tpu.memory_space<vmem>> -> memref<128x128xf32, #tpu.memory_space<vmem>>
        %dma_start3A_91 = arith.constant 0 : i32
        %dma_start3A_92 = arith.constant 0 : i32
        %dma_start3A_93 = tpu.memref_slice %arg6[%while3A_25, %dma_start3A_91, %dma_start3A_92] : memref<2x160x128xi32, #tpu.memory_space<vmem>> -> memref<1x160x128xi32, #tpu.memory_space<vmem>>
        %dma_start3A_94 = tpu.memref_squeeze %dma_start3A_93 : memref<1x160x128xi32, #tpu.memory_space<vmem>> -> memref<160x128xi32, #tpu.memory_space<vmem>>
        %dma_start3A_95 = arith.constant 0 : i32
        %dma_start3A_96 = tpu.memref_slice %dma_start3A_94[%add3A_79, %dma_start3A_95] : memref<160x128xi32, #tpu.memory_space<vmem>> -> memref<1x128xi32, #tpu.memory_space<vmem>>
        %dma_start3A_97 = tpu.memref_squeeze %dma_start3A_96 : memref<1x128xi32, #tpu.memory_space<vmem>> -> memref<128xi32, #tpu.memory_space<vmem>>
        %dma_start3A_98 = arith.constant 0 : i32
        %dma_start3A_99 = arith.constant 0 : i32
        %dma_start3A_100 = tpu.memref_slice %arg8[%dma_start3A_98, %dma_start3A_99] : memref<5128x128xf32, #tpu.memory_space<vmem_shared>> -> memref<5128x128xf32, #tpu.memory_space<vmem_shared>>
        tpu.enqueue_indirect_dma source(%dma_start3A_90 : memref<128x128xf32, #tpu.memory_space<vmem>>) target(%dma_start3A_100 : memref<5128x128xf32, #tpu.memory_space<vmem_shared>>) offsets(%dma_start3A_97 : memref<128xi32, #tpu.memory_space<vmem>>) semaphore(%run_scoped3A_87 : memref<!tpu.dma_semaphore, #tpu.memory_space<semaphore_mem>>) {add = true}
        %dma_wait3A_101 = arith.constant 0 : i32
        %dma_wait3A_102 = arith.constant 0 : i32
        %dma_wait3A_103 = tpu.memref_slice %arg7[%run_scoped3A_80, %dma_wait3A_101, %dma_wait3A_102] : memref<2x128x128xf32, #tpu.memory_space<vmem>> -> memref<1x128x128xf32, #tpu.memory_space<vmem>>
        %dma_wait3A_104 = tpu.memref_squeeze %dma_wait3A_103 : memref<1x128x128xf32, #tpu.memory_space<vmem>> -> memref<128x128xf32, #tpu.memory_space<vmem>>
        %dma_wait3A_105 = arith.constant 0 : i32
        %dma_wait3A_106 = arith.constant 0 : i32
        %dma_wait3A_107 = tpu.memref_slice %arg6[%while3A_25, %dma_wait3A_105, %dma_wait3A_106] : memref<2x160x128xi32, #tpu.memory_space<vmem>> -> memref<1x160x128xi32, #tpu.memory_space<vmem>>
        %dma_wait3A_108 = tpu.memref_squeeze %dma_wait3A_107 : memref<1x160x128xi32, #tpu.memory_space<vmem>> -> memref<160x128xi32, #tpu.memory_space<vmem>>
        %dma_wait3A_109 = arith.constant 0 : i32
        %dma_wait3A_110 = tpu.memref_slice %dma_wait3A_108[%add3A_79, %dma_wait3A_109] : memref<160x128xi32, #tpu.memory_space<vmem>> -> memref<1x128xi32, #tpu.memory_space<vmem>>
        %dma_wait3A_111 = tpu.memref_squeeze %dma_wait3A_110 : memref<1x128xi32, #tpu.memory_space<vmem>> -> memref<128xi32, #tpu.memory_space<vmem>>
        %dma_wait3A_112 = arith.constant 0 : i32
        %dma_wait3A_113 = arith.constant 0 : i32
        %dma_wait3A_114 = tpu.memref_slice %arg8[%dma_wait3A_112, %dma_wait3A_113] : memref<5128x128xf32, #tpu.memory_space<vmem_shared>> -> memref<5128x128xf32, #tpu.memory_space<vmem_shared>>
        tpu.wait_indirect_dma semaphore(%run_scoped3A_87 : memref<!tpu.dma_semaphore, #tpu.memory_space<semaphore_mem>>) src(%dma_wait3A_104 : memref<128x128xf32, #tpu.memory_space<vmem>>) dst(%dma_wait3A_114 : memref<5128x128xf32, #tpu.memory_space<vmem_shared>>)
        tpu.yield
      }) : () -> ()
      %add3A_81 = arith.constant 3 : i32
      %add3A_82 = arith.addi %mul3A_41, %add3A_81 : i32
      %lt3A_83 = arith.cmpi slt, %add3A_82, %mul3A_13 : i32
      %convert_element_type3A_84 = arith.extui %lt3A_83 : i1 to i32
      %cond3A_85 = arith.constant 0 : i32
      %cond3A_86 = arith.cmpi ne, %convert_element_type3A_84, %cond3A_85 : i32
      scf.if %cond3A_86 {
        %add3A_87 = arith.constant 3 : i32
        %add3A_88 = arith.addi %mul3A_41, %add3A_87 : i32
        %dma_start3A = arith.constant 1 : i32
        %dma_start3A_89 = arith.constant 0 : i32
        %dma_start3A_90 = arith.constant 0 : i32
        %dma_start3A_91 = tpu.memref_slice %arg7[%dma_start3A, %dma_start3A_89, %dma_start3A_90] : memref<2x128x128xf32, #tpu.memory_space<vmem>> -> memref<1x128x128xf32, #tpu.memory_space<vmem>>
        %dma_start3A_92 = tpu.memref_squeeze %dma_start3A_91 : memref<1x128x128xf32, #tpu.memory_space<vmem>> -> memref<128x128xf32, #tpu.memory_space<vmem>>
        %dma_start3A_93 = arith.constant 0 : i32
        %dma_start3A_94 = arith.constant 0 : i32
        %dma_start3A_95 = tpu.memref_slice %arg6[%while3A_24, %dma_start3A_93, %dma_start3A_94] : memref<2x160x128xi32, #tpu.memory_space<vmem>> -> memref<1x160x128xi32, #tpu.memory_space<vmem>>
        %dma_start3A_96 = tpu.memref_squeeze %dma_start3A_95 : memref<1x160x128xi32, #tpu.memory_space<vmem>> -> memref<160x128xi32, #tpu.memory_space<vmem>>
        %dma_start3A_97 = arith.constant 0 : i32
        %dma_start3A_98 = tpu.memref_slice %dma_start3A_96[%add3A_88, %dma_start3A_97] : memref<160x128xi32, #tpu.memory_space<vmem>> -> memref<1x128xi32, #tpu.memory_space<vmem>>
        %dma_start3A_99 = tpu.memref_squeeze %dma_start3A_98 : memref<1x128xi32, #tpu.memory_space<vmem>> -> memref<128xi32, #tpu.memory_space<vmem>>
        %dma_start3A_100 = arith.constant 0 : i32
        %dma_start3A_101 = arith.constant 0 : i32
        %dma_start3A_102 = tpu.memref_slice %arg2[%dma_start3A_100, %dma_start3A_101] : memref<10240x128xf32, #tpu.memory_space<hbm>> -> memref<10240x128xf32, #tpu.memory_space<hbm>>
        tpu.enqueue_indirect_dma source(%dma_start3A_102 : memref<10240x128xf32, #tpu.memory_space<hbm>>) target(%dma_start3A_92 : memref<128x128xf32, #tpu.memory_space<vmem>>) offsets(%dma_start3A_99 : memref<128xi32, #tpu.memory_space<vmem>>) semaphore(%arg11 : memref<!tpu.dma_semaphore, #tpu.memory_space<semaphore_mem>>)
      } else {
      }
    }
    %barrier3A_35 = arith.constant 0 : index
    tpu.barrier barrier_id(%barrier3A_35)
    %add3A_36 = arith.addi %mul3A_0, %mul3A_2 : i32
    "tpu.region"() ({
      %run_scoped3A = tpu.sem_alloc : memref<!tpu.dma_semaphore, #tpu.memory_space<semaphore_mem>>
      %dma_start3A = arith.constant 0 : i32
      %dma_start3A_37 = tpu.memref_slice %arg5[%add3A_36, %dma_start3A] : memref<10240x128xf32, #tpu.memory_space<hbm>> -> memref<320x128xf32, #tpu.memory_space<hbm>>
      %dma_start3A_38 = arith.constant 0 : i32
      %dma_start3A_39 = tpu.memref_slice %arg8[%mul3A_2, %dma_start3A_38] : memref<5128x128xf32, #tpu.memory_space<vmem_shared>> -> memref<320x128xf32, #tpu.memory_space<vmem_shared>>
      tpu.enqueue_dma source(%dma_start3A_39 : memref<320x128xf32, #tpu.memory_space<vmem_shared>>) target(%dma_start3A_37 : memref<320x128xf32, #tpu.memory_space<hbm>>) target_semaphore(%run_scoped3A : memref<!tpu.dma_semaphore, #tpu.memory_space<semaphore_mem>>)
      %dma_wait3A = arith.constant 0 : i32
      %dma_wait3A_40 = tpu.memref_slice %arg5[%add3A_36, %dma_wait3A] : memref<10240x128xf32, #tpu.memory_space<hbm>> -> memref<320x128xf32, #tpu.memory_space<hbm>>
      %dma_wait3A_41 = arith.constant 0 : i32
      %dma_wait3A_42 = tpu.memref_slice %arg8[%mul3A_2, %dma_wait3A_41] : memref<5128x128xf32, #tpu.memory_space<vmem_shared>> -> memref<320x128xf32, #tpu.memory_space<vmem_shared>>
      tpu.wait_dma2 semaphore(%run_scoped3A : memref<!tpu.dma_semaphore, #tpu.memory_space<semaphore_mem>>) src(%dma_wait3A_42 : memref<320x128xf32, #tpu.memory_space<vmem_shared>>) dst(%dma_wait3A_40 : memref<320x128xf32, #tpu.memory_space<hbm>>)
      tpu.yield
    }) : () -> ()
    return
  }
}

#map = affine_map<(d0, d1) -> (0, 0)>
#map1 = affine_map<(d0, d1) -> (0, 0, 0, 0, 0)>
#map2 = affine_map<(d0, d1) -> (0, 0, 0)>
module attributes {stable_mosaic.version = 14 : i64} {
  func.func @_agg_kernel(%arg0: i32, %arg1: i32, %arg2: memref<10240x128xf32, #tpu.memory_space<hbm>>, %arg3: memref<2x16x2x160x128xi32, #tpu.memory_space<hbm>>, %arg4: memref<2x16x16xi32, #tpu.memory_space<hbm>>, %arg5: memref<10240x128xf32, #tpu.memory_space<hbm>>, %arg6: memref<2x160x128xi32, #tpu.memory_space<vmem>>, %arg7: memref<2x128x128xf32, #tpu.memory_space<vmem>>, %arg8: memref<5128x128xf32, #tpu.memory_space<vmem_shared>>, %arg9: memref<16xi32, #tpu.memory_space<vmem>>, %arg10: memref<!tpu.dma_semaphore, #tpu.memory_space<semaphore_mem>>, %arg11: memref<!tpu.dma_semaphore, #tpu.memory_space<semaphore_mem>>) attributes {dimension_semantics = [#tpu.dimension_semantics<core_parallel>, #tpu.dimension_semantics<subcore_parallel>], iteration_bounds = array<i64: 2, 16>, scalar_prefetch = 0 : i64, scratch_operands = 6 : i64, tpu.core_type = #tpu.core_type<sc_vector_subcore>, window_params = [{transform_indices = #map}, {transform_indices = #map1}, {transform_indices = #map2}, {transform_indices = #map}]} {
    %mul3A = arith.constant 5120 : i32
    %mul3A_0 = arith.muli %arg0, %mul3A : i32
    %mul3A_1 = arith.constant 320 : i32
    %mul3A_2 = arith.muli %arg1, %mul3A_1 : i32
    %add3A = arith.addi %mul3A_0, %mul3A_2 : i32
    "tpu.region"() ({
      %run_scoped3A = tpu.sem_alloc : memref<!tpu.dma_semaphore, #tpu.memory_space<semaphore_mem>>
      %dma_start3A = arith.constant 0 : i32
      %dma_start3A_37 = tpu.memref_slice %arg8[%mul3A_2, %dma_start3A] : memref<5128x128xf32, #tpu.memory_space<vmem_shared>> -> memref<320x128xf32, #tpu.memory_space<vmem_shared>>
      %dma_start3A_38 = arith.constant 0 : i32
      %dma_start3A_39 = tpu.memref_slice %arg2[%add3A, %dma_start3A_38] : memref<10240x128xf32, #tpu.memory_space<hbm>> -> memref<320x128xf32, #tpu.memory_space<hbm>>
      tpu.enqueue_dma source(%dma_start3A_39 : memref<320x128xf32, #tpu.memory_space<hbm>>) target(%dma_start3A_37 : memref<320x128xf32, #tpu.memory_space<vmem_shared>>) target_semaphore(%run_scoped3A : memref<!tpu.dma_semaphore, #tpu.memory_space<semaphore_mem>>)
      %dma_wait3A = arith.constant 0 : i32
      %dma_wait3A_40 = tpu.memref_slice %arg8[%mul3A_2, %dma_wait3A] : memref<5128x128xf32, #tpu.memory_space<vmem_shared>> -> memref<320x128xf32, #tpu.memory_space<vmem_shared>>
      %dma_wait3A_41 = arith.constant 0 : i32
      %dma_wait3A_42 = tpu.memref_slice %arg2[%add3A, %dma_wait3A_41] : memref<10240x128xf32, #tpu.memory_space<hbm>> -> memref<320x128xf32, #tpu.memory_space<hbm>>
      tpu.wait_dma2 semaphore(%run_scoped3A : memref<!tpu.dma_semaphore, #tpu.memory_space<semaphore_mem>>) src(%dma_wait3A_42 : memref<320x128xf32, #tpu.memory_space<hbm>>) dst(%dma_wait3A_40 : memref<320x128xf32, #tpu.memory_space<vmem_shared>>)
      tpu.yield
    }) : () -> ()
    "tpu.region"() ({
      %run_scoped3A = tpu.sem_alloc : memref<!tpu.dma_semaphore, #tpu.memory_space<semaphore_mem>>
      %dma_start3A = arith.constant 0 : i32
      %dma_start3A_37 = arith.constant 0 : i32
      %dma_start3A_38 = arith.constant 0 : i32
      %dma_start3A_39 = tpu.memref_slice %arg3[%arg0, %arg1, %dma_start3A, %dma_start3A_37, %dma_start3A_38] : memref<2x16x2x160x128xi32, #tpu.memory_space<hbm>> -> memref<1x1x2x160x128xi32, #tpu.memory_space<hbm>>
      %dma_start3A_40 = tpu.memref_squeeze %dma_start3A_39 : memref<1x1x2x160x128xi32, #tpu.memory_space<hbm>> -> memref<2x160x128xi32, #tpu.memory_space<hbm>>
      %dma_start3A_41 = arith.constant 0 : i32
      %dma_start3A_42 = arith.constant 0 : i32
      %dma_start3A_43 = arith.constant 0 : i32
      %dma_start3A_44 = tpu.memref_slice %arg3[%arg0, %arg1, %dma_start3A_41, %dma_start3A_42, %dma_start3A_43] : memref<2x16x2x160x128xi32, #tpu.memory_space<hbm>> -> memref<1x1x2x160x128xi32, #tpu.memory_space<hbm>>
      %dma_start3A_45 = tpu.memref_squeeze %dma_start3A_44 : memref<1x1x2x160x128xi32, #tpu.memory_space<hbm>> -> memref<2x160x128xi32, #tpu.memory_space<hbm>>
      tpu.enqueue_dma source(%dma_start3A_45 : memref<2x160x128xi32, #tpu.memory_space<hbm>>) target(%arg6 : memref<2x160x128xi32, #tpu.memory_space<vmem>>) target_semaphore(%run_scoped3A : memref<!tpu.dma_semaphore, #tpu.memory_space<semaphore_mem>>)
      %dma_wait3A = arith.constant 0 : i32
      %dma_wait3A_46 = arith.constant 0 : i32
      %dma_wait3A_47 = arith.constant 0 : i32
      %dma_wait3A_48 = tpu.memref_slice %arg3[%arg0, %arg1, %dma_wait3A, %dma_wait3A_46, %dma_wait3A_47] : memref<2x16x2x160x128xi32, #tpu.memory_space<hbm>> -> memref<1x1x2x160x128xi32, #tpu.memory_space<hbm>>
      %dma_wait3A_49 = tpu.memref_squeeze %dma_wait3A_48 : memref<1x1x2x160x128xi32, #tpu.memory_space<hbm>> -> memref<2x160x128xi32, #tpu.memory_space<hbm>>
      %dma_wait3A_50 = arith.constant 0 : i32
      %dma_wait3A_51 = arith.constant 0 : i32
      %dma_wait3A_52 = arith.constant 0 : i32
      %dma_wait3A_53 = tpu.memref_slice %arg3[%arg0, %arg1, %dma_wait3A_50, %dma_wait3A_51, %dma_wait3A_52] : memref<2x16x2x160x128xi32, #tpu.memory_space<hbm>> -> memref<1x1x2x160x128xi32, #tpu.memory_space<hbm>>
      %dma_wait3A_54 = tpu.memref_squeeze %dma_wait3A_53 : memref<1x1x2x160x128xi32, #tpu.memory_space<hbm>> -> memref<2x160x128xi32, #tpu.memory_space<hbm>>
      tpu.wait_dma2 semaphore(%run_scoped3A : memref<!tpu.dma_semaphore, #tpu.memory_space<semaphore_mem>>) src(%dma_wait3A_54 : memref<2x160x128xi32, #tpu.memory_space<hbm>>) dst(%arg6 : memref<2x160x128xi32, #tpu.memory_space<vmem>>)
      tpu.yield
    }) : () -> ()
    "tpu.region"() ({
      %run_scoped3A = tpu.sem_alloc : memref<!tpu.dma_semaphore, #tpu.memory_space<semaphore_mem>>
      %dma_start3A = arith.constant 0 : i32
      %dma_start3A_37 = tpu.memref_slice %arg4[%arg0, %arg1, %dma_start3A] : memref<2x16x16xi32, #tpu.memory_space<hbm>> -> memref<1x1x16xi32, #tpu.memory_space<hbm>>
      %dma_start3A_38 = tpu.memref_squeeze %dma_start3A_37 : memref<1x1x16xi32, #tpu.memory_space<hbm>> -> memref<16xi32, #tpu.memory_space<hbm>>
      %dma_start3A_39 = arith.constant 0 : i32
      %dma_start3A_40 = tpu.memref_slice %arg4[%arg0, %arg1, %dma_start3A_39] : memref<2x16x16xi32, #tpu.memory_space<hbm>> -> memref<1x1x16xi32, #tpu.memory_space<hbm>>
      %dma_start3A_41 = tpu.memref_squeeze %dma_start3A_40 : memref<1x1x16xi32, #tpu.memory_space<hbm>> -> memref<16xi32, #tpu.memory_space<hbm>>
      tpu.enqueue_dma source(%dma_start3A_41 : memref<16xi32, #tpu.memory_space<hbm>>) target(%arg9 : memref<16xi32, #tpu.memory_space<vmem>>) target_semaphore(%run_scoped3A : memref<!tpu.dma_semaphore, #tpu.memory_space<semaphore_mem>>)
      %dma_wait3A = arith.constant 0 : i32
      %dma_wait3A_42 = tpu.memref_slice %arg4[%arg0, %arg1, %dma_wait3A] : memref<2x16x16xi32, #tpu.memory_space<hbm>> -> memref<1x1x16xi32, #tpu.memory_space<hbm>>
      %dma_wait3A_43 = tpu.memref_squeeze %dma_wait3A_42 : memref<1x1x16xi32, #tpu.memory_space<hbm>> -> memref<16xi32, #tpu.memory_space<hbm>>
      %dma_wait3A_44 = arith.constant 0 : i32
      %dma_wait3A_45 = tpu.memref_slice %arg4[%arg0, %arg1, %dma_wait3A_44] : memref<2x16x16xi32, #tpu.memory_space<hbm>> -> memref<1x1x16xi32, #tpu.memory_space<hbm>>
      %dma_wait3A_46 = tpu.memref_squeeze %dma_wait3A_45 : memref<1x1x16xi32, #tpu.memory_space<hbm>> -> memref<16xi32, #tpu.memory_space<hbm>>
      tpu.wait_dma2 semaphore(%run_scoped3A : memref<!tpu.dma_semaphore, #tpu.memory_space<semaphore_mem>>) src(%dma_wait3A_46 : memref<16xi32, #tpu.memory_space<hbm>>) dst(%arg9 : memref<16xi32, #tpu.memory_space<vmem>>)
      tpu.yield
    }) : () -> ()
    %get3A = arith.constant 0 : index
    %get3A_3 = tpu.vector_load %arg9[%get3A] {strides = array<i32>} : memref<16xi32, #tpu.memory_space<vmem>>, vector<16xi32>,
    %reduce_max3A = arith.constant true
    %reduce_max3A_4 = vector.broadcast %reduce_max3A : i1 to vector<16xi1>
    %reduce_max3A_5 = arith.constant -2147483648 : i32
    %reduce_max3A_6 = vector.broadcast %reduce_max3A_5 : i32 to vector<16xi32>
    %reduce_max3A_7 = arith.xori %get3A_3, %reduce_max3A_6 : vector<16xi32>
    %reduce_max3A_8 = tpu.scan <max>, %reduce_max3A_7 masked %reduce_max3A_4 : vector<16xi32>, vector<16xi1> -> vector<16xi32>
    %reduce_max3A_9 = arith.xori %reduce_max3A_8, %reduce_max3A_6 : vector<16xi32>
    %reduce_max3A_10 = vector.extract %reduce_max3A_9[15] : i32 from vector<16xi32>
    %min3A = arith.constant 80 : i32
    %min3A_11 = arith.minsi %reduce_max3A_10, %min3A : i32
    %mul3A_12 = arith.constant 2 : i32
    %mul3A_13 = arith.muli %min3A_11, %mul3A_12 : i32
    %gt3A = arith.constant 0 : i32
    %gt3A_14 = arith.cmpi sgt, %min3A_11, %gt3A : i32
    %convert_element_type3A = arith.extui %gt3A_14 : i1 to i32
    %cond3A = arith.constant 0 : i32
    %cond3A_15 = arith.constant 0 : i32
    %cond3A_16 = arith.cmpi ne, %convert_element_type3A, %cond3A_15 : i32
    scf.if %cond3A_16 {
      %dma_start3A = arith.constant 0 : i32
      %dma_start3A_37 = arith.constant 0 : i32
      %dma_start3A_38 = arith.constant 0 : i32
      %dma_start3A_39 = arith.constant 0 : i32
      %dma_start3A_40 = tpu.memref_slice %arg7[%dma_start3A_37, %dma_start3A_38, %dma_start3A_39] : memref<2x128x128xf32, #tpu.memory_space<vmem>> -> memref<1x128x128xf32, #tpu.memory_space<vmem>>
      %dma_start3A_41 = tpu.memref_squeeze %dma_start3A_40 : memref<1x128x128xf32, #tpu.memory_space<vmem>> -> memref<128x128xf32, #tpu.memory_space<vmem>>
      %dma_start3A_42 = arith.constant 0 : i32
      %dma_start3A_43 = arith.constant 0 : i32
      %dma_start3A_44 = tpu.memref_slice %arg6[%cond3A, %dma_start3A_42, %dma_start3A_43] : memref<2x160x128xi32, #tpu.memory_space<vmem>> -> memref<1x160x128xi32, #tpu.memory_space<vmem>>
      %dma_start3A_45 = tpu.memref_squeeze %dma_start3A_44 : memref<1x160x128xi32, #tpu.memory_space<vmem>> -> memref<160x128xi32, #tpu.memory_space<vmem>>
      %dma_start3A_46 = arith.constant 0 : i32
      %dma_start3A_47 = tpu.memref_slice %dma_start3A_45[%dma_start3A, %dma_start3A_46] : memref<160x128xi32, #tpu.memory_space<vmem>> -> memref<1x128xi32, #tpu.memory_space<vmem>>
      %dma_start3A_48 = tpu.memref_squeeze %dma_start3A_47 : memref<1x128xi32, #tpu.memory_space<vmem>> -> memref<128xi32, #tpu.memory_space<vmem>>
      %dma_start3A_49 = arith.constant 0 : i32
      %dma_start3A_50 = arith.constant 0 : i32
      %dma_start3A_51 = tpu.memref_slice %arg2[%dma_start3A_49, %dma_start3A_50] : memref<10240x128xf32, #tpu.memory_space<hbm>> -> memref<10240x128xf32, #tpu.memory_space<hbm>>
      tpu.enqueue_indirect_dma source(%dma_start3A_51 : memref<10240x128xf32, #tpu.memory_space<hbm>>) target(%dma_start3A_41 : memref<128x128xf32, #tpu.memory_space<vmem>>) offsets(%dma_start3A_48 : memref<128xi32, #tpu.memory_space<vmem>>) semaphore(%arg10 : memref<!tpu.dma_semaphore, #tpu.memory_space<semaphore_mem>>)
      %dma_start3A_52 = arith.constant 1 : i32
      %dma_start3A_53 = arith.constant 1 : i32
      %dma_start3A_54 = arith.constant 0 : i32
      %dma_start3A_55 = arith.constant 0 : i32
      %dma_start3A_56 = tpu.memref_slice %arg7[%dma_start3A_53, %dma_start3A_54, %dma_start3A_55] : memref<2x128x128xf32, #tpu.memory_space<vmem>> -> memref<1x128x128xf32, #tpu.memory_space<vmem>>
      %dma_start3A_57 = tpu.memref_squeeze %dma_start3A_56 : memref<1x128x128xf32, #tpu.memory_space<vmem>> -> memref<128x128xf32, #tpu.memory_space<vmem>>
      %dma_start3A_58 = arith.constant 0 : i32
      %dma_start3A_59 = arith.constant 0 : i32
      %dma_start3A_60 = tpu.memref_slice %arg6[%cond3A, %dma_start3A_58, %dma_start3A_59] : memref<2x160x128xi32, #tpu.memory_space<vmem>> -> memref<1x160x128xi32, #tpu.memory_space<vmem>>
      %dma_start3A_61 = tpu.memref_squeeze %dma_start3A_60 : memref<1x160x128xi32, #tpu.memory_space<vmem>> -> memref<160x128xi32, #tpu.memory_space<vmem>>
      %dma_start3A_62 = arith.constant 0 : i32
      %dma_start3A_63 = tpu.memref_slice %dma_start3A_61[%dma_start3A_52, %dma_start3A_62] : memref<160x128xi32, #tpu.memory_space<vmem>> -> memref<1x128xi32, #tpu.memory_space<vmem>>
      %dma_start3A_64 = tpu.memref_squeeze %dma_start3A_63 : memref<1x128xi32, #tpu.memory_space<vmem>> -> memref<128xi32, #tpu.memory_space<vmem>>
      %dma_start3A_65 = arith.constant 0 : i32
      %dma_start3A_66 = arith.constant 0 : i32
      %dma_start3A_67 = tpu.memref_slice %arg2[%dma_start3A_65, %dma_start3A_66] : memref<10240x128xf32, #tpu.memory_space<hbm>> -> memref<10240x128xf32, #tpu.memory_space<hbm>>
      tpu.enqueue_indirect_dma source(%dma_start3A_67 : memref<10240x128xf32, #tpu.memory_space<hbm>>) target(%dma_start3A_57 : memref<128x128xf32, #tpu.memory_space<vmem>>) offsets(%dma_start3A_64 : memref<128xi32, #tpu.memory_space<vmem>>) semaphore(%arg11 : memref<!tpu.dma_semaphore, #tpu.memory_space<semaphore_mem>>)
    } else {
    }
    %barrier3A = arith.constant 0 : index
    tpu.barrier barrier_id(%barrier3A)
    %sub3A = arith.constant 0 : i32
    %sub3A_17 = arith.subi %min3A_11, %sub3A : i32
    %sub3A_18 = arith.constant 1 : i32
    %sub3A_19 = arith.constant 1 : i32
    %sub3A_20 = arith.subi %sub3A_18, %sub3A_19 : i32
    %add3A_21 = arith.addi %sub3A_17, %sub3A_20 : i32
    %div3A = arith.constant 1 : i32
    %div3A_22 = arith.divsi %add3A_21, %div3A : i32
    %while3A = arith.constant 1 : i32
    %while3A_23 = arith.constant 0 : i32
    %while3A_24 = arith.constant 0 : i32
    %while3A_25 = arith.constant 1 : i32
    %while3A_26 = arith.constant 0 : i32
    %while3A_27 = arith.subi %div3A_22, %while3A_26 : i32
    %while3A_28 = arith.addi %while3A_26, %while3A_27 : i32
    %while3A_29 = arith.constant 1 : i32
    %while3A_30 = arith.divsi %while3A_27, %while3A_29 : i32
    %while3A_31 = arith.muli %while3A_30, %while3A_29 : i32
    %while3A_32 = arith.addi %while3A_26, %while3A_31 : i32
    %while3A_33 = arith.constant 1 : i32
    scf.for %while3A_37 = %while3A_26 to %while3A_32 step %while3A_33  : i32 {
      %mul3A_38 = arith.muli %while3A_37, %while3A : i32
      %add3A_39 = arith.addi %while3A_23, %mul3A_38 : i32
      %mul3A_40 = arith.constant 2 : i32
      %mul3A_41 = arith.muli %add3A_39, %mul3A_40 : i32
      %dma_wait3A = arith.constant 0 : i32
      %dma_wait3A_42 = arith.constant 0 : i32
      %dma_wait3A_43 = arith.constant 0 : i32
      %dma_wait3A_44 = tpu.memref_slice %arg7[%dma_wait3A, %dma_wait3A_42, %dma_wait3A_43] : memref<2x128x128xf32, #tpu.memory_space<vmem>> -> memref<1x128x128xf32, #tpu.memory_space<vmem>>
      %dma_wait3A_45 = tpu.memref_squeeze %dma_wait3A_44 : memref<1x128x128xf32, #tpu.memory_space<vmem>> -> memref<128x128xf32, #tpu.memory_space<vmem>>
      %dma_wait3A_46 = arith.constant 0 : i32
      %dma_wait3A_47 = arith.constant 0 : i32
      %dma_wait3A_48 = tpu.memref_slice %arg6[%while3A_24, %dma_wait3A_46, %dma_wait3A_47] : memref<2x160x128xi32, #tpu.memory_space<vmem>> -> memref<1x160x128xi32, #tpu.memory_space<vmem>>
      %dma_wait3A_49 = tpu.memref_squeeze %dma_wait3A_48 : memref<1x160x128xi32, #tpu.memory_space<vmem>> -> memref<160x128xi32, #tpu.memory_space<vmem>>
      %dma_wait3A_50 = arith.constant 0 : i32
      %dma_wait3A_51 = tpu.memref_slice %dma_wait3A_49[%mul3A_41, %dma_wait3A_50] : memref<160x128xi32, #tpu.memory_space<vmem>> -> memref<1x128xi32, #tpu.memory_space<vmem>>
      %dma_wait3A_52 = tpu.memref_squeeze %dma_wait3A_51 : memref<1x128xi32, #tpu.memory_space<vmem>> -> memref<128xi32, #tpu.memory_space<vmem>>
      %dma_wait3A_53 = arith.constant 0 : i32
      %dma_wait3A_54 = arith.constant 0 : i32
      %dma_wait3A_55 = tpu.memref_slice %arg2[%dma_wait3A_53, %dma_wait3A_54] : memref<10240x128xf32, #tpu.memory_space<hbm>> -> memref<10240x128xf32, #tpu.memory_space<hbm>>
      tpu.wait_indirect_dma semaphore(%arg10 : memref<!tpu.dma_semaphore, #tpu.memory_space<semaphore_mem>>) src(%dma_wait3A_55 : memref<10240x128xf32, #tpu.memory_space<hbm>>) dst(%dma_wait3A_45 : memref<128x128xf32, #tpu.memory_space<vmem>>)
      %run_scoped3A = arith.constant 0 : i32
      "tpu.region"() ({
        %run_scoped3A_87 = tpu.sem_alloc : memref<!tpu.dma_semaphore, #tpu.memory_space<semaphore_mem>>
        %dma_start3A = arith.constant 0 : i32
        %dma_start3A_88 = arith.constant 0 : i32
        %dma_start3A_89 = tpu.memref_slice %arg7[%run_scoped3A, %dma_start3A, %dma_start3A_88] : memref<2x128x128xf32, #tpu.memory_space<vmem>> -> memref<1x128x128xf32, #tpu.memory_space<vmem>>
        %dma_start3A_90 = tpu.memref_squeeze %dma_start3A_89 : memref<1x128x128xf32, #tpu.memory_space<vmem>> -> memref<128x128xf32, #tpu.memory_space<vmem>>
        %dma_start3A_91 = arith.constant 0 : i32
        %dma_start3A_92 = arith.constant 0 : i32
        %dma_start3A_93 = tpu.memref_slice %arg6[%while3A_25, %dma_start3A_91, %dma_start3A_92] : memref<2x160x128xi32, #tpu.memory_space<vmem>> -> memref<1x160x128xi32, #tpu.memory_space<vmem>>
        %dma_start3A_94 = tpu.memref_squeeze %dma_start3A_93 : memref<1x160x128xi32, #tpu.memory_space<vmem>> -> memref<160x128xi32, #tpu.memory_space<vmem>>
        %dma_start3A_95 = arith.constant 0 : i32
        %dma_start3A_96 = tpu.memref_slice %dma_start3A_94[%mul3A_41, %dma_start3A_95] : memref<160x128xi32, #tpu.memory_space<vmem>> -> memref<1x128xi32, #tpu.memory_space<vmem>>
        %dma_start3A_97 = tpu.memref_squeeze %dma_start3A_96 : memref<1x128xi32, #tpu.memory_space<vmem>> -> memref<128xi32, #tpu.memory_space<vmem>>
        %dma_start3A_98 = arith.constant 0 : i32
        %dma_start3A_99 = arith.constant 0 : i32
        %dma_start3A_100 = tpu.memref_slice %arg8[%dma_start3A_98, %dma_start3A_99] : memref<5128x128xf32, #tpu.memory_space<vmem_shared>> -> memref<5128x128xf32, #tpu.memory_space<vmem_shared>>
        tpu.enqueue_indirect_dma source(%dma_start3A_90 : memref<128x128xf32, #tpu.memory_space<vmem>>) target(%dma_start3A_100 : memref<5128x128xf32, #tpu.memory_space<vmem_shared>>) offsets(%dma_start3A_97 : memref<128xi32, #tpu.memory_space<vmem>>) semaphore(%run_scoped3A_87 : memref<!tpu.dma_semaphore, #tpu.memory_space<semaphore_mem>>) {add = true}
        %dma_wait3A_101 = arith.constant 0 : i32
        %dma_wait3A_102 = arith.constant 0 : i32
        %dma_wait3A_103 = tpu.memref_slice %arg7[%run_scoped3A, %dma_wait3A_101, %dma_wait3A_102] : memref<2x128x128xf32, #tpu.memory_space<vmem>> -> memref<1x128x128xf32, #tpu.memory_space<vmem>>
        %dma_wait3A_104 = tpu.memref_squeeze %dma_wait3A_103 : memref<1x128x128xf32, #tpu.memory_space<vmem>> -> memref<128x128xf32, #tpu.memory_space<vmem>>
        %dma_wait3A_105 = arith.constant 0 : i32
        %dma_wait3A_106 = arith.constant 0 : i32
        %dma_wait3A_107 = tpu.memref_slice %arg6[%while3A_25, %dma_wait3A_105, %dma_wait3A_106] : memref<2x160x128xi32, #tpu.memory_space<vmem>> -> memref<1x160x128xi32, #tpu.memory_space<vmem>>
        %dma_wait3A_108 = tpu.memref_squeeze %dma_wait3A_107 : memref<1x160x128xi32, #tpu.memory_space<vmem>> -> memref<160x128xi32, #tpu.memory_space<vmem>>
        %dma_wait3A_109 = arith.constant 0 : i32
        %dma_wait3A_110 = tpu.memref_slice %dma_wait3A_108[%mul3A_41, %dma_wait3A_109] : memref<160x128xi32, #tpu.memory_space<vmem>> -> memref<1x128xi32, #tpu.memory_space<vmem>>
        %dma_wait3A_111 = tpu.memref_squeeze %dma_wait3A_110 : memref<1x128xi32, #tpu.memory_space<vmem>> -> memref<128xi32, #tpu.memory_space<vmem>>
        %dma_wait3A_112 = arith.constant 0 : i32
        %dma_wait3A_113 = arith.constant 0 : i32
        %dma_wait3A_114 = tpu.memref_slice %arg8[%dma_wait3A_112, %dma_wait3A_113] : memref<5128x128xf32, #tpu.memory_space<vmem_shared>> -> memref<5128x128xf32, #tpu.memory_space<vmem_shared>>
        tpu.wait_indirect_dma semaphore(%run_scoped3A_87 : memref<!tpu.dma_semaphore, #tpu.memory_space<semaphore_mem>>) src(%dma_wait3A_104 : memref<128x128xf32, #tpu.memory_space<vmem>>) dst(%dma_wait3A_114 : memref<5128x128xf32, #tpu.memory_space<vmem_shared>>)
        tpu.yield
      }) : () -> ()
      %add3A_56 = arith.constant 2 : i32
      %add3A_57 = arith.addi %mul3A_41, %add3A_56 : i32
      %lt3A = arith.cmpi slt, %add3A_57, %mul3A_13 : i32
      %convert_element_type3A_58 = arith.extui %lt3A : i1 to i32
      %cond3A_59 = arith.constant 0 : i32
      %cond3A_60 = arith.cmpi ne, %convert_element_type3A_58, %cond3A_59 : i32
      scf.if %cond3A_60 {
        %add3A_87 = arith.constant 2 : i32
        %add3A_88 = arith.addi %mul3A_41, %add3A_87 : i32
        %dma_start3A = arith.constant 0 : i32
        %dma_start3A_89 = arith.constant 0 : i32
        %dma_start3A_90 = arith.constant 0 : i32
        %dma_start3A_91 = tpu.memref_slice %arg7[%dma_start3A, %dma_start3A_89, %dma_start3A_90] : memref<2x128x128xf32, #tpu.memory_space<vmem>> -> memref<1x128x128xf32, #tpu.memory_space<vmem>>
        %dma_start3A_92 = tpu.memref_squeeze %dma_start3A_91 : memref<1x128x128xf32, #tpu.memory_space<vmem>> -> memref<128x128xf32, #tpu.memory_space<vmem>>
        %dma_start3A_93 = arith.constant 0 : i32
        %dma_start3A_94 = arith.constant 0 : i32
        %dma_start3A_95 = tpu.memref_slice %arg6[%while3A_24, %dma_start3A_93, %dma_start3A_94] : memref<2x160x128xi32, #tpu.memory_space<vmem>> -> memref<1x160x128xi32, #tpu.memory_space<vmem>>
        %dma_start3A_96 = tpu.memref_squeeze %dma_start3A_95 : memref<1x160x128xi32, #tpu.memory_space<vmem>> -> memref<160x128xi32, #tpu.memory_space<vmem>>
        %dma_start3A_97 = arith.constant 0 : i32
        %dma_start3A_98 = tpu.memref_slice %dma_start3A_96[%add3A_88, %dma_start3A_97] : memref<160x128xi32, #tpu.memory_space<vmem>> -> memref<1x128xi32, #tpu.memory_space<vmem>>
        %dma_start3A_99 = tpu.memref_squeeze %dma_start3A_98 : memref<1x128xi32, #tpu.memory_space<vmem>> -> memref<128xi32, #tpu.memory_space<vmem>>
        %dma_start3A_100 = arith.constant 0 : i32
        %dma_start3A_101 = arith.constant 0 : i32
        %dma_start3A_102 = tpu.memref_slice %arg2[%dma_start3A_100, %dma_start3A_101] : memref<10240x128xf32, #tpu.memory_space<hbm>> -> memref<10240x128xf32, #tpu.memory_space<hbm>>
        tpu.enqueue_indirect_dma source(%dma_start3A_102 : memref<10240x128xf32, #tpu.memory_space<hbm>>) target(%dma_start3A_92 : memref<128x128xf32, #tpu.memory_space<vmem>>) offsets(%dma_start3A_99 : memref<128xi32, #tpu.memory_space<vmem>>) semaphore(%arg10 : memref<!tpu.dma_semaphore, #tpu.memory_space<semaphore_mem>>)
      } else {
      }
      %add3A_61 = arith.constant 1 : i32
      %add3A_62 = arith.addi %mul3A_41, %add3A_61 : i32
      %dma_wait3A_63 = arith.constant 1 : i32
      %dma_wait3A_64 = arith.constant 0 : i32
      %dma_wait3A_65 = arith.constant 0 : i32
      %dma_wait3A_66 = tpu.memref_slice %arg7[%dma_wait3A_63, %dma_wait3A_64, %dma_wait3A_65] : memref<2x128x128xf32, #tpu.memory_space<vmem>> -> memref<1x128x128xf32, #tpu.memory_space<vmem>>
      %dma_wait3A_67 = tpu.memref_squeeze %dma_wait3A_66 : memref<1x128x128xf32, #tpu.memory_space<vmem>> -> memref<128x128xf32, #tpu.memory_space<vmem>>
      %dma_wait3A_68 = arith.constant 0 : i32
      %dma_wait3A_69 = arith.constant 0 : i32
      %dma_wait3A_70 = tpu.memref_slice %arg6[%while3A_24, %dma_wait3A_68, %dma_wait3A_69] : memref<2x160x128xi32, #tpu.memory_space<vmem>> -> memref<1x160x128xi32, #tpu.memory_space<vmem>>
      %dma_wait3A_71 = tpu.memref_squeeze %dma_wait3A_70 : memref<1x160x128xi32, #tpu.memory_space<vmem>> -> memref<160x128xi32, #tpu.memory_space<vmem>>
      %dma_wait3A_72 = arith.constant 0 : i32
      %dma_wait3A_73 = tpu.memref_slice %dma_wait3A_71[%add3A_62, %dma_wait3A_72] : memref<160x128xi32, #tpu.memory_space<vmem>> -> memref<1x128xi32, #tpu.memory_space<vmem>>
      %dma_wait3A_74 = tpu.memref_squeeze %dma_wait3A_73 : memref<1x128xi32, #tpu.memory_space<vmem>> -> memref<128xi32, #tpu.memory_space<vmem>>
      %dma_wait3A_75 = arith.constant 0 : i32
      %dma_wait3A_76 = arith.constant 0 : i32
      %dma_wait3A_77 = tpu.memref_slice %arg2[%dma_wait3A_75, %dma_wait3A_76] : memref<10240x128xf32, #tpu.memory_space<hbm>> -> memref<10240x128xf32, #tpu.memory_space<hbm>>
      tpu.wait_indirect_dma semaphore(%arg11 : memref<!tpu.dma_semaphore, #tpu.memory_space<semaphore_mem>>) src(%dma_wait3A_77 : memref<10240x128xf32, #tpu.memory_space<hbm>>) dst(%dma_wait3A_67 : memref<128x128xf32, #tpu.memory_space<vmem>>)
      %add3A_78 = arith.constant 1 : i32
      %add3A_79 = arith.addi %mul3A_41, %add3A_78 : i32
      %run_scoped3A_80 = arith.constant 1 : i32
      "tpu.region"() ({
        %run_scoped3A_87 = tpu.sem_alloc : memref<!tpu.dma_semaphore, #tpu.memory_space<semaphore_mem>>
        %dma_start3A = arith.constant 0 : i32
        %dma_start3A_88 = arith.constant 0 : i32
        %dma_start3A_89 = tpu.memref_slice %arg7[%run_scoped3A_80, %dma_start3A, %dma_start3A_88] : memref<2x128x128xf32, #tpu.memory_space<vmem>> -> memref<1x128x128xf32, #tpu.memory_space<vmem>>
        %dma_start3A_90 = tpu.memref_squeeze %dma_start3A_89 : memref<1x128x128xf32, #tpu.memory_space<vmem>> -> memref<128x128xf32, #tpu.memory_space<vmem>>
        %dma_start3A_91 = arith.constant 0 : i32
        %dma_start3A_92 = arith.constant 0 : i32
        %dma_start3A_93 = tpu.memref_slice %arg6[%while3A_25, %dma_start3A_91, %dma_start3A_92] : memref<2x160x128xi32, #tpu.memory_space<vmem>> -> memref<1x160x128xi32, #tpu.memory_space<vmem>>
        %dma_start3A_94 = tpu.memref_squeeze %dma_start3A_93 : memref<1x160x128xi32, #tpu.memory_space<vmem>> -> memref<160x128xi32, #tpu.memory_space<vmem>>
        %dma_start3A_95 = arith.constant 0 : i32
        %dma_start3A_96 = tpu.memref_slice %dma_start3A_94[%add3A_79, %dma_start3A_95] : memref<160x128xi32, #tpu.memory_space<vmem>> -> memref<1x128xi32, #tpu.memory_space<vmem>>
        %dma_start3A_97 = tpu.memref_squeeze %dma_start3A_96 : memref<1x128xi32, #tpu.memory_space<vmem>> -> memref<128xi32, #tpu.memory_space<vmem>>
        %dma_start3A_98 = arith.constant 0 : i32
        %dma_start3A_99 = arith.constant 0 : i32
        %dma_start3A_100 = tpu.memref_slice %arg8[%dma_start3A_98, %dma_start3A_99] : memref<5128x128xf32, #tpu.memory_space<vmem_shared>> -> memref<5128x128xf32, #tpu.memory_space<vmem_shared>>
        tpu.enqueue_indirect_dma source(%dma_start3A_90 : memref<128x128xf32, #tpu.memory_space<vmem>>) target(%dma_start3A_100 : memref<5128x128xf32, #tpu.memory_space<vmem_shared>>) offsets(%dma_start3A_97 : memref<128xi32, #tpu.memory_space<vmem>>) semaphore(%run_scoped3A_87 : memref<!tpu.dma_semaphore, #tpu.memory_space<semaphore_mem>>) {add = true}
        %dma_wait3A_101 = arith.constant 0 : i32
        %dma_wait3A_102 = arith.constant 0 : i32
        %dma_wait3A_103 = tpu.memref_slice %arg7[%run_scoped3A_80, %dma_wait3A_101, %dma_wait3A_102] : memref<2x128x128xf32, #tpu.memory_space<vmem>> -> memref<1x128x128xf32, #tpu.memory_space<vmem>>
        %dma_wait3A_104 = tpu.memref_squeeze %dma_wait3A_103 : memref<1x128x128xf32, #tpu.memory_space<vmem>> -> memref<128x128xf32, #tpu.memory_space<vmem>>
        %dma_wait3A_105 = arith.constant 0 : i32
        %dma_wait3A_106 = arith.constant 0 : i32
        %dma_wait3A_107 = tpu.memref_slice %arg6[%while3A_25, %dma_wait3A_105, %dma_wait3A_106] : memref<2x160x128xi32, #tpu.memory_space<vmem>> -> memref<1x160x128xi32, #tpu.memory_space<vmem>>
        %dma_wait3A_108 = tpu.memref_squeeze %dma_wait3A_107 : memref<1x160x128xi32, #tpu.memory_space<vmem>> -> memref<160x128xi32, #tpu.memory_space<vmem>>
        %dma_wait3A_109 = arith.constant 0 : i32
        %dma_wait3A_110 = tpu.memref_slice %dma_wait3A_108[%add3A_79, %dma_wait3A_109] : memref<160x128xi32, #tpu.memory_space<vmem>> -> memref<1x128xi32, #tpu.memory_space<vmem>>
        %dma_wait3A_111 = tpu.memref_squeeze %dma_wait3A_110 : memref<1x128xi32, #tpu.memory_space<vmem>> -> memref<128xi32, #tpu.memory_space<vmem>>
        %dma_wait3A_112 = arith.constant 0 : i32
        %dma_wait3A_113 = arith.constant 0 : i32
        %dma_wait3A_114 = tpu.memref_slice %arg8[%dma_wait3A_112, %dma_wait3A_113] : memref<5128x128xf32, #tpu.memory_space<vmem_shared>> -> memref<5128x128xf32, #tpu.memory_space<vmem_shared>>
        tpu.wait_indirect_dma semaphore(%run_scoped3A_87 : memref<!tpu.dma_semaphore, #tpu.memory_space<semaphore_mem>>) src(%dma_wait3A_104 : memref<128x128xf32, #tpu.memory_space<vmem>>) dst(%dma_wait3A_114 : memref<5128x128xf32, #tpu.memory_space<vmem_shared>>)
        tpu.yield
      }) : () -> ()
      %add3A_81 = arith.constant 3 : i32
      %add3A_82 = arith.addi %mul3A_41, %add3A_81 : i32
      %lt3A_83 = arith.cmpi slt, %add3A_82, %mul3A_13 : i32
      %convert_element_type3A_84 = arith.extui %lt3A_83 : i1 to i32
      %cond3A_85 = arith.constant 0 : i32
      %cond3A_86 = arith.cmpi ne, %convert_element_type3A_84, %cond3A_85 : i32
      scf.if %cond3A_86 {
        %add3A_87 = arith.constant 3 : i32
        %add3A_88 = arith.addi %mul3A_41, %add3A_87 : i32
        %dma_start3A = arith.constant 1 : i32
        %dma_start3A_89 = arith.constant 0 : i32
        %dma_start3A_90 = arith.constant 0 : i32
        %dma_start3A_91 = tpu.memref_slice %arg7[%dma_start3A, %dma_start3A_89, %dma_start3A_90] : memref<2x128x128xf32, #tpu.memory_space<vmem>> -> memref<1x128x128xf32, #tpu.memory_space<vmem>>
        %dma_start3A_92 = tpu.memref_squeeze %dma_start3A_91 : memref<1x128x128xf32, #tpu.memory_space<vmem>> -> memref<128x128xf32, #tpu.memory_space<vmem>>
        %dma_start3A_93 = arith.constant 0 : i32
        %dma_start3A_94 = arith.constant 0 : i32
        %dma_start3A_95 = tpu.memref_slice %arg6[%while3A_24, %dma_start3A_93, %dma_start3A_94] : memref<2x160x128xi32, #tpu.memory_space<vmem>> -> memref<1x160x128xi32, #tpu.memory_space<vmem>>
        %dma_start3A_96 = tpu.memref_squeeze %dma_start3A_95 : memref<1x160x128xi32, #tpu.memory_space<vmem>> -> memref<160x128xi32, #tpu.memory_space<vmem>>
        %dma_start3A_97 = arith.constant 0 : i32
        %dma_start3A_98 = tpu.memref_slice %dma_start3A_96[%add3A_88, %dma_start3A_97] : memref<160x128xi32, #tpu.memory_space<vmem>> -> memref<1x128xi32, #tpu.memory_space<vmem>>
        %dma_start3A_99 = tpu.memref_squeeze %dma_start3A_98 : memref<1x128xi32, #tpu.memory_space<vmem>> -> memref<128xi32, #tpu.memory_space<vmem>>
        %dma_start3A_100 = arith.constant 0 : i32
        %dma_start3A_101 = arith.constant 0 : i32
        %dma_start3A_102 = tpu.memref_slice %arg2[%dma_start3A_100, %dma_start3A_101] : memref<10240x128xf32, #tpu.memory_space<hbm>> -> memref<10240x128xf32, #tpu.memory_space<hbm>>
        tpu.enqueue_indirect_dma source(%dma_start3A_102 : memref<10240x128xf32, #tpu.memory_space<hbm>>) target(%dma_start3A_92 : memref<128x128xf32, #tpu.memory_space<vmem>>) offsets(%dma_start3A_99 : memref<128xi32, #tpu.memory_space<vmem>>) semaphore(%arg11 : memref<!tpu.dma_semaphore, #tpu.memory_space<semaphore_mem>>)
      } else {
      }
    }
    %while3A_34 = arith.constant 1 : i32
    scf.for %while3A_37 = %while3A_32 to %while3A_28 step %while3A_34  : i32 {
      %mul3A_38 = arith.muli %while3A_37, %while3A : i32
      %add3A_39 = arith.addi %while3A_23, %mul3A_38 : i32
      %mul3A_40 = arith.constant 2 : i32
      %mul3A_41 = arith.muli %add3A_39, %mul3A_40 : i32
      %dma_wait3A = arith.constant 0 : i32
      %dma_wait3A_42 = arith.constant 0 : i32
      %dma_wait3A_43 = arith.constant 0 : i32
      %dma_wait3A_44 = tpu.memref_slice %arg7[%dma_wait3A, %dma_wait3A_42, %dma_wait3A_43] : memref<2x128x128xf32, #tpu.memory_space<vmem>> -> memref<1x128x128xf32, #tpu.memory_space<vmem>>
      %dma_wait3A_45 = tpu.memref_squeeze %dma_wait3A_44 : memref<1x128x128xf32, #tpu.memory_space<vmem>> -> memref<128x128xf32, #tpu.memory_space<vmem>>
      %dma_wait3A_46 = arith.constant 0 : i32
      %dma_wait3A_47 = arith.constant 0 : i32
      %dma_wait3A_48 = tpu.memref_slice %arg6[%while3A_24, %dma_wait3A_46, %dma_wait3A_47] : memref<2x160x128xi32, #tpu.memory_space<vmem>> -> memref<1x160x128xi32, #tpu.memory_space<vmem>>
      %dma_wait3A_49 = tpu.memref_squeeze %dma_wait3A_48 : memref<1x160x128xi32, #tpu.memory_space<vmem>> -> memref<160x128xi32, #tpu.memory_space<vmem>>
      %dma_wait3A_50 = arith.constant 0 : i32
      %dma_wait3A_51 = tpu.memref_slice %dma_wait3A_49[%mul3A_41, %dma_wait3A_50] : memref<160x128xi32, #tpu.memory_space<vmem>> -> memref<1x128xi32, #tpu.memory_space<vmem>>
      %dma_wait3A_52 = tpu.memref_squeeze %dma_wait3A_51 : memref<1x128xi32, #tpu.memory_space<vmem>> -> memref<128xi32, #tpu.memory_space<vmem>>
      %dma_wait3A_53 = arith.constant 0 : i32
      %dma_wait3A_54 = arith.constant 0 : i32
      %dma_wait3A_55 = tpu.memref_slice %arg2[%dma_wait3A_53, %dma_wait3A_54] : memref<10240x128xf32, #tpu.memory_space<hbm>> -> memref<10240x128xf32, #tpu.memory_space<hbm>>
      tpu.wait_indirect_dma semaphore(%arg10 : memref<!tpu.dma_semaphore, #tpu.memory_space<semaphore_mem>>) src(%dma_wait3A_55 : memref<10240x128xf32, #tpu.memory_space<hbm>>) dst(%dma_wait3A_45 : memref<128x128xf32, #tpu.memory_space<vmem>>)
      %run_scoped3A = arith.constant 0 : i32
      "tpu.region"() ({
        %run_scoped3A_87 = tpu.sem_alloc : memref<!tpu.dma_semaphore, #tpu.memory_space<semaphore_mem>>
        %dma_start3A = arith.constant 0 : i32
        %dma_start3A_88 = arith.constant 0 : i32
        %dma_start3A_89 = tpu.memref_slice %arg7[%run_scoped3A, %dma_start3A, %dma_start3A_88] : memref<2x128x128xf32, #tpu.memory_space<vmem>> -> memref<1x128x128xf32, #tpu.memory_space<vmem>>
        %dma_start3A_90 = tpu.memref_squeeze %dma_start3A_89 : memref<1x128x128xf32, #tpu.memory_space<vmem>> -> memref<128x128xf32, #tpu.memory_space<vmem>>
        %dma_start3A_91 = arith.constant 0 : i32
        %dma_start3A_92 = arith.constant 0 : i32
        %dma_start3A_93 = tpu.memref_slice %arg6[%while3A_25, %dma_start3A_91, %dma_start3A_92] : memref<2x160x128xi32, #tpu.memory_space<vmem>> -> memref<1x160x128xi32, #tpu.memory_space<vmem>>
        %dma_start3A_94 = tpu.memref_squeeze %dma_start3A_93 : memref<1x160x128xi32, #tpu.memory_space<vmem>> -> memref<160x128xi32, #tpu.memory_space<vmem>>
        %dma_start3A_95 = arith.constant 0 : i32
        %dma_start3A_96 = tpu.memref_slice %dma_start3A_94[%mul3A_41, %dma_start3A_95] : memref<160x128xi32, #tpu.memory_space<vmem>> -> memref<1x128xi32, #tpu.memory_space<vmem>>
        %dma_start3A_97 = tpu.memref_squeeze %dma_start3A_96 : memref<1x128xi32, #tpu.memory_space<vmem>> -> memref<128xi32, #tpu.memory_space<vmem>>
        %dma_start3A_98 = arith.constant 0 : i32
        %dma_start3A_99 = arith.constant 0 : i32
        %dma_start3A_100 = tpu.memref_slice %arg8[%dma_start3A_98, %dma_start3A_99] : memref<5128x128xf32, #tpu.memory_space<vmem_shared>> -> memref<5128x128xf32, #tpu.memory_space<vmem_shared>>
        tpu.enqueue_indirect_dma source(%dma_start3A_90 : memref<128x128xf32, #tpu.memory_space<vmem>>) target(%dma_start3A_100 : memref<5128x128xf32, #tpu.memory_space<vmem_shared>>) offsets(%dma_start3A_97 : memref<128xi32, #tpu.memory_space<vmem>>) semaphore(%run_scoped3A_87 : memref<!tpu.dma_semaphore, #tpu.memory_space<semaphore_mem>>) {add = true}
        %dma_wait3A_101 = arith.constant 0 : i32
        %dma_wait3A_102 = arith.constant 0 : i32
        %dma_wait3A_103 = tpu.memref_slice %arg7[%run_scoped3A, %dma_wait3A_101, %dma_wait3A_102] : memref<2x128x128xf32, #tpu.memory_space<vmem>> -> memref<1x128x128xf32, #tpu.memory_space<vmem>>
        %dma_wait3A_104 = tpu.memref_squeeze %dma_wait3A_103 : memref<1x128x128xf32, #tpu.memory_space<vmem>> -> memref<128x128xf32, #tpu.memory_space<vmem>>
        %dma_wait3A_105 = arith.constant 0 : i32
        %dma_wait3A_106 = arith.constant 0 : i32
        %dma_wait3A_107 = tpu.memref_slice %arg6[%while3A_25, %dma_wait3A_105, %dma_wait3A_106] : memref<2x160x128xi32, #tpu.memory_space<vmem>> -> memref<1x160x128xi32, #tpu.memory_space<vmem>>
        %dma_wait3A_108 = tpu.memref_squeeze %dma_wait3A_107 : memref<1x160x128xi32, #tpu.memory_space<vmem>> -> memref<160x128xi32, #tpu.memory_space<vmem>>
        %dma_wait3A_109 = arith.constant 0 : i32
        %dma_wait3A_110 = tpu.memref_slice %dma_wait3A_108[%mul3A_41, %dma_wait3A_109] : memref<160x128xi32, #tpu.memory_space<vmem>> -> memref<1x128xi32, #tpu.memory_space<vmem>>
        %dma_wait3A_111 = tpu.memref_squeeze %dma_wait3A_110 : memref<1x128xi32, #tpu.memory_space<vmem>> -> memref<128xi32, #tpu.memory_space<vmem>>
        %dma_wait3A_112 = arith.constant 0 : i32
        %dma_wait3A_113 = arith.constant 0 : i32
        %dma_wait3A_114 = tpu.memref_slice %arg8[%dma_wait3A_112, %dma_wait3A_113] : memref<5128x128xf32, #tpu.memory_space<vmem_shared>> -> memref<5128x128xf32, #tpu.memory_space<vmem_shared>>
        tpu.wait_indirect_dma semaphore(%run_scoped3A_87 : memref<!tpu.dma_semaphore, #tpu.memory_space<semaphore_mem>>) src(%dma_wait3A_104 : memref<128x128xf32, #tpu.memory_space<vmem>>) dst(%dma_wait3A_114 : memref<5128x128xf32, #tpu.memory_space<vmem_shared>>)
        tpu.yield
      }) : () -> ()
      %add3A_56 = arith.constant 2 : i32
      %add3A_57 = arith.addi %mul3A_41, %add3A_56 : i32
      %lt3A = arith.cmpi slt, %add3A_57, %mul3A_13 : i32
      %convert_element_type3A_58 = arith.extui %lt3A : i1 to i32
      %cond3A_59 = arith.constant 0 : i32
      %cond3A_60 = arith.cmpi ne, %convert_element_type3A_58, %cond3A_59 : i32
      scf.if %cond3A_60 {
        %add3A_87 = arith.constant 2 : i32
        %add3A_88 = arith.addi %mul3A_41, %add3A_87 : i32
        %dma_start3A = arith.constant 0 : i32
        %dma_start3A_89 = arith.constant 0 : i32
        %dma_start3A_90 = arith.constant 0 : i32
        %dma_start3A_91 = tpu.memref_slice %arg7[%dma_start3A, %dma_start3A_89, %dma_start3A_90] : memref<2x128x128xf32, #tpu.memory_space<vmem>> -> memref<1x128x128xf32, #tpu.memory_space<vmem>>
        %dma_start3A_92 = tpu.memref_squeeze %dma_start3A_91 : memref<1x128x128xf32, #tpu.memory_space<vmem>> -> memref<128x128xf32, #tpu.memory_space<vmem>>
        %dma_start3A_93 = arith.constant 0 : i32
        %dma_start3A_94 = arith.constant 0 : i32
        %dma_start3A_95 = tpu.memref_slice %arg6[%while3A_24, %dma_start3A_93, %dma_start3A_94] : memref<2x160x128xi32, #tpu.memory_space<vmem>> -> memref<1x160x128xi32, #tpu.memory_space<vmem>>
        %dma_start3A_96 = tpu.memref_squeeze %dma_start3A_95 : memref<1x160x128xi32, #tpu.memory_space<vmem>> -> memref<160x128xi32, #tpu.memory_space<vmem>>
        %dma_start3A_97 = arith.constant 0 : i32
        %dma_start3A_98 = tpu.memref_slice %dma_start3A_96[%add3A_88, %dma_start3A_97] : memref<160x128xi32, #tpu.memory_space<vmem>> -> memref<1x128xi32, #tpu.memory_space<vmem>>
        %dma_start3A_99 = tpu.memref_squeeze %dma_start3A_98 : memref<1x128xi32, #tpu.memory_space<vmem>> -> memref<128xi32, #tpu.memory_space<vmem>>
        %dma_start3A_100 = arith.constant 0 : i32
        %dma_start3A_101 = arith.constant 0 : i32
        %dma_start3A_102 = tpu.memref_slice %arg2[%dma_start3A_100, %dma_start3A_101] : memref<10240x128xf32, #tpu.memory_space<hbm>> -> memref<10240x128xf32, #tpu.memory_space<hbm>>
        tpu.enqueue_indirect_dma source(%dma_start3A_102 : memref<10240x128xf32, #tpu.memory_space<hbm>>) target(%dma_start3A_92 : memref<128x128xf32, #tpu.memory_space<vmem>>) offsets(%dma_start3A_99 : memref<128xi32, #tpu.memory_space<vmem>>) semaphore(%arg10 : memref<!tpu.dma_semaphore, #tpu.memory_space<semaphore_mem>>)
      } else {
      }
      %add3A_61 = arith.constant 1 : i32
      %add3A_62 = arith.addi %mul3A_41, %add3A_61 : i32
      %dma_wait3A_63 = arith.constant 1 : i32
      %dma_wait3A_64 = arith.constant 0 : i32
      %dma_wait3A_65 = arith.constant 0 : i32
      %dma_wait3A_66 = tpu.memref_slice %arg7[%dma_wait3A_63, %dma_wait3A_64, %dma_wait3A_65] : memref<2x128x128xf32, #tpu.memory_space<vmem>> -> memref<1x128x128xf32, #tpu.memory_space<vmem>>
      %dma_wait3A_67 = tpu.memref_squeeze %dma_wait3A_66 : memref<1x128x128xf32, #tpu.memory_space<vmem>> -> memref<128x128xf32, #tpu.memory_space<vmem>>
      %dma_wait3A_68 = arith.constant 0 : i32
      %dma_wait3A_69 = arith.constant 0 : i32
      %dma_wait3A_70 = tpu.memref_slice %arg6[%while3A_24, %dma_wait3A_68, %dma_wait3A_69] : memref<2x160x128xi32, #tpu.memory_space<vmem>> -> memref<1x160x128xi32, #tpu.memory_space<vmem>>
      %dma_wait3A_71 = tpu.memref_squeeze %dma_wait3A_70 : memref<1x160x128xi32, #tpu.memory_space<vmem>> -> memref<160x128xi32, #tpu.memory_space<vmem>>
      %dma_wait3A_72 = arith.constant 0 : i32
      %dma_wait3A_73 = tpu.memref_slice %dma_wait3A_71[%add3A_62, %dma_wait3A_72] : memref<160x128xi32, #tpu.memory_space<vmem>> -> memref<1x128xi32, #tpu.memory_space<vmem>>
      %dma_wait3A_74 = tpu.memref_squeeze %dma_wait3A_73 : memref<1x128xi32, #tpu.memory_space<vmem>> -> memref<128xi32, #tpu.memory_space<vmem>>
      %dma_wait3A_75 = arith.constant 0 : i32
      %dma_wait3A_76 = arith.constant 0 : i32
      %dma_wait3A_77 = tpu.memref_slice %arg2[%dma_wait3A_75, %dma_wait3A_76] : memref<10240x128xf32, #tpu.memory_space<hbm>> -> memref<10240x128xf32, #tpu.memory_space<hbm>>
      tpu.wait_indirect_dma semaphore(%arg11 : memref<!tpu.dma_semaphore, #tpu.memory_space<semaphore_mem>>) src(%dma_wait3A_77 : memref<10240x128xf32, #tpu.memory_space<hbm>>) dst(%dma_wait3A_67 : memref<128x128xf32, #tpu.memory_space<vmem>>)
      %add3A_78 = arith.constant 1 : i32
      %add3A_79 = arith.addi %mul3A_41, %add3A_78 : i32
      %run_scoped3A_80 = arith.constant 1 : i32
      "tpu.region"() ({
        %run_scoped3A_87 = tpu.sem_alloc : memref<!tpu.dma_semaphore, #tpu.memory_space<semaphore_mem>>
        %dma_start3A = arith.constant 0 : i32
        %dma_start3A_88 = arith.constant 0 : i32
        %dma_start3A_89 = tpu.memref_slice %arg7[%run_scoped3A_80, %dma_start3A, %dma_start3A_88] : memref<2x128x128xf32, #tpu.memory_space<vmem>> -> memref<1x128x128xf32, #tpu.memory_space<vmem>>
        %dma_start3A_90 = tpu.memref_squeeze %dma_start3A_89 : memref<1x128x128xf32, #tpu.memory_space<vmem>> -> memref<128x128xf32, #tpu.memory_space<vmem>>
        %dma_start3A_91 = arith.constant 0 : i32
        %dma_start3A_92 = arith.constant 0 : i32
        %dma_start3A_93 = tpu.memref_slice %arg6[%while3A_25, %dma_start3A_91, %dma_start3A_92] : memref<2x160x128xi32, #tpu.memory_space<vmem>> -> memref<1x160x128xi32, #tpu.memory_space<vmem>>
        %dma_start3A_94 = tpu.memref_squeeze %dma_start3A_93 : memref<1x160x128xi32, #tpu.memory_space<vmem>> -> memref<160x128xi32, #tpu.memory_space<vmem>>
        %dma_start3A_95 = arith.constant 0 : i32
        %dma_start3A_96 = tpu.memref_slice %dma_start3A_94[%add3A_79, %dma_start3A_95] : memref<160x128xi32, #tpu.memory_space<vmem>> -> memref<1x128xi32, #tpu.memory_space<vmem>>
        %dma_start3A_97 = tpu.memref_squeeze %dma_start3A_96 : memref<1x128xi32, #tpu.memory_space<vmem>> -> memref<128xi32, #tpu.memory_space<vmem>>
        %dma_start3A_98 = arith.constant 0 : i32
        %dma_start3A_99 = arith.constant 0 : i32
        %dma_start3A_100 = tpu.memref_slice %arg8[%dma_start3A_98, %dma_start3A_99] : memref<5128x128xf32, #tpu.memory_space<vmem_shared>> -> memref<5128x128xf32, #tpu.memory_space<vmem_shared>>
        tpu.enqueue_indirect_dma source(%dma_start3A_90 : memref<128x128xf32, #tpu.memory_space<vmem>>) target(%dma_start3A_100 : memref<5128x128xf32, #tpu.memory_space<vmem_shared>>) offsets(%dma_start3A_97 : memref<128xi32, #tpu.memory_space<vmem>>) semaphore(%run_scoped3A_87 : memref<!tpu.dma_semaphore, #tpu.memory_space<semaphore_mem>>) {add = true}
        %dma_wait3A_101 = arith.constant 0 : i32
        %dma_wait3A_102 = arith.constant 0 : i32
        %dma_wait3A_103 = tpu.memref_slice %arg7[%run_scoped3A_80, %dma_wait3A_101, %dma_wait3A_102] : memref<2x128x128xf32, #tpu.memory_space<vmem>> -> memref<1x128x128xf32, #tpu.memory_space<vmem>>
        %dma_wait3A_104 = tpu.memref_squeeze %dma_wait3A_103 : memref<1x128x128xf32, #tpu.memory_space<vmem>> -> memref<128x128xf32, #tpu.memory_space<vmem>>
        %dma_wait3A_105 = arith.constant 0 : i32
        %dma_wait3A_106 = arith.constant 0 : i32
        %dma_wait3A_107 = tpu.memref_slice %arg6[%while3A_25, %dma_wait3A_105, %dma_wait3A_106] : memref<2x160x128xi32, #tpu.memory_space<vmem>> -> memref<1x160x128xi32, #tpu.memory_space<vmem>>
        %dma_wait3A_108 = tpu.memref_squeeze %dma_wait3A_107 : memref<1x160x128xi32, #tpu.memory_space<vmem>> -> memref<160x128xi32, #tpu.memory_space<vmem>>
        %dma_wait3A_109 = arith.constant 0 : i32
        %dma_wait3A_110 = tpu.memref_slice %dma_wait3A_108[%add3A_79, %dma_wait3A_109] : memref<160x128xi32, #tpu.memory_space<vmem>> -> memref<1x128xi32, #tpu.memory_space<vmem>>
        %dma_wait3A_111 = tpu.memref_squeeze %dma_wait3A_110 : memref<1x128xi32, #tpu.memory_space<vmem>> -> memref<128xi32, #tpu.memory_space<vmem>>
        %dma_wait3A_112 = arith.constant 0 : i32
        %dma_wait3A_113 = arith.constant 0 : i32
        %dma_wait3A_114 = tpu.memref_slice %arg8[%dma_wait3A_112, %dma_wait3A_113] : memref<5128x128xf32, #tpu.memory_space<vmem_shared>> -> memref<5128x128xf32, #tpu.memory_space<vmem_shared>>
        tpu.wait_indirect_dma semaphore(%run_scoped3A_87 : memref<!tpu.dma_semaphore, #tpu.memory_space<semaphore_mem>>) src(%dma_wait3A_104 : memref<128x128xf32, #tpu.memory_space<vmem>>) dst(%dma_wait3A_114 : memref<5128x128xf32, #tpu.memory_space<vmem_shared>>)
        tpu.yield
      }) : () -> ()
      %add3A_81 = arith.constant 3 : i32
      %add3A_82 = arith.addi %mul3A_41, %add3A_81 : i32
      %lt3A_83 = arith.cmpi slt, %add3A_82, %mul3A_13 : i32
      %convert_element_type3A_84 = arith.extui %lt3A_83 : i1 to i32
      %cond3A_85 = arith.constant 0 : i32
      %cond3A_86 = arith.cmpi ne, %convert_element_type3A_84, %cond3A_85 : i32
      scf.if %cond3A_86 {
        %add3A_87 = arith.constant 3 : i32
        %add3A_88 = arith.addi %mul3A_41, %add3A_87 : i32
        %dma_start3A = arith.constant 1 : i32
        %dma_start3A_89 = arith.constant 0 : i32
        %dma_start3A_90 = arith.constant 0 : i32
        %dma_start3A_91 = tpu.memref_slice %arg7[%dma_start3A, %dma_start3A_89, %dma_start3A_90] : memref<2x128x128xf32, #tpu.memory_space<vmem>> -> memref<1x128x128xf32, #tpu.memory_space<vmem>>
        %dma_start3A_92 = tpu.memref_squeeze %dma_start3A_91 : memref<1x128x128xf32, #tpu.memory_space<vmem>> -> memref<128x128xf32, #tpu.memory_space<vmem>>
        %dma_start3A_93 = arith.constant 0 : i32
        %dma_start3A_94 = arith.constant 0 : i32
        %dma_start3A_95 = tpu.memref_slice %arg6[%while3A_24, %dma_start3A_93, %dma_start3A_94] : memref<2x160x128xi32, #tpu.memory_space<vmem>> -> memref<1x160x128xi32, #tpu.memory_space<vmem>>
        %dma_start3A_96 = tpu.memref_squeeze %dma_start3A_95 : memref<1x160x128xi32, #tpu.memory_space<vmem>> -> memref<160x128xi32, #tpu.memory_space<vmem>>
        %dma_start3A_97 = arith.constant 0 : i32
        %dma_start3A_98 = tpu.memref_slice %dma_start3A_96[%add3A_88, %dma_start3A_97] : memref<160x128xi32, #tpu.memory_space<vmem>> -> memref<1x128xi32, #tpu.memory_space<vmem>>
        %dma_start3A_99 = tpu.memref_squeeze %dma_start3A_98 : memref<1x128xi32, #tpu.memory_space<vmem>> -> memref<128xi32, #tpu.memory_space<vmem>>
        %dma_start3A_100 = arith.constant 0 : i32
        %dma_start3A_101 = arith.constant 0 : i32
        %dma_start3A_102 = tpu.memref_slice %arg2[%dma_start3A_100, %dma_start3A_101] : memref<10240x128xf32, #tpu.memory_space<hbm>> -> memref<10240x128xf32, #tpu.memory_space<hbm>>
        tpu.enqueue_indirect_dma source(%dma_start3A_102 : memref<10240x128xf32, #tpu.memory_space<hbm>>) target(%dma_start3A_92 : memref<128x128xf32, #tpu.memory_space<vmem>>) offsets(%dma_start3A_99 : memref<128xi32, #tpu.memory_space<vmem>>) semaphore(%arg11 : memref<!tpu.dma_semaphore, #tpu.memory_space<semaphore_mem>>)
      } else {
      }
    }
    %barrier3A_35 = arith.constant 0 : index
    tpu.barrier barrier_id(%barrier3A_35)
    %add3A_36 = arith.addi %mul3A_0, %mul3A_2 : i32
    "tpu.region"() ({
      %run_scoped3A = tpu.sem_alloc : memref<!tpu.dma_semaphore, #tpu.memory_space<semaphore_mem>>
      %dma_start3A = arith.constant 0 : i32
      %dma_start3A_37 = tpu.memref_slice %arg5[%add3A_36, %dma_start3A] : memref<10240x128xf32, #tpu.memory_space<hbm>> -> memref<320x128xf32, #tpu.memory_space<hbm>>
      %dma_start3A_38 = arith.constant 0 : i32
      %dma_start3A_39 = tpu.memref_slice %arg8[%mul3A_2, %dma_start3A_38] : memref<5128x128xf32, #tpu.memory_space<vmem_shared>> -> memref<320x128xf32, #tpu.memory_space<vmem_shared>>
      tpu.enqueue_dma source(%dma_start3A_39 : memref<320x128xf32, #tpu.memory_space<vmem_shared>>) target(%dma_start3A_37 : memref<320x128xf32, #tpu.memory_space<hbm>>) target_semaphore(%run_scoped3A : memref<!tpu.dma_semaphore, #tpu.memory_space<semaphore_mem>>)
      %dma_wait3A = arith.constant 0 : i32
      %dma_wait3A_40 = tpu.memref_slice %arg5[%add3A_36, %dma_wait3A] : memref<10240x128xf32, #tpu.memory_space<hbm>> -> memref<320x128xf32, #tpu.memory_space<hbm>>
      %dma_wait3A_41 = arith.constant 0 : i32
      %dma_wait3A_42 = tpu.memref_slice %arg8[%mul3A_2, %dma_wait3A_41] : memref<5128x128xf32, #tpu.memory_space<vmem_shared>> -> memref<320x128xf32, #tpu.memory_space<vmem_shared>>
      tpu.wait_dma2 semaphore(%run_scoped3A : memref<!tpu.dma_semaphore, #tpu.memory_space<semaphore_mem>>) src(%dma_wait3A_42 : memref<320x128xf32, #tpu.memory_space<vmem_shared>>) dst(%dma_wait3A_40 : memref<320x128xf32, #tpu.memory_space<hbm>>)
      tpu.yield
    }) : () -> ()
    return
  }
}

#map = affine_map<(d0, d1) -> (0, 0)>
#map1 = affine_map<(d0, d1) -> (0, 0, 0, 0, 0)>
#map2 = affine_map<(d0, d1) -> (0, 0, 0)>
module attributes {stable_mosaic.version = 14 : i64} {
  func.func @_agg_kernel(%arg0: i32, %arg1: i32, %arg2: memref<10240x128xf32, #tpu.memory_space<hbm>>, %arg3: memref<2x16x2x160x128xi32, #tpu.memory_space<hbm>>, %arg4: memref<2x16x16xi32, #tpu.memory_space<hbm>>, %arg5: memref<10240x128xf32, #tpu.memory_space<hbm>>, %arg6: memref<2x160x128xi32, #tpu.memory_space<vmem>>, %arg7: memref<2x128x128xf32, #tpu.memory_space<vmem>>, %arg8: memref<5128x128xf32, #tpu.memory_space<vmem_shared>>, %arg9: memref<16xi32, #tpu.memory_space<vmem>>, %arg10: memref<!tpu.dma_semaphore, #tpu.memory_space<semaphore_mem>>, %arg11: memref<!tpu.dma_semaphore, #tpu.memory_space<semaphore_mem>>) attributes {dimension_semantics = [#tpu.dimension_semantics<core_parallel>, #tpu.dimension_semantics<subcore_parallel>], iteration_bounds = array<i64: 2, 16>, scalar_prefetch = 0 : i64, scratch_operands = 6 : i64, tpu.core_type = #tpu.core_type<sc_vector_subcore>, window_params = [{transform_indices = #map}, {transform_indices = #map1}, {transform_indices = #map2}, {transform_indices = #map}]} {
    %mul3A = arith.constant 5120 : i32
    %mul3A_0 = arith.muli %arg0, %mul3A : i32
    %mul3A_1 = arith.constant 320 : i32
    %mul3A_2 = arith.muli %arg1, %mul3A_1 : i32
    %add3A = arith.addi %mul3A_0, %mul3A_2 : i32
    "tpu.region"() ({
      %run_scoped3A = tpu.sem_alloc : memref<!tpu.dma_semaphore, #tpu.memory_space<semaphore_mem>>
      %dma_start3A = arith.constant 0 : i32
      %dma_start3A_37 = tpu.memref_slice %arg8[%mul3A_2, %dma_start3A] : memref<5128x128xf32, #tpu.memory_space<vmem_shared>> -> memref<320x128xf32, #tpu.memory_space<vmem_shared>>
      %dma_start3A_38 = arith.constant 0 : i32
      %dma_start3A_39 = tpu.memref_slice %arg2[%add3A, %dma_start3A_38] : memref<10240x128xf32, #tpu.memory_space<hbm>> -> memref<320x128xf32, #tpu.memory_space<hbm>>
      tpu.enqueue_dma source(%dma_start3A_39 : memref<320x128xf32, #tpu.memory_space<hbm>>) target(%dma_start3A_37 : memref<320x128xf32, #tpu.memory_space<vmem_shared>>) target_semaphore(%run_scoped3A : memref<!tpu.dma_semaphore, #tpu.memory_space<semaphore_mem>>)
      %dma_wait3A = arith.constant 0 : i32
      %dma_wait3A_40 = tpu.memref_slice %arg8[%mul3A_2, %dma_wait3A] : memref<5128x128xf32, #tpu.memory_space<vmem_shared>> -> memref<320x128xf32, #tpu.memory_space<vmem_shared>>
      %dma_wait3A_41 = arith.constant 0 : i32
      %dma_wait3A_42 = tpu.memref_slice %arg2[%add3A, %dma_wait3A_41] : memref<10240x128xf32, #tpu.memory_space<hbm>> -> memref<320x128xf32, #tpu.memory_space<hbm>>
      tpu.wait_dma2 semaphore(%run_scoped3A : memref<!tpu.dma_semaphore, #tpu.memory_space<semaphore_mem>>) src(%dma_wait3A_42 : memref<320x128xf32, #tpu.memory_space<hbm>>) dst(%dma_wait3A_40 : memref<320x128xf32, #tpu.memory_space<vmem_shared>>)
      tpu.yield
    }) : () -> ()
    "tpu.region"() ({
      %run_scoped3A = tpu.sem_alloc : memref<!tpu.dma_semaphore, #tpu.memory_space<semaphore_mem>>
      %dma_start3A = arith.constant 0 : i32
      %dma_start3A_37 = arith.constant 0 : i32
      %dma_start3A_38 = arith.constant 0 : i32
      %dma_start3A_39 = tpu.memref_slice %arg3[%arg0, %arg1, %dma_start3A, %dma_start3A_37, %dma_start3A_38] : memref<2x16x2x160x128xi32, #tpu.memory_space<hbm>> -> memref<1x1x2x160x128xi32, #tpu.memory_space<hbm>>
      %dma_start3A_40 = tpu.memref_squeeze %dma_start3A_39 : memref<1x1x2x160x128xi32, #tpu.memory_space<hbm>> -> memref<2x160x128xi32, #tpu.memory_space<hbm>>
      %dma_start3A_41 = arith.constant 0 : i32
      %dma_start3A_42 = arith.constant 0 : i32
      %dma_start3A_43 = arith.constant 0 : i32
      %dma_start3A_44 = tpu.memref_slice %arg3[%arg0, %arg1, %dma_start3A_41, %dma_start3A_42, %dma_start3A_43] : memref<2x16x2x160x128xi32, #tpu.memory_space<hbm>> -> memref<1x1x2x160x128xi32, #tpu.memory_space<hbm>>
      %dma_start3A_45 = tpu.memref_squeeze %dma_start3A_44 : memref<1x1x2x160x128xi32, #tpu.memory_space<hbm>> -> memref<2x160x128xi32, #tpu.memory_space<hbm>>
      tpu.enqueue_dma source(%dma_start3A_45 : memref<2x160x128xi32, #tpu.memory_space<hbm>>) target(%arg6 : memref<2x160x128xi32, #tpu.memory_space<vmem>>) target_semaphore(%run_scoped3A : memref<!tpu.dma_semaphore, #tpu.memory_space<semaphore_mem>>)
      %dma_wait3A = arith.constant 0 : i32
      %dma_wait3A_46 = arith.constant 0 : i32
      %dma_wait3A_47 = arith.constant 0 : i32
      %dma_wait3A_48 = tpu.memref_slice %arg3[%arg0, %arg1, %dma_wait3A, %dma_wait3A_46, %dma_wait3A_47] : memref<2x16x2x160x128xi32, #tpu.memory_space<hbm>> -> memref<1x1x2x160x128xi32, #tpu.memory_space<hbm>>
      %dma_wait3A_49 = tpu.memref_squeeze %dma_wait3A_48 : memref<1x1x2x160x128xi32, #tpu.memory_space<hbm>> -> memref<2x160x128xi32, #tpu.memory_space<hbm>>
      %dma_wait3A_50 = arith.constant 0 : i32
      %dma_wait3A_51 = arith.constant 0 : i32
      %dma_wait3A_52 = arith.constant 0 : i32
      %dma_wait3A_53 = tpu.memref_slice %arg3[%arg0, %arg1, %dma_wait3A_50, %dma_wait3A_51, %dma_wait3A_52] : memref<2x16x2x160x128xi32, #tpu.memory_space<hbm>> -> memref<1x1x2x160x128xi32, #tpu.memory_space<hbm>>
      %dma_wait3A_54 = tpu.memref_squeeze %dma_wait3A_53 : memref<1x1x2x160x128xi32, #tpu.memory_space<hbm>> -> memref<2x160x128xi32, #tpu.memory_space<hbm>>
      tpu.wait_dma2 semaphore(%run_scoped3A : memref<!tpu.dma_semaphore, #tpu.memory_space<semaphore_mem>>) src(%dma_wait3A_54 : memref<2x160x128xi32, #tpu.memory_space<hbm>>) dst(%arg6 : memref<2x160x128xi32, #tpu.memory_space<vmem>>)
      tpu.yield
    }) : () -> ()
    "tpu.region"() ({
      %run_scoped3A = tpu.sem_alloc : memref<!tpu.dma_semaphore, #tpu.memory_space<semaphore_mem>>
      %dma_start3A = arith.constant 0 : i32
      %dma_start3A_37 = tpu.memref_slice %arg4[%arg0, %arg1, %dma_start3A] : memref<2x16x16xi32, #tpu.memory_space<hbm>> -> memref<1x1x16xi32, #tpu.memory_space<hbm>>
      %dma_start3A_38 = tpu.memref_squeeze %dma_start3A_37 : memref<1x1x16xi32, #tpu.memory_space<hbm>> -> memref<16xi32, #tpu.memory_space<hbm>>
      %dma_start3A_39 = arith.constant 0 : i32
      %dma_start3A_40 = tpu.memref_slice %arg4[%arg0, %arg1, %dma_start3A_39] : memref<2x16x16xi32, #tpu.memory_space<hbm>> -> memref<1x1x16xi32, #tpu.memory_space<hbm>>
      %dma_start3A_41 = tpu.memref_squeeze %dma_start3A_40 : memref<1x1x16xi32, #tpu.memory_space<hbm>> -> memref<16xi32, #tpu.memory_space<hbm>>
      tpu.enqueue_dma source(%dma_start3A_41 : memref<16xi32, #tpu.memory_space<hbm>>) target(%arg9 : memref<16xi32, #tpu.memory_space<vmem>>) target_semaphore(%run_scoped3A : memref<!tpu.dma_semaphore, #tpu.memory_space<semaphore_mem>>)
      %dma_wait3A = arith.constant 0 : i32
      %dma_wait3A_42 = tpu.memref_slice %arg4[%arg0, %arg1, %dma_wait3A] : memref<2x16x16xi32, #tpu.memory_space<hbm>> -> memref<1x1x16xi32, #tpu.memory_space<hbm>>
      %dma_wait3A_43 = tpu.memref_squeeze %dma_wait3A_42 : memref<1x1x16xi32, #tpu.memory_space<hbm>> -> memref<16xi32, #tpu.memory_space<hbm>>
      %dma_wait3A_44 = arith.constant 0 : i32
      %dma_wait3A_45 = tpu.memref_slice %arg4[%arg0, %arg1, %dma_wait3A_44] : memref<2x16x16xi32, #tpu.memory_space<hbm>> -> memref<1x1x16xi32, #tpu.memory_space<hbm>>
      %dma_wait3A_46 = tpu.memref_squeeze %dma_wait3A_45 : memref<1x1x16xi32, #tpu.memory_space<hbm>> -> memref<16xi32, #tpu.memory_space<hbm>>
      tpu.wait_dma2 semaphore(%run_scoped3A : memref<!tpu.dma_semaphore, #tpu.memory_space<semaphore_mem>>) src(%dma_wait3A_46 : memref<16xi32, #tpu.memory_space<hbm>>) dst(%arg9 : memref<16xi32, #tpu.memory_space<vmem>>)
      tpu.yield
    }) : () -> ()
    %get3A = arith.constant 0 : index
    %get3A_3 = tpu.vector_load %arg9[%get3A] {strides = array<i32>} : memref<16xi32, #tpu.memory_space<vmem>>, vector<16xi32>,
    %reduce_max3A = arith.constant true
    %reduce_max3A_4 = vector.broadcast %reduce_max3A : i1 to vector<16xi1>
    %reduce_max3A_5 = arith.constant -2147483648 : i32
    %reduce_max3A_6 = vector.broadcast %reduce_max3A_5 : i32 to vector<16xi32>
    %reduce_max3A_7 = arith.xori %get3A_3, %reduce_max3A_6 : vector<16xi32>
    %reduce_max3A_8 = tpu.scan <max>, %reduce_max3A_7 masked %reduce_max3A_4 : vector<16xi32>, vector<16xi1> -> vector<16xi32>
    %reduce_max3A_9 = arith.xori %reduce_max3A_8, %reduce_max3A_6 : vector<16xi32>
    %reduce_max3A_10 = vector.extract %reduce_max3A_9[15] : i32 from vector<16xi32>
    %min3A = arith.constant 80 : i32
    %min3A_11 = arith.minsi %reduce_max3A_10, %min3A : i32
    %mul3A_12 = arith.constant 2 : i32
    %mul3A_13 = arith.muli %min3A_11, %mul3A_12 : i32
    %gt3A = arith.constant 0 : i32
    %gt3A_14 = arith.cmpi sgt, %min3A_11, %gt3A : i32
    %convert_element_type3A = arith.extui %gt3A_14 : i1 to i32
    %cond3A = arith.constant 0 : i32
    %cond3A_15 = arith.constant 0 : i32
    %cond3A_16 = arith.cmpi ne, %convert_element_type3A, %cond3A_15 : i32
    scf.if %cond3A_16 {
      %dma_start3A = arith.constant 0 : i32
      %dma_start3A_37 = arith.constant 0 : i32
      %dma_start3A_38 = arith.constant 0 : i32
      %dma_start3A_39 = arith.constant 0 : i32
      %dma_start3A_40 = tpu.memref_slice %arg7[%dma_start3A_37, %dma_start3A_38, %dma_start3A_39] : memref<2x128x128xf32, #tpu.memory_space<vmem>> -> memref<1x128x128xf32, #tpu.memory_space<vmem>>
      %dma_start3A_41 = tpu.memref_squeeze %dma_start3A_40 : memref<1x128x128xf32, #tpu.memory_space<vmem>> -> memref<128x128xf32, #tpu.memory_space<vmem>>
      %dma_start3A_42 = arith.constant 0 : i32
      %dma_start3A_43 = arith.constant 0 : i32
      %dma_start3A_44 = tpu.memref_slice %arg6[%cond3A, %dma_start3A_42, %dma_start3A_43] : memref<2x160x128xi32, #tpu.memory_space<vmem>> -> memref<1x160x128xi32, #tpu.memory_space<vmem>>
      %dma_start3A_45 = tpu.memref_squeeze %dma_start3A_44 : memref<1x160x128xi32, #tpu.memory_space<vmem>> -> memref<160x128xi32, #tpu.memory_space<vmem>>
      %dma_start3A_46 = arith.constant 0 : i32
      %dma_start3A_47 = tpu.memref_slice %dma_start3A_45[%dma_start3A, %dma_start3A_46] : memref<160x128xi32, #tpu.memory_space<vmem>> -> memref<1x128xi32, #tpu.memory_space<vmem>>
      %dma_start3A_48 = tpu.memref_squeeze %dma_start3A_47 : memref<1x128xi32, #tpu.memory_space<vmem>> -> memref<128xi32, #tpu.memory_space<vmem>>
      %dma_start3A_49 = arith.constant 0 : i32
      %dma_start3A_50 = arith.constant 0 : i32
      %dma_start3A_51 = tpu.memref_slice %arg2[%dma_start3A_49, %dma_start3A_50] : memref<10240x128xf32, #tpu.memory_space<hbm>> -> memref<10240x128xf32, #tpu.memory_space<hbm>>
      tpu.enqueue_indirect_dma source(%dma_start3A_51 : memref<10240x128xf32, #tpu.memory_space<hbm>>) target(%dma_start3A_41 : memref<128x128xf32, #tpu.memory_space<vmem>>) offsets(%dma_start3A_48 : memref<128xi32, #tpu.memory_space<vmem>>) semaphore(%arg10 : memref<!tpu.dma_semaphore, #tpu.memory_space<semaphore_mem>>)
      %dma_start3A_52 = arith.constant 1 : i32
      %dma_start3A_53 = arith.constant 1 : i32
      %dma_start3A_54 = arith.constant 0 : i32
      %dma_start3A_55 = arith.constant 0 : i32
      %dma_start3A_56 = tpu.memref_slice %arg7[%dma_start3A_53, %dma_start3A_54, %dma_start3A_55] : memref<2x128x128xf32, #tpu.memory_space<vmem>> -> memref<1x128x128xf32, #tpu.memory_space<vmem>>
      %dma_start3A_57 = tpu.memref_squeeze %dma_start3A_56 : memref<1x128x128xf32, #tpu.memory_space<vmem>> -> memref<128x128xf32, #tpu.memory_space<vmem>>
      %dma_start3A_58 = arith.constant 0 : i32
      %dma_start3A_59 = arith.constant 0 : i32
      %dma_start3A_60 = tpu.memref_slice %arg6[%cond3A, %dma_start3A_58, %dma_start3A_59] : memref<2x160x128xi32, #tpu.memory_space<vmem>> -> memref<1x160x128xi32, #tpu.memory_space<vmem>>
      %dma_start3A_61 = tpu.memref_squeeze %dma_start3A_60 : memref<1x160x128xi32, #tpu.memory_space<vmem>> -> memref<160x128xi32, #tpu.memory_space<vmem>>
      %dma_start3A_62 = arith.constant 0 : i32
      %dma_start3A_63 = tpu.memref_slice %dma_start3A_61[%dma_start3A_52, %dma_start3A_62] : memref<160x128xi32, #tpu.memory_space<vmem>> -> memref<1x128xi32, #tpu.memory_space<vmem>>
      %dma_start3A_64 = tpu.memref_squeeze %dma_start3A_63 : memref<1x128xi32, #tpu.memory_space<vmem>> -> memref<128xi32, #tpu.memory_space<vmem>>
      %dma_start3A_65 = arith.constant 0 : i32
      %dma_start3A_66 = arith.constant 0 : i32
      %dma_start3A_67 = tpu.memref_slice %arg2[%dma_start3A_65, %dma_start3A_66] : memref<10240x128xf32, #tpu.memory_space<hbm>> -> memref<10240x128xf32, #tpu.memory_space<hbm>>
      tpu.enqueue_indirect_dma source(%dma_start3A_67 : memref<10240x128xf32, #tpu.memory_space<hbm>>) target(%dma_start3A_57 : memref<128x128xf32, #tpu.memory_space<vmem>>) offsets(%dma_start3A_64 : memref<128xi32, #tpu.memory_space<vmem>>) semaphore(%arg11 : memref<!tpu.dma_semaphore, #tpu.memory_space<semaphore_mem>>)
    } else {
    }
    %barrier3A = arith.constant 0 : index
    tpu.barrier barrier_id(%barrier3A)
    %sub3A = arith.constant 0 : i32
    %sub3A_17 = arith.subi %min3A_11, %sub3A : i32
    %sub3A_18 = arith.constant 1 : i32
    %sub3A_19 = arith.constant 1 : i32
    %sub3A_20 = arith.subi %sub3A_18, %sub3A_19 : i32
    %add3A_21 = arith.addi %sub3A_17, %sub3A_20 : i32
    %div3A = arith.constant 1 : i32
    %div3A_22 = arith.divsi %add3A_21, %div3A : i32
    %while3A = arith.constant 1 : i32
    %while3A_23 = arith.constant 0 : i32
    %while3A_24 = arith.constant 0 : i32
    %while3A_25 = arith.constant 1 : i32
    %while3A_26 = arith.constant 0 : i32
    %while3A_27 = arith.subi %div3A_22, %while3A_26 : i32
    %while3A_28 = arith.addi %while3A_26, %while3A_27 : i32
    %while3A_29 = arith.constant 1 : i32
    %while3A_30 = arith.divsi %while3A_27, %while3A_29 : i32
    %while3A_31 = arith.muli %while3A_30, %while3A_29 : i32
    %while3A_32 = arith.addi %while3A_26, %while3A_31 : i32
    %while3A_33 = arith.constant 1 : i32
    scf.for %while3A_37 = %while3A_26 to %while3A_32 step %while3A_33  : i32 {
      %mul3A_38 = arith.muli %while3A_37, %while3A : i32
      %add3A_39 = arith.addi %while3A_23, %mul3A_38 : i32
      %mul3A_40 = arith.constant 2 : i32
      %mul3A_41 = arith.muli %add3A_39, %mul3A_40 : i32
      %dma_wait3A = arith.constant 0 : i32
      %dma_wait3A_42 = arith.constant 0 : i32
      %dma_wait3A_43 = arith.constant 0 : i32
      %dma_wait3A_44 = tpu.memref_slice %arg7[%dma_wait3A, %dma_wait3A_42, %dma_wait3A_43] : memref<2x128x128xf32, #tpu.memory_space<vmem>> -> memref<1x128x128xf32, #tpu.memory_space<vmem>>
      %dma_wait3A_45 = tpu.memref_squeeze %dma_wait3A_44 : memref<1x128x128xf32, #tpu.memory_space<vmem>> -> memref<128x128xf32, #tpu.memory_space<vmem>>
      %dma_wait3A_46 = arith.constant 0 : i32
      %dma_wait3A_47 = arith.constant 0 : i32
      %dma_wait3A_48 = tpu.memref_slice %arg6[%while3A_24, %dma_wait3A_46, %dma_wait3A_47] : memref<2x160x128xi32, #tpu.memory_space<vmem>> -> memref<1x160x128xi32, #tpu.memory_space<vmem>>
      %dma_wait3A_49 = tpu.memref_squeeze %dma_wait3A_48 : memref<1x160x128xi32, #tpu.memory_space<vmem>> -> memref<160x128xi32, #tpu.memory_space<vmem>>
      %dma_wait3A_50 = arith.constant 0 : i32
      %dma_wait3A_51 = tpu.memref_slice %dma_wait3A_49[%mul3A_41, %dma_wait3A_50] : memref<160x128xi32, #tpu.memory_space<vmem>> -> memref<1x128xi32, #tpu.memory_space<vmem>>
      %dma_wait3A_52 = tpu.memref_squeeze %dma_wait3A_51 : memref<1x128xi32, #tpu.memory_space<vmem>> -> memref<128xi32, #tpu.memory_space<vmem>>
      %dma_wait3A_53 = arith.constant 0 : i32
      %dma_wait3A_54 = arith.constant 0 : i32
      %dma_wait3A_55 = tpu.memref_slice %arg2[%dma_wait3A_53, %dma_wait3A_54] : memref<10240x128xf32, #tpu.memory_space<hbm>> -> memref<10240x128xf32, #tpu.memory_space<hbm>>
      tpu.wait_indirect_dma semaphore(%arg10 : memref<!tpu.dma_semaphore, #tpu.memory_space<semaphore_mem>>) src(%dma_wait3A_55 : memref<10240x128xf32, #tpu.memory_space<hbm>>) dst(%dma_wait3A_45 : memref<128x128xf32, #tpu.memory_space<vmem>>)
      %run_scoped3A = arith.constant 0 : i32
      "tpu.region"() ({
        %run_scoped3A_87 = tpu.sem_alloc : memref<!tpu.dma_semaphore, #tpu.memory_space<semaphore_mem>>
        %dma_start3A = arith.constant 0 : i32
        %dma_start3A_88 = arith.constant 0 : i32
        %dma_start3A_89 = tpu.memref_slice %arg7[%run_scoped3A, %dma_start3A, %dma_start3A_88] : memref<2x128x128xf32, #tpu.memory_space<vmem>> -> memref<1x128x128xf32, #tpu.memory_space<vmem>>
        %dma_start3A_90 = tpu.memref_squeeze %dma_start3A_89 : memref<1x128x128xf32, #tpu.memory_space<vmem>> -> memref<128x128xf32, #tpu.memory_space<vmem>>
        %dma_start3A_91 = arith.constant 0 : i32
        %dma_start3A_92 = arith.constant 0 : i32
        %dma_start3A_93 = tpu.memref_slice %arg6[%while3A_25, %dma_start3A_91, %dma_start3A_92] : memref<2x160x128xi32, #tpu.memory_space<vmem>> -> memref<1x160x128xi32, #tpu.memory_space<vmem>>
        %dma_start3A_94 = tpu.memref_squeeze %dma_start3A_93 : memref<1x160x128xi32, #tpu.memory_space<vmem>> -> memref<160x128xi32, #tpu.memory_space<vmem>>
        %dma_start3A_95 = arith.constant 0 : i32
        %dma_start3A_96 = tpu.memref_slice %dma_start3A_94[%mul3A_41, %dma_start3A_95] : memref<160x128xi32, #tpu.memory_space<vmem>> -> memref<1x128xi32, #tpu.memory_space<vmem>>
        %dma_start3A_97 = tpu.memref_squeeze %dma_start3A_96 : memref<1x128xi32, #tpu.memory_space<vmem>> -> memref<128xi32, #tpu.memory_space<vmem>>
        %dma_start3A_98 = arith.constant 0 : i32
        %dma_start3A_99 = arith.constant 0 : i32
        %dma_start3A_100 = tpu.memref_slice %arg8[%dma_start3A_98, %dma_start3A_99] : memref<5128x128xf32, #tpu.memory_space<vmem_shared>> -> memref<5128x128xf32, #tpu.memory_space<vmem_shared>>
        tpu.enqueue_indirect_dma source(%dma_start3A_90 : memref<128x128xf32, #tpu.memory_space<vmem>>) target(%dma_start3A_100 : memref<5128x128xf32, #tpu.memory_space<vmem_shared>>) offsets(%dma_start3A_97 : memref<128xi32, #tpu.memory_space<vmem>>) semaphore(%run_scoped3A_87 : memref<!tpu.dma_semaphore, #tpu.memory_space<semaphore_mem>>) {add = true}
        %dma_wait3A_101 = arith.constant 0 : i32
        %dma_wait3A_102 = arith.constant 0 : i32
        %dma_wait3A_103 = tpu.memref_slice %arg7[%run_scoped3A, %dma_wait3A_101, %dma_wait3A_102] : memref<2x128x128xf32, #tpu.memory_space<vmem>> -> memref<1x128x128xf32, #tpu.memory_space<vmem>>
        %dma_wait3A_104 = tpu.memref_squeeze %dma_wait3A_103 : memref<1x128x128xf32, #tpu.memory_space<vmem>> -> memref<128x128xf32, #tpu.memory_space<vmem>>
        %dma_wait3A_105 = arith.constant 0 : i32
        %dma_wait3A_106 = arith.constant 0 : i32
        %dma_wait3A_107 = tpu.memref_slice %arg6[%while3A_25, %dma_wait3A_105, %dma_wait3A_106] : memref<2x160x128xi32, #tpu.memory_space<vmem>> -> memref<1x160x128xi32, #tpu.memory_space<vmem>>
        %dma_wait3A_108 = tpu.memref_squeeze %dma_wait3A_107 : memref<1x160x128xi32, #tpu.memory_space<vmem>> -> memref<160x128xi32, #tpu.memory_space<vmem>>
        %dma_wait3A_109 = arith.constant 0 : i32
        %dma_wait3A_110 = tpu.memref_slice %dma_wait3A_108[%mul3A_41, %dma_wait3A_109] : memref<160x128xi32, #tpu.memory_space<vmem>> -> memref<1x128xi32, #tpu.memory_space<vmem>>
        %dma_wait3A_111 = tpu.memref_squeeze %dma_wait3A_110 : memref<1x128xi32, #tpu.memory_space<vmem>> -> memref<128xi32, #tpu.memory_space<vmem>>
        %dma_wait3A_112 = arith.constant 0 : i32
        %dma_wait3A_113 = arith.constant 0 : i32
        %dma_wait3A_114 = tpu.memref_slice %arg8[%dma_wait3A_112, %dma_wait3A_113] : memref<5128x128xf32, #tpu.memory_space<vmem_shared>> -> memref<5128x128xf32, #tpu.memory_space<vmem_shared>>
        tpu.wait_indirect_dma semaphore(%run_scoped3A_87 : memref<!tpu.dma_semaphore, #tpu.memory_space<semaphore_mem>>) src(%dma_wait3A_104 : memref<128x128xf32, #tpu.memory_space<vmem>>) dst(%dma_wait3A_114 : memref<5128x128xf32, #tpu.memory_space<vmem_shared>>)
        tpu.yield
      }) : () -> ()
      %add3A_56 = arith.constant 2 : i32
      %add3A_57 = arith.addi %mul3A_41, %add3A_56 : i32
      %lt3A = arith.cmpi slt, %add3A_57, %mul3A_13 : i32
      %convert_element_type3A_58 = arith.extui %lt3A : i1 to i32
      %cond3A_59 = arith.constant 0 : i32
      %cond3A_60 = arith.cmpi ne, %convert_element_type3A_58, %cond3A_59 : i32
      scf.if %cond3A_60 {
        %add3A_87 = arith.constant 2 : i32
        %add3A_88 = arith.addi %mul3A_41, %add3A_87 : i32
        %dma_start3A = arith.constant 0 : i32
        %dma_start3A_89 = arith.constant 0 : i32
        %dma_start3A_90 = arith.constant 0 : i32
        %dma_start3A_91 = tpu.memref_slice %arg7[%dma_start3A, %dma_start3A_89, %dma_start3A_90] : memref<2x128x128xf32, #tpu.memory_space<vmem>> -> memref<1x128x128xf32, #tpu.memory_space<vmem>>
        %dma_start3A_92 = tpu.memref_squeeze %dma_start3A_91 : memref<1x128x128xf32, #tpu.memory_space<vmem>> -> memref<128x128xf32, #tpu.memory_space<vmem>>
        %dma_start3A_93 = arith.constant 0 : i32
        %dma_start3A_94 = arith.constant 0 : i32
        %dma_start3A_95 = tpu.memref_slice %arg6[%while3A_24, %dma_start3A_93, %dma_start3A_94] : memref<2x160x128xi32, #tpu.memory_space<vmem>> -> memref<1x160x128xi32, #tpu.memory_space<vmem>>
        %dma_start3A_96 = tpu.memref_squeeze %dma_start3A_95 : memref<1x160x128xi32, #tpu.memory_space<vmem>> -> memref<160x128xi32, #tpu.memory_space<vmem>>
        %dma_start3A_97 = arith.constant 0 : i32
        %dma_start3A_98 = tpu.memref_slice %dma_start3A_96[%add3A_88, %dma_start3A_97] : memref<160x128xi32, #tpu.memory_space<vmem>> -> memref<1x128xi32, #tpu.memory_space<vmem>>
        %dma_start3A_99 = tpu.memref_squeeze %dma_start3A_98 : memref<1x128xi32, #tpu.memory_space<vmem>> -> memref<128xi32, #tpu.memory_space<vmem>>
        %dma_start3A_100 = arith.constant 0 : i32
        %dma_start3A_101 = arith.constant 0 : i32
        %dma_start3A_102 = tpu.memref_slice %arg2[%dma_start3A_100, %dma_start3A_101] : memref<10240x128xf32, #tpu.memory_space<hbm>> -> memref<10240x128xf32, #tpu.memory_space<hbm>>
        tpu.enqueue_indirect_dma source(%dma_start3A_102 : memref<10240x128xf32, #tpu.memory_space<hbm>>) target(%dma_start3A_92 : memref<128x128xf32, #tpu.memory_space<vmem>>) offsets(%dma_start3A_99 : memref<128xi32, #tpu.memory_space<vmem>>) semaphore(%arg10 : memref<!tpu.dma_semaphore, #tpu.memory_space<semaphore_mem>>)
      } else {
      }
      %add3A_61 = arith.constant 1 : i32
      %add3A_62 = arith.addi %mul3A_41, %add3A_61 : i32
      %dma_wait3A_63 = arith.constant 1 : i32
      %dma_wait3A_64 = arith.constant 0 : i32
      %dma_wait3A_65 = arith.constant 0 : i32
      %dma_wait3A_66 = tpu.memref_slice %arg7[%dma_wait3A_63, %dma_wait3A_64, %dma_wait3A_65] : memref<2x128x128xf32, #tpu.memory_space<vmem>> -> memref<1x128x128xf32, #tpu.memory_space<vmem>>
      %dma_wait3A_67 = tpu.memref_squeeze %dma_wait3A_66 : memref<1x128x128xf32, #tpu.memory_space<vmem>> -> memref<128x128xf32, #tpu.memory_space<vmem>>
      %dma_wait3A_68 = arith.constant 0 : i32
      %dma_wait3A_69 = arith.constant 0 : i32
      %dma_wait3A_70 = tpu.memref_slice %arg6[%while3A_24, %dma_wait3A_68, %dma_wait3A_69] : memref<2x160x128xi32, #tpu.memory_space<vmem>> -> memref<1x160x128xi32, #tpu.memory_space<vmem>>
      %dma_wait3A_71 = tpu.memref_squeeze %dma_wait3A_70 : memref<1x160x128xi32, #tpu.memory_space<vmem>> -> memref<160x128xi32, #tpu.memory_space<vmem>>
      %dma_wait3A_72 = arith.constant 0 : i32
      %dma_wait3A_73 = tpu.memref_slice %dma_wait3A_71[%add3A_62, %dma_wait3A_72] : memref<160x128xi32, #tpu.memory_space<vmem>> -> memref<1x128xi32, #tpu.memory_space<vmem>>
      %dma_wait3A_74 = tpu.memref_squeeze %dma_wait3A_73 : memref<1x128xi32, #tpu.memory_space<vmem>> -> memref<128xi32, #tpu.memory_space<vmem>>
      %dma_wait3A_75 = arith.constant 0 : i32
      %dma_wait3A_76 = arith.constant 0 : i32
      %dma_wait3A_77 = tpu.memref_slice %arg2[%dma_wait3A_75, %dma_wait3A_76] : memref<10240x128xf32, #tpu.memory_space<hbm>> -> memref<10240x128xf32, #tpu.memory_space<hbm>>
      tpu.wait_indirect_dma semaphore(%arg11 : memref<!tpu.dma_semaphore, #tpu.memory_space<semaphore_mem>>) src(%dma_wait3A_77 : memref<10240x128xf32, #tpu.memory_space<hbm>>) dst(%dma_wait3A_67 : memref<128x128xf32, #tpu.memory_space<vmem>>)
      %add3A_78 = arith.constant 1 : i32
      %add3A_79 = arith.addi %mul3A_41, %add3A_78 : i32
      %run_scoped3A_80 = arith.constant 1 : i32
      "tpu.region"() ({
        %run_scoped3A_87 = tpu.sem_alloc : memref<!tpu.dma_semaphore, #tpu.memory_space<semaphore_mem>>
        %dma_start3A = arith.constant 0 : i32
        %dma_start3A_88 = arith.constant 0 : i32
        %dma_start3A_89 = tpu.memref_slice %arg7[%run_scoped3A_80, %dma_start3A, %dma_start3A_88] : memref<2x128x128xf32, #tpu.memory_space<vmem>> -> memref<1x128x128xf32, #tpu.memory_space<vmem>>
        %dma_start3A_90 = tpu.memref_squeeze %dma_start3A_89 : memref<1x128x128xf32, #tpu.memory_space<vmem>> -> memref<128x128xf32, #tpu.memory_space<vmem>>
        %dma_start3A_91 = arith.constant 0 : i32
        %dma_start3A_92 = arith.constant 0 : i32
        %dma_start3A_93 = tpu.memref_slice %arg6[%while3A_25, %dma_start3A_91, %dma_start3A_92] : memref<2x160x128xi32, #tpu.memory_space<vmem>> -> memref<1x160x128xi32, #tpu.memory_space<vmem>>
        %dma_start3A_94 = tpu.memref_squeeze %dma_start3A_93 : memref<1x160x128xi32, #tpu.memory_space<vmem>> -> memref<160x128xi32, #tpu.memory_space<vmem>>
        %dma_start3A_95 = arith.constant 0 : i32
        %dma_start3A_96 = tpu.memref_slice %dma_start3A_94[%add3A_79, %dma_start3A_95] : memref<160x128xi32, #tpu.memory_space<vmem>> -> memref<1x128xi32, #tpu.memory_space<vmem>>
        %dma_start3A_97 = tpu.memref_squeeze %dma_start3A_96 : memref<1x128xi32, #tpu.memory_space<vmem>> -> memref<128xi32, #tpu.memory_space<vmem>>
        %dma_start3A_98 = arith.constant 0 : i32
        %dma_start3A_99 = arith.constant 0 : i32
        %dma_start3A_100 = tpu.memref_slice %arg8[%dma_start3A_98, %dma_start3A_99] : memref<5128x128xf32, #tpu.memory_space<vmem_shared>> -> memref<5128x128xf32, #tpu.memory_space<vmem_shared>>
        tpu.enqueue_indirect_dma source(%dma_start3A_90 : memref<128x128xf32, #tpu.memory_space<vmem>>) target(%dma_start3A_100 : memref<5128x128xf32, #tpu.memory_space<vmem_shared>>) offsets(%dma_start3A_97 : memref<128xi32, #tpu.memory_space<vmem>>) semaphore(%run_scoped3A_87 : memref<!tpu.dma_semaphore, #tpu.memory_space<semaphore_mem>>) {add = true}
        %dma_wait3A_101 = arith.constant 0 : i32
        %dma_wait3A_102 = arith.constant 0 : i32
        %dma_wait3A_103 = tpu.memref_slice %arg7[%run_scoped3A_80, %dma_wait3A_101, %dma_wait3A_102] : memref<2x128x128xf32, #tpu.memory_space<vmem>> -> memref<1x128x128xf32, #tpu.memory_space<vmem>>
        %dma_wait3A_104 = tpu.memref_squeeze %dma_wait3A_103 : memref<1x128x128xf32, #tpu.memory_space<vmem>> -> memref<128x128xf32, #tpu.memory_space<vmem>>
        %dma_wait3A_105 = arith.constant 0 : i32
        %dma_wait3A_106 = arith.constant 0 : i32
        %dma_wait3A_107 = tpu.memref_slice %arg6[%while3A_25, %dma_wait3A_105, %dma_wait3A_106] : memref<2x160x128xi32, #tpu.memory_space<vmem>> -> memref<1x160x128xi32, #tpu.memory_space<vmem>>
        %dma_wait3A_108 = tpu.memref_squeeze %dma_wait3A_107 : memref<1x160x128xi32, #tpu.memory_space<vmem>> -> memref<160x128xi32, #tpu.memory_space<vmem>>
        %dma_wait3A_109 = arith.constant 0 : i32
        %dma_wait3A_110 = tpu.memref_slice %dma_wait3A_108[%add3A_79, %dma_wait3A_109] : memref<160x128xi32, #tpu.memory_space<vmem>> -> memref<1x128xi32, #tpu.memory_space<vmem>>
        %dma_wait3A_111 = tpu.memref_squeeze %dma_wait3A_110 : memref<1x128xi32, #tpu.memory_space<vmem>> -> memref<128xi32, #tpu.memory_space<vmem>>
        %dma_wait3A_112 = arith.constant 0 : i32
        %dma_wait3A_113 = arith.constant 0 : i32
        %dma_wait3A_114 = tpu.memref_slice %arg8[%dma_wait3A_112, %dma_wait3A_113] : memref<5128x128xf32, #tpu.memory_space<vmem_shared>> -> memref<5128x128xf32, #tpu.memory_space<vmem_shared>>
        tpu.wait_indirect_dma semaphore(%run_scoped3A_87 : memref<!tpu.dma_semaphore, #tpu.memory_space<semaphore_mem>>) src(%dma_wait3A_104 : memref<128x128xf32, #tpu.memory_space<vmem>>) dst(%dma_wait3A_114 : memref<5128x128xf32, #tpu.memory_space<vmem_shared>>)
        tpu.yield
      }) : () -> ()
      %add3A_81 = arith.constant 3 : i32
      %add3A_82 = arith.addi %mul3A_41, %add3A_81 : i32
      %lt3A_83 = arith.cmpi slt, %add3A_82, %mul3A_13 : i32
      %convert_element_type3A_84 = arith.extui %lt3A_83 : i1 to i32
      %cond3A_85 = arith.constant 0 : i32
      %cond3A_86 = arith.cmpi ne, %convert_element_type3A_84, %cond3A_85 : i32
      scf.if %cond3A_86 {
        %add3A_87 = arith.constant 3 : i32
        %add3A_88 = arith.addi %mul3A_41, %add3A_87 : i32
        %dma_start3A = arith.constant 1 : i32
        %dma_start3A_89 = arith.constant 0 : i32
        %dma_start3A_90 = arith.constant 0 : i32
        %dma_start3A_91 = tpu.memref_slice %arg7[%dma_start3A, %dma_start3A_89, %dma_start3A_90] : memref<2x128x128xf32, #tpu.memory_space<vmem>> -> memref<1x128x128xf32, #tpu.memory_space<vmem>>
        %dma_start3A_92 = tpu.memref_squeeze %dma_start3A_91 : memref<1x128x128xf32, #tpu.memory_space<vmem>> -> memref<128x128xf32, #tpu.memory_space<vmem>>
        %dma_start3A_93 = arith.constant 0 : i32
        %dma_start3A_94 = arith.constant 0 : i32
        %dma_start3A_95 = tpu.memref_slice %arg6[%while3A_24, %dma_start3A_93, %dma_start3A_94] : memref<2x160x128xi32, #tpu.memory_space<vmem>> -> memref<1x160x128xi32, #tpu.memory_space<vmem>>
        %dma_start3A_96 = tpu.memref_squeeze %dma_start3A_95 : memref<1x160x128xi32, #tpu.memory_space<vmem>> -> memref<160x128xi32, #tpu.memory_space<vmem>>
        %dma_start3A_97 = arith.constant 0 : i32
        %dma_start3A_98 = tpu.memref_slice %dma_start3A_96[%add3A_88, %dma_start3A_97] : memref<160x128xi32, #tpu.memory_space<vmem>> -> memref<1x128xi32, #tpu.memory_space<vmem>>
        %dma_start3A_99 = tpu.memref_squeeze %dma_start3A_98 : memref<1x128xi32, #tpu.memory_space<vmem>> -> memref<128xi32, #tpu.memory_space<vmem>>
        %dma_start3A_100 = arith.constant 0 : i32
        %dma_start3A_101 = arith.constant 0 : i32
        %dma_start3A_102 = tpu.memref_slice %arg2[%dma_start3A_100, %dma_start3A_101] : memref<10240x128xf32, #tpu.memory_space<hbm>> -> memref<10240x128xf32, #tpu.memory_space<hbm>>
        tpu.enqueue_indirect_dma source(%dma_start3A_102 : memref<10240x128xf32, #tpu.memory_space<hbm>>) target(%dma_start3A_92 : memref<128x128xf32, #tpu.memory_space<vmem>>) offsets(%dma_start3A_99 : memref<128xi32, #tpu.memory_space<vmem>>) semaphore(%arg11 : memref<!tpu.dma_semaphore, #tpu.memory_space<semaphore_mem>>)
      } else {
      }
    }
    %while3A_34 = arith.constant 1 : i32
    scf.for %while3A_37 = %while3A_32 to %while3A_28 step %while3A_34  : i32 {
      %mul3A_38 = arith.muli %while3A_37, %while3A : i32
      %add3A_39 = arith.addi %while3A_23, %mul3A_38 : i32
      %mul3A_40 = arith.constant 2 : i32
      %mul3A_41 = arith.muli %add3A_39, %mul3A_40 : i32
      %dma_wait3A = arith.constant 0 : i32
      %dma_wait3A_42 = arith.constant 0 : i32
      %dma_wait3A_43 = arith.constant 0 : i32
      %dma_wait3A_44 = tpu.memref_slice %arg7[%dma_wait3A, %dma_wait3A_42, %dma_wait3A_43] : memref<2x128x128xf32, #tpu.memory_space<vmem>> -> memref<1x128x128xf32, #tpu.memory_space<vmem>>
      %dma_wait3A_45 = tpu.memref_squeeze %dma_wait3A_44 : memref<1x128x128xf32, #tpu.memory_space<vmem>> -> memref<128x128xf32, #tpu.memory_space<vmem>>
      %dma_wait3A_46 = arith.constant 0 : i32
      %dma_wait3A_47 = arith.constant 0 : i32
      %dma_wait3A_48 = tpu.memref_slice %arg6[%while3A_24, %dma_wait3A_46, %dma_wait3A_47] : memref<2x160x128xi32, #tpu.memory_space<vmem>> -> memref<1x160x128xi32, #tpu.memory_space<vmem>>
      %dma_wait3A_49 = tpu.memref_squeeze %dma_wait3A_48 : memref<1x160x128xi32, #tpu.memory_space<vmem>> -> memref<160x128xi32, #tpu.memory_space<vmem>>
      %dma_wait3A_50 = arith.constant 0 : i32
      %dma_wait3A_51 = tpu.memref_slice %dma_wait3A_49[%mul3A_41, %dma_wait3A_50] : memref<160x128xi32, #tpu.memory_space<vmem>> -> memref<1x128xi32, #tpu.memory_space<vmem>>
      %dma_wait3A_52 = tpu.memref_squeeze %dma_wait3A_51 : memref<1x128xi32, #tpu.memory_space<vmem>> -> memref<128xi32, #tpu.memory_space<vmem>>
      %dma_wait3A_53 = arith.constant 0 : i32
      %dma_wait3A_54 = arith.constant 0 : i32
      %dma_wait3A_55 = tpu.memref_slice %arg2[%dma_wait3A_53, %dma_wait3A_54] : memref<10240x128xf32, #tpu.memory_space<hbm>> -> memref<10240x128xf32, #tpu.memory_space<hbm>>
      tpu.wait_indirect_dma semaphore(%arg10 : memref<!tpu.dma_semaphore, #tpu.memory_space<semaphore_mem>>) src(%dma_wait3A_55 : memref<10240x128xf32, #tpu.memory_space<hbm>>) dst(%dma_wait3A_45 : memref<128x128xf32, #tpu.memory_space<vmem>>)
      %run_scoped3A = arith.constant 0 : i32
      "tpu.region"() ({
        %run_scoped3A_87 = tpu.sem_alloc : memref<!tpu.dma_semaphore, #tpu.memory_space<semaphore_mem>>
        %dma_start3A = arith.constant 0 : i32
        %dma_start3A_88 = arith.constant 0 : i32
        %dma_start3A_89 = tpu.memref_slice %arg7[%run_scoped3A, %dma_start3A, %dma_start3A_88] : memref<2x128x128xf32, #tpu.memory_space<vmem>> -> memref<1x128x128xf32, #tpu.memory_space<vmem>>
        %dma_start3A_90 = tpu.memref_squeeze %dma_start3A_89 : memref<1x128x128xf32, #tpu.memory_space<vmem>> -> memref<128x128xf32, #tpu.memory_space<vmem>>
        %dma_start3A_91 = arith.constant 0 : i32
        %dma_start3A_92 = arith.constant 0 : i32
        %dma_start3A_93 = tpu.memref_slice %arg6[%while3A_25, %dma_start3A_91, %dma_start3A_92] : memref<2x160x128xi32, #tpu.memory_space<vmem>> -> memref<1x160x128xi32, #tpu.memory_space<vmem>>
        %dma_start3A_94 = tpu.memref_squeeze %dma_start3A_93 : memref<1x160x128xi32, #tpu.memory_space<vmem>> -> memref<160x128xi32, #tpu.memory_space<vmem>>
        %dma_start3A_95 = arith.constant 0 : i32
        %dma_start3A_96 = tpu.memref_slice %dma_start3A_94[%mul3A_41, %dma_start3A_95] : memref<160x128xi32, #tpu.memory_space<vmem>> -> memref<1x128xi32, #tpu.memory_space<vmem>>
        %dma_start3A_97 = tpu.memref_squeeze %dma_start3A_96 : memref<1x128xi32, #tpu.memory_space<vmem>> -> memref<128xi32, #tpu.memory_space<vmem>>
        %dma_start3A_98 = arith.constant 0 : i32
        %dma_start3A_99 = arith.constant 0 : i32
        %dma_start3A_100 = tpu.memref_slice %arg8[%dma_start3A_98, %dma_start3A_99] : memref<5128x128xf32, #tpu.memory_space<vmem_shared>> -> memref<5128x128xf32, #tpu.memory_space<vmem_shared>>
        tpu.enqueue_indirect_dma source(%dma_start3A_90 : memref<128x128xf32, #tpu.memory_space<vmem>>) target(%dma_start3A_100 : memref<5128x128xf32, #tpu.memory_space<vmem_shared>>) offsets(%dma_start3A_97 : memref<128xi32, #tpu.memory_space<vmem>>) semaphore(%run_scoped3A_87 : memref<!tpu.dma_semaphore, #tpu.memory_space<semaphore_mem>>) {add = true}
        %dma_wait3A_101 = arith.constant 0 : i32
        %dma_wait3A_102 = arith.constant 0 : i32
        %dma_wait3A_103 = tpu.memref_slice %arg7[%run_scoped3A, %dma_wait3A_101, %dma_wait3A_102] : memref<2x128x128xf32, #tpu.memory_space<vmem>> -> memref<1x128x128xf32, #tpu.memory_space<vmem>>
        %dma_wait3A_104 = tpu.memref_squeeze %dma_wait3A_103 : memref<1x128x128xf32, #tpu.memory_space<vmem>> -> memref<128x128xf32, #tpu.memory_space<vmem>>
        %dma_wait3A_105 = arith.constant 0 : i32
        %dma_wait3A_106 = arith.constant 0 : i32
        %dma_wait3A_107 = tpu.memref_slice %arg6[%while3A_25, %dma_wait3A_105, %dma_wait3A_106] : memref<2x160x128xi32, #tpu.memory_space<vmem>> -> memref<1x160x128xi32, #tpu.memory_space<vmem>>
        %dma_wait3A_108 = tpu.memref_squeeze %dma_wait3A_107 : memref<1x160x128xi32, #tpu.memory_space<vmem>> -> memref<160x128xi32, #tpu.memory_space<vmem>>
        %dma_wait3A_109 = arith.constant 0 : i32
        %dma_wait3A_110 = tpu.memref_slice %dma_wait3A_108[%mul3A_41, %dma_wait3A_109] : memref<160x128xi32, #tpu.memory_space<vmem>> -> memref<1x128xi32, #tpu.memory_space<vmem>>
        %dma_wait3A_111 = tpu.memref_squeeze %dma_wait3A_110 : memref<1x128xi32, #tpu.memory_space<vmem>> -> memref<128xi32, #tpu.memory_space<vmem>>
        %dma_wait3A_112 = arith.constant 0 : i32
        %dma_wait3A_113 = arith.constant 0 : i32
        %dma_wait3A_114 = tpu.memref_slice %arg8[%dma_wait3A_112, %dma_wait3A_113] : memref<5128x128xf32, #tpu.memory_space<vmem_shared>> -> memref<5128x128xf32, #tpu.memory_space<vmem_shared>>
        tpu.wait_indirect_dma semaphore(%run_scoped3A_87 : memref<!tpu.dma_semaphore, #tpu.memory_space<semaphore_mem>>) src(%dma_wait3A_104 : memref<128x128xf32, #tpu.memory_space<vmem>>) dst(%dma_wait3A_114 : memref<5128x128xf32, #tpu.memory_space<vmem_shared>>)
        tpu.yield
      }) : () -> ()
      %add3A_56 = arith.constant 2 : i32
      %add3A_57 = arith.addi %mul3A_41, %add3A_56 : i32
      %lt3A = arith.cmpi slt, %add3A_57, %mul3A_13 : i32
      %convert_element_type3A_58 = arith.extui %lt3A : i1 to i32
      %cond3A_59 = arith.constant 0 : i32
      %cond3A_60 = arith.cmpi ne, %convert_element_type3A_58, %cond3A_59 : i32
      scf.if %cond3A_60 {
        %add3A_87 = arith.constant 2 : i32
        %add3A_88 = arith.addi %mul3A_41, %add3A_87 : i32
        %dma_start3A = arith.constant 0 : i32
        %dma_start3A_89 = arith.constant 0 : i32
        %dma_start3A_90 = arith.constant 0 : i32
        %dma_start3A_91 = tpu.memref_slice %arg7[%dma_start3A, %dma_start3A_89, %dma_start3A_90] : memref<2x128x128xf32, #tpu.memory_space<vmem>> -> memref<1x128x128xf32, #tpu.memory_space<vmem>>
        %dma_start3A_92 = tpu.memref_squeeze %dma_start3A_91 : memref<1x128x128xf32, #tpu.memory_space<vmem>> -> memref<128x128xf32, #tpu.memory_space<vmem>>
        %dma_start3A_93 = arith.constant 0 : i32
        %dma_start3A_94 = arith.constant 0 : i32
        %dma_start3A_95 = tpu.memref_slice %arg6[%while3A_24, %dma_start3A_93, %dma_start3A_94] : memref<2x160x128xi32, #tpu.memory_space<vmem>> -> memref<1x160x128xi32, #tpu.memory_space<vmem>>
        %dma_start3A_96 = tpu.memref_squeeze %dma_start3A_95 : memref<1x160x128xi32, #tpu.memory_space<vmem>> -> memref<160x128xi32, #tpu.memory_space<vmem>>
        %dma_start3A_97 = arith.constant 0 : i32
        %dma_start3A_98 = tpu.memref_slice %dma_start3A_96[%add3A_88, %dma_start3A_97] : memref<160x128xi32, #tpu.memory_space<vmem>> -> memref<1x128xi32, #tpu.memory_space<vmem>>
        %dma_start3A_99 = tpu.memref_squeeze %dma_start3A_98 : memref<1x128xi32, #tpu.memory_space<vmem>> -> memref<128xi32, #tpu.memory_space<vmem>>
        %dma_start3A_100 = arith.constant 0 : i32
        %dma_start3A_101 = arith.constant 0 : i32
        %dma_start3A_102 = tpu.memref_slice %arg2[%dma_start3A_100, %dma_start3A_101] : memref<10240x128xf32, #tpu.memory_space<hbm>> -> memref<10240x128xf32, #tpu.memory_space<hbm>>
        tpu.enqueue_indirect_dma source(%dma_start3A_102 : memref<10240x128xf32, #tpu.memory_space<hbm>>) target(%dma_start3A_92 : memref<128x128xf32, #tpu.memory_space<vmem>>) offsets(%dma_start3A_99 : memref<128xi32, #tpu.memory_space<vmem>>) semaphore(%arg10 : memref<!tpu.dma_semaphore, #tpu.memory_space<semaphore_mem>>)
      } else {
      }
      %add3A_61 = arith.constant 1 : i32
      %add3A_62 = arith.addi %mul3A_41, %add3A_61 : i32
      %dma_wait3A_63 = arith.constant 1 : i32
      %dma_wait3A_64 = arith.constant 0 : i32
      %dma_wait3A_65 = arith.constant 0 : i32
      %dma_wait3A_66 = tpu.memref_slice %arg7[%dma_wait3A_63, %dma_wait3A_64, %dma_wait3A_65] : memref<2x128x128xf32, #tpu.memory_space<vmem>> -> memref<1x128x128xf32, #tpu.memory_space<vmem>>
      %dma_wait3A_67 = tpu.memref_squeeze %dma_wait3A_66 : memref<1x128x128xf32, #tpu.memory_space<vmem>> -> memref<128x128xf32, #tpu.memory_space<vmem>>
      %dma_wait3A_68 = arith.constant 0 : i32
      %dma_wait3A_69 = arith.constant 0 : i32
      %dma_wait3A_70 = tpu.memref_slice %arg6[%while3A_24, %dma_wait3A_68, %dma_wait3A_69] : memref<2x160x128xi32, #tpu.memory_space<vmem>> -> memref<1x160x128xi32, #tpu.memory_space<vmem>>
      %dma_wait3A_71 = tpu.memref_squeeze %dma_wait3A_70 : memref<1x160x128xi32, #tpu.memory_space<vmem>> -> memref<160x128xi32, #tpu.memory_space<vmem>>
      %dma_wait3A_72 = arith.constant 0 : i32
      %dma_wait3A_73 = tpu.memref_slice %dma_wait3A_71[%add3A_62, %dma_wait3A_72] : memref<160x128xi32, #tpu.memory_space<vmem>> -> memref<1x128xi32, #tpu.memory_space<vmem>>
      %dma_wait3A_74 = tpu.memref_squeeze %dma_wait3A_73 : memref<1x128xi32, #tpu.memory_space<vmem>> -> memref<128xi32, #tpu.memory_space<vmem>>
      %dma_wait3A_75 = arith.constant 0 : i32
      %dma_wait3A_76 = arith.constant 0 : i32
      %dma_wait3A_77 = tpu.memref_slice %arg2[%dma_wait3A_75, %dma_wait3A_76] : memref<10240x128xf32, #tpu.memory_space<hbm>> -> memref<10240x128xf32, #tpu.memory_space<hbm>>
      tpu.wait_indirect_dma semaphore(%arg11 : memref<!tpu.dma_semaphore, #tpu.memory_space<semaphore_mem>>) src(%dma_wait3A_77 : memref<10240x128xf32, #tpu.memory_space<hbm>>) dst(%dma_wait3A_67 : memref<128x128xf32, #tpu.memory_space<vmem>>)
      %add3A_78 = arith.constant 1 : i32
      %add3A_79 = arith.addi %mul3A_41, %add3A_78 : i32
      %run_scoped3A_80 = arith.constant 1 : i32
      "tpu.region"() ({
        %run_scoped3A_87 = tpu.sem_alloc : memref<!tpu.dma_semaphore, #tpu.memory_space<semaphore_mem>>
        %dma_start3A = arith.constant 0 : i32
        %dma_start3A_88 = arith.constant 0 : i32
        %dma_start3A_89 = tpu.memref_slice %arg7[%run_scoped3A_80, %dma_start3A, %dma_start3A_88] : memref<2x128x128xf32, #tpu.memory_space<vmem>> -> memref<1x128x128xf32, #tpu.memory_space<vmem>>
        %dma_start3A_90 = tpu.memref_squeeze %dma_start3A_89 : memref<1x128x128xf32, #tpu.memory_space<vmem>> -> memref<128x128xf32, #tpu.memory_space<vmem>>
        %dma_start3A_91 = arith.constant 0 : i32
        %dma_start3A_92 = arith.constant 0 : i32
        %dma_start3A_93 = tpu.memref_slice %arg6[%while3A_25, %dma_start3A_91, %dma_start3A_92] : memref<2x160x128xi32, #tpu.memory_space<vmem>> -> memref<1x160x128xi32, #tpu.memory_space<vmem>>
        %dma_start3A_94 = tpu.memref_squeeze %dma_start3A_93 : memref<1x160x128xi32, #tpu.memory_space<vmem>> -> memref<160x128xi32, #tpu.memory_space<vmem>>
        %dma_start3A_95 = arith.constant 0 : i32
        %dma_start3A_96 = tpu.memref_slice %dma_start3A_94[%add3A_79, %dma_start3A_95] : memref<160x128xi32, #tpu.memory_space<vmem>> -> memref<1x128xi32, #tpu.memory_space<vmem>>
        %dma_start3A_97 = tpu.memref_squeeze %dma_start3A_96 : memref<1x128xi32, #tpu.memory_space<vmem>> -> memref<128xi32, #tpu.memory_space<vmem>>
        %dma_start3A_98 = arith.constant 0 : i32
        %dma_start3A_99 = arith.constant 0 : i32
        %dma_start3A_100 = tpu.memref_slice %arg8[%dma_start3A_98, %dma_start3A_99] : memref<5128x128xf32, #tpu.memory_space<vmem_shared>> -> memref<5128x128xf32, #tpu.memory_space<vmem_shared>>
        tpu.enqueue_indirect_dma source(%dma_start3A_90 : memref<128x128xf32, #tpu.memory_space<vmem>>) target(%dma_start3A_100 : memref<5128x128xf32, #tpu.memory_space<vmem_shared>>) offsets(%dma_start3A_97 : memref<128xi32, #tpu.memory_space<vmem>>) semaphore(%run_scoped3A_87 : memref<!tpu.dma_semaphore, #tpu.memory_space<semaphore_mem>>) {add = true}
        %dma_wait3A_101 = arith.constant 0 : i32
        %dma_wait3A_102 = arith.constant 0 : i32
        %dma_wait3A_103 = tpu.memref_slice %arg7[%run_scoped3A_80, %dma_wait3A_101, %dma_wait3A_102] : memref<2x128x128xf32, #tpu.memory_space<vmem>> -> memref<1x128x128xf32, #tpu.memory_space<vmem>>
        %dma_wait3A_104 = tpu.memref_squeeze %dma_wait3A_103 : memref<1x128x128xf32, #tpu.memory_space<vmem>> -> memref<128x128xf32, #tpu.memory_space<vmem>>
        %dma_wait3A_105 = arith.constant 0 : i32
        %dma_wait3A_106 = arith.constant 0 : i32
        %dma_wait3A_107 = tpu.memref_slice %arg6[%while3A_25, %dma_wait3A_105, %dma_wait3A_106] : memref<2x160x128xi32, #tpu.memory_space<vmem>> -> memref<1x160x128xi32, #tpu.memory_space<vmem>>
        %dma_wait3A_108 = tpu.memref_squeeze %dma_wait3A_107 : memref<1x160x128xi32, #tpu.memory_space<vmem>> -> memref<160x128xi32, #tpu.memory_space<vmem>>
        %dma_wait3A_109 = arith.constant 0 : i32
        %dma_wait3A_110 = tpu.memref_slice %dma_wait3A_108[%add3A_79, %dma_wait3A_109] : memref<160x128xi32, #tpu.memory_space<vmem>> -> memref<1x128xi32, #tpu.memory_space<vmem>>
        %dma_wait3A_111 = tpu.memref_squeeze %dma_wait3A_110 : memref<1x128xi32, #tpu.memory_space<vmem>> -> memref<128xi32, #tpu.memory_space<vmem>>
        %dma_wait3A_112 = arith.constant 0 : i32
        %dma_wait3A_113 = arith.constant 0 : i32
        %dma_wait3A_114 = tpu.memref_slice %arg8[%dma_wait3A_112, %dma_wait3A_113] : memref<5128x128xf32, #tpu.memory_space<vmem_shared>> -> memref<5128x128xf32, #tpu.memory_space<vmem_shared>>
        tpu.wait_indirect_dma semaphore(%run_scoped3A_87 : memref<!tpu.dma_semaphore, #tpu.memory_space<semaphore_mem>>) src(%dma_wait3A_104 : memref<128x128xf32, #tpu.memory_space<vmem>>) dst(%dma_wait3A_114 : memref<5128x128xf32, #tpu.memory_space<vmem_shared>>)
        tpu.yield
      }) : () -> ()
      %add3A_81 = arith.constant 3 : i32
      %add3A_82 = arith.addi %mul3A_41, %add3A_81 : i32
      %lt3A_83 = arith.cmpi slt, %add3A_82, %mul3A_13 : i32
      %convert_element_type3A_84 = arith.extui %lt3A_83 : i1 to i32
      %cond3A_85 = arith.constant 0 : i32
      %cond3A_86 = arith.cmpi ne, %convert_element_type3A_84, %cond3A_85 : i32
      scf.if %cond3A_86 {
        %add3A_87 = arith.constant 3 : i32
        %add3A_88 = arith.addi %mul3A_41, %add3A_87 : i32
        %dma_start3A = arith.constant 1 : i32
        %dma_start3A_89 = arith.constant 0 : i32
        %dma_start3A_90 = arith.constant 0 : i32
        %dma_start3A_91 = tpu.memref_slice %arg7[%dma_start3A, %dma_start3A_89, %dma_start3A_90] : memref<2x128x128xf32, #tpu.memory_space<vmem>> -> memref<1x128x128xf32, #tpu.memory_space<vmem>>
        %dma_start3A_92 = tpu.memref_squeeze %dma_start3A_91 : memref<1x128x128xf32, #tpu.memory_space<vmem>> -> memref<128x128xf32, #tpu.memory_space<vmem>>
        %dma_start3A_93 = arith.constant 0 : i32
        %dma_start3A_94 = arith.constant 0 : i32
        %dma_start3A_95 = tpu.memref_slice %arg6[%while3A_24, %dma_start3A_93, %dma_start3A_94] : memref<2x160x128xi32, #tpu.memory_space<vmem>> -> memref<1x160x128xi32, #tpu.memory_space<vmem>>
        %dma_start3A_96 = tpu.memref_squeeze %dma_start3A_95 : memref<1x160x128xi32, #tpu.memory_space<vmem>> -> memref<160x128xi32, #tpu.memory_space<vmem>>
        %dma_start3A_97 = arith.constant 0 : i32
        %dma_start3A_98 = tpu.memref_slice %dma_start3A_96[%add3A_88, %dma_start3A_97] : memref<160x128xi32, #tpu.memory_space<vmem>> -> memref<1x128xi32, #tpu.memory_space<vmem>>
        %dma_start3A_99 = tpu.memref_squeeze %dma_start3A_98 : memref<1x128xi32, #tpu.memory_space<vmem>> -> memref<128xi32, #tpu.memory_space<vmem>>
        %dma_start3A_100 = arith.constant 0 : i32
        %dma_start3A_101 = arith.constant 0 : i32
        %dma_start3A_102 = tpu.memref_slice %arg2[%dma_start3A_100, %dma_start3A_101] : memref<10240x128xf32, #tpu.memory_space<hbm>> -> memref<10240x128xf32, #tpu.memory_space<hbm>>
        tpu.enqueue_indirect_dma source(%dma_start3A_102 : memref<10240x128xf32, #tpu.memory_space<hbm>>) target(%dma_start3A_92 : memref<128x128xf32, #tpu.memory_space<vmem>>) offsets(%dma_start3A_99 : memref<128xi32, #tpu.memory_space<vmem>>) semaphore(%arg11 : memref<!tpu.dma_semaphore, #tpu.memory_space<semaphore_mem>>)
      } else {
      }
    }
    %barrier3A_35 = arith.constant 0 : index
    tpu.barrier barrier_id(%barrier3A_35)
    %add3A_36 = arith.addi %mul3A_0, %mul3A_2 : i32
    "tpu.region"() ({
      %run_scoped3A = tpu.sem_alloc : memref<!tpu.dma_semaphore, #tpu.memory_space<semaphore_mem>>
      %dma_start3A = arith.constant 0 : i32
      %dma_start3A_37 = tpu.memref_slice %arg5[%add3A_36, %dma_start3A] : memref<10240x128xf32, #tpu.memory_space<hbm>> -> memref<320x128xf32, #tpu.memory_space<hbm>>
      %dma_start3A_38 = arith.constant 0 : i32
      %dma_start3A_39 = tpu.memref_slice %arg8[%mul3A_2, %dma_start3A_38] : memref<5128x128xf32, #tpu.memory_space<vmem_shared>> -> memref<320x128xf32, #tpu.memory_space<vmem_shared>>
      tpu.enqueue_dma source(%dma_start3A_39 : memref<320x128xf32, #tpu.memory_space<vmem_shared>>) target(%dma_start3A_37 : memref<320x128xf32, #tpu.memory_space<hbm>>) target_semaphore(%run_scoped3A : memref<!tpu.dma_semaphore, #tpu.memory_space<semaphore_mem>>)
      %dma_wait3A = arith.constant 0 : i32
      %dma_wait3A_40 = tpu.memref_slice %arg5[%add3A_36, %dma_wait3A] : memref<10240x128xf32, #tpu.memory_space<hbm>> -> memref<320x128xf32, #tpu.memory_space<hbm>>
      %dma_wait3A_41 = arith.constant 0 : i32
      %dma_wait3A_42 = tpu.memref_slice %arg8[%mul3A_2, %dma_wait3A_41] : memref<5128x128xf32, #tpu.memory_space<vmem_shared>> -> memref<320x128xf32, #tpu.memory_space<vmem_shared>>
      tpu.wait_dma2 semaphore(%run_scoped3A : memref<!tpu.dma_semaphore, #tpu.memory_space<semaphore_mem>>) src(%dma_wait3A_42 : memref<320x128xf32, #tpu.memory_space<vmem_shared>>) dst(%dma_wait3A_40 : memref<320x128xf32, #tpu.memory_space<hbm>>)
      tpu.yield
    }) : () -> ()
    return
  }
}

module attributes {stable_mosaic.version = 14 : i64} {
  func.func @body(%arg0: i32, %arg1: memref<32x2048xf32, #tpu.memory_space<vmem>>, %arg2: memref<2048x128xf32, #tpu.memory_space<vmem>>, %arg3: memref<128x128xf32, #tpu.memory_space<vmem>>, %arg4: memref<2048x128xf32, #tpu.memory_space<vmem>>) attributes {dimension_semantics = [#tpu.dimension_semantics<arbitrary>], iteration_bounds = array<i64: 5>, scalar_prefetch = 0 : i64, scratch_operands = 0 : i64, tpu.core_type = #tpu.core_type<tc>, window_params = [{transform_indices = @transform_0, window_bounds = array<i64: 32, 2048>}, {transform_indices = @transform_1, window_bounds = array<i64: 2048, 128>}, {pipeline_mode = #tpu.pipeline_mode<synchronous>, transform_indices = @transform_2, window_bounds = array<i64: 128, 128>}, {transform_indices = @transform_3, window_bounds = array<i64: 2048, 128>}]} {
    %get3A = arith.constant 0 : index
    %get3A_0 = arith.constant 0 : index
    %get3A_1 = vector.load %arg1[%get3A, %get3A_0] : memref<32x2048xf32, #tpu.memory_space<vmem>>, vector<32x2048xf32>
    %reduce_sum3A = arith.constant dense<0.000000e+00> : vector<2048xf32>
    %reduce_sum3A_2 = vector.multi_reduction <add>, %get3A_1, %reduce_sum3A [0] : vector<32x2048xf32> to vector<2048xf32>
    %add3A = arith.constant 1.000000e+00 : f32
    %add3A_3 = vector.broadcast %add3A : f32 to vector<2048xf32>
    %add3A_4 = arith.addf %reduce_sum3A_2, %add3A_3 : vector<2048xf32>
    %rsqrt3A = math.rsqrt %add3A_4 : vector<2048xf32>
    %get3A_5 = arith.constant 0 : index
    %get3A_6 = arith.constant 0 : index
    %get3A_7 = vector.load %arg2[%get3A_5, %get3A_6] : memref<2048x128xf32, #tpu.memory_space<vmem>>, vector<2048x128xf32>
    %get3A_8 = arith.constant 0 : index
    %get3A_9 = arith.constant 0 : index
    %get3A_10 = vector.load %arg3[%get3A_8, %get3A_9] : memref<128x128xf32, #tpu.memory_space<vmem>>, vector<128x128xf32>
    %dot_general3A = arith.constant dense<0.000000e+00> : vector<2048x128xf32>
    %dot_general3A_11 = tpu.matmul %get3A_7, %get3A_10, %dot_general3A {dimension_numbers = #tpu.dot_dimension_numbers<[1], [0], [0], [1], [0, 0, 1, 1], [], []>, precision = #tpu.contract_precision<fp32>, transpose_lhs_hint = false} : vector<2048x128xf32>, vector<128x128xf32>, vector<2048x128xf32> -> vector<2048x128xf32>
    %broadcast_in_dim3A = vector.shape_cast %rsqrt3A : vector<2048xf32> to vector<2048x1xf32>
    %mul3A = vector.broadcast %broadcast_in_dim3A : vector<2048x1xf32> to vector<2048x128xf32>
    %mul3A_12 = arith.mulf %dot_general3A_11, %mul3A : vector<2048x128xf32>
    %swap3A = arith.constant 0 : index
    %swap3A_13 = arith.constant 0 : index
    %swap3A_14 = vector.load %arg4[%swap3A, %swap3A_13] : memref<2048x128xf32, #tpu.memory_space<vmem>>, vector<2048x128xf32>
    tpu.vector_store %arg4[%swap3A, %swap3A_13], %mul3A_12 {strides = array<i32>} : memref<2048x128xf32, #tpu.memory_space<vmem>>, vector<2048x128xf32>,
    return
  }
  func.func @transform_0(%arg0: i32) -> (i32, i32) {
    %c0_i32 = arith.constant 0 : i32
    %c0_i32_0 = arith.constant 0 : i32
    return %c0_i32, %arg0 : i32, i32
  }
  func.func @transform_1(%arg0: i32) -> (i32, i32) {
    %c0_i32 = arith.constant 0 : i32
    %c0_i32_0 = arith.constant 0 : i32
    return %arg0, %c0_i32 : i32, i32
  }
  func.func @transform_2(%arg0: i32) -> (i32, i32) {
    %c0_i32 = arith.constant 0 : i32
    %c0_i32_0 = arith.constant 0 : i32
    %c0_i32_1 = arith.constant 0 : i32
    return %c0_i32, %c0_i32_0 : i32, i32
  }
  func.func @transform_3(%arg0: i32) -> (i32, i32) {
    %c0_i32 = arith.constant 0 : i32
    %c0_i32_0 = arith.constant 0 : i32
    return %arg0, %c0_i32 : i32, i32
  }
}

module attributes {stable_mosaic.version = 14 : i64} {
  func.func @body(%arg0: i32, %arg1: memref<32x2048xf32, #tpu.memory_space<vmem>>, %arg2: memref<2048x128xf32, #tpu.memory_space<vmem>>, %arg3: memref<2048x128xf32, #tpu.memory_space<vmem>>, %arg4: memref<1x128xf32, #tpu.memory_space<vmem>>, %arg5: memref<128x128xf32, #tpu.memory_space<vmem>>, %arg6: memref<2048x128xf32, #tpu.memory_space<vmem>>) attributes {dimension_semantics = [#tpu.dimension_semantics<arbitrary>], iteration_bounds = array<i64: 5>, scalar_prefetch = 0 : i64, scratch_operands = 0 : i64, tpu.core_type = #tpu.core_type<tc>, window_params = [{transform_indices = @transform_0, window_bounds = array<i64: 32, 2048>}, {transform_indices = @transform_1, window_bounds = array<i64: 2048, 128>}, {transform_indices = @transform_2, window_bounds = array<i64: 2048, 128>}, {pipeline_mode = #tpu.pipeline_mode<synchronous>, transform_indices = @transform_3, window_bounds = array<i64: 1, 128>}, {pipeline_mode = #tpu.pipeline_mode<synchronous>, transform_indices = @transform_4, window_bounds = array<i64: 128, 128>}, {transform_indices = @transform_5, window_bounds = array<i64: 2048, 128>}]} {
    %get3A = arith.constant 0 : index
    %get3A_0 = arith.constant 0 : index
    %get3A_1 = vector.load %arg1[%get3A, %get3A_0] : memref<32x2048xf32, #tpu.memory_space<vmem>>, vector<32x2048xf32>
    %reduce_sum3A = arith.constant dense<0.000000e+00> : vector<2048xf32>
    %reduce_sum3A_2 = vector.multi_reduction <add>, %get3A_1, %reduce_sum3A [0] : vector<32x2048xf32> to vector<2048xf32>
    %add3A = arith.constant 1.000000e+00 : f32
    %add3A_3 = vector.broadcast %add3A : f32 to vector<2048xf32>
    %add3A_4 = arith.addf %reduce_sum3A_2, %add3A_3 : vector<2048xf32>
    %rsqrt3A = math.rsqrt %add3A_4 : vector<2048xf32>
    %get3A_5 = arith.constant 0 : index
    %get3A_6 = arith.constant 0 : index
    %get3A_7 = vector.load %arg2[%get3A_5, %get3A_6] : memref<2048x128xf32, #tpu.memory_space<vmem>>, vector<2048x128xf32>
    %get3A_8 = arith.constant 0 : index
    %get3A_9 = arith.constant 0 : index
    %get3A_10 = vector.load %arg3[%get3A_8, %get3A_9] : memref<2048x128xf32, #tpu.memory_space<vmem>>, vector<2048x128xf32>
    %sub3A = arith.subf %get3A_7, %get3A_10 : vector<2048x128xf32>
    %broadcast_in_dim3A = vector.shape_cast %rsqrt3A : vector<2048xf32> to vector<2048x1xf32>
    %mul3A = vector.broadcast %broadcast_in_dim3A : vector<2048x1xf32> to vector<2048x128xf32>
    %mul3A_11 = arith.mulf %sub3A, %mul3A : vector<2048x128xf32>
    %get3A_12 = arith.constant 0 : index
    %get3A_13 = arith.constant 0 : index
    %get3A_14 = vector.load %arg4[%get3A_12, %get3A_13] : memref<1x128xf32, #tpu.memory_space<vmem>>, vector<1x128xf32>
    %add3A_15 = vector.broadcast %get3A_14 : vector<1x128xf32> to vector<2048x128xf32>
    %add3A_16 = arith.addf %mul3A_11, %add3A_15 : vector<2048x128xf32>
    %max3A = arith.constant 0.000000e+00 : f32
    %max3A_17 = vector.broadcast %max3A : f32 to vector<2048x128xf32>
    %max3A_18 = arith.maximumf %add3A_16, %max3A_17 : vector<2048x128xf32>
    %get3A_19 = arith.constant 0 : index
    %get3A_20 = arith.constant 0 : index
    %get3A_21 = vector.load %arg5[%get3A_19, %get3A_20] : memref<128x128xf32, #tpu.memory_space<vmem>>, vector<128x128xf32>
    %dot_general3A = arith.constant dense<0.000000e+00> : vector<2048x128xf32>
    %dot_general3A_22 = tpu.matmul %max3A_18, %get3A_21, %dot_general3A {dimension_numbers = #tpu.dot_dimension_numbers<[1], [0], [0], [1], [0, 0, 1, 1], [], []>, precision = #tpu.contract_precision<fp32>, transpose_lhs_hint = false} : vector<2048x128xf32>, vector<128x128xf32>, vector<2048x128xf32> -> vector<2048x128xf32>
    %broadcast_in_dim3A_23 = vector.shape_cast %rsqrt3A : vector<2048xf32> to vector<2048x1xf32>
    %mul3A_24 = vector.broadcast %broadcast_in_dim3A_23 : vector<2048x1xf32> to vector<2048x128xf32>
    %mul3A_25 = arith.mulf %dot_general3A_22, %mul3A_24 : vector<2048x128xf32>
    %swap3A = arith.constant 0 : index
    %swap3A_26 = arith.constant 0 : index
    %swap3A_27 = vector.load %arg6[%swap3A, %swap3A_26] : memref<2048x128xf32, #tpu.memory_space<vmem>>, vector<2048x128xf32>
    tpu.vector_store %arg6[%swap3A, %swap3A_26], %mul3A_25 {strides = array<i32>} : memref<2048x128xf32, #tpu.memory_space<vmem>>, vector<2048x128xf32>,
    return
  }
  func.func @transform_0(%arg0: i32) -> (i32, i32) {
    %c0_i32 = arith.constant 0 : i32
    %c0_i32_0 = arith.constant 0 : i32
    return %c0_i32, %arg0 : i32, i32
  }
  func.func @transform_1(%arg0: i32) -> (i32, i32) {
    %c0_i32 = arith.constant 0 : i32
    %c0_i32_0 = arith.constant 0 : i32
    return %arg0, %c0_i32 : i32, i32
  }
  func.func @transform_2(%arg0: i32) -> (i32, i32) {
    %c0_i32 = arith.constant 0 : i32
    %c0_i32_0 = arith.constant 0 : i32
    return %arg0, %c0_i32 : i32, i32
  }
  func.func @transform_3(%arg0: i32) -> (i32, i32) {
    %c0_i32 = arith.constant 0 : i32
    %c0_i32_0 = arith.constant 0 : i32
    %c0_i32_1 = arith.constant 0 : i32
    return %c0_i32, %c0_i32_0 : i32, i32
  }
  func.func @transform_4(%arg0: i32) -> (i32, i32) {
    %c0_i32 = arith.constant 0 : i32
    %c0_i32_0 = arith.constant 0 : i32
    %c0_i32_1 = arith.constant 0 : i32
    return %c0_i32, %c0_i32_0 : i32, i32
  }
  func.func @transform_5(%arg0: i32) -> (i32, i32) {
    %c0_i32 = arith.constant 0 : i32
    %c0_i32_0 = arith.constant 0 : i32
    return %arg0, %c0_i32 : i32, i32
  }
}

module attributes {stable_mosaic.version = 14 : i64} {
  func.func @_lambda_(%arg0: i32, %arg1: memref<32x2048xf32, #tpu.memory_space<vmem>>, %arg2: memref<2048x128xf32, #tpu.memory_space<vmem>>, %arg3: memref<2048x128xf32, #tpu.memory_space<vmem>>, %arg4: memref<1x128xf32, #tpu.memory_space<vmem>>, %arg5: memref<2048x128xf32, #tpu.memory_space<vmem>>) attributes {dimension_semantics = [#tpu.dimension_semantics<arbitrary>], iteration_bounds = array<i64: 5>, scalar_prefetch = 0 : i64, scratch_operands = 0 : i64, tpu.core_type = #tpu.core_type<tc>, window_params = [{transform_indices = @transform_0, window_bounds = array<i64: 32, 2048>}, {transform_indices = @transform_1, window_bounds = array<i64: 2048, 128>}, {transform_indices = @transform_2, window_bounds = array<i64: 2048, 128>}, {pipeline_mode = #tpu.pipeline_mode<synchronous>, transform_indices = @transform_3, window_bounds = array<i64: 1, 128>}, {transform_indices = @transform_4, window_bounds = array<i64: 2048, 128>}]} {
    %get3A = arith.constant 0 : index
    %get3A_0 = arith.constant 0 : index
    %get3A_1 = vector.load %arg1[%get3A, %get3A_0] : memref<32x2048xf32, #tpu.memory_space<vmem>>, vector<32x2048xf32>
    %reduce_sum3A = arith.constant dense<0.000000e+00> : vector<2048xf32>
    %reduce_sum3A_2 = vector.multi_reduction <add>, %get3A_1, %reduce_sum3A [0] : vector<32x2048xf32> to vector<2048xf32>
    %add3A = arith.constant 1.000000e+00 : f32
    %add3A_3 = vector.broadcast %add3A : f32 to vector<2048xf32>
    %add3A_4 = arith.addf %reduce_sum3A_2, %add3A_3 : vector<2048xf32>
    %rsqrt3A = math.rsqrt %add3A_4 : vector<2048xf32>
    %get3A_5 = arith.constant 0 : index
    %get3A_6 = arith.constant 0 : index
    %get3A_7 = vector.load %arg2[%get3A_5, %get3A_6] : memref<2048x128xf32, #tpu.memory_space<vmem>>, vector<2048x128xf32>
    %get3A_8 = arith.constant 0 : index
    %get3A_9 = arith.constant 0 : index
    %get3A_10 = vector.load %arg3[%get3A_8, %get3A_9] : memref<2048x128xf32, #tpu.memory_space<vmem>>, vector<2048x128xf32>
    %sub3A = arith.subf %get3A_7, %get3A_10 : vector<2048x128xf32>
    %broadcast_in_dim3A = vector.shape_cast %rsqrt3A : vector<2048xf32> to vector<2048x1xf32>
    %mul3A = vector.broadcast %broadcast_in_dim3A : vector<2048x1xf32> to vector<2048x128xf32>
    %mul3A_11 = arith.mulf %sub3A, %mul3A : vector<2048x128xf32>
    %get3A_12 = arith.constant 0 : index
    %get3A_13 = arith.constant 0 : index
    %get3A_14 = vector.load %arg4[%get3A_12, %get3A_13] : memref<1x128xf32, #tpu.memory_space<vmem>>, vector<1x128xf32>
    %add3A_15 = vector.broadcast %get3A_14 : vector<1x128xf32> to vector<2048x128xf32>
    %add3A_16 = arith.addf %mul3A_11, %add3A_15 : vector<2048x128xf32>
    %max3A = arith.constant 0.000000e+00 : f32
    %max3A_17 = vector.broadcast %max3A : f32 to vector<2048x128xf32>
    %max3A_18 = arith.maximumf %add3A_16, %max3A_17 : vector<2048x128xf32>
    %broadcast_in_dim3A_19 = vector.shape_cast %rsqrt3A : vector<2048xf32> to vector<2048x1xf32>
    %mul3A_20 = vector.broadcast %broadcast_in_dim3A_19 : vector<2048x1xf32> to vector<2048x128xf32>
    %mul3A_21 = arith.mulf %max3A_18, %mul3A_20 : vector<2048x128xf32>
    %swap3A = arith.constant 0 : index
    %swap3A_22 = arith.constant 0 : index
    %swap3A_23 = vector.load %arg5[%swap3A, %swap3A_22] : memref<2048x128xf32, #tpu.memory_space<vmem>>, vector<2048x128xf32>
    tpu.vector_store %arg5[%swap3A, %swap3A_22], %mul3A_21 {strides = array<i32>} : memref<2048x128xf32, #tpu.memory_space<vmem>>, vector<2048x128xf32>,
    return
  }
  func.func @transform_0(%arg0: i32) -> (i32, i32) {
    %c0_i32 = arith.constant 0 : i32
    %c0_i32_0 = arith.constant 0 : i32
    return %c0_i32, %arg0 : i32, i32
  }
  func.func @transform_1(%arg0: i32) -> (i32, i32) {
    %c0_i32 = arith.constant 0 : i32
    %c0_i32_0 = arith.constant 0 : i32
    return %arg0, %c0_i32 : i32, i32
  }
  func.func @transform_2(%arg0: i32) -> (i32, i32) {
    %c0_i32 = arith.constant 0 : i32
    %c0_i32_0 = arith.constant 0 : i32
    return %arg0, %c0_i32 : i32, i32
  }
  func.func @transform_3(%arg0: i32) -> (i32, i32) {
    %c0_i32 = arith.constant 0 : i32
    %c0_i32_0 = arith.constant 0 : i32
    %c0_i32_1 = arith.constant 0 : i32
    return %c0_i32, %c0_i32_0 : i32, i32
  }
  func.func @transform_4(%arg0: i32) -> (i32, i32) {
    %c0_i32 = arith.constant 0 : i32
    %c0_i32_0 = arith.constant 0 : i32
    return %arg0, %c0_i32 : i32, i32
  }
}

module attributes {stable_mosaic.version = 14 : i64} {
  func.func @body(%arg0: i32, %arg1: memref<32x2048xf32, #tpu.memory_space<vmem>>, %arg2: memref<2048x128xf32, #tpu.memory_space<vmem>>, %arg3: memref<2048x128xf32, #tpu.memory_space<vmem>>, %arg4: memref<128x16xf32, #tpu.memory_space<vmem>>, %arg5: memref<1x16xf32, #tpu.memory_space<vmem>>, %arg6: memref<2048x16xf32, #tpu.memory_space<vmem>>) attributes {dimension_semantics = [#tpu.dimension_semantics<arbitrary>], iteration_bounds = array<i64: 5>, scalar_prefetch = 0 : i64, scratch_operands = 0 : i64, tpu.core_type = #tpu.core_type<tc>, window_params = [{transform_indices = @transform_0, window_bounds = array<i64: 32, 2048>}, {transform_indices = @transform_1, window_bounds = array<i64: 2048, 128>}, {transform_indices = @transform_2, window_bounds = array<i64: 2048, 128>}, {pipeline_mode = #tpu.pipeline_mode<synchronous>, transform_indices = @transform_3, window_bounds = array<i64: 128, 16>}, {pipeline_mode = #tpu.pipeline_mode<synchronous>, transform_indices = @transform_4, window_bounds = array<i64: 1, 16>}, {transform_indices = @transform_5, window_bounds = array<i64: 2048, 16>}]} {
    %get3A = arith.constant 0 : index
    %get3A_0 = arith.constant 0 : index
    %get3A_1 = vector.load %arg1[%get3A, %get3A_0] : memref<32x2048xf32, #tpu.memory_space<vmem>>, vector<32x2048xf32>
    %reduce_sum3A = arith.constant dense<0.000000e+00> : vector<2048xf32>
    %reduce_sum3A_2 = vector.multi_reduction <add>, %get3A_1, %reduce_sum3A [0] : vector<32x2048xf32> to vector<2048xf32>
    %add3A = arith.constant 1.000000e+00 : f32
    %add3A_3 = vector.broadcast %add3A : f32 to vector<2048xf32>
    %add3A_4 = arith.addf %reduce_sum3A_2, %add3A_3 : vector<2048xf32>
    %rsqrt3A = math.rsqrt %add3A_4 : vector<2048xf32>
    %get3A_5 = arith.constant 0 : index
    %get3A_6 = arith.constant 0 : index
    %get3A_7 = vector.load %arg2[%get3A_5, %get3A_6] : memref<2048x128xf32, #tpu.memory_space<vmem>>, vector<2048x128xf32>
    %get3A_8 = arith.constant 0 : index
    %get3A_9 = arith.constant 0 : index
    %get3A_10 = vector.load %arg3[%get3A_8, %get3A_9] : memref<2048x128xf32, #tpu.memory_space<vmem>>, vector<2048x128xf32>
    %sub3A = arith.subf %get3A_7, %get3A_10 : vector<2048x128xf32>
    %broadcast_in_dim3A = vector.shape_cast %rsqrt3A : vector<2048xf32> to vector<2048x1xf32>
    %mul3A = vector.broadcast %broadcast_in_dim3A : vector<2048x1xf32> to vector<2048x128xf32>
    %mul3A_11 = arith.mulf %sub3A, %mul3A : vector<2048x128xf32>
    %get3A_12 = arith.constant 0 : index
    %get3A_13 = arith.constant 0 : index
    %get3A_14 = vector.load %arg4[%get3A_12, %get3A_13] : memref<128x16xf32, #tpu.memory_space<vmem>>, vector<128x16xf32>
    %dot_general3A = arith.constant dense<0.000000e+00> : vector<2048x16xf32>
    %dot_general3A_15 = tpu.matmul %mul3A_11, %get3A_14, %dot_general3A {dimension_numbers = #tpu.dot_dimension_numbers<[1], [0], [0], [1], [0, 0, 1, 1], [], []>, precision = #tpu.contract_precision<fp32>, transpose_lhs_hint = false} : vector<2048x128xf32>, vector<128x16xf32>, vector<2048x16xf32> -> vector<2048x16xf32>
    %get3A_16 = arith.constant 0 : index
    %get3A_17 = arith.constant 0 : index
    %get3A_18 = vector.load %arg5[%get3A_16, %get3A_17] : memref<1x16xf32, #tpu.memory_space<vmem>>, vector<1x16xf32>
    %add3A_19 = vector.broadcast %get3A_18 : vector<1x16xf32> to vector<2048x16xf32>
    %add3A_20 = arith.addf %dot_general3A_15, %add3A_19 : vector<2048x16xf32>
    %reduce_max3A = arith.constant dense<0xFF800000> : vector<2048xf32>
    %reduce_max3A_21 = vector.multi_reduction <maximumf>, %add3A_20, %reduce_max3A [1] : vector<2048x16xf32> to vector<2048xf32>
    %broadcast_in_dim3A_22 = vector.shape_cast %reduce_max3A_21 : vector<2048xf32> to vector<2048x1xf32>
    %sub3A_23 = vector.broadcast %broadcast_in_dim3A_22 : vector<2048x1xf32> to vector<2048x16xf32>
    %sub3A_24 = arith.subf %add3A_20, %sub3A_23 : vector<2048x16xf32>
    %exp3A = math.exp %sub3A_24 : vector<2048x16xf32>
    %reduce_sum3A_25 = arith.constant dense<0.000000e+00> : vector<2048xf32>
    %reduce_sum3A_26 = vector.multi_reduction <add>, %exp3A, %reduce_sum3A_25 [1] : vector<2048x16xf32> to vector<2048xf32>
    %broadcast_in_dim3A_27 = vector.shape_cast %reduce_sum3A_26 : vector<2048xf32> to vector<2048x1xf32>
    %log3A = math.log %broadcast_in_dim3A_27 : vector<2048x1xf32>
    %sub3A_28 = vector.broadcast %log3A : vector<2048x1xf32> to vector<2048x16xf32>
    %sub3A_29 = arith.subf %sub3A_24, %sub3A_28 : vector<2048x16xf32>
    %swap3A = arith.constant 0 : index
    %swap3A_30 = arith.constant 0 : index
    %swap3A_31 = vector.load %arg6[%swap3A, %swap3A_30] : memref<2048x16xf32, #tpu.memory_space<vmem>>, vector<2048x16xf32>
    tpu.vector_store %arg6[%swap3A, %swap3A_30], %sub3A_29 {strides = array<i32>} : memref<2048x16xf32, #tpu.memory_space<vmem>>, vector<2048x16xf32>,
    return
  }
  func.func @transform_0(%arg0: i32) -> (i32, i32) {
    %c0_i32 = arith.constant 0 : i32
    %c0_i32_0 = arith.constant 0 : i32
    return %c0_i32, %arg0 : i32, i32
  }
  func.func @transform_1(%arg0: i32) -> (i32, i32) {
    %c0_i32 = arith.constant 0 : i32
    %c0_i32_0 = arith.constant 0 : i32
    return %arg0, %c0_i32 : i32, i32
  }
  func.func @transform_2(%arg0: i32) -> (i32, i32) {
    %c0_i32 = arith.constant 0 : i32
    %c0_i32_0 = arith.constant 0 : i32
    return %arg0, %c0_i32 : i32, i32
  }
  func.func @transform_3(%arg0: i32) -> (i32, i32) {
    %c0_i32 = arith.constant 0 : i32
    %c0_i32_0 = arith.constant 0 : i32
    %c0_i32_1 = arith.constant 0 : i32
    return %c0_i32, %c0_i32_0 : i32, i32
  }
  func.func @transform_4(%arg0: i32) -> (i32, i32) {
    %c0_i32 = arith.constant 0 : i32
    %c0_i32_0 = arith.constant 0 : i32
    %c0_i32_1 = arith.constant 0 : i32
    return %c0_i32, %c0_i32_0 : i32, i32
  }
  func.func @transform_5(%arg0: i32) -> (i32, i32) {
    %c0_i32 = arith.constant 0 : i32
    %c0_i32_0 = arith.constant 0 : i32
    return %arg0, %c0_i32 : i32, i32
  }
}

</mosaic_0001>

<sc_bundles>
// kernel: kernel.13.cloned.1.call-start
scs
__scs_entry_jumppad:
0x0: {  	(pc) =	sbr.rel $0x88, $3  }
0x1: {  	(tag) =	ssettag $0x0;
	lr =	simm.s32 $0x1  }
0x2: {  	[smem:$0x3F97] =	sst lr;
	_ =	strace $0xD0000000  }
0x3: {  	_ = 	snop  }
0x4: {  	_ = 	snop  }
0x5: {  	_ = 	snop  }
0x6: {  	_ = 	snop  }
0x7: {  	_ = 	snop  }
__scs_overlays_trampoline_lowered:
0x8: {  	[smem:$0x3FA6] =	sst s0  }
0x9: {  	[smem:$0x3FA7] =	sst s1  }
0xa: {  	[smem:$0x3FA8] =	sst s2  }
0xb: {  	[smem:$0x3FA9] =	sst s3  }
0xc: {  	[smem:$0x3FAA] =	sst s4  }
0xd: {  	[smem:$0x3FAB] =	sst s5  }
0xe: {  	[smem:$0x3FAC] =	sst s6  }
0xf: {  	[smem:$0x3FAD] =	sst s7  }
0x10: {  	[smem:$0x3FAE] =	sst s8  }
0x11: {  	[smem:$0x3FAF] =	sst s9;
	s0 =	simm.s32 @!p0 $0x0  }
0x12: {  	s1 =	sld [smem:$0x3F95];
	s0 =	simm.s32 @p0 $0x1  }
0x13: {  	[smem:$0x3FB0] =	sst s0;
	s0 =	simm.s32 @!p1 $0x0  }
0x14: {  	s2 =	sld [smem:$0x3F94];
	s0 =	simm.s32 @p1 $0x1  }
0x15: {  	[smem:$0x3FB1] =	sst s0;
	s0 =	simm.s32 @!p2 $0x0  }
0x16: {  	s3 =	sld [smem:$0x3FDB];
	s0 =	simm.s32 @p2 $0x1  }
0x17: {  	s4 =	simm.s32 $0x1BF5;
	[smem:$0x3FB3] =	sst s0  }
0x18: {  	s0 =	sld [smem:$0x3F96];
	_ =	swait.ge [sflag:s4], $0x0  }
0x19: {  	s7 =	sld [smem:$0x3F97]  }
0x1a: {  	s8 =	sadd.s32 $0xFFFFE003, lr  }
0x1b: {  	s9 =	sadd.s32 $0xFFFFFEF7, lr;
	s5 =	simm.s32 $0xFFFFFFFF;
	p2 =	slt.u32 s8, $0xFFFFF086  }
0x1c: {  	p1 =	slt.u32 s9, $0xF7A;
	s5 =	simm.s32 @!p2 $0x0  }
0x1d: {  	s5 =	simm.s32 @p1 $0x1;
	p0 =	seq.s32 s7, s2  }
0x1e: {  	s7 =	smul.u32 @!p0 $0xF7A, s2;
	p2 =	seq.s32 @!p0 s5, $0x0  }
0x1f: {  	s9 =	smul.u32 $0xF7A, s1;
	s8 =	simm.s32 @!p0 $0x1BF5;
	p2 =	por !p2, p0  }
0x20: {  	[sflag:s8] =	ssyncset.s32 @!p0 $0xFFFFF086;
	s6 =	sadd.s32 @!p0 s3, s7;
	s7 =	simm.s32 @!p0 $0x108  }
0x21: {  	s3 =	sadd.s32 s3, s9;
	s6 =	sadd.s32 @!p0 $0x88, s6;
	s7 =	simm.s32 @p2 $0x1082  }
0x22: {  	[simem:s7], [sflag:s8] =	dma.local @!p0 [hbm:s6], $0xF7A  }
0x23: {  	s9 =	sor.u32 $0xD0000000, s2;
	s6 =	simm.s32 $0x108;
	_ =	swait.ge @!p0 [sflag:s8], $0x0  }
0x24: {  	s3 =	sadd.s32 $0x88, s3;
	s6 =	simm.s32 @!p1 $0x1082;
	[sflag:s4] =	ssyncset.s32 $0xFFFFF086  }
0x25: {  	[simem:s6], [sflag:s4] =	dma.local [hbm:s3], $0xF7A  }
0x26: {  	[smem:$0x3F97] =	sst s1;
	(tag) =	ssettag s2;
	_ =	strace s9  }
0x27: {  	s1 =	sld [smem:$0x3FA7]  }
0x28: {  	s2 =	sld [smem:$0x3FA8]  }
0x29: {  	s4 =	sld [smem:$0x3FAA]  }
0x2a: {  	p0 =	seq.s32 s5, $0x0;
	s5 =	sld [smem:$0x3FAB]  }
0x2b: {  	s6 =	sld [smem:$0x3FAC]  }
0x2c: {  	s7 =	sld [smem:$0x3FAD]  }
0x2d: {  	s3 =	simm.s32 $0x108;
	s8 =	sld [smem:$0x3FAE]  }
0x2e: {  	s3 =	simm.s32 @!p0 $0x1082;
	s9 =	sld [smem:$0x3FAF]  }
0x2f: {  	lr =	sadd.s32 s0, s3;
	s0 =	sld [smem:$0x3FA6]  }
0x30: {  	s3 =	sld [smem:$0x3FA9]  }
0x31: {  	[smem:$0x3FB2] =	sst s10  }
0x32: {  	s10 =	sld [smem:$0x3FB0];
	_ =	sdelay $0x3  }
0x33: {  	p0 =	seq.s32 s10, $0x1;
	s10 =	sld [smem:$0x3FB2];
	_ =	sdelay $0x3  }
0x34: {  	[smem:$0x3FB2] =	sst s10  }
0x35: {  	s10 =	sld [smem:$0x3FB1];
	_ =	sdelay $0x3  }
0x36: {  	p1 =	seq.s32 s10, $0x1;
	s10 =	sld [smem:$0x3FB2];
	_ =	sdelay $0x3  }
0x37: {  	[smem:$0x3FB2] =	sst s10  }
0x38: {  	s10 =	sld [smem:$0x3FB3]  }
0x39: {  	_ = 	snop;
	(pc) =	sbr.ind lr, $3  }
0x3a: {  	_ = 	snop  }
0x3b: {  	_ = 	snop  }
0x3c: {  	p2 =	seq.s32 s10, $0x1;
	s10 =	sld [smem:$0x3FB2]  }
0x3d: {  	_ =	shalt  }
0x3e: {  	_ =	shalt  }
0x3f: {  	_ =	shalt  }
0x40: {  	_ =	shalt  }
0x41: {  	_ =	shalt  }
0x42: {  	_ =	shalt  }
0x43: {  	_ =	shalt  }
0x44: {  	_ =	shalt  }
0x45: {  	_ =	shalt  }
0x46: {  	_ =	shalt  }
0x47: {  	_ =	shalt  }
0x48: {  	_ =	shalt  }
0x49: {  	_ =	shalt  }
0x4a: {  	_ =	shalt  }
0x4b: {  	_ =	shalt  }
0x4c: {  	_ =	shalt  }
0x4d: {  	_ =	shalt  }
0x4e: {  	_ =	shalt  }
0x4f: {  	_ =	shalt  }
0x50: {  	_ =	shalt  }
0x51: {  	_ =	shalt  }
0x52: {  	_ =	shalt  }
0x53: {  	_ =	shalt  }
0x54: {  	_ =	shalt  }
0x55: {  	_ =	shalt  }
0x56: {  	_ =	shalt  }
0x57: {  	_ =	shalt  }
0x58: {  	_ =	shalt  }
0x59: {  	_ =	shalt  }
0x5a: {  	_ =	shalt  }
0x5b: {  	_ =	shalt  }
0x5c: {  	_ =	shalt  }
0x5d: {  	_ =	shalt  }
0x5e: {  	_ =	shalt  }
0x5f: {  	_ =	shalt  }
0x60: {  	_ =	shalt  }
0x61: {  	_ =	shalt  }
0x62: {  	_ =	shalt  }
0x63: {  	_ =	shalt  }
0x64: {  	_ =	shalt  }
0x65: {  	_ =	shalt  }
0x66: {  	_ =	shalt  }
0x67: {  	_ =	shalt  }
0x68: {  	_ =	shalt  }
0x69: {  	_ =	shalt  }
0x6a: {  	_ =	shalt  }
0x6b: {  	_ =	shalt  }
0x6c: {  	_ =	shalt  }
0x6d: {  	_ =	shalt  }
0x6e: {  	_ =	shalt  }
0x6f: {  	_ =	shalt  }
0x70: {  	_ =	shalt  }
0x71: {  	_ =	shalt  }
0x72: {  	_ =	shalt  }
0x73: {  	_ =	shalt  }
0x74: {  	_ =	shalt  }
0x75: {  	_ =	shalt  }
0x76: {  	_ =	shalt  }
0x77: {  	_ =	shalt  }
0x78: {  	_ =	shalt  }
0x79: {  	_ =	shalt  }
0x7a: {  	_ =	shalt  }
0x7b: {  	_ =	shalt  }
0x7c: {  	_ =	shalt  }
0x7d: {  	_ =	shalt  }
0x7e: {  	_ =	shalt  }
0x7f: {  	_ =	shalt  }
0x80: {  	_ =	shalt  }
0x81: {  	_ =	shalt  }
0x82: {  	_ =	shalt  }
0x83: {  	_ =	shalt  }
0x84: {  	_ =	shalt  }
0x85: {  	_ =	shalt  }
0x86: {  	_ =	shalt  }
0x87: {  	_ =	shalt  }
.Lfunc_end0:
.L_simem_size_0:
called_computation_lowered:
.L_overlay_start_0:
0x88: {  	s2 =	sld [smem:$0x3FD9]  }
0x89: {  	s3 =	sld [smem:$0x3FFE];
	_ =	sdelay $0x1  }
0x8a: {  	s1 =	srdreg.scid  }
0x8b: {  	s0 =	sand.u32 $0x1, s1  }
0x8c: {  	s17 =	sshll.u32 s0, $0xA;
	s2 =	sadd.s32 s3, s2  }
0x8d: {  	s2 =	sadd.s32 s2, s17  }
0x8e: {  	[smem:$0x3FBE] =	sst s2  }
0x8f: {  	_ = 	snop  }
0x90: {  	(tm) =	ssettm $0x1  }
0x91: {  	s18 =	sld [smem:$0x3FFB];
	_ =	sdelay $0x3  }
0x92: {  	_ =	strace s18  }
0x93: {  	s2 =	sld [smem:$0x3FFC];
	_ =	sdelay $0x3  }
0x94: {  	_ =	strace s2  }
0x95: {  	s2 =	sld [smem:$0x3FFD];
	_ =	sdelay $0x3  }
0x96: {  	_ =	strace s2  }
0x97: {  	_ =	strace $0x8FFFFFFF  }
0x98: {  	s19 =	sld [smem:$0x3FDB];
	_ =	sdelay $0x1  }
0x99: {  	s20 =	simm.s32 $_scs_section_size  }
0x9a: {  	s4 =	simm.s32 $_size__tile_overlayer_lowered;
	s5 =	simm.s32 $_tile_overlayer_lowered  }
0x9b: {  	s6 =	simm.s32 $0x1BFF;
	s21 =	sshll.u32 s5, $0x1;
	s3 =	sadd.s32 s20, s19  }
0x9c: {  	s22 =	simm.s32 $0x0;
	s4 =	sshll.u32 s4, $0x1;
	s5 =	sadd.s32 s21, s3  }
0x9d: {  	[timem:s22], [sflag:s6] =	dma.local [hbm:s5], s4  }
0x9e: {  	_ =	swait.ge [sflag:s6], s4  }
0x9f: {  	s4 =	ssub.s32 $0x0, s4;
	[sflag:s6] =	ssyncset.done $0x0  }
0xa0: {  	[sflag:s6] =	ssyncadd.s32 s4;
	_ =	sdelay $0x1  }
0xa1: {  	s23 =	simm.s32 $0x1B8B  }
0xa2: {  	_ =	swait.ge [sflag:s23], $0x1  }
0xa3: {  	[sflag:s23] =	ssyncset.done $0x0  }
0xa4: {  	[sflag:s23] =	ssyncadd.s32 $0xFFFFFFFF  }
0xa5: {  	s4 =	sld [smem:$0x0]  }
0xa6: {  	s5 =	sand.u32 $0xFFFFFFFE, s1  }
0xa7: {  	p0 =	sne.s32 s1, s5  }
0xa8: {  	s5 =	sshll.u32 @p0 s5, $0xE  }
0xa9: {  	s5 =	sadd.s32 @p0 $0x11B8D, s5;
	s6 =	sshll.u32 @p0 s4, $0x11  }
0xaa: {  	s5 =	sor.u32 @p0 s6, s5  }
0xab: {  	[sflag:s5] =	ssyncadd.remote.s32 @p0 $0x1;
	_ =	sdelay $0x1  }
0xac: {  	s5 =	simm.s32 @p0 $0x1B8D  }
0xad: {  	_ =	swait.eq @p0 [sflag:s5], $0x1  }
0xae: {  	[sflag:s5] =	ssyncadd.s32 @p0 $0xFFFFFFFF  }
0xaf: {  	s6 =	sshll.u32 @!p0 s1, $0xE  }
0xb0: {  	s6 =	sor.u32 @!p0 $0x4000, s6;
	s5 =	simm.s32 @!p0 $0x1B8D  }
0xb1: {  	s4 =	sshll.u32 @!p0 s4, $0x11;
	s6 =	sadd.s32 @!p0 $0x11B8D, s6;
	_ =	swait.eq @!p0 [sflag:s5], $0x1  }
0xb2: {  	s4 =	sor.u32 @!p0 s4, s6;
	[sflag:s5] =	ssyncadd.s32 @!p0 $0xFFFFFFFF  }
0xb3: {  	s25 =	simm.s32 $0x1B8E;
	s24 =	sld [smem:$0x3FFE];
	[sflag:s4] =	ssyncadd.remote.s32 @!p0 $0x1  }
0xb4: {  	s26 =	simm.s32 $execute0_lowered;
	[smem:$0x3FD2] =	sst s25  }
0xb5: {  	s5 =	sshll.u32 s26, $0x1;
	_ =	strace $0x80000049;
	[dreg:$0x1] =	wrdreg $0xFFFFFFFF  }
0xb6: {  	s28 =	simm.s32 $_size_execute0_lowered;
	s3 =	sadd.s32 s3, s5;
	[dreg:$0x0] =	wrdreg $0x0  }
0xb7: {  	s5 =	sshll.u32 s28, $0x1;
	[dreg:$0x2] =	wrdreg s3  }
0xb8: {  	[dreg:$0x3] =	wrdreg s5  }
0xb9: {  	[dreg:$0x4] =	wrdreg $0xC0  }
0xba: {  	_ =	task [dreg:s22], $0x5FFFF  }
0xbb: {  	[dreg:$0x1] =	wrdreg $0xFFFFFFFF  }
0xbc: {  	[dreg:$0x0] =	wrdreg $0x60  }
0xbd: {  	[dreg:$0x2] =	wrdreg s24  }
0xbe: {  	[dreg:$0x3] =	wrdreg $0x9  }
0xbf: {  	_ =	task.clear_ibuf [dreg:s22], $0x4FFFF;
	_ =	strace $0x90000049  }
0xc0: {  	s29 =	simm.s32 $0x9;
	_ =	strace $0x8000004B  }
0xc1: {  	_ =	swait.ge [sflag:s29], $0x1  }
0xc2: {  	[sflag:s29] =	ssyncadd.s32 $0xFFFFFFFF  }
0xc3: {  	_ =	strace $0x9000004B  }
0xc4: {  	_ =	sfence  }
0xc5: {  	s30 =	sld [smem:$0x0];
	_ =	sdelay $0x2  }
0xc6: {  	s31 =	sshll.u32 s1, $0xD;
	s1 =	sshrl.u32 s1, $0x2  }
0xc7: {  	s4 =	sand.u32 $0x4000, s31;
	s1 =	sadd.s32 s1, s30  }
0xc8: {  	s0 =	sor.u32 s4, s0;
	s1 =	sshll.u32 s1, $0x11  }
0xc9: {  	s0 =	sor.u32 s1, s0  }
0xca: {  	s0 =	sadd.s32 $0x8F2B, s0  }
0xcb: {  	[sflag:s0] =	ssyncadd.remote.s32 $0x1  }
0xcc: {  	_ =	sfence.sel $0xFFFF  }
0xcd: {  	[dreg:$0x0] =	wrdreg $0xFFFFFFFF;
	(pc) =	sbr.abs _section_cstart, $3  }
0xce: {  	[dreg:$0x1] =	wrdreg $0xFFFFFFFF  }
0xcf: {  	_ =	task.clear_ibuf [dreg:s22], $0x2FFFF;
	_ =	strace $0x9FFFFFFF  }
0xd0: {  	(tm) =	ssettm $0x7FFFFFFF  }
0xd1: {  	_ =	shalt  }
tec
execute0_lowered:
.L_overlay_start_1:
0x0: {  	(tag) =	ssettag $0x1  }
0x1: {  	s0 =	srdreg.scid  }
0x2: {  	s3 =	sand.u32 $0x1, s0  }
0x3: {  	s4 =	rddreg [dreg:$0x0];
	s0 =	stileid.u32;
	s1 =	sshll.u32 s3, $0x4  }
0x4: {  	s2 =	simm.s32 $0x0;
	s8 =	simm.s32 $0x1;
	s1 =	sor.u32 s0, s1  }
0x5: {  	s9 =	simm.s32 $0x2780;
	s10 =	simm.s32 $0x0;
	s5 =	sshrl.u32 s1, $0x3  }
0x6: {  	[smem:$0x7FF] =	sst s2;
	s7 =	sshll.u32 s0, $0x7;
	s6 =	smul.u32 $0x13C00, s5  }
0x7: {  	s3 =	ssub.s32 $0x2, s3;
	s7 =	sand.u32 $0x380, s7;
	s5 =	smul.u32 $0x14000, s5  }
0x8: {  	s31 =	sshrl.u32 s3, $0x1;
	s1 =	rddreg [dreg:$0x1];
	s6 =	sor.u32 s7, s6  }
0x9: {  	_ =	strace $0x8000004A;
	s5 =	sor.u32 s7, s5;
	s6 =	sshrl.u32 s6, $0x3  }
0xa: {  	s7 =	simm.s32 $0x400;
	s5 =	sshrl.u32 s5, $0x3;
	s6 =	sadd.s32 s6, s4  }
0xb: {  	s4 =	sadd.s32 s5, s4;
	s5 =	ssub.s32 s3, s31;
	s3 =	sadd.s32 $0x4CC00, s6  }
0xc: {  	v0 =	vimm.f32 $0.0e+00;
	v1 =	vimm.f32 $1.000000000e+00;
	s4 =	sadd.s32 $0x56A00, s4;
	s5 =	smax.u32 s5, $0x1;
	s6 =	simm.s32 $0x80  }
.LBB2_1:
0xd: {  	[tilespmem:s2], [sflag:$0x1] =	stream.strided.gather [hbm4b:s3+s6], $0x2780, s7, s6, $0x38;
	[tilespmem:$0x4F80] =	vst v63  }
0xe: {  	_ =	swait.ge [sflag:s8], $0x2780  }
0xf: {  	[sflag:s8] =	ssyncset.done $0x0  }
0x10: {  	s11 =	simm.s32 $0x0;
	[sflag:s8] =	ssyncadd.s32 $0xFFFFD880  }
.LBB2_2:
0x11: {  	p0 =	sne.s32 s11, $0x9FC0  }
.Ltmp0:
0x12: {  	_ = 	snop;
	(pc) =	sbr.rel @p0 .LBB2_2-.Ltmp0, $3  }
0x13: {  	_ =	sdelay $0x1  }
0x14: {  	s12 =	sshra.s32 s11, $0x2  }
0x15: {  	s11 =	sadd.s32 $0x40, s11;
	[tilespmem:s12+$0x2780] =	vst v0  }
0x16: {  	s12 =	simm.s32 $0x0;
	s11 =	simm.s32 $0x40  }
.LBB2_4:
0x17: {  	p0 =	sne.s32 s11, $0x9C00;
	v2 =	vld [tilespmem:s12+$0x0];
	_ =	sdelay $0x3  }
.Ltmp1:
0x18: {  	(pc) =	sbr.rel @p0 .LBB2_4-.Ltmp1, $2  }
0x19: {  	_ =	sdelay $0x2  }
0x1a: {  	s12 =	sshra.s32 s11, $0x2;
	s11 =	sadd.s32 $0x40, s11;
	[tilespmem:v2+s9+$0x0] =	vst.idx.add.f32.msk $0xffff, v1  }
0x1b: {  	v2 =	vld [tilespmem:s12+$0x0];
	_ =	sdelay $0x5  }
0x1c: {  	s10 =	sadd.s32 $0x1, s10  }
0x1d: {  	p0 =	sne.s32 s10, s5  }
.Ltmp2:
0x1e: {  	[tilespmem:v2+s9+$0x0] =	vst.idx.add.f32.msk $0xffff, v1;
	(pc) =	sbr.rel @p0 .LBB2_1-.Ltmp2, $4  }
0x1f: {  	[hbm4b:s4+s6] =	stream.strided.scatter [tilespmem:s9], [sflag:$0x1], $0x2800, s7, s6, $0x38;
	[tilespmem:$0x4F80] =	vst v63  }
0x20: {  	_ =	swait.ge [sflag:s8], $0x2800  }
0x21: {  	[sflag:s8] =	ssyncset.done $0x0  }
0x22: {  	[sflag:s8] =	ssyncadd.s32 $0xFFFFD800  }
0x23: {  	_ =	sfence.sel $0x180000  }
0x24: {  	[bflag:$0x0] =	sbarrier.arrive $0xFFFF  }
0x25: {  	p0 =	sne.s32 s0, $0x0;
	_ =	strace $0x9000004A  }
0x26: {  	s0 =	sadd.s32 @!p0 $0x100000, s1;
	[bflag:$0x2] =	sbarrier.arrive $0xFFFF  }
0x27: {  	[sflag:s0] =	ssyncadd.tile.s32 @!p0 $0x1;
	_ =	shalt  }
.Lfunc_end2:
_tile_overlayer_lowered:
.L_overlay_start_2:
0x28: {  	(tag) =	ssettag $0x2  }
0x29: {  	s0 =	rddreg [dreg:$0x0];
	s2 =	stileid.u32  }
0x2a: {  	s1 =	rddreg [dreg:$0x1];
	p0 =	sne.s32 s2, $0x0  }
0x2b: {  	s3 =	rddreg [dreg:$0x2];
	[bflag:$0x3] =	sbarrier.arrive $0xFFFF;
	s2 =	simm.s32 @!p0 $0x1C01  }
0x2c: {  	[timem:s3], [sflag:s2] =	dma.local @!p0 [hbm:s0], s1  }
0x2d: {  	s0 =	simm.s32 @!p0 $0x1  }
0x2e: {  	_ =	swait.ge @!p0 [sflag:s0], s1  }
0x2f: {  	s1 =	ssub.s32 @!p0 $0x0, s1;
	[sflag:s0] =	ssyncset.done @!p0 $0x0  }
0x30: {  	[sflag:s0] =	ssyncadd.s32 @!p0 s1  }
0x31: {  	[bflag:$0x3] =	sbarrier.arrive $0xFFFF  }
0x32: {  	_ =	shalt  }

// kernel: kernel.16.cloned.1.call-start
scs
__scs_entry_jumppad:
0x0: {  	(pc) =	sbr.rel $0x88, $3  }
0x1: {  	(tag) =	ssettag $0x0;
	lr =	simm.s32 $0x1  }
0x2: {  	[smem:$0x3F97] =	sst lr;
	_ =	strace $0xD0000000  }
0x3: {  	_ = 	snop  }
0x4: {  	_ = 	snop  }
0x5: {  	_ = 	snop  }
0x6: {  	_ = 	snop  }
0x7: {  	_ = 	snop  }
__scs_overlays_trampoline_lowered:
0x8: {  	[smem:$0x3FA6] =	sst s0  }
0x9: {  	[smem:$0x3FA7] =	sst s1  }
0xa: {  	[smem:$0x3FA8] =	sst s2  }
0xb: {  	[smem:$0x3FA9] =	sst s3  }
0xc: {  	[smem:$0x3FAA] =	sst s4  }
0xd: {  	[smem:$0x3FAB] =	sst s5  }
0xe: {  	[smem:$0x3FAC] =	sst s6  }
0xf: {  	[smem:$0x3FAD] =	sst s7  }
0x10: {  	[smem:$0x3FAE] =	sst s8  }
0x11: {  	[smem:$0x3FAF] =	sst s9;
	s0 =	simm.s32 @!p0 $0x0  }
0x12: {  	s1 =	sld [smem:$0x3F95];
	s0 =	simm.s32 @p0 $0x1  }
0x13: {  	[smem:$0x3FB0] =	sst s0;
	s0 =	simm.s32 @!p1 $0x0  }
0x14: {  	s2 =	sld [smem:$0x3F94];
	s0 =	simm.s32 @p1 $0x1  }
0x15: {  	[smem:$0x3FB1] =	sst s0;
	s0 =	simm.s32 @!p2 $0x0  }
0x16: {  	s3 =	sld [smem:$0x3FDB];
	s0 =	simm.s32 @p2 $0x1  }
0x17: {  	s4 =	simm.s32 $0x1BF5;
	[smem:$0x3FB3] =	sst s0  }
0x18: {  	s0 =	sld [smem:$0x3F96];
	_ =	swait.ge [sflag:s4], $0x0  }
0x19: {  	s7 =	sld [smem:$0x3F97]  }
0x1a: {  	s8 =	sadd.s32 $0xFFFFE003, lr  }
0x1b: {  	s9 =	sadd.s32 $0xFFFFFEF7, lr;
	s5 =	simm.s32 $0xFFFFFFFF;
	p2 =	slt.u32 s8, $0xFFFFF086  }
0x1c: {  	p1 =	slt.u32 s9, $0xF7A;
	s5 =	simm.s32 @!p2 $0x0  }
0x1d: {  	s5 =	simm.s32 @p1 $0x1;
	p0 =	seq.s32 s7, s2  }
0x1e: {  	s7 =	smul.u32 @!p0 $0xF7A, s2;
	p2 =	seq.s32 @!p0 s5, $0x0  }
0x1f: {  	s9 =	smul.u32 $0xF7A, s1;
	s8 =	simm.s32 @!p0 $0x1BF5;
	p2 =	por !p2, p0  }
0x20: {  	[sflag:s8] =	ssyncset.s32 @!p0 $0xFFFFF086;
	s6 =	sadd.s32 @!p0 s3, s7;
	s7 =	simm.s32 @!p0 $0x108  }
0x21: {  	s3 =	sadd.s32 s3, s9;
	s6 =	sadd.s32 @!p0 $0x88, s6;
	s7 =	simm.s32 @p2 $0x1082  }
0x22: {  	[simem:s7], [sflag:s8] =	dma.local @!p0 [hbm:s6], $0xF7A  }
0x23: {  	s9 =	sor.u32 $0xD0000000, s2;
	s6 =	simm.s32 $0x108;
	_ =	swait.ge @!p0 [sflag:s8], $0x0  }
0x24: {  	s3 =	sadd.s32 $0x88, s3;
	s6 =	simm.s32 @!p1 $0x1082;
	[sflag:s4] =	ssyncset.s32 $0xFFFFF086  }
0x25: {  	[simem:s6], [sflag:s4] =	dma.local [hbm:s3], $0xF7A  }
0x26: {  	[smem:$0x3F97] =	sst s1;
	(tag) =	ssettag s2;
	_ =	strace s9  }
0x27: {  	s1 =	sld [smem:$0x3FA7]  }
0x28: {  	s2 =	sld [smem:$0x3FA8]  }
0x29: {  	s4 =	sld [smem:$0x3FAA]  }
0x2a: {  	p0 =	seq.s32 s5, $0x0;
	s5 =	sld [smem:$0x3FAB]  }
0x2b: {  	s6 =	sld [smem:$0x3FAC]  }
0x2c: {  	s7 =	sld [smem:$0x3FAD]  }
0x2d: {  	s3 =	simm.s32 $0x108;
	s8 =	sld [smem:$0x3FAE]  }
0x2e: {  	s3 =	simm.s32 @!p0 $0x1082;
	s9 =	sld [smem:$0x3FAF]  }
0x2f: {  	lr =	sadd.s32 s0, s3;
	s0 =	sld [smem:$0x3FA6]  }
0x30: {  	s3 =	sld [smem:$0x3FA9]  }
0x31: {  	[smem:$0x3FB2] =	sst s10  }
0x32: {  	s10 =	sld [smem:$0x3FB0];
	_ =	sdelay $0x3  }
0x33: {  	p0 =	seq.s32 s10, $0x1;
	s10 =	sld [smem:$0x3FB2];
	_ =	sdelay $0x3  }
0x34: {  	[smem:$0x3FB2] =	sst s10  }
0x35: {  	s10 =	sld [smem:$0x3FB1];
	_ =	sdelay $0x3  }
0x36: {  	p1 =	seq.s32 s10, $0x1;
	s10 =	sld [smem:$0x3FB2];
	_ =	sdelay $0x3  }
0x37: {  	[smem:$0x3FB2] =	sst s10  }
0x38: {  	s10 =	sld [smem:$0x3FB3]  }
0x39: {  	_ = 	snop;
	(pc) =	sbr.ind lr, $3  }
0x3a: {  	_ = 	snop  }
0x3b: {  	_ = 	snop  }
0x3c: {  	p2 =	seq.s32 s10, $0x1;
	s10 =	sld [smem:$0x3FB2]  }
0x3d: {  	_ =	shalt  }
0x3e: {  	_ =	shalt  }
0x3f: {  	_ =	shalt  }
0x40: {  	_ =	shalt  }
0x41: {  	_ =	shalt  }
0x42: {  	_ =	shalt  }
0x43: {  	_ =	shalt  }
0x44: {  	_ =	shalt  }
0x45: {  	_ =	shalt  }
0x46: {  	_ =	shalt  }
0x47: {  	_ =	shalt  }
0x48: {  	_ =	shalt  }
0x49: {  	_ =	shalt  }
0x4a: {  	_ =	shalt  }
0x4b: {  	_ =	shalt  }
0x4c: {  	_ =	shalt  }
0x4d: {  	_ =	shalt  }
0x4e: {  	_ =	shalt  }
0x4f: {  	_ =	shalt  }
0x50: {  	_ =	shalt  }
0x51: {  	_ =	shalt  }
0x52: {  	_ =	shalt  }
0x53: {  	_ =	shalt  }
0x54: {  	_ =	shalt  }
0x55: {  	_ =	shalt  }
0x56: {  	_ =	shalt  }
0x57: {  	_ =	shalt  }
0x58: {  	_ =	shalt  }
0x59: {  	_ =	shalt  }
0x5a: {  	_ =	shalt  }
0x5b: {  	_ =	shalt  }
0x5c: {  	_ =	shalt  }
0x5d: {  	_ =	shalt  }
0x5e: {  	_ =	shalt  }
0x5f: {  	_ =	shalt  }
0x60: {  	_ =	shalt  }
0x61: {  	_ =	shalt  }
0x62: {  	_ =	shalt  }
0x63: {  	_ =	shalt  }
0x64: {  	_ =	shalt  }
0x65: {  	_ =	shalt  }
0x66: {  	_ =	shalt  }
0x67: {  	_ =	shalt  }
0x68: {  	_ =	shalt  }
0x69: {  	_ =	shalt  }
0x6a: {  	_ =	shalt  }
0x6b: {  	_ =	shalt  }
0x6c: {  	_ =	shalt  }
0x6d: {  	_ =	shalt  }
0x6e: {  	_ =	shalt  }
0x6f: {  	_ =	shalt  }
0x70: {  	_ =	shalt  }
0x71: {  	_ =	shalt  }
0x72: {  	_ =	shalt  }
0x73: {  	_ =	shalt  }
0x74: {  	_ =	shalt  }
0x75: {  	_ =	shalt  }
0x76: {  	_ =	shalt  }
0x77: {  	_ =	shalt  }
0x78: {  	_ =	shalt  }
0x79: {  	_ =	shalt  }
0x7a: {  	_ =	shalt  }
0x7b: {  	_ =	shalt  }
0x7c: {  	_ =	shalt  }
0x7d: {  	_ =	shalt  }
0x7e: {  	_ =	shalt  }
0x7f: {  	_ =	shalt  }
0x80: {  	_ =	shalt  }
0x81: {  	_ =	shalt  }
0x82: {  	_ =	shalt  }
0x83: {  	_ =	shalt  }
0x84: {  	_ =	shalt  }
0x85: {  	_ =	shalt  }
0x86: {  	_ =	shalt  }
0x87: {  	_ =	shalt  }
.Lfunc_end0:
.L_simem_size_0:
called_computation.1_lowered:
.L_overlay_start_0:
0x88: {  	s2 =	sld [smem:$0x3FD9]  }
0x89: {  	s3 =	sld [smem:$0x3FFE];
	_ =	sdelay $0x1  }
0x8a: {  	s1 =	srdreg.scid  }
0x8b: {  	s0 =	sand.u32 $0x1, s1  }
0x8c: {  	s17 =	sshll.u32 s0, $0xA;
	s2 =	sadd.s32 s3, s2  }
0x8d: {  	s2 =	sadd.s32 s2, s17  }
0x8e: {  	[smem:$0x3FBE] =	sst s2  }
0x8f: {  	_ = 	snop  }
0x90: {  	s2 =	sld [smem:$0x3FD0];
	(tm) =	ssettm $0x1  }
0x91: {  	s18 =	sld [smem:$0x3FFB];
	_ =	sdelay $0x3  }
0x92: {  	_ =	strace s18  }
0x93: {  	s3 =	sld [smem:$0x3FFC];
	_ =	sdelay $0x3  }
0x94: {  	_ =	strace s3  }
0x95: {  	s3 =	sld [smem:$0x3FFD];
	_ =	sdelay $0x3  }
0x96: {  	_ =	strace s3  }
0x97: {  	_ =	strace $0x8FFFFFFF  }
0x98: {  	s19 =	sld [smem:$0x3FDB];
	_ =	sdelay $0x1  }
0x99: {  	s4 =	simm.s32 $_scs_section_size  }
0x9a: {  	s5 =	simm.s32 $_size__tile_overlayer_lowered;
	s6 =	simm.s32 $_tile_overlayer_lowered  }
0x9b: {  	s22 =	simm.s32 $0x1BFF;
	s21 =	sshll.u32 s6, $0x1;
	s3 =	sadd.s32 s4, s19  }
0x9c: {  	s7 =	simm.s32 $0x0;
	s20 =	sshll.u32 s5, $0x1;
	s5 =	sadd.s32 s21, s3  }
0x9d: {  	[timem:s7], [sflag:s22] =	dma.local [hbm:s5], s20  }
0x9e: {  	_ =	swait.ge [sflag:s22], s20  }
0x9f: {  	s4 =	ssub.s32 $0x0, s20;
	[sflag:s22] =	ssyncset.done $0x0  }
0xa0: {  	[sflag:s22] =	ssyncadd.s32 s4;
	_ =	sdelay $0x1  }
0xa1: {  	s23 =	simm.s32 $0x1B8B  }
0xa2: {  	_ =	swait.ge [sflag:s23], $0x1  }
0xa3: {  	[sflag:s23] =	ssyncset.done $0x0  }
0xa4: {  	s25 =	simm.s32 $0x1B8E;
	s24 =	sld [smem:$0x3FFE];
	[sflag:s23] =	ssyncadd.s32 $0xFFFFFFFF  }
0xa5: {  	s26 =	simm.s32 $execute0_lowered;
	[smem:$0x3FD2] =	sst s25  }
0xa6: {  	s5 =	sshll.u32 s26, $0x1;
	_ =	strace $0x80000046;
	[dreg:$0x1] =	wrdreg $0xFFFFFFFF  }
0xa7: {  	s28 =	simm.s32 $_size_execute0_lowered;
	s3 =	sadd.s32 s3, s5;
	[dreg:$0x0] =	wrdreg $0x0  }
0xa8: {  	s5 =	sshll.u32 s28, $0x1;
	[dreg:$0x2] =	wrdreg s3  }
0xa9: {  	[dreg:$0x3] =	wrdreg s5  }
0xaa: {  	[dreg:$0x4] =	wrdreg $0xC0  }
0xab: {  	_ =	task [dreg:s7], $0x5FFFF  }
0xac: {  	[dreg:$0x1] =	wrdreg $0xFFFFFFFF  }
0xad: {  	[dreg:$0x0] =	wrdreg $0x60  }
0xae: {  	[dreg:$0x2] =	wrdreg s24  }
0xaf: {  	[dreg:$0x3] =	wrdreg s2  }
0xb0: {  	[dreg:$0x4] =	wrdreg $0xA  }
0xb1: {  	_ =	task.clear_ibuf [dreg:s7], $0x5FFFF;
	_ =	strace $0x90000046  }
0xb2: {  	s29 =	simm.s32 $0xA;
	_ =	strace $0x80000048  }
0xb3: {  	_ =	swait.ge [sflag:s29], $0x1  }
0xb4: {  	[sflag:s29] =	ssyncadd.s32 $0xFFFFFFFF  }
0xb5: {  	_ =	strace $0x90000048  }
0xb6: {  	_ =	sfence  }
0xb7: {  	s30 =	sld [smem:$0x0];
	_ =	sdelay $0x2  }
0xb8: {  	s31 =	sshll.u32 s1, $0xD;
	s1 =	sshrl.u32 s1, $0x2  }
0xb9: {  	s3 =	sand.u32 $0x4000, s31;
	s1 =	sadd.s32 s1, s30  }
0xba: {  	s0 =	sor.u32 s3, s0;
	s1 =	sshll.u32 s1, $0x11  }
0xbb: {  	s0 =	sor.u32 s1, s0  }
0xbc: {  	s0 =	sadd.s32 $0x8F2B, s0  }
0xbd: {  	[sflag:s0] =	ssyncadd.remote.s32 $0x1  }
0xbe: {  	_ =	sfence.sel $0xFFFF  }
0xbf: {  	[dreg:$0x0] =	wrdreg $0xFFFFFFFF;
	(pc) =	sbr.abs _section_cstart, $3  }
0xc0: {  	[dreg:$0x1] =	wrdreg $0xFFFFFFFF  }
0xc1: {  	_ =	task.clear_ibuf [dreg:s7], $0x2FFFF;
	_ =	strace $0x9FFFFFFF  }
0xc2: {  	(tm) =	ssettm $0x7FFFFFFF  }
0xc3: {  	_ =	shalt  }
tec
execute0_lowered:
.L_overlay_start_1:
0x0: {  	(tag) =	ssettag $0x1  }
0x1: {  	s3 =	rddreg [dreg:$0x0];
	s0 =	srdreg.scid  }
0x2: {  	s4 =	rddreg [dreg:$0x1];
	s1 =	stileid.u32  }
0x3: {  	s2 =	simm.s32 $0x0;
	s12 =	simm.s32 $0x15000;
	s13 =	simm.s32 $0x1A000  }
0x4: {  	s14 =	simm.s32 $0x80;
	s15 =	simm.s32 $0x100;
	s16 =	simm.s32 $0x0  }
0x5: {  	s5 =	sand.u32 $0x1, s0;
	s0 =	rddreg [dreg:$0x2];
	s7 =	smul.u32 $0xA000, s1  }
0x6: {  	[smem:$0x7FF] =	sst s2;
	s8 =	sshll.u32 s1, $0xD;
	s9 =	sshll.u32 s1, $0x4  }
0x7: {  	s6 =	smul.u32 $0xA0000, s5;
	_ =	strace $0x80000047;
	s8 =	sadd.s32 s8, s3  }
0x8: {  	s30 =	ssub.s32 $0x2, s5;
	s10 =	sshll.u32 s5, $0x8;
	s4 =	sadd.s32 s4, s9  }
0x9: {  	s11 =	smul.u32 $0xFFFFEC00, s5;
	s9 =	simm.s32 $0x8000;
	s31 =	sshrl.u32 s30, $0x1  }
0xa: {  	s4 =	sadd.s32 s10, s4;
	s10 =	simm.s32 $0x1;
	s6 =	sadd.s32 s7, s6  }
0xb: {  	v0 =	vlaneseq.u32;
	s7 =	ssub.s32 s30, s31;
	v1 =	vmov s11;
	s11 =	simm.s32 $0x10000;
	s6 =	sshrl.u32 s6, $0x3  }
0xc: {  	v4 =	vand.u32 $0x7, v0;
	s7 =	smax.u32 s7, $0x1;
	s6 =	sadd.s32 s6, s3;
	s3 =	sadd.s32 $0x4C00, s8  }
0xd: {  	v2 =	vimm.s32 $0x0;
	v3 =	vmul.u32 $0x8, v0;
	v4 =	vor.u32 $0x1400, v4;
	s8 =	sadd.s32 $0x5C00, s8;
	s5 =	sadd.s32 $0x24C00, s6;
	s6 =	sadd.s32 $0x24C10, s6  }
.LBB2_1:
0xe: {  	[tilespmem:s2], [sflag:$0x1] =	stream.linear.gather [hbm4b:s3+s2], $0x7D00, $0x38;
	[tilespmem:$0x1A080] =	vst v63  }
0xf: {  	_ = 	snop  }
0x10: {  	[tilespmem:s9], [sflag:$0x1] =	stream.linear.gather [hbm4b:s8+s2], $0x7D00, $0x38;
	[tilespmem:$0x1A080] =	vst v63  }
0x11: {  	_ =	swait.ge [sflag:s10], $0xFA00  }
0x12: {  	[sflag:s10] =	ssyncset.done $0x0  }
0x13: {  	s17 =	simm.s32 $0x0;
	[sflag:s10] =	ssyncadd.s32 $0xFFFF0600  }
0x14: {  	v5 =	vld [tilespmem:s17+$0x8000];
	_ =	sdelay $0x4  }
0x15: {  	v5 =	vadd.s32 v1, v5  }
0x16: {  	vm0 =	vlt.u32 v5, $0x1400  }
0x17: {  	v6 =	vsel vm0, $0x1, v2  }
0x18: {  	(xrf0) =	vadd.scan.msk.s32 $0xffff, v6;
	_ =	sdelay $0x4  }
0x19: {  	v6 =	vsel vm0, $0xFFFFFFFF, v2  }
0x1a: {  	v6 =	vadd.s32 s2, v6;
	v7, _, _ =	vpop (xrf0)  }
0x1b: {  	v8 =	vld [tilespmem:s17+$0x0];
	v6 =	vadd.s32 v7, v6;
	_ =	sdelay $0x3  }
0x1c: {  	(v2sf) =	vpush v7, $0xF  }
0x1d: {  	[tilespmem:v6+s11+$0x0] =	vst.idx.msk vm0, v8  }
0x1e: {  	[tilespmem:v6+s12+$0x0] =	vst.idx.msk vm0, v5  }
0x1f: {  	v5 =	vld [tilespmem:s17+$0x8010];
	_ =	sdelay $0x4  }
0x20: {  	v5 =	vadd.s32 v1, v5  }
0x21: {  	vm0 =	vlt.u32 v5, $0x1400  }
0x22: {  	v6 =	vsel vm0, $0x1, v2  }
0x23: {  	(xrf0) =	vadd.scan.msk.s32 $0xffff, v6;
	_ =	sdelay $0x3  }
0x24: {  	s18 =	spop (v2sf)  }
0x25: {  	v6 =	vsel vm0, $0xFFFFFFFF, v2;
	s18 =	sadd.s32 $0x0, s18  }
0x26: {  	v6 =	vadd.s32 s18, v6;
	v7, _, _ =	vpop (xrf0)  }
0x27: {  	v8 =	vld [tilespmem:s17+$0x10];
	v6 =	vadd.s32 v7, v6;
	_ =	sdelay $0x3  }
0x28: {  	(v2sf) =	vpush v7, $0xF  }
0x29: {  	[tilespmem:v6+s11+$0x0] =	vst.idx.msk vm0, v8  }
0x2a: {  	[tilespmem:v6+s12+$0x0] =	vst.idx.msk vm0, v5  }
0x2b: {  	v5 =	vld [tilespmem:s17+$0x8020];
	_ =	sdelay $0x4  }
0x2c: {  	v5 =	vadd.s32 v1, v5  }
0x2d: {  	vm0 =	vlt.u32 v5, $0x1400  }
0x2e: {  	v6 =	vsel vm0, $0x1, v2  }
0x2f: {  	(xrf0) =	vadd.scan.msk.s32 $0xffff, v6;
	_ =	sdelay $0x3  }
0x30: {  	s19 =	spop (v2sf)  }
0x31: {  	v6 =	vsel vm0, $0xFFFFFFFF, v2;
	s18 =	sadd.s32 s18, s19  }
0x32: {  	v6 =	vadd.s32 s18, v6;
	v7, _, _ =	vpop (xrf0)  }
0x33: {  	v8 =	vld [tilespmem:s17+$0x20];
	v6 =	vadd.s32 v7, v6;
	_ =	sdelay $0x3  }
0x34: {  	(v2sf) =	vpush v7, $0xF  }
0x35: {  	[tilespmem:v6+s11+$0x0] =	vst.idx.msk vm0, v8  }
0x36: {  	[tilespmem:v6+s12+$0x0] =	vst.idx.msk vm0, v5  }
0x37: {  	v5 =	vld [tilespmem:s17+$0x8030];
	_ =	sdelay $0x4  }
0x38: {  	v5 =	vadd.s32 v1, v5  }
0x39: {  	vm0 =	vlt.u32 v5, $0x1400  }
0x3a: {  	v6 =	vsel vm0, $0x1, v2  }
0x3b: {  	(xrf0) =	vadd.scan.msk.s32 $0xffff, v6;
	_ =	sdelay $0x3  }
0x3c: {  	s30 =	spop (v2sf)  }
0x3d: {  	v6 =	vsel vm0, $0xFFFFFFFF, v2;
	s18 =	sadd.s32 s18, s30  }
0x3e: {  	v6 =	vadd.s32 s18, v6;
	v7, _, _ =	vpop (xrf0)  }
0x3f: {  	v8 =	vld [tilespmem:s17+$0x30];
	v6 =	vadd.s32 v7, v6;
	_ =	sdelay $0x4  }
0x40: {  	(v2sf) =	vpush v7, $0xF;
	[tilespmem:v6+s11+$0x0] =	vst.idx.msk vm0, v8  }
0x41: {  	[tilespmem:v6+s12+$0x0] =	vst.idx.msk vm0, v5  }
0x42: {  	v5 =	vld [tilespmem:s17+$0x8040];
	_ =	sdelay $0x4  }
0x43: {  	v5 =	vadd.s32 v1, v5  }
0x44: {  	vm0 =	vlt.u32 v5, $0x1400  }
0x45: {  	v6 =	vsel vm0, $0x1, v2  }
0x46: {  	(xrf0) =	vadd.scan.msk.s32 $0xffff, v6;
	_ =	sdelay $0x4  }
0x47: {  	s31 =	spop (v2sf)  }
0x48: {  	v6 =	vsel vm0, $0xFFFFFFFF, v2;
	s19 =	sadd.s32 s18, s31;
	v7, _, _ =	vpop (xrf0)  }
0x49: {  	v6 =	vadd.s32 s19, v6;
	(v2sf) =	vpush v7, $0xF  }
0x4a: {  	v8 =	vld [tilespmem:s17+$0x40];
	v6 =	vadd.s32 v7, v6;
	_ =	sdelay $0x4  }
0x4b: {  	[tilespmem:v6+s11+$0x0] =	vst.idx.msk vm0, v8  }
0x4c: {  	s17 =	simm.s32 $0x80;
	[tilespmem:v6+s12+$0x0] =	vst.idx.msk vm0, v5  }
0x4d: {  	v5 =	vld [tilespmem:s17+$0x8000];
	_ =	sdelay $0x4  }
0x4e: {  	v5 =	vadd.s32 v1, v5  }
0x4f: {  	vm0 =	vlt.u32 v5, $0x1400  }
0x50: {  	v6 =	vsel vm0, $0x1, v2;
	s20 =	spop (v2sf)  }
0x51: {  	s18 =	simm.s32 $0x400;
	(xrf0) =	vadd.scan.msk.s32 $0xffff, v6;
	s20 =	sadd.s32 s19, s20  }
.LBB2_2:
0x52: {  	p0 =	sne.s32 s18, $0x1F200  }
0x53: {  	[smem:$0x0] =	sst s20;
	s19 =	smov.u32 s18;
	s18 =	sadd.s32 $0x200, s18  }
0x54: {  	_ =	sdelay $0x1  }
0x55: {  	v6 =	vsel vm0, $0xFFFFFFFF, v2  }
0x56: {  	v6 =	vadd.s32 s20, v6;
	v7, _, _ =	vpop (xrf0)  }
0x57: {  	v8 =	vld [tilespmem:s17+$0x0];
	v6 =	vadd.s32 v7, v6;
	(v2sf) =	vpush v7, $0xF;
	_ =	sdelay $0x4  }
0x58: {  	[tilespmem:v6+s11+$0x0] =	vst.idx.msk vm0, v8  }
0x59: {  	[tilespmem:v6+s12+$0x0] =	vst.idx.msk vm0, v5  }
0x5a: {  	v5 =	vld [tilespmem:s17+$0x8010];
	_ =	sdelay $0x4  }
0x5b: {  	v5 =	vadd.s32 v1, v5  }
0x5c: {  	vm0 =	vlt.u32 v5, $0x1400  }
0x5d: {  	v6 =	vsel vm0, $0x1, v2  }
0x5e: {  	s21 =	spop (v2sf);
	(xrf0) =	vadd.scan.msk.s32 $0xffff, v6  }
0x5f: {  	s20 =	sadd.s32 s20, s21;
	_ =	sdelay $0x3  }
0x60: {  	v6 =	vsel vm0, $0xFFFFFFFF, v2  }
0x61: {  	v6 =	vadd.s32 s20, v6;
	v7, _, _ =	vpop (xrf0)  }
0x62: {  	v8 =	vld [tilespmem:s17+$0x10];
	v6 =	vadd.s32 v7, v6;
	(v2sf) =	vpush v7, $0xF;
	_ =	sdelay $0x4  }
0x63: {  	[tilespmem:v6+s11+$0x0] =	vst.idx.msk vm0, v8  }
0x64: {  	[tilespmem:v6+s12+$0x0] =	vst.idx.msk vm0, v5  }
0x65: {  	v5 =	vld [tilespmem:s17+$0x8020];
	_ =	sdelay $0x4  }
0x66: {  	v5 =	vadd.s32 v1, v5  }
0x67: {  	vm0 =	vlt.u32 v5, $0x1400  }
0x68: {  	v6 =	vsel vm0, $0x1, v2  }
0x69: {  	s21 =	spop (v2sf);
	(xrf0) =	vadd.scan.msk.s32 $0xffff, v6  }
0x6a: {  	s20 =	sadd.s32 s20, s21;
	_ =	sdelay $0x3  }
0x6b: {  	v6 =	vsel vm0, $0xFFFFFFFF, v2  }
0x6c: {  	v6 =	vadd.s32 s20, v6;
	v7, _, _ =	vpop (xrf0)  }
0x6d: {  	v8 =	vld [tilespmem:s17+$0x20];
	v6 =	vadd.s32 v7, v6;
	(v2sf) =	vpush v7, $0xF;
	_ =	sdelay $0x4  }
0x6e: {  	[tilespmem:v6+s11+$0x0] =	vst.idx.msk vm0, v8  }
0x6f: {  	[tilespmem:v6+s12+$0x0] =	vst.idx.msk vm0, v5  }
0x70: {  	v5 =	vld [tilespmem:s17+$0x8030]  }
0x71: {  	v6 =	vld [tilespmem:s17+$0x30];
	_ =	sdelay $0x3  }
0x72: {  	v5 =	vadd.s32 v1, v5  }
0x73: {  	vm0 =	vlt.u32 v5, $0x1400  }
0x74: {  	v7 =	vsel vm0, $0x1, v2  }
0x75: {  	s21 =	spop (v2sf);
	(xrf0) =	vadd.scan.msk.s32 $0xffff, v7  }
0x76: {  	s20 =	sadd.s32 s20, s21;
	_ =	sdelay $0x3  }
0x77: {  	v7 =	vsel vm0, $0xFFFFFFFF, v2  }
0x78: {  	v7 =	vadd.s32 s20, v7;
	v8, _, _ =	vpop (xrf0)  }
0x79: {  	v7 =	vadd.s32 v8, v7;
	(v2sf) =	vpush v8, $0xF;
	_ =	sdelay $0x4  }
0x7a: {  	[tilespmem:v7+s11+$0x0] =	vst.idx.msk vm0, v6  }
0x7b: {  	[tilespmem:v7+s12+$0x0] =	vst.idx.msk vm0, v5  }
0x7c: {  	v5 =	vld [tilespmem:s17+$0x8040]  }
0x7d: {  	v6 =	vld [tilespmem:s17+$0x40];
	_ =	sdelay $0x3  }
0x7e: {  	v5 =	vadd.s32 v1, v5  }
0x7f: {  	vm0 =	vlt.u32 v5, $0x1400  }
0x80: {  	v7 =	vsel vm0, $0x1, v2  }
0x81: {  	s17 =	spop (v2sf);
	(xrf0) =	vadd.scan.msk.s32 $0xffff, v7  }
0x82: {  	s20 =	sadd.s32 s20, s17;
	_ =	sdelay $0x3  }
0x83: {  	v7 =	vsel vm0, $0xFFFFFFFF, v2  }
0x84: {  	v7 =	vadd.s32 s20, v7;
	v8, _, _ =	vpop (xrf0)  }
0x85: {  	v7 =	vadd.s32 v8, v7;
	(v2sf) =	vpush v8, $0xF;
	_ =	sdelay $0x4  }
0x86: {  	[tilespmem:v7+s11+$0x0] =	vst.idx.msk vm0, v6  }
0x87: {  	s17 =	sshra.s32 s19, $0x2;
	[tilespmem:v7+s12+$0x0] =	vst.idx.msk vm0, v5  }
0x88: {  	v5 =	vld [tilespmem:s17+$0x8000];
	_ =	sdelay $0x4  }
.Ltmp0:
0x89: {  	v5 =	vadd.s32 v1, v5;
	(pc) =	sbr.rel @p0 .LBB2_2-.Ltmp0, $4  }
0x8a: {  	vm0 =	vlt.u32 v5, $0x1400  }
0x8b: {  	v6 =	vsel vm0, $0x1, v2  }
0x8c: {  	(xrf0) =	vadd.scan.msk.s32 $0xffff, v6;
	s19 =	spop (v2sf)  }
0x8d: {  	s20 =	sadd.s32 s20, s19  }
0x8e: {  	_ =	sdelay $0x2  }
0x8f: {  	v6 =	vsel vm0, $0xFFFFFFFF, v2  }
0x90: {  	v6 =	vadd.s32 s20, v6;
	v7, _, _ =	vpop (xrf0)  }
0x91: {  	v8 =	vld [tilespmem:s17+$0x0];
	v6 =	vadd.s32 v7, v6;
	_ =	sdelay $0x3  }
0x92: {  	(v2sf) =	vpush v7, $0xF  }
0x93: {  	[tilespmem:v6+s11+$0x0] =	vst.idx.msk vm0, v8  }
0x94: {  	[tilespmem:v6+s12+$0x0] =	vst.idx.msk vm0, v5  }
0x95: {  	v5 =	vld [tilespmem:s17+$0x8010];
	_ =	sdelay $0x4  }
0x96: {  	v5 =	vadd.s32 v1, v5  }
0x97: {  	vm12 =	vlt.u32 v5, $0x1400  }
0x98: {  	v6 =	vsel vm12, $0x1, v2  }
0x99: {  	(xrf0) =	vadd.scan.msk.s32 $0xffff, v6;
	_ =	sdelay $0x3  }
0x9a: {  	s18 =	spop (v2sf)  }
0x9b: {  	v6 =	vsel vm12, $0xFFFFFFFF, v2;
	s19 =	sadd.s32 s20, s18  }
0x9c: {  	v6 =	vadd.s32 s19, v6;
	v7, _, _ =	vpop (xrf0)  }
0x9d: {  	v8 =	vld [tilespmem:s17+$0x10];
	v6 =	vadd.s32 v7, v6;
	_ =	sdelay $0x3  }
0x9e: {  	(v2sf) =	vpush v7, $0xF  }
0x9f: {  	[tilespmem:v6+s11+$0x0] =	vst.idx.msk vm12, v8  }
0xa0: {  	[tilespmem:v6+s12+$0x0] =	vst.idx.msk vm12, v5  }
0xa1: {  	v5 =	vld [tilespmem:s17+$0x8020];
	_ =	sdelay $0x4  }
0xa2: {  	v5 =	vadd.s32 v1, v5  }
0xa3: {  	vm13 =	vlt.u32 v5, $0x1400  }
0xa4: {  	v6 =	vsel vm13, $0x1, v2  }
0xa5: {  	(xrf0) =	vadd.scan.msk.s32 $0xffff, v6;
	_ =	sdelay $0x3  }
0xa6: {  	s21 =	spop (v2sf)  }
0xa7: {  	v6 =	vsel vm13, $0xFFFFFFFF, v2;
	s19 =	sadd.s32 s19, s21  }
0xa8: {  	v6 =	vadd.s32 s19, v6;
	v7, _, _ =	vpop (xrf0)  }
0xa9: {  	v8 =	vld [tilespmem:s17+$0x20];
	v6 =	vadd.s32 v7, v6;
	_ =	sdelay $0x3  }
0xaa: {  	(v2sf) =	vpush v7, $0xF  }
0xab: {  	[tilespmem:v6+s11+$0x0] =	vst.idx.msk vm13, v8  }
0xac: {  	[tilespmem:v6+s12+$0x0] =	vst.idx.msk vm13, v5  }
0xad: {  	v5 =	vld [tilespmem:s17+$0x8030];
	_ =	sdelay $0x4  }
0xae: {  	v5 =	vadd.s32 v1, v5  }
0xaf: {  	vm14 =	vlt.u32 v5, $0x1400  }
0xb0: {  	v6 =	vsel vm14, $0x1, v2  }
0xb1: {  	(xrf0) =	vadd.scan.msk.s32 $0xffff, v6;
	_ =	sdelay $0x3  }
0xb2: {  	s22 =	spop (v2sf)  }
0xb3: {  	v6 =	vsel vm14, $0xFFFFFFFF, v2;
	s19 =	sadd.s32 s19, s22  }
0xb4: {  	v6 =	vadd.s32 s19, v6;
	v7, _, _ =	vpop (xrf0)  }
0xb5: {  	v8 =	vld [tilespmem:s17+$0x30];
	v6 =	vadd.s32 v7, v6;
	_ =	sdelay $0x4  }
0xb6: {  	[tilespmem:v6+s11+$0x0] =	vst.idx.msk vm14, v8  }
0xb7: {  	[tilespmem:v6+s12+$0x0] =	vst.idx.msk vm14, v5  }
0xb8: {  	v5 =	vld [tilespmem:s17+$0x8040];
	_ =	sdelay $0x4  }
0xb9: {  	v5 =	vadd.s32 v1, v5  }
0xba: {  	vm15 =	vlt.u32 v5, $0x1400  }
0xbb: {  	v6 =	vsel vm15, $0x1, v2  }
0xbc: {  	(xrf0) =	vadd.scan.msk.s32 $0xffff, v6;
	_ =	sdelay $0x3  }
0xbd: {  	(v2sf) =	vpush v7, $0xF;
	_ =	sdelay $0x1  }
0xbe: {  	v6, _, _ =	vpop (xrf0)  }
0xbf: {  	(v2sf) =	vpush v6, $0xF;
	_ =	sdelay $0xb  }
0xc0: {  	s23 =	spop (v2sf)  }
0xc1: {  	v7 =	vsel vm15, $0xFFFFFFFF, v2;
	s19 =	sadd.s32 s19, s23  }
0xc2: {  	v7 =	vadd.s32 s19, v7  }
0xc3: {  	v8 =	vld [tilespmem:s17+$0x40];
	s29 =	sadd.s32 s23, s22;
	v6 =	vadd.s32 v6, v7;
	s24 =	spop (v2sf)  }
0xc4: {  	s17 =	sadd.s32 s24, s29  }
0xc5: {  	s17 =	sadd.s32 s18, s17  }
0xc6: {  	s17 =	sadd.s32 s21, s17  }
0xc7: {  	s17 =	sadd.s32 s20, s17  }
0xc8: {  	[tilespmem:v6+s11+$0x0] =	vst.idx.msk vm15, v8;
	s31 =	sadd.s32 $0x0, s17  }
0xc9: {  	[tilespmem:v6+s12+$0x0] =	vst.idx.msk vm15, v5;
	v5 =	vadd.s32 s31, v0  }
0xca: {  	s30 =	simm.s32 $0x0  }
0xcb: {  	v7 =	vmov s30  }
0xcc: {  	[smem:$0x0] =	sst s20;
	v7 =	vshll.u32 v7, $0x3;
	s18 =	sadd.s32 s19, s24  }
0xcd: {  	v6 =	vor.u32 v3, v7;
	s19 =	simm.s32 $0x10;
	[smem:$0x0] =	sst s18  }
.LBB2_4:
0xce: {  	s20 =	sadd.s32 s19, s17;
	[tilespmem:v5+s11+$0x0] =	vst.idx.msk $0xffff, v6;
	s21 =	smov.u32 s19;
	p0 =	sne.s32 s19, $0xF0  }
.Ltmp1:
0xcf: {  	s19 =	sadd.s32 $0x10, s19;
	[tilespmem:v5+s12+$0x0] =	vst.idx.msk $0xffff, v4;
	v5 =	vadd.s32 s20, v0;
	(pc) =	sbr.rel @p0 .LBB2_4-.Ltmp1, $4  }
0xd0: {  	_ = 	snop  }
0xd1: {  	v6 =	vmov s21  }
0xd2: {  	v6 =	vshll.u32 v6, $0x3  }
0xd3: {  	v6 =	vor.u32 v3, v6  }
0xd4: {  	s17 =	sadd.s32 $0xFF, s18  }
0xd5: {  	s18 =	sand.u32 $0xFF, s17  }
0xd6: {  	s31 =	sshra.s32 s17, $0x1F;
	p1 =	slt.s32 s17, $0x1;
	p0 =	sne.s32 s18, $0x0  }
0xd7: {  	s18 =	sshrl.u32 s31, $0x18;
	p0 =	por !p1, !p0  }
0xd8: {  	s17 =	sadd.s32 s18, s17;
	s18 =	simm.s32 $0x1;
	p0 =	por !p0, !p0  }
0xd9: {  	s17 =	sshra.s32 s17, $0x8;
	s18 =	simm.s32 @!p0 $0x0  }
0xda: {  	[tilespmem:v5+s11+$0x0] =	vst.idx.msk $0xffff, v6;
	s17 =	ssub.s32 s17, s18  }
0xdb: {  	[tilespmem:v5+s12+$0x0] =	vst.idx.msk $0xffff, v4;
	v5 =	vmov s17  }
0xdc: {  	[tilespmem:$0x1A000] =	vst v5  }
0xdd: {  	[hbm4b:s4+s2] =	stream.linear.scatter [tilespmem:s13], [sflag:$0x1], $0x80, $0x38;
	[tilespmem:$0x1A080] =	vst v63  }
0xde: {  	_ =	swait.ge [sflag:s10], $0x80  }
0xdf: {  	[sflag:s10] =	ssyncset.done $0x0  }
0xe0: {  	[sflag:s10] =	ssyncadd.s32 $0xFFFFFF80  }
0xe1: {  	[hbm4b:s5+s14] =	stream.strided.scatter [tilespmem:s11], [sflag:$0x1], $0x5000, s15, s14, $0x38;
	[tilespmem:$0x1A080] =	vst v63  }
0xe2: {  	s16 =	sadd.s32 $0x1, s16;
	_ =	swait.ge [sflag:s10], $0x5000  }
0xe3: {  	p0 =	sne.s32 s16, s7;
	[sflag:s10] =	ssyncset.done $0x0  }
.Ltmp2:
0xe4: {  	[sflag:s10] =	ssyncadd.s32 $0xFFFFB000;
	(pc) =	sbr.rel @p0 .LBB2_1-.Ltmp2, $4  }
0xe5: {  	[hbm4b:s6+s14] =	stream.strided.scatter [tilespmem:s12], [sflag:$0x1], $0x5000, s15, s14, $0x38;
	[tilespmem:$0x1A080] =	vst v63  }
0xe6: {  	_ =	swait.ge [sflag:s10], $0x5000  }
0xe7: {  	[sflag:s10] =	ssyncset.done $0x0  }
0xe8: {  	[sflag:s10] =	ssyncadd.s32 $0xFFFFB000  }
0xe9: {  	_ =	sfence.sel $0x180000  }
0xea: {  	[bflag:$0x0] =	sbarrier.arrive $0xFFFF  }
0xeb: {  	p0 =	sne.s32 s1, $0x0;
	_ =	strace $0x90000047  }
0xec: {  	s0 =	sadd.s32 @!p0 $0x100000, s0;
	[bflag:$0x2] =	sbarrier.arrive $0xFFFF  }
0xed: {  	[sflag:s0] =	ssyncadd.tile.s32 @!p0 $0x1;
	_ =	shalt  }
.Lfunc_end2:
_tile_overlayer_lowered:
.L_overlay_start_2:
0xee: {  	(tag) =	ssettag $0x2  }
0xef: {  	s0 =	rddreg [dreg:$0x0];
	s2 =	stileid.u32  }
0xf0: {  	s1 =	rddreg [dreg:$0x1];
	p0 =	sne.s32 s2, $0x0  }
0xf1: {  	s3 =	rddreg [dreg:$0x2];
	[bflag:$0x3] =	sbarrier.arrive $0xFFFF;
	s2 =	simm.s32 @!p0 $0x1C01  }
0xf2: {  	[timem:s3], [sflag:s2] =	dma.local @!p0 [hbm:s0], s1  }
0xf3: {  	s0 =	simm.s32 @!p0 $0x1  }
0xf4: {  	_ =	swait.ge @!p0 [sflag:s0], s1  }
0xf5: {  	s1 =	ssub.s32 @!p0 $0x0, s1;
	[sflag:s0] =	ssyncset.done @!p0 $0x0  }
0xf6: {  	[sflag:s0] =	ssyncadd.s32 @!p0 s1  }
0xf7: {  	[bflag:$0x3] =	sbarrier.arrive $0xFFFF  }
0xf8: {  	_ =	shalt  }

// kernel: kernel.19.cloned.1.call-start
scs
__scs_entry_jumppad:
0x0: {  	(pc) =	sbr.rel $0x88, $3  }
0x1: {  	(tag) =	ssettag $0x0;
	lr =	simm.s32 $0x1  }
0x2: {  	[smem:$0x3F97] =	sst lr;
	_ =	strace $0xD0000000  }
0x3: {  	_ = 	snop  }
0x4: {  	_ = 	snop  }
0x5: {  	_ = 	snop  }
0x6: {  	_ = 	snop  }
0x7: {  	_ = 	snop  }
__scs_overlays_trampoline_lowered:
0x8: {  	[smem:$0x3FA6] =	sst s0  }
0x9: {  	[smem:$0x3FA7] =	sst s1  }
0xa: {  	[smem:$0x3FA8] =	sst s2  }
0xb: {  	[smem:$0x3FA9] =	sst s3  }
0xc: {  	[smem:$0x3FAA] =	sst s4  }
0xd: {  	[smem:$0x3FAB] =	sst s5  }
0xe: {  	[smem:$0x3FAC] =	sst s6  }
0xf: {  	[smem:$0x3FAD] =	sst s7  }
0x10: {  	[smem:$0x3FAE] =	sst s8  }
0x11: {  	[smem:$0x3FAF] =	sst s9;
	s0 =	simm.s32 @!p0 $0x0  }
0x12: {  	s1 =	sld [smem:$0x3F95];
	s0 =	simm.s32 @p0 $0x1  }
0x13: {  	[smem:$0x3FB0] =	sst s0;
	s0 =	simm.s32 @!p1 $0x0  }
0x14: {  	s2 =	sld [smem:$0x3F94];
	s0 =	simm.s32 @p1 $0x1  }
0x15: {  	[smem:$0x3FB1] =	sst s0;
	s0 =	simm.s32 @!p2 $0x0  }
0x16: {  	s3 =	sld [smem:$0x3FDB];
	s0 =	simm.s32 @p2 $0x1  }
0x17: {  	s4 =	simm.s32 $0x1BF5;
	[smem:$0x3FB3] =	sst s0  }
0x18: {  	s0 =	sld [smem:$0x3F96];
	_ =	swait.ge [sflag:s4], $0x0  }
0x19: {  	s7 =	sld [smem:$0x3F97]  }
0x1a: {  	s8 =	sadd.s32 $0xFFFFE003, lr  }
0x1b: {  	s9 =	sadd.s32 $0xFFFFFEF7, lr;
	s5 =	simm.s32 $0xFFFFFFFF;
	p2 =	slt.u32 s8, $0xFFFFF086  }
0x1c: {  	p1 =	slt.u32 s9, $0xF7A;
	s5 =	simm.s32 @!p2 $0x0  }
0x1d: {  	s5 =	simm.s32 @p1 $0x1;
	p0 =	seq.s32 s7, s2  }
0x1e: {  	s7 =	smul.u32 @!p0 $0xF7A, s2;
	p2 =	seq.s32 @!p0 s5, $0x0  }
0x1f: {  	s9 =	smul.u32 $0xF7A, s1;
	s8 =	simm.s32 @!p0 $0x1BF5;
	p2 =	por !p2, p0  }
0x20: {  	[sflag:s8] =	ssyncset.s32 @!p0 $0xFFFFF086;
	s6 =	sadd.s32 @!p0 s3, s7;
	s7 =	simm.s32 @!p0 $0x108  }
0x21: {  	s3 =	sadd.s32 s3, s9;
	s6 =	sadd.s32 @!p0 $0x88, s6;
	s7 =	simm.s32 @p2 $0x1082  }
0x22: {  	[simem:s7], [sflag:s8] =	dma.local @!p0 [hbm:s6], $0xF7A  }
0x23: {  	s9 =	sor.u32 $0xD0000000, s2;
	s6 =	simm.s32 $0x108;
	_ =	swait.ge @!p0 [sflag:s8], $0x0  }
0x24: {  	s3 =	sadd.s32 $0x88, s3;
	s6 =	simm.s32 @!p1 $0x1082;
	[sflag:s4] =	ssyncset.s32 $0xFFFFF086  }
0x25: {  	[simem:s6], [sflag:s4] =	dma.local [hbm:s3], $0xF7A  }
0x26: {  	[smem:$0x3F97] =	sst s1;
	(tag) =	ssettag s2;
	_ =	strace s9  }
0x27: {  	s1 =	sld [smem:$0x3FA7]  }
0x28: {  	s2 =	sld [smem:$0x3FA8]  }
0x29: {  	s4 =	sld [smem:$0x3FAA]  }
0x2a: {  	p0 =	seq.s32 s5, $0x0;
	s5 =	sld [smem:$0x3FAB]  }
0x2b: {  	s6 =	sld [smem:$0x3FAC]  }
0x2c: {  	s7 =	sld [smem:$0x3FAD]  }
0x2d: {  	s3 =	simm.s32 $0x108;
	s8 =	sld [smem:$0x3FAE]  }
0x2e: {  	s3 =	simm.s32 @!p0 $0x1082;
	s9 =	sld [smem:$0x3FAF]  }
0x2f: {  	lr =	sadd.s32 s0, s3;
	s0 =	sld [smem:$0x3FA6]  }
0x30: {  	s3 =	sld [smem:$0x3FA9]  }
0x31: {  	[smem:$0x3FB2] =	sst s10  }
0x32: {  	s10 =	sld [smem:$0x3FB0];
	_ =	sdelay $0x3  }
0x33: {  	p0 =	seq.s32 s10, $0x1;
	s10 =	sld [smem:$0x3FB2];
	_ =	sdelay $0x3  }
0x34: {  	[smem:$0x3FB2] =	sst s10  }
0x35: {  	s10 =	sld [smem:$0x3FB1];
	_ =	sdelay $0x3  }
0x36: {  	p1 =	seq.s32 s10, $0x1;
	s10 =	sld [smem:$0x3FB2];
	_ =	sdelay $0x3  }
0x37: {  	[smem:$0x3FB2] =	sst s10  }
0x38: {  	s10 =	sld [smem:$0x3FB3]  }
0x39: {  	_ = 	snop;
	(pc) =	sbr.ind lr, $3  }
0x3a: {  	_ = 	snop  }
0x3b: {  	_ = 	snop  }
0x3c: {  	p2 =	seq.s32 s10, $0x1;
	s10 =	sld [smem:$0x3FB2]  }
0x3d: {  	_ =	shalt  }
0x3e: {  	_ =	shalt  }
0x3f: {  	_ =	shalt  }
0x40: {  	_ =	shalt  }
0x41: {  	_ =	shalt  }
0x42: {  	_ =	shalt  }
0x43: {  	_ =	shalt  }
0x44: {  	_ =	shalt  }
0x45: {  	_ =	shalt  }
0x46: {  	_ =	shalt  }
0x47: {  	_ =	shalt  }
0x48: {  	_ =	shalt  }
0x49: {  	_ =	shalt  }
0x4a: {  	_ =	shalt  }
0x4b: {  	_ =	shalt  }
0x4c: {  	_ =	shalt  }
0x4d: {  	_ =	shalt  }
0x4e: {  	_ =	shalt  }
0x4f: {  	_ =	shalt  }
0x50: {  	_ =	shalt  }
0x51: {  	_ =	shalt  }
0x52: {  	_ =	shalt  }
0x53: {  	_ =	shalt  }
0x54: {  	_ =	shalt  }
0x55: {  	_ =	shalt  }
0x56: {  	_ =	shalt  }
0x57: {  	_ =	shalt  }
0x58: {  	_ =	shalt  }
0x59: {  	_ =	shalt  }
0x5a: {  	_ =	shalt  }
0x5b: {  	_ =	shalt  }
0x5c: {  	_ =	shalt  }
0x5d: {  	_ =	shalt  }
0x5e: {  	_ =	shalt  }
0x5f: {  	_ =	shalt  }
0x60: {  	_ =	shalt  }
0x61: {  	_ =	shalt  }
0x62: {  	_ =	shalt  }
0x63: {  	_ =	shalt  }
0x64: {  	_ =	shalt  }
0x65: {  	_ =	shalt  }
0x66: {  	_ =	shalt  }
0x67: {  	_ =	shalt  }
0x68: {  	_ =	shalt  }
0x69: {  	_ =	shalt  }
0x6a: {  	_ =	shalt  }
0x6b: {  	_ =	shalt  }
0x6c: {  	_ =	shalt  }
0x6d: {  	_ =	shalt  }
0x6e: {  	_ =	shalt  }
0x6f: {  	_ =	shalt  }
0x70: {  	_ =	shalt  }
0x71: {  	_ =	shalt  }
0x72: {  	_ =	shalt  }
0x73: {  	_ =	shalt  }
0x74: {  	_ =	shalt  }
0x75: {  	_ =	shalt  }
0x76: {  	_ =	shalt  }
0x77: {  	_ =	shalt  }
0x78: {  	_ =	shalt  }
0x79: {  	_ =	shalt  }
0x7a: {  	_ =	shalt  }
0x7b: {  	_ =	shalt  }
0x7c: {  	_ =	shalt  }
0x7d: {  	_ =	shalt  }
0x7e: {  	_ =	shalt  }
0x7f: {  	_ =	shalt  }
0x80: {  	_ =	shalt  }
0x81: {  	_ =	shalt  }
0x82: {  	_ =	shalt  }
0x83: {  	_ =	shalt  }
0x84: {  	_ =	shalt  }
0x85: {  	_ =	shalt  }
0x86: {  	_ =	shalt  }
0x87: {  	_ =	shalt  }
.Lfunc_end0:
.L_simem_size_0:
called_computation.2_lowered:
.L_overlay_start_0:
0x88: {  	s2 =	sld [smem:$0x3FD9]  }
0x89: {  	s3 =	sld [smem:$0x3FFE];
	_ =	sdelay $0x1  }
0x8a: {  	s1 =	srdreg.scid  }
0x8b: {  	s0 =	sand.u32 $0x1, s1  }
0x8c: {  	s17 =	sshll.u32 s0, $0xA;
	s2 =	sadd.s32 s3, s2  }
0x8d: {  	s2 =	sadd.s32 s2, s17  }
0x8e: {  	[smem:$0x3FBE] =	sst s2  }
0x8f: {  	_ = 	snop  }
0x90: {  	s2 =	sld [smem:$0x3FD0];
	(tm) =	ssettm $0x1  }
0x91: {  	s18 =	sld [smem:$0x3FFB];
	_ =	sdelay $0x3  }
0x92: {  	_ =	strace s18  }
0x93: {  	s3 =	sld [smem:$0x3FFC];
	_ =	sdelay $0x3  }
0x94: {  	_ =	strace s3  }
0x95: {  	s3 =	sld [smem:$0x3FFD];
	_ =	sdelay $0x3  }
0x96: {  	_ =	strace s3  }
0x97: {  	_ =	strace $0x8FFFFFFF  }
0x98: {  	s19 =	sld [smem:$0x3FDB];
	_ =	sdelay $0x1  }
0x99: {  	s4 =	simm.s32 $_scs_section_size  }
0x9a: {  	s5 =	simm.s32 $_size__tile_overlayer_lowered;
	s6 =	simm.s32 $_tile_overlayer_lowered  }
0x9b: {  	s22 =	simm.s32 $0x1BFF;
	s21 =	sshll.u32 s6, $0x1;
	s3 =	sadd.s32 s4, s19  }
0x9c: {  	s7 =	simm.s32 $0x0;
	s20 =	sshll.u32 s5, $0x1;
	s5 =	sadd.s32 s21, s3  }
0x9d: {  	[timem:s7], [sflag:s22] =	dma.local [hbm:s5], s20  }
0x9e: {  	_ =	swait.ge [sflag:s22], s20  }
0x9f: {  	s4 =	ssub.s32 $0x0, s20;
	[sflag:s22] =	ssyncset.done $0x0  }
0xa0: {  	[sflag:s22] =	ssyncadd.s32 s4;
	_ =	sdelay $0x1  }
0xa1: {  	s23 =	simm.s32 $0x1B8B  }
0xa2: {  	_ =	swait.ge [sflag:s23], $0x1  }
0xa3: {  	[sflag:s23] =	ssyncset.done $0x0  }
0xa4: {  	s25 =	simm.s32 $0x1B8E;
	s24 =	sld [smem:$0x3FFE];
	[sflag:s23] =	ssyncadd.s32 $0xFFFFFFFF  }
0xa5: {  	s26 =	simm.s32 $execute0_lowered;
	[smem:$0x3FD2] =	sst s25  }
0xa6: {  	s5 =	sshll.u32 s26, $0x1;
	_ =	strace $0x8000004C;
	[dreg:$0x1] =	wrdreg $0xFFFFFFFF  }
0xa7: {  	s28 =	simm.s32 $_size_execute0_lowered;
	s3 =	sadd.s32 s3, s5;
	[dreg:$0x0] =	wrdreg $0x0  }
0xa8: {  	s5 =	sshll.u32 s28, $0x1;
	[dreg:$0x2] =	wrdreg s3  }
0xa9: {  	[dreg:$0x3] =	wrdreg s5  }
0xaa: {  	[dreg:$0x4] =	wrdreg $0xC0  }
0xab: {  	_ =	task [dreg:s7], $0x5FFFF  }
0xac: {  	[dreg:$0x1] =	wrdreg $0xFFFFFFFF  }
0xad: {  	[dreg:$0x0] =	wrdreg $0x60  }
0xae: {  	[dreg:$0x2] =	wrdreg s24  }
0xaf: {  	[dreg:$0x3] =	wrdreg s2  }
0xb0: {  	[dreg:$0x4] =	wrdreg $0x120000  }
0xb1: {  	[dreg:$0x5] =	wrdreg $0x9  }
0xb2: {  	_ =	task.clear_ibuf [dreg:s7], $0x6FFFF;
	_ =	strace $0x9000004C  }
0xb3: {  	s29 =	simm.s32 $0x9;
	_ =	strace $0x8000004E  }
0xb4: {  	_ =	swait.ge [sflag:s29], $0x1  }
0xb5: {  	[sflag:s29] =	ssyncadd.s32 $0xFFFFFFFF  }
0xb6: {  	_ =	strace $0x9000004E  }
0xb7: {  	_ =	sfence  }
0xb8: {  	s30 =	sld [smem:$0x0];
	_ =	sdelay $0x2  }
0xb9: {  	s31 =	sshll.u32 s1, $0xD;
	s1 =	sshrl.u32 s1, $0x2  }
0xba: {  	s3 =	sand.u32 $0x4000, s31;
	s1 =	sadd.s32 s1, s30  }
0xbb: {  	s0 =	sor.u32 s3, s0;
	s1 =	sshll.u32 s1, $0x11  }
0xbc: {  	s0 =	sor.u32 s1, s0  }
0xbd: {  	s0 =	sadd.s32 $0x8F2B, s0  }
0xbe: {  	[sflag:s0] =	ssyncadd.remote.s32 $0x1  }
0xbf: {  	_ =	sfence.sel $0xFFFF  }
0xc0: {  	[dreg:$0x0] =	wrdreg $0xFFFFFFFF;
	(pc) =	sbr.abs _section_cstart, $3  }
0xc1: {  	[dreg:$0x1] =	wrdreg $0xFFFFFFFF  }
0xc2: {  	_ =	task.clear_ibuf [dreg:s7], $0x2FFFF;
	_ =	strace $0x9FFFFFFF  }
0xc3: {  	(tm) =	ssettm $0x7FFFFFFF  }
tec
execute0_lowered:
.L_overlay_start_1:
0x0: {  	(tag) =	ssettag $0x1  }
0x1: {  	s5 =	rddreg [dreg:$0x0]  }
0x2: {  	s8 =	rddreg [dreg:$0x1]  }
0x3: {  	s2 =	rddreg [dreg:$0x2]  }
0x4: {  	s0 =	srdreg.scid;
	s1 =	rddreg [dreg:$0x3]  }
0x5: {  	s3 =	simm.s32 $0x0;
	s15 =	simm.s32 $0xA000;
	s9 =	sand.u32 $0x1, s0  }
0x6: {  	s16 =	simm.s32 $0xE000;
	s0 =	stileid.u32;
	s6 =	smul.u32 $0xA0000, s9  }
0x7: {  	s17 =	simm.s32 $0x1;
	s18 =	simm.s32 $0x2;
	s7 =	smul.u32 $0xA000, s0  }
0x8: {  	s19 =	simm.s32 $0x0;
	[smem:$0x7FF] =	sst s3;
	s10 =	smul.u32 $0x1400, s9  }
0x9: {  	s4 =	sadd.s32 $0x4C00, s5;
	s11 =	smul.u32 $0x140, s0;
	_ =	strace $0x8000004D  }
0xa: {  	s24 =	smul.u32 $0x28000, s0;
	s28 =	ssub.s32 $0x2, s9;
	s30 =	sshll.u32 s0, $0x6  }
0xb: {  	s31 =	sshll.u32 s0, $0x4;
	s9 =	sshll.u32 s9, $0x8;
	s29 =	sshrl.u32 s28, $0x1  }
0xc: {  	s8 =	sadd.s32 s8, s31;
	s6 =	sadd.s32 s7, s6;
	s23 =	sadd.s32 s11, s10  }
0xd: {  	s10 =	sshrl.u32 s24, $0x2;
	s13 =	ssub.s32 s28, s29;
	s8 =	sadd.s32 s9, s8  }
.Ltmp0:
0xe: {  	s6 =	sshrl.u32 s6, $0x3;
	s26 =	sshll.u32 s23, $0x4;
	(pc) =	sbr.rel .LBB2_1-.Ltmp0, $4  }
0xf: {  	s14 =	sadd.s32 s10, s2;
	s10 =	smax.u32 s13, $0x1;
	s13 =	simm.s32 $0x1C040  }
0x10: {  	s25 =	sadd.s32 s6, s5;
	s12 =	sadd.s32 s26, s5;
	s5 =	sadd.s32 s4, s26  }
0x11: {  	s6 =	sor.u32 $0x1C03, s30;
	s11 =	sshrl.u32 s14, $0x3;
	s14 =	simm.s32 $0x80  }
0x12: {  	s7 =	sadd.s32 $0x60A00, s25;
	s9 =	sadd.s32 $0x2CC00, s12;
	s12 =	simm.s32 $0x3  }
.LBB2_2:
0x13: {  	[bflag:$0x0] =	sbarrier.arrive $0xFFFF  }
.LBB2_6:
0x14: {  	s19 =	sadd.s32 $0x1, s19  }
0x15: {  	p0 =	sne.s32 s19, s10  }
.Ltmp1:
0x16: {  	[bflag:$0x0] =	sbarrier.arrive $0xFFFF;
	(pc) =	sbr.rel @!p0 .LBB2_7-.Ltmp1, $4  }
0x17: {  	[hbm:s9], [sflag:s6] =	dma.local [spmem:s11], $0x1400  }
0x18: {  	_ =	swait.ge [sflag:s12], $0x1400  }
0x19: {  	[sflag:s12] =	ssyncset.done $0x0  }
0x1a: {  	[sflag:s12] =	ssyncadd.s32 $0xFFFFEC00  }
.LBB2_1:
0x1b: {  	[spmem:s11], [sflag:s6] =	dma.local [hbm:s5], $0x1400  }
0x1c: {  	_ =	swait.ge [sflag:s12], $0x1400  }
0x1d: {  	[sflag:s12] =	ssyncset.done $0x0  }
0x1e: {  	[sflag:s12] =	ssyncadd.s32 $0xFFFFEC00  }
0x1f: {  	[tilespmem:s3], [sflag:$0x3] =	stream.linear.gather [hbm4b:s7+s3], $0xA000, $0x38;
	[tilespmem:$0x1C0C0] =	vst v63  }
0x20: {  	_ =	swait.ge [sflag:s12], $0xA000  }
0x21: {  	[sflag:s12] =	ssyncset.done $0x0  }
0x22: {  	[sflag:s12] =	ssyncadd.s32 $0xFFFF6000  }
0x23: {  	[tilespmem:s13], [sflag:$0x3] =	stream.linear.gather [hbm4b:s8+s3], $0x80, $0x38;
	[tilespmem:$0x1C0C0] =	vst v63  }
0x24: {  	_ =	swait.ge [sflag:s12], $0x80  }
0x25: {  	[sflag:s12] =	ssyncset.done $0x0  }
0x26: {  	[sflag:s12] =	ssyncadd.s32 $0xFFFFFF80  }
0x27: {  	v0 =	vld [tilespmem:$0x1C040];
	_ =	sdelay $0x4  }
0x28: {  	v0 =	vxor.u32 $0x80000000, v0  }
0x29: {  	(xrf0) =	vmax.scan.msk.u32 $0xffff, v0;
	_ =	sdelay $0x5  }
0x2a: {  	v0, _, _ =	vpop (xrf0)  }
0x2b: {  	(v2sf) =	vpush v0, $0xF;
	_ =	sdelay $0xe  }
0x2c: {  	s20 =	spop (v2sf)  }
0x2d: {  	s21 =	sxor.u32 $0x80000000, s20  }
0x2e: {  	p0 =	sgt.s32 s21, $0x0  }
.Ltmp2:
0x2f: {  	_ = 	snop;
	(pc) =	sbr.rel @!p0 .LBB2_2-.Ltmp2, $1  }
0x30: {  	_ =	sdelay $0x3  }
0x31: {  	[tilespmem:s15], [sflag:$0x1] =	stream.indirect.gather [hbm4b:s4+s14], $0x80, s3, s14, $0xb8;
	[tilespmem:$0x1C0C0] =	vst v63  }
0x32: {  	_ = 	snop  }
0x33: {  	[tilespmem:s16], [sflag:$0x2] =	stream.indirect.gather [hbm4b:s4+s14], $0x80, s14, s14, $0xb8;
	[tilespmem:$0x1C0C0] =	vst v63  }
0x34: {  	[bflag:$0x0] =	sbarrier.arrive $0xFFFF  }
0x35: {  	p0 =	slt.s32 s21, $0x50;
	_ =	swait.ge [sflag:s17], $0x4000  }
0x36: {  	s21 =	simm.s32 @!p0 $0x50;
	[sflag:s17] =	ssyncset.done $0x0  }
0x37: {  	s22 =	simm.s32 $0x5000;
	s20 =	sshll.u32 s21, $0x1;
	[sflag:s17] =	ssyncadd.s32 $0xFFFFC000  }
0x38: {  	[spmem:s2] =	stream.indirect.scatter.add.f32 [tilespmem:s15], [sflag:$0x3], $0x80, s22, s14, $0xb8;
	[tilespmem:$0x1C0C0] =	vst v63  }
0x39: {  	p0 =	sle.s32 s20, $0x2;
	_ =	swait.ge [sflag:s12], $0x4000  }
0x3a: {  	s21 =	sadd.s32 $0xFFFFFFFF, s21;
	s23 =	simm.s32 @!p0 $0x80;
	[sflag:s12] =	ssyncset.done $0x0  }
0x3b: {  	s24 =	simm.s32 @!p0 $0xA000;
	s22 =	simm.s32 @!p0 $0x100;
	[sflag:s12] =	ssyncadd.s32 $0xFFFFC000  }
0x3c: {  	[tilespmem:s24], [sflag:$0x1] =	stream.indirect.gather @!p0 [hbm4b:s4+s23], $0x80, s22, s23, $0xb8;
	[tilespmem:$0x1C0C0] =	vst v63  }
0x3d: {  	p0 =	sne.s32 s21, $0x0;
	_ =	swait.ge [sflag:s18], $0x4000  }
.Ltmp3:
0x3e: {  	[sflag:s18] =	ssyncset.done $0x0;
	(pc) =	sbr.rel @!p0 .LBB2_5-.Ltmp3, $4  }
0x3f: {  	s31 =	simm.s32 $0x5080;
	p1 =	sle.s32 s20, $0x3;
	[sflag:s18] =	ssyncadd.s32 $0xFFFFC000  }
0x40: {  	[spmem:s2] =	stream.indirect.scatter.add.f32 [tilespmem:s16], [sflag:$0x3], $0x80, s31, s14, $0xb8;
	[tilespmem:$0x1C0C0] =	vst v63  }
0x41: {  	s25 =	simm.s32 @!p1 $0xE000;
	s22 =	simm.s32 $0x4;
	_ =	swait.ge [sflag:s12], $0x4000  }
0x42: {  	s23 =	simm.s32 $0x5180;
	s24 =	simm.s32 @!p1 $0x180;
	[sflag:s12] =	ssyncset.done $0x0  }
.LBB2_4:
0x43: {  	s21 =	sadd.s32 $0xFFFFFFFF, s21;
	[sflag:s12] =	ssyncadd.s32 $0xFFFFC000;
	s26 =	simm.s32 @!p1 $0x80  }
0x44: {  	[tilespmem:s25], [sflag:$0x2] =	stream.indirect.gather @!p1 [hbm4b:s4+s26], $0x80, s24, s26, $0xb8;
	[tilespmem:$0x1C0C0] =	vst v63  }
0x45: {  	p0 =	sne.s32 s21, $0x0;
	s24 =	smov.u32 s23;
	_ =	swait.ge [sflag:s17], $0x4000  }
0x46: {  	s25 =	sadd.s32 $0xFFFFFF80, s23;
	[sflag:s17] =	ssyncset.done $0x0  }
0x47: {  	[sflag:s17] =	ssyncadd.s32 $0xFFFFC000  }
0x48: {  	[spmem:s2] =	stream.indirect.scatter.add.f32 [tilespmem:s15], [sflag:$0x3], $0x80, s25, s14, $0xb8;
	[tilespmem:$0x1C0C0] =	vst v63  }
0x49: {  	p1 =	sge.s32 s22, s20;
	_ =	swait.ge [sflag:s12], $0x4000  }
0x4a: {  	s26 =	simm.s32 @!p1 $0x80;
	s25 =	sadd.s32 @!p1 $0xFFFFB080, s23;
	[sflag:s12] =	ssyncset.done $0x0  }
0x4b: {  	s28 =	simm.s32 @!p1 $0xA000;
	[sflag:s12] =	ssyncadd.s32 $0xFFFFC000  }
0x4c: {  	[tilespmem:s28], [sflag:$0x1] =	stream.indirect.gather @!p1 [hbm4b:s4+s26], $0x80, s25, s26, $0xb8;
	[tilespmem:$0x1C0C0] =	vst v63  }
0x4d: {  	_ =	swait.ge [sflag:s18], $0x4000  }
.Ltmp4:
0x4e: {  	[sflag:s18] =	ssyncset.done $0x0;
	(pc) =	sbr.rel @p0 .LBB2_4-.Ltmp4, $4  }
0x4f: {  	s25 =	sadd.s32 $0x1, s22;
	s22 =	sadd.s32 $0x2, s22;
	[sflag:s18] =	ssyncadd.s32 $0xFFFFC000  }
0x50: {  	[spmem:s2] =	stream.indirect.scatter.add.f32 [tilespmem:s16], [sflag:$0x3], $0x80, s23, s14, $0xb8;
	[tilespmem:$0x1C0C0] =	vst v63  }
0x51: {  	p1 =	sge.s32 s25, s20;
	s23 =	sadd.s32 $0x100, s23;
	_ =	swait.ge [sflag:s12], $0x4000  }
0x52: {  	s24 =	sadd.s32 @!p1 $0xFFFFB100, s24;
	s25 =	simm.s32 @!p1 $0xE000;
	[sflag:s12] =	ssyncset.done $0x0  }
.LBB2_5:
.Ltmp5:
0x53: {  	(pc) =	sbr.rel .LBB2_6-.Ltmp5, $3  }
0x54: {  	_ =	sdelay $0x1  }
0x55: {  	[sflag:s12] =	ssyncadd.s32 $0xFFFFC000;
	s20 =	simm.s32 @!p1 $0x80  }
0x56: {  	[tilespmem:s25], [sflag:$0x2] =	stream.indirect.gather @!p1 [hbm4b:s4+s20], $0x80, s24, s20, $0xb8;
	[tilespmem:$0x1C0C0] =	vst v63  }
.LBB2_7:
0x57: {  	_ =	sfence.sel $0x180000  }
0x58: {  	[bflag:$0x0] =	sbarrier.arrive $0xFFFF  }
0x59: {  	p0 =	sne.s32 s0, $0x0;
	_ =	strace $0x9000004D  }
0x5a: {  	s0 =	sadd.s32 @!p0 $0x100000, s1;
	[bflag:$0x2] =	sbarrier.arrive $0xFFFF  }
0x5b: {  	[sflag:s0] =	ssyncadd.tile.s32 @!p0 $0x1;
	_ =	shalt  }
.Lfunc_end2:
_tile_overlayer_lowered:
.L_overlay_start_2:
0x5c: {  	(tag) =	ssettag $0x2  }
0x5d: {  	s0 =	rddreg [dreg:$0x0];
	s2 =	stileid.u32  }
0x5e: {  	s1 =	rddreg [dreg:$0x1];
	p0 =	sne.s32 s2, $0x0  }
0x5f: {  	s3 =	rddreg [dreg:$0x2];
	[bflag:$0x3] =	sbarrier.arrive $0xFFFF;
	s2 =	simm.s32 @!p0 $0x1C03  }
0x60: {  	[timem:s3], [sflag:s2] =	dma.local @!p0 [hbm:s0], s1  }
0x61: {  	s0 =	simm.s32 @!p0 $0x3  }
0x62: {  	_ =	swait.ge @!p0 [sflag:s0], s1  }
0x63: {  	s1 =	ssub.s32 @!p0 $0x0, s1;
	[sflag:s0] =	ssyncset.done @!p0 $0x0  }
0x64: {  	[sflag:s0] =	ssyncadd.s32 @!p0 s1  }
0x65: {  	[bflag:$0x3] =	sbarrier.arrive $0xFFFF  }
0x66: {  	_ =	shalt  }

// kernel: kernel.22.cloned.1.call-start
scs
__scs_entry_jumppad:
0x0: {  	(pc) =	sbr.rel $0x88, $3  }
0x1: {  	(tag) =	ssettag $0x0;
	lr =	simm.s32 $0x1  }
0x2: {  	[smem:$0x3F97] =	sst lr;
	_ =	strace $0xD0000000  }
0x3: {  	_ = 	snop  }
0x4: {  	_ = 	snop  }
0x5: {  	_ = 	snop  }
0x6: {  	_ = 	snop  }
0x7: {  	_ = 	snop  }
__scs_overlays_trampoline_lowered:
0x8: {  	[smem:$0x3FA6] =	sst s0  }
0x9: {  	[smem:$0x3FA7] =	sst s1  }
0xa: {  	[smem:$0x3FA8] =	sst s2  }
0xb: {  	[smem:$0x3FA9] =	sst s3  }
0xc: {  	[smem:$0x3FAA] =	sst s4  }
0xd: {  	[smem:$0x3FAB] =	sst s5  }
0xe: {  	[smem:$0x3FAC] =	sst s6  }
0xf: {  	[smem:$0x3FAD] =	sst s7  }
0x10: {  	[smem:$0x3FAE] =	sst s8  }
0x11: {  	[smem:$0x3FAF] =	sst s9;
	s0 =	simm.s32 @!p0 $0x0  }
0x12: {  	s1 =	sld [smem:$0x3F95];
	s0 =	simm.s32 @p0 $0x1  }
0x13: {  	[smem:$0x3FB0] =	sst s0;
	s0 =	simm.s32 @!p1 $0x0  }
0x14: {  	s2 =	sld [smem:$0x3F94];
	s0 =	simm.s32 @p1 $0x1  }
0x15: {  	[smem:$0x3FB1] =	sst s0;
	s0 =	simm.s32 @!p2 $0x0  }
0x16: {  	s3 =	sld [smem:$0x3FDB];
	s0 =	simm.s32 @p2 $0x1  }
0x17: {  	s4 =	simm.s32 $0x1BF5;
	[smem:$0x3FB3] =	sst s0  }
0x18: {  	s0 =	sld [smem:$0x3F96];
	_ =	swait.ge [sflag:s4], $0x0  }
0x19: {  	s7 =	sld [smem:$0x3F97]  }
0x1a: {  	s8 =	sadd.s32 $0xFFFFE003, lr  }
0x1b: {  	s9 =	sadd.s32 $0xFFFFFEF7, lr;
	s5 =	simm.s32 $0xFFFFFFFF;
	p2 =	slt.u32 s8, $0xFFFFF086  }
0x1c: {  	p1 =	slt.u32 s9, $0xF7A;
	s5 =	simm.s32 @!p2 $0x0  }
0x1d: {  	s5 =	simm.s32 @p1 $0x1;
	p0 =	seq.s32 s7, s2  }
0x1e: {  	s7 =	smul.u32 @!p0 $0xF7A, s2;
	p2 =	seq.s32 @!p0 s5, $0x0  }
0x1f: {  	s9 =	smul.u32 $0xF7A, s1;
	s8 =	simm.s32 @!p0 $0x1BF5;
	p2 =	por !p2, p0  }
0x20: {  	[sflag:s8] =	ssyncset.s32 @!p0 $0xFFFFF086;
	s6 =	sadd.s32 @!p0 s3, s7;
	s7 =	simm.s32 @!p0 $0x108  }
0x21: {  	s3 =	sadd.s32 s3, s9;
	s6 =	sadd.s32 @!p0 $0x88, s6;
	s7 =	simm.s32 @p2 $0x1082  }
0x22: {  	[simem:s7], [sflag:s8] =	dma.local @!p0 [hbm:s6], $0xF7A  }
0x23: {  	s9 =	sor.u32 $0xD0000000, s2;
	s6 =	simm.s32 $0x108;
	_ =	swait.ge @!p0 [sflag:s8], $0x0  }
0x24: {  	s3 =	sadd.s32 $0x88, s3;
	s6 =	simm.s32 @!p1 $0x1082;
	[sflag:s4] =	ssyncset.s32 $0xFFFFF086  }
0x25: {  	[simem:s6], [sflag:s4] =	dma.local [hbm:s3], $0xF7A  }
0x26: {  	[smem:$0x3F97] =	sst s1;
	(tag) =	ssettag s2;
	_ =	strace s9  }
0x27: {  	s1 =	sld [smem:$0x3FA7]  }
0x28: {  	s2 =	sld [smem:$0x3FA8]  }
0x29: {  	s4 =	sld [smem:$0x3FAA]  }
0x2a: {  	p0 =	seq.s32 s5, $0x0;
	s5 =	sld [smem:$0x3FAB]  }
0x2b: {  	s6 =	sld [smem:$0x3FAC]  }
0x2c: {  	s7 =	sld [smem:$0x3FAD]  }
0x2d: {  	s3 =	simm.s32 $0x108;
	s8 =	sld [smem:$0x3FAE]  }
0x2e: {  	s3 =	simm.s32 @!p0 $0x1082;
	s9 =	sld [smem:$0x3FAF]  }
0x2f: {  	lr =	sadd.s32 s0, s3;
	s0 =	sld [smem:$0x3FA6]  }
0x30: {  	s3 =	sld [smem:$0x3FA9]  }
0x31: {  	[smem:$0x3FB2] =	sst s10  }
0x32: {  	s10 =	sld [smem:$0x3FB0];
	_ =	sdelay $0x3  }
0x33: {  	p0 =	seq.s32 s10, $0x1;
	s10 =	sld [smem:$0x3FB2];
	_ =	sdelay $0x3  }
0x34: {  	[smem:$0x3FB2] =	sst s10  }
0x35: {  	s10 =	sld [smem:$0x3FB1];
	_ =	sdelay $0x3  }
0x36: {  	p1 =	seq.s32 s10, $0x1;
	s10 =	sld [smem:$0x3FB2];
	_ =	sdelay $0x3  }
0x37: {  	[smem:$0x3FB2] =	sst s10  }
0x38: {  	s10 =	sld [smem:$0x3FB3]  }
0x39: {  	_ = 	snop;
	(pc) =	sbr.ind lr, $3  }
0x3a: {  	_ = 	snop  }
0x3b: {  	_ = 	snop  }
0x3c: {  	p2 =	seq.s32 s10, $0x1;
	s10 =	sld [smem:$0x3FB2]  }
0x3d: {  	_ =	shalt  }
0x3e: {  	_ =	shalt  }
0x3f: {  	_ =	shalt  }
0x40: {  	_ =	shalt  }
0x41: {  	_ =	shalt  }
0x42: {  	_ =	shalt  }
0x43: {  	_ =	shalt  }
0x44: {  	_ =	shalt  }
0x45: {  	_ =	shalt  }
0x46: {  	_ =	shalt  }
0x47: {  	_ =	shalt  }
0x48: {  	_ =	shalt  }
0x49: {  	_ =	shalt  }
0x4a: {  	_ =	shalt  }
0x4b: {  	_ =	shalt  }
0x4c: {  	_ =	shalt  }
0x4d: {  	_ =	shalt  }
0x4e: {  	_ =	shalt  }
0x4f: {  	_ =	shalt  }
0x50: {  	_ =	shalt  }
0x51: {  	_ =	shalt  }
0x52: {  	_ =	shalt  }
0x53: {  	_ =	shalt  }
0x54: {  	_ =	shalt  }
0x55: {  	_ =	shalt  }
0x56: {  	_ =	shalt  }
0x57: {  	_ =	shalt  }
0x58: {  	_ =	shalt  }
0x59: {  	_ =	shalt  }
0x5a: {  	_ =	shalt  }
0x5b: {  	_ =	shalt  }
0x5c: {  	_ =	shalt  }
0x5d: {  	_ =	shalt  }
0x5e: {  	_ =	shalt  }
0x5f: {  	_ =	shalt  }
0x60: {  	_ =	shalt  }
0x61: {  	_ =	shalt  }
0x62: {  	_ =	shalt  }
0x63: {  	_ =	shalt  }
0x64: {  	_ =	shalt  }
0x65: {  	_ =	shalt  }
0x66: {  	_ =	shalt  }
0x67: {  	_ =	shalt  }
0x68: {  	_ =	shalt  }
0x69: {  	_ =	shalt  }
0x6a: {  	_ =	shalt  }
0x6b: {  	_ =	shalt  }
0x6c: {  	_ =	shalt  }
0x6d: {  	_ =	shalt  }
0x6e: {  	_ =	shalt  }
0x6f: {  	_ =	shalt  }
0x70: {  	_ =	shalt  }
0x71: {  	_ =	shalt  }
0x72: {  	_ =	shalt  }
0x73: {  	_ =	shalt  }
0x74: {  	_ =	shalt  }
0x75: {  	_ =	shalt  }
0x76: {  	_ =	shalt  }
0x77: {  	_ =	shalt  }
0x78: {  	_ =	shalt  }
0x79: {  	_ =	shalt  }
0x7a: {  	_ =	shalt  }
0x7b: {  	_ =	shalt  }
0x7c: {  	_ =	shalt  }
0x7d: {  	_ =	shalt  }
0x7e: {  	_ =	shalt  }
0x7f: {  	_ =	shalt  }
0x80: {  	_ =	shalt  }
0x81: {  	_ =	shalt  }
0x82: {  	_ =	shalt  }
0x83: {  	_ =	shalt  }
0x84: {  	_ =	shalt  }
0x85: {  	_ =	shalt  }
0x86: {  	_ =	shalt  }
0x87: {  	_ =	shalt  }
.Lfunc_end0:
.L_simem_size_0:
called_computation.3_lowered:
.L_overlay_start_0:
0x88: {  	s2 =	sld [smem:$0x3FD9]  }
0x89: {  	s3 =	sld [smem:$0x3FFE];
	_ =	sdelay $0x1  }
0x8a: {  	s1 =	srdreg.scid  }
0x8b: {  	s0 =	sand.u32 $0x1, s1  }
0x8c: {  	s17 =	sshll.u32 s0, $0xA;
	s2 =	sadd.s32 s3, s2  }
0x8d: {  	s2 =	sadd.s32 s2, s17  }
0x8e: {  	[smem:$0x3FBE] =	sst s2  }
0x8f: {  	_ = 	snop  }
0x90: {  	s2 =	sld [smem:$0x3FD0];
	(tm) =	ssettm $0x1  }
0x91: {  	s18 =	sld [smem:$0x3FFB];
	_ =	sdelay $0x3  }
0x92: {  	_ =	strace s18  }
0x93: {  	s3 =	sld [smem:$0x3FFC];
	_ =	sdelay $0x3  }
0x94: {  	_ =	strace s3  }
0x95: {  	s3 =	sld [smem:$0x3FFD];
	_ =	sdelay $0x3  }
0x96: {  	_ =	strace s3  }
0x97: {  	_ =	strace $0x8FFFFFFF  }
0x98: {  	s19 =	sld [smem:$0x3FDB];
	_ =	sdelay $0x1  }
0x99: {  	s4 =	simm.s32 $_scs_section_size  }
0x9a: {  	s5 =	simm.s32 $_size__tile_overlayer_lowered;
	s6 =	simm.s32 $_tile_overlayer_lowered  }
0x9b: {  	s22 =	simm.s32 $0x1BFF;
	s21 =	sshll.u32 s6, $0x1;
	s3 =	sadd.s32 s4, s19  }
0x9c: {  	s7 =	simm.s32 $0x0;
	s20 =	sshll.u32 s5, $0x1;
	s5 =	sadd.s32 s21, s3  }
0x9d: {  	[timem:s7], [sflag:s22] =	dma.local [hbm:s5], s20  }
0x9e: {  	_ =	swait.ge [sflag:s22], s20  }
0x9f: {  	s4 =	ssub.s32 $0x0, s20;
	[sflag:s22] =	ssyncset.done $0x0  }
0xa0: {  	[sflag:s22] =	ssyncadd.s32 s4;
	_ =	sdelay $0x1  }
0xa1: {  	s23 =	simm.s32 $0x1B8B  }
0xa2: {  	_ =	swait.ge [sflag:s23], $0x1  }
0xa3: {  	[sflag:s23] =	ssyncset.done $0x0  }
0xa4: {  	s25 =	simm.s32 $0x1B8E;
	s24 =	sld [smem:$0x3FFE];
	[sflag:s23] =	ssyncadd.s32 $0xFFFFFFFF  }
0xa5: {  	s26 =	simm.s32 $execute0_lowered;
	[smem:$0x3FD2] =	sst s25  }
0xa6: {  	s5 =	sshll.u32 s26, $0x1;
	_ =	strace $0x8000004F;
	[dreg:$0x1] =	wrdreg $0xFFFFFFFF  }
0xa7: {  	s28 =	simm.s32 $_size_execute0_lowered;
	s3 =	sadd.s32 s3, s5;
	[dreg:$0x0] =	wrdreg $0x0  }
0xa8: {  	s5 =	sshll.u32 s28, $0x1;
	[dreg:$0x2] =	wrdreg s3  }
0xa9: {  	[dreg:$0x3] =	wrdreg s5  }
0xaa: {  	[dreg:$0x4] =	wrdreg $0xC0  }
0xab: {  	_ =	task [dreg:s7], $0x5FFFF  }
0xac: {  	[dreg:$0x1] =	wrdreg $0xFFFFFFFF  }
0xad: {  	[dreg:$0x0] =	wrdreg $0x60  }
0xae: {  	[dreg:$0x2] =	wrdreg s24  }
0xaf: {  	[dreg:$0x3] =	wrdreg s2  }
0xb0: {  	[dreg:$0x4] =	wrdreg $0x120000  }
0xb1: {  	[dreg:$0x5] =	wrdreg $0x9  }
0xb2: {  	_ =	task.clear_ibuf [dreg:s7], $0x6FFFF;
	_ =	strace $0x9000004F  }
0xb3: {  	s29 =	simm.s32 $0x9;
	_ =	strace $0x80000051  }
0xb4: {  	_ =	swait.ge [sflag:s29], $0x1  }
0xb5: {  	[sflag:s29] =	ssyncadd.s32 $0xFFFFFFFF  }
0xb6: {  	_ =	strace $0x90000051  }
0xb7: {  	_ =	sfence  }
0xb8: {  	s30 =	sld [smem:$0x0];
	_ =	sdelay $0x2  }
0xb9: {  	s31 =	sshll.u32 s1, $0xD;
	s1 =	sshrl.u32 s1, $0x2  }
0xba: {  	s3 =	sand.u32 $0x4000, s31;
	s1 =	sadd.s32 s1, s30  }
0xbb: {  	s0 =	sor.u32 s3, s0;
	s1 =	sshll.u32 s1, $0x11  }
0xbc: {  	s0 =	sor.u32 s1, s0  }
0xbd: {  	s0 =	sadd.s32 $0x8F2B, s0  }
0xbe: {  	[sflag:s0] =	ssyncadd.remote.s32 $0x1  }
0xbf: {  	_ =	sfence.sel $0xFFFF  }
0xc0: {  	[dreg:$0x0] =	wrdreg $0xFFFFFFFF;
	(pc) =	sbr.abs _section_cstart, $3  }
0xc1: {  	[dreg:$0x1] =	wrdreg $0xFFFFFFFF  }
0xc2: {  	_ =	task.clear_ibuf [dreg:s7], $0x2FFFF;
	_ =	strace $0x9FFFFFFF  }
0xc3: {  	(tm) =	ssettm $0x7FFFFFFF  }
tec
execute0_lowered:
.L_overlay_start_1:
0x0: {  	(tag) =	ssettag $0x1  }
0x1: {  	s5 =	rddreg [dreg:$0x0]  }
0x2: {  	s8 =	rddreg [dreg:$0x1]  }
0x3: {  	s2 =	rddreg [dreg:$0x2]  }
0x4: {  	s0 =	srdreg.scid;
	s1 =	rddreg [dreg:$0x3]  }
0x5: {  	s3 =	simm.s32 $0x0;
	s15 =	simm.s32 $0xA000;
	s9 =	sand.u32 $0x1, s0  }
0x6: {  	s16 =	simm.s32 $0xE000;
	s0 =	stileid.u32;
	s6 =	smul.u32 $0xA0000, s9  }
0x7: {  	s17 =	simm.s32 $0x1;
	s18 =	simm.s32 $0x2;
	s7 =	smul.u32 $0xA000, s0  }
0x8: {  	s19 =	simm.s32 $0x0;
	[smem:$0x7FF] =	sst s3;
	s10 =	smul.u32 $0x1400, s9  }
0x9: {  	s4 =	sadd.s32 $0x4C00, s5;
	s11 =	smul.u32 $0x140, s0;
	_ =	strace $0x80000050  }
0xa: {  	s24 =	smul.u32 $0x28000, s0;
	s28 =	ssub.s32 $0x2, s9;
	s30 =	sshll.u32 s0, $0x6  }
0xb: {  	s31 =	sshll.u32 s0, $0x4;
	s9 =	sshll.u32 s9, $0x8;
	s29 =	sshrl.u32 s28, $0x1  }
0xc: {  	s8 =	sadd.s32 s8, s31;
	s6 =	sadd.s32 s7, s6;
	s23 =	sadd.s32 s11, s10  }
0xd: {  	s10 =	sshrl.u32 s24, $0x2;
	s13 =	ssub.s32 s28, s29;
	s8 =	sadd.s32 s9, s8  }
.Ltmp0:
0xe: {  	s6 =	sshrl.u32 s6, $0x3;
	s26 =	sshll.u32 s23, $0x4;
	(pc) =	sbr.rel .LBB2_1-.Ltmp0, $4  }
0xf: {  	s14 =	sadd.s32 s10, s2;
	s10 =	smax.u32 s13, $0x1;
	s13 =	simm.s32 $0x1C040  }
0x10: {  	s25 =	sadd.s32 s6, s5;
	s12 =	sadd.s32 s26, s5;
	s5 =	sadd.s32 s4, s26  }
0x11: {  	s6 =	sor.u32 $0x1C03, s30;
	s11 =	sshrl.u32 s14, $0x3;
	s14 =	simm.s32 $0x80  }
0x12: {  	s7 =	sadd.s32 $0x60A00, s25;
	s9 =	sadd.s32 $0x2CC00, s12;
	s12 =	simm.s32 $0x3  }
.LBB2_2:
0x13: {  	[bflag:$0x0] =	sbarrier.arrive $0xFFFF  }
.LBB2_6:
0x14: {  	s19 =	sadd.s32 $0x1, s19  }
0x15: {  	p0 =	sne.s32 s19, s10  }
.Ltmp1:
0x16: {  	[bflag:$0x0] =	sbarrier.arrive $0xFFFF;
	(pc) =	sbr.rel @!p0 .LBB2_7-.Ltmp1, $4  }
0x17: {  	[hbm:s9], [sflag:s6] =	dma.local [spmem:s11], $0x1400  }
0x18: {  	_ =	swait.ge [sflag:s12], $0x1400  }
0x19: {  	[sflag:s12] =	ssyncset.done $0x0  }
0x1a: {  	[sflag:s12] =	ssyncadd.s32 $0xFFFFEC00  }
.LBB2_1:
0x1b: {  	[spmem:s11], [sflag:s6] =	dma.local [hbm:s5], $0x1400  }
0x1c: {  	_ =	swait.ge [sflag:s12], $0x1400  }
0x1d: {  	[sflag:s12] =	ssyncset.done $0x0  }
0x1e: {  	[sflag:s12] =	ssyncadd.s32 $0xFFFFEC00  }
0x1f: {  	[tilespmem:s3], [sflag:$0x3] =	stream.linear.gather [hbm4b:s7+s3], $0xA000, $0x38;
	[tilespmem:$0x1C0C0] =	vst v63  }
0x20: {  	_ =	swait.ge [sflag:s12], $0xA000  }
0x21: {  	[sflag:s12] =	ssyncset.done $0x0  }
0x22: {  	[sflag:s12] =	ssyncadd.s32 $0xFFFF6000  }
0x23: {  	[tilespmem:s13], [sflag:$0x3] =	stream.linear.gather [hbm4b:s8+s3], $0x80, $0x38;
	[tilespmem:$0x1C0C0] =	vst v63  }
0x24: {  	_ =	swait.ge [sflag:s12], $0x80  }
0x25: {  	[sflag:s12] =	ssyncset.done $0x0  }
0x26: {  	[sflag:s12] =	ssyncadd.s32 $0xFFFFFF80  }
0x27: {  	v0 =	vld [tilespmem:$0x1C040];
	_ =	sdelay $0x4  }
0x28: {  	v0 =	vxor.u32 $0x80000000, v0  }
0x29: {  	(xrf0) =	vmax.scan.msk.u32 $0xffff, v0;
	_ =	sdelay $0x5  }
0x2a: {  	v0, _, _ =	vpop (xrf0)  }
0x2b: {  	(v2sf) =	vpush v0, $0xF;
	_ =	sdelay $0xe  }
0x2c: {  	s20 =	spop (v2sf)  }
0x2d: {  	s21 =	sxor.u32 $0x80000000, s20  }
0x2e: {  	p0 =	sgt.s32 s21, $0x0  }
.Ltmp2:
0x2f: {  	_ = 	snop;
	(pc) =	sbr.rel @!p0 .LBB2_2-.Ltmp2, $1  }
0x30: {  	_ =	sdelay $0x3  }
0x31: {  	[tilespmem:s15], [sflag:$0x1] =	stream.indirect.gather [hbm4b:s4+s14], $0x80, s3, s14, $0xb8;
	[tilespmem:$0x1C0C0] =	vst v63  }
0x32: {  	_ = 	snop  }
0x33: {  	[tilespmem:s16], [sflag:$0x2] =	stream.indirect.gather [hbm4b:s4+s14], $0x80, s14, s14, $0xb8;
	[tilespmem:$0x1C0C0] =	vst v63  }
0x34: {  	[bflag:$0x0] =	sbarrier.arrive $0xFFFF  }
0x35: {  	p0 =	slt.s32 s21, $0x50;
	_ =	swait.ge [sflag:s17], $0x4000  }
0x36: {  	s21 =	simm.s32 @!p0 $0x50;
	[sflag:s17] =	ssyncset.done $0x0  }
0x37: {  	s22 =	simm.s32 $0x5000;
	s20 =	sshll.u32 s21, $0x1;
	[sflag:s17] =	ssyncadd.s32 $0xFFFFC000  }
0x38: {  	[spmem:s2] =	stream.indirect.scatter.add.f32 [tilespmem:s15], [sflag:$0x3], $0x80, s22, s14, $0xb8;
	[tilespmem:$0x1C0C0] =	vst v63  }
0x39: {  	p0 =	sle.s32 s20, $0x2;
	_ =	swait.ge [sflag:s12], $0x4000  }
0x3a: {  	s21 =	sadd.s32 $0xFFFFFFFF, s21;
	s23 =	simm.s32 @!p0 $0x80;
	[sflag:s12] =	ssyncset.done $0x0  }
0x3b: {  	s24 =	simm.s32 @!p0 $0xA000;
	s22 =	simm.s32 @!p0 $0x100;
	[sflag:s12] =	ssyncadd.s32 $0xFFFFC000  }
0x3c: {  	[tilespmem:s24], [sflag:$0x1] =	stream.indirect.gather @!p0 [hbm4b:s4+s23], $0x80, s22, s23, $0xb8;
	[tilespmem:$0x1C0C0] =	vst v63  }
0x3d: {  	p0 =	sne.s32 s21, $0x0;
	_ =	swait.ge [sflag:s18], $0x4000  }
.Ltmp3:
0x3e: {  	[sflag:s18] =	ssyncset.done $0x0;
	(pc) =	sbr.rel @!p0 .LBB2_5-.Ltmp3, $4  }
0x3f: {  	s31 =	simm.s32 $0x5080;
	p1 =	sle.s32 s20, $0x3;
	[sflag:s18] =	ssyncadd.s32 $0xFFFFC000  }
0x40: {  	[spmem:s2] =	stream.indirect.scatter.add.f32 [tilespmem:s16], [sflag:$0x3], $0x80, s31, s14, $0xb8;
	[tilespmem:$0x1C0C0] =	vst v63  }
0x41: {  	s25 =	simm.s32 @!p1 $0xE000;
	s22 =	simm.s32 $0x4;
	_ =	swait.ge [sflag:s12], $0x4000  }
0x42: {  	s23 =	simm.s32 $0x5180;
	s24 =	simm.s32 @!p1 $0x180;
	[sflag:s12] =	ssyncset.done $0x0  }
.LBB2_4:
0x43: {  	s21 =	sadd.s32 $0xFFFFFFFF, s21;
	[sflag:s12] =	ssyncadd.s32 $0xFFFFC000;
	s26 =	simm.s32 @!p1 $0x80  }
0x44: {  	[tilespmem:s25], [sflag:$0x2] =	stream.indirect.gather @!p1 [hbm4b:s4+s26], $0x80, s24, s26, $0xb8;
	[tilespmem:$0x1C0C0] =	vst v63  }
0x45: {  	p0 =	sne.s32 s21, $0x0;
	s24 =	smov.u32 s23;
	_ =	swait.ge [sflag:s17], $0x4000  }
0x46: {  	s25 =	sadd.s32 $0xFFFFFF80, s23;
	[sflag:s17] =	ssyncset.done $0x0  }
0x47: {  	[sflag:s17] =	ssyncadd.s32 $0xFFFFC000  }
0x48: {  	[spmem:s2] =	stream.indirect.scatter.add.f32 [tilespmem:s15], [sflag:$0x3], $0x80, s25, s14, $0xb8;
	[tilespmem:$0x1C0C0] =	vst v63  }
0x49: {  	p1 =	sge.s32 s22, s20;
	_ =	swait.ge [sflag:s12], $0x4000  }
0x4a: {  	s26 =	simm.s32 @!p1 $0x80;
	s25 =	sadd.s32 @!p1 $0xFFFFB080, s23;
	[sflag:s12] =	ssyncset.done $0x0  }
0x4b: {  	s28 =	simm.s32 @!p1 $0xA000;
	[sflag:s12] =	ssyncadd.s32 $0xFFFFC000  }
0x4c: {  	[tilespmem:s28], [sflag:$0x1] =	stream.indirect.gather @!p1 [hbm4b:s4+s26], $0x80, s25, s26, $0xb8;
	[tilespmem:$0x1C0C0] =	vst v63  }
0x4d: {  	_ =	swait.ge [sflag:s18], $0x4000  }
.Ltmp4:
0x4e: {  	[sflag:s18] =	ssyncset.done $0x0;
	(pc) =	sbr.rel @p0 .LBB2_4-.Ltmp4, $4  }
0x4f: {  	s25 =	sadd.s32 $0x1, s22;
	s22 =	sadd.s32 $0x2, s22;
	[sflag:s18] =	ssyncadd.s32 $0xFFFFC000  }
0x50: {  	[spmem:s2] =	stream.indirect.scatter.add.f32 [tilespmem:s16], [sflag:$0x3], $0x80, s23, s14, $0xb8;
	[tilespmem:$0x1C0C0] =	vst v63  }
0x51: {  	p1 =	sge.s32 s25, s20;
	s23 =	sadd.s32 $0x100, s23;
	_ =	swait.ge [sflag:s12], $0x4000  }
0x52: {  	s24 =	sadd.s32 @!p1 $0xFFFFB100, s24;
	s25 =	simm.s32 @!p1 $0xE000;
	[sflag:s12] =	ssyncset.done $0x0  }
.LBB2_5:
.Ltmp5:
0x53: {  	(pc) =	sbr.rel .LBB2_6-.Ltmp5, $3  }
0x54: {  	_ =	sdelay $0x1  }
0x55: {  	[sflag:s12] =	ssyncadd.s32 $0xFFFFC000;
	s20 =	simm.s32 @!p1 $0x80  }
0x56: {  	[tilespmem:s25], [sflag:$0x2] =	stream.indirect.gather @!p1 [hbm4b:s4+s20], $0x80, s24, s20, $0xb8;
	[tilespmem:$0x1C0C0] =	vst v63  }
.LBB2_7:
0x57: {  	_ =	sfence.sel $0x180000  }
0x58: {  	[bflag:$0x0] =	sbarrier.arrive $0xFFFF  }
0x59: {  	p0 =	sne.s32 s0, $0x0;
	_ =	strace $0x90000050  }
0x5a: {  	s0 =	sadd.s32 @!p0 $0x100000, s1;
	[bflag:$0x2] =	sbarrier.arrive $0xFFFF  }
0x5b: {  	[sflag:s0] =	ssyncadd.tile.s32 @!p0 $0x1;
	_ =	shalt  }
.Lfunc_end2:
_tile_overlayer_lowered:
.L_overlay_start_2:
0x5c: {  	(tag) =	ssettag $0x2  }
0x5d: {  	s0 =	rddreg [dreg:$0x0];
	s2 =	stileid.u32  }
0x5e: {  	s1 =	rddreg [dreg:$0x1];
	p0 =	sne.s32 s2, $0x0  }
0x5f: {  	s3 =	rddreg [dreg:$0x2];
	[bflag:$0x3] =	sbarrier.arrive $0xFFFF;
	s2 =	simm.s32 @!p0 $0x1C03  }
0x60: {  	[timem:s3], [sflag:s2] =	dma.local @!p0 [hbm:s0], s1  }
0x61: {  	s0 =	simm.s32 @!p0 $0x3  }
0x62: {  	_ =	swait.ge @!p0 [sflag:s0], s1  }
0x63: {  	s1 =	ssub.s32 @!p0 $0x0, s1;
	[sflag:s0] =	ssyncset.done @!p0 $0x0  }
0x64: {  	[sflag:s0] =	ssyncadd.s32 @!p0 s1  }
0x65: {  	[bflag:$0x3] =	sbarrier.arrive $0xFFFF  }
0x66: {  	_ =	shalt  }

// kernel: kernel.25.cloned.1.call-start
scs
__scs_entry_jumppad:
0x0: {  	(pc) =	sbr.rel $0x88, $3  }
0x1: {  	(tag) =	ssettag $0x0;
	lr =	simm.s32 $0x1  }
0x2: {  	[smem:$0x3F97] =	sst lr;
	_ =	strace $0xD0000000  }
0x3: {  	_ = 	snop  }
0x4: {  	_ = 	snop  }
0x5: {  	_ = 	snop  }
0x6: {  	_ = 	snop  }
0x7: {  	_ = 	snop  }
__scs_overlays_trampoline_lowered:
0x8: {  	[smem:$0x3FA6] =	sst s0  }
0x9: {  	[smem:$0x3FA7] =	sst s1  }
0xa: {  	[smem:$0x3FA8] =	sst s2  }
0xb: {  	[smem:$0x3FA9] =	sst s3  }
0xc: {  	[smem:$0x3FAA] =	sst s4  }
0xd: {  	[smem:$0x3FAB] =	sst s5  }
0xe: {  	[smem:$0x3FAC] =	sst s6  }
0xf: {  	[smem:$0x3FAD] =	sst s7  }
0x10: {  	[smem:$0x3FAE] =	sst s8  }
0x11: {  	[smem:$0x3FAF] =	sst s9;
	s0 =	simm.s32 @!p0 $0x0  }
0x12: {  	s1 =	sld [smem:$0x3F95];
	s0 =	simm.s32 @p0 $0x1  }
0x13: {  	[smem:$0x3FB0] =	sst s0;
	s0 =	simm.s32 @!p1 $0x0  }
0x14: {  	s2 =	sld [smem:$0x3F94];
	s0 =	simm.s32 @p1 $0x1  }
0x15: {  	[smem:$0x3FB1] =	sst s0;
	s0 =	simm.s32 @!p2 $0x0  }
0x16: {  	s3 =	sld [smem:$0x3FDB];
	s0 =	simm.s32 @p2 $0x1  }
0x17: {  	s4 =	simm.s32 $0x1BF5;
	[smem:$0x3FB3] =	sst s0  }
0x18: {  	s0 =	sld [smem:$0x3F96];
	_ =	swait.ge [sflag:s4], $0x0  }
0x19: {  	s7 =	sld [smem:$0x3F97]  }
0x1a: {  	s8 =	sadd.s32 $0xFFFFE003, lr  }
0x1b: {  	s9 =	sadd.s32 $0xFFFFFEF7, lr;
	s5 =	simm.s32 $0xFFFFFFFF;
	p2 =	slt.u32 s8, $0xFFFFF086  }
0x1c: {  	p1 =	slt.u32 s9, $0xF7A;
	s5 =	simm.s32 @!p2 $0x0  }
0x1d: {  	s5 =	simm.s32 @p1 $0x1;
	p0 =	seq.s32 s7, s2  }
0x1e: {  	s7 =	smul.u32 @!p0 $0xF7A, s2;
	p2 =	seq.s32 @!p0 s5, $0x0  }
0x1f: {  	s9 =	smul.u32 $0xF7A, s1;
	s8 =	simm.s32 @!p0 $0x1BF5;
	p2 =	por !p2, p0  }
0x20: {  	[sflag:s8] =	ssyncset.s32 @!p0 $0xFFFFF086;
	s6 =	sadd.s32 @!p0 s3, s7;
	s7 =	simm.s32 @!p0 $0x108  }
0x21: {  	s3 =	sadd.s32 s3, s9;
	s6 =	sadd.s32 @!p0 $0x88, s6;
	s7 =	simm.s32 @p2 $0x1082  }
0x22: {  	[simem:s7], [sflag:s8] =	dma.local @!p0 [hbm:s6], $0xF7A  }
0x23: {  	s9 =	sor.u32 $0xD0000000, s2;
	s6 =	simm.s32 $0x108;
	_ =	swait.ge @!p0 [sflag:s8], $0x0  }
0x24: {  	s3 =	sadd.s32 $0x88, s3;
	s6 =	simm.s32 @!p1 $0x1082;
	[sflag:s4] =	ssyncset.s32 $0xFFFFF086  }
0x25: {  	[simem:s6], [sflag:s4] =	dma.local [hbm:s3], $0xF7A  }
0x26: {  	[smem:$0x3F97] =	sst s1;
	(tag) =	ssettag s2;
	_ =	strace s9  }
0x27: {  	s1 =	sld [smem:$0x3FA7]  }
0x28: {  	s2 =	sld [smem:$0x3FA8]  }
0x29: {  	s4 =	sld [smem:$0x3FAA]  }
0x2a: {  	p0 =	seq.s32 s5, $0x0;
	s5 =	sld [smem:$0x3FAB]  }
0x2b: {  	s6 =	sld [smem:$0x3FAC]  }
0x2c: {  	s7 =	sld [smem:$0x3FAD]  }
0x2d: {  	s3 =	simm.s32 $0x108;
	s8 =	sld [smem:$0x3FAE]  }
0x2e: {  	s3 =	simm.s32 @!p0 $0x1082;
	s9 =	sld [smem:$0x3FAF]  }
0x2f: {  	lr =	sadd.s32 s0, s3;
	s0 =	sld [smem:$0x3FA6]  }
0x30: {  	s3 =	sld [smem:$0x3FA9]  }
0x31: {  	[smem:$0x3FB2] =	sst s10  }
0x32: {  	s10 =	sld [smem:$0x3FB0];
	_ =	sdelay $0x3  }
0x33: {  	p0 =	seq.s32 s10, $0x1;
	s10 =	sld [smem:$0x3FB2];
	_ =	sdelay $0x3  }
0x34: {  	[smem:$0x3FB2] =	sst s10  }
0x35: {  	s10 =	sld [smem:$0x3FB1];
	_ =	sdelay $0x3  }
0x36: {  	p1 =	seq.s32 s10, $0x1;
	s10 =	sld [smem:$0x3FB2];
	_ =	sdelay $0x3  }
0x37: {  	[smem:$0x3FB2] =	sst s10  }
0x38: {  	s10 =	sld [smem:$0x3FB3]  }
0x39: {  	_ = 	snop;
	(pc) =	sbr.ind lr, $3  }
0x3a: {  	_ = 	snop  }
0x3b: {  	_ = 	snop  }
0x3c: {  	p2 =	seq.s32 s10, $0x1;
	s10 =	sld [smem:$0x3FB2]  }
0x3d: {  	_ =	shalt  }
0x3e: {  	_ =	shalt  }
0x3f: {  	_ =	shalt  }
0x40: {  	_ =	shalt  }
0x41: {  	_ =	shalt  }
0x42: {  	_ =	shalt  }
0x43: {  	_ =	shalt  }
0x44: {  	_ =	shalt  }
0x45: {  	_ =	shalt  }
0x46: {  	_ =	shalt  }
0x47: {  	_ =	shalt  }
0x48: {  	_ =	shalt  }
0x49: {  	_ =	shalt  }
0x4a: {  	_ =	shalt  }
0x4b: {  	_ =	shalt  }
0x4c: {  	_ =	shalt  }
0x4d: {  	_ =	shalt  }
0x4e: {  	_ =	shalt  }
0x4f: {  	_ =	shalt  }
0x50: {  	_ =	shalt  }
0x51: {  	_ =	shalt  }
0x52: {  	_ =	shalt  }
0x53: {  	_ =	shalt  }
0x54: {  	_ =	shalt  }
0x55: {  	_ =	shalt  }
0x56: {  	_ =	shalt  }
0x57: {  	_ =	shalt  }
0x58: {  	_ =	shalt  }
0x59: {  	_ =	shalt  }
0x5a: {  	_ =	shalt  }
0x5b: {  	_ =	shalt  }
0x5c: {  	_ =	shalt  }
0x5d: {  	_ =	shalt  }
0x5e: {  	_ =	shalt  }
0x5f: {  	_ =	shalt  }
0x60: {  	_ =	shalt  }
0x61: {  	_ =	shalt  }
0x62: {  	_ =	shalt  }
0x63: {  	_ =	shalt  }
0x64: {  	_ =	shalt  }
0x65: {  	_ =	shalt  }
0x66: {  	_ =	shalt  }
0x67: {  	_ =	shalt  }
0x68: {  	_ =	shalt  }
0x69: {  	_ =	shalt  }
0x6a: {  	_ =	shalt  }
0x6b: {  	_ =	shalt  }
0x6c: {  	_ =	shalt  }
0x6d: {  	_ =	shalt  }
0x6e: {  	_ =	shalt  }
0x6f: {  	_ =	shalt  }
0x70: {  	_ =	shalt  }
0x71: {  	_ =	shalt  }
0x72: {  	_ =	shalt  }
0x73: {  	_ =	shalt  }
0x74: {  	_ =	shalt  }
0x75: {  	_ =	shalt  }
0x76: {  	_ =	shalt  }
0x77: {  	_ =	shalt  }
0x78: {  	_ =	shalt  }
0x79: {  	_ =	shalt  }
0x7a: {  	_ =	shalt  }
0x7b: {  	_ =	shalt  }
0x7c: {  	_ =	shalt  }
0x7d: {  	_ =	shalt  }
0x7e: {  	_ =	shalt  }
0x7f: {  	_ =	shalt  }
0x80: {  	_ =	shalt  }
0x81: {  	_ =	shalt  }
0x82: {  	_ =	shalt  }
0x83: {  	_ =	shalt  }
0x84: {  	_ =	shalt  }
0x85: {  	_ =	shalt  }
0x86: {  	_ =	shalt  }
0x87: {  	_ =	shalt  }
.Lfunc_end0:
.L_simem_size_0:
called_computation.4_lowered:
.L_overlay_start_0:
0x88: {  	s2 =	sld [smem:$0x3FD9]  }
0x89: {  	s3 =	sld [smem:$0x3FFE];
	_ =	sdelay $0x1  }
0x8a: {  	s1 =	srdreg.scid  }
0x8b: {  	s0 =	sand.u32 $0x1, s1  }
0x8c: {  	s17 =	sshll.u32 s0, $0xA;
	s2 =	sadd.s32 s3, s2  }
0x8d: {  	s2 =	sadd.s32 s2, s17  }
0x8e: {  	[smem:$0x3FBE] =	sst s2  }
0x8f: {  	_ = 	snop  }
0x90: {  	s2 =	sld [smem:$0x3FD0];
	(tm) =	ssettm $0x1  }
0x91: {  	s18 =	sld [smem:$0x3FFB];
	_ =	sdelay $0x3  }
0x92: {  	_ =	strace s18  }
0x93: {  	s3 =	sld [smem:$0x3FFC];
	_ =	sdelay $0x3  }
0x94: {  	_ =	strace s3  }
0x95: {  	s3 =	sld [smem:$0x3FFD];
	_ =	sdelay $0x3  }
0x96: {  	_ =	strace s3  }
0x97: {  	_ =	strace $0x8FFFFFFF  }
0x98: {  	s19 =	sld [smem:$0x3FDB];
	_ =	sdelay $0x1  }
0x99: {  	s4 =	simm.s32 $_scs_section_size  }
0x9a: {  	s5 =	simm.s32 $_size__tile_overlayer_lowered;
	s6 =	simm.s32 $_tile_overlayer_lowered  }
0x9b: {  	s22 =	simm.s32 $0x1BFF;
	s21 =	sshll.u32 s6, $0x1;
	s3 =	sadd.s32 s4, s19  }
0x9c: {  	s7 =	simm.s32 $0x0;
	s20 =	sshll.u32 s5, $0x1;
	s5 =	sadd.s32 s21, s3  }
0x9d: {  	[timem:s7], [sflag:s22] =	dma.local [hbm:s5], s20  }
0x9e: {  	_ =	swait.ge [sflag:s22], s20  }
0x9f: {  	s4 =	ssub.s32 $0x0, s20;
	[sflag:s22] =	ssyncset.done $0x0  }
0xa0: {  	[sflag:s22] =	ssyncadd.s32 s4;
	_ =	sdelay $0x1  }
0xa1: {  	s23 =	simm.s32 $0x1B8B  }
0xa2: {  	_ =	swait.ge [sflag:s23], $0x1  }
0xa3: {  	[sflag:s23] =	ssyncset.done $0x0  }
0xa4: {  	s25 =	simm.s32 $0x1B8E;
	s24 =	sld [smem:$0x3FFE];
	[sflag:s23] =	ssyncadd.s32 $0xFFFFFFFF  }
0xa5: {  	s26 =	simm.s32 $execute0_lowered;
	[smem:$0x3FD2] =	sst s25  }
0xa6: {  	s5 =	sshll.u32 s26, $0x1;
	_ =	strace $0x80000052;
	[dreg:$0x1] =	wrdreg $0xFFFFFFFF  }
0xa7: {  	s28 =	simm.s32 $_size_execute0_lowered;
	s3 =	sadd.s32 s3, s5;
	[dreg:$0x0] =	wrdreg $0x0  }
0xa8: {  	s5 =	sshll.u32 s28, $0x1;
	[dreg:$0x2] =	wrdreg s3  }
0xa9: {  	[dreg:$0x3] =	wrdreg s5  }
0xaa: {  	[dreg:$0x4] =	wrdreg $0xC0  }
0xab: {  	_ =	task [dreg:s7], $0x5FFFF  }
0xac: {  	[dreg:$0x1] =	wrdreg $0xFFFFFFFF  }
0xad: {  	[dreg:$0x0] =	wrdreg $0x60  }
0xae: {  	[dreg:$0x2] =	wrdreg s24  }
0xaf: {  	[dreg:$0x3] =	wrdreg s2  }
0xb0: {  	[dreg:$0x4] =	wrdreg $0x120000  }
0xb1: {  	[dreg:$0x5] =	wrdreg $0x9  }
0xb2: {  	_ =	task.clear_ibuf [dreg:s7], $0x6FFFF;
	_ =	strace $0x90000052  }
0xb3: {  	s29 =	simm.s32 $0x9;
	_ =	strace $0x80000054  }
0xb4: {  	_ =	swait.ge [sflag:s29], $0x1  }
0xb5: {  	[sflag:s29] =	ssyncadd.s32 $0xFFFFFFFF  }
0xb6: {  	_ =	strace $0x90000054  }
0xb7: {  	_ =	sfence  }
0xb8: {  	s30 =	sld [smem:$0x0];
	_ =	sdelay $0x2  }
0xb9: {  	s31 =	sshll.u32 s1, $0xD;
	s1 =	sshrl.u32 s1, $0x2  }
0xba: {  	s3 =	sand.u32 $0x4000, s31;
	s1 =	sadd.s32 s1, s30  }
0xbb: {  	s0 =	sor.u32 s3, s0;
	s1 =	sshll.u32 s1, $0x11  }
0xbc: {  	s0 =	sor.u32 s1, s0  }
0xbd: {  	s0 =	sadd.s32 $0x8F2B, s0  }
0xbe: {  	[sflag:s0] =	ssyncadd.remote.s32 $0x1  }
0xbf: {  	_ =	sfence.sel $0xFFFF  }
0xc0: {  	[dreg:$0x0] =	wrdreg $0xFFFFFFFF;
	(pc) =	sbr.abs _section_cstart, $3  }
0xc1: {  	[dreg:$0x1] =	wrdreg $0xFFFFFFFF  }
0xc2: {  	_ =	task.clear_ibuf [dreg:s7], $0x2FFFF;
	_ =	strace $0x9FFFFFFF  }
0xc3: {  	(tm) =	ssettm $0x7FFFFFFF  }
tec
execute0_lowered:
.L_overlay_start_1:
0x0: {  	(tag) =	ssettag $0x1  }
0x1: {  	s5 =	rddreg [dreg:$0x0]  }
0x2: {  	s8 =	rddreg [dreg:$0x1]  }
0x3: {  	s2 =	rddreg [dreg:$0x2]  }
0x4: {  	s0 =	srdreg.scid;
	s1 =	rddreg [dreg:$0x3]  }
0x5: {  	s3 =	simm.s32 $0x0;
	s15 =	simm.s32 $0xA000;
	s9 =	sand.u32 $0x1, s0  }
0x6: {  	s16 =	simm.s32 $0xE000;
	s0 =	stileid.u32;
	s6 =	smul.u32 $0xA0000, s9  }
0x7: {  	s17 =	simm.s32 $0x1;
	s18 =	simm.s32 $0x2;
	s7 =	smul.u32 $0xA000, s0  }
0x8: {  	s19 =	simm.s32 $0x0;
	[smem:$0x7FF] =	sst s3;
	s10 =	smul.u32 $0x1400, s9  }
0x9: {  	s4 =	sadd.s32 $0x4C00, s5;
	s11 =	smul.u32 $0x140, s0;
	_ =	strace $0x80000053  }
0xa: {  	s24 =	smul.u32 $0x28000, s0;
	s28 =	ssub.s32 $0x2, s9;
	s30 =	sshll.u32 s0, $0x6  }
0xb: {  	s31 =	sshll.u32 s0, $0x4;
	s9 =	sshll.u32 s9, $0x8;
	s29 =	sshrl.u32 s28, $0x1  }
0xc: {  	s8 =	sadd.s32 s8, s31;
	s6 =	sadd.s32 s7, s6;
	s23 =	sadd.s32 s11, s10  }
0xd: {  	s10 =	sshrl.u32 s24, $0x2;
	s13 =	ssub.s32 s28, s29;
	s8 =	sadd.s32 s9, s8  }
.Ltmp0:
0xe: {  	s6 =	sshrl.u32 s6, $0x3;
	s26 =	sshll.u32 s23, $0x4;
	(pc) =	sbr.rel .LBB2_1-.Ltmp0, $4  }
0xf: {  	s14 =	sadd.s32 s10, s2;
	s10 =	smax.u32 s13, $0x1;
	s13 =	simm.s32 $0x1C040  }
0x10: {  	s25 =	sadd.s32 s6, s5;
	s12 =	sadd.s32 s26, s5;
	s5 =	sadd.s32 s4, s26  }
0x11: {  	s6 =	sor.u32 $0x1C03, s30;
	s11 =	sshrl.u32 s14, $0x3;
	s14 =	simm.s32 $0x80  }
0x12: {  	s7 =	sadd.s32 $0x60A00, s25;
	s9 =	sadd.s32 $0x2CC00, s12;
	s12 =	simm.s32 $0x3  }
.LBB2_2:
0x13: {  	[bflag:$0x0] =	sbarrier.arrive $0xFFFF  }
.LBB2_6:
0x14: {  	s19 =	sadd.s32 $0x1, s19  }
0x15: {  	p0 =	sne.s32 s19, s10  }
.Ltmp1:
0x16: {  	[bflag:$0x0] =	sbarrier.arrive $0xFFFF;
	(pc) =	sbr.rel @!p0 .LBB2_7-.Ltmp1, $4  }
0x17: {  	[hbm:s9], [sflag:s6] =	dma.local [spmem:s11], $0x1400  }
0x18: {  	_ =	swait.ge [sflag:s12], $0x1400  }
0x19: {  	[sflag:s12] =	ssyncset.done $0x0  }
0x1a: {  	[sflag:s12] =	ssyncadd.s32 $0xFFFFEC00  }
.LBB2_1:
0x1b: {  	[spmem:s11], [sflag:s6] =	dma.local [hbm:s5], $0x1400  }
0x1c: {  	_ =	swait.ge [sflag:s12], $0x1400  }
0x1d: {  	[sflag:s12] =	ssyncset.done $0x0  }
0x1e: {  	[sflag:s12] =	ssyncadd.s32 $0xFFFFEC00  }
0x1f: {  	[tilespmem:s3], [sflag:$0x3] =	stream.linear.gather [hbm4b:s7+s3], $0xA000, $0x38;
	[tilespmem:$0x1C0C0] =	vst v63  }
0x20: {  	_ =	swait.ge [sflag:s12], $0xA000  }
0x21: {  	[sflag:s12] =	ssyncset.done $0x0  }
0x22: {  	[sflag:s12] =	ssyncadd.s32 $0xFFFF6000  }
0x23: {  	[tilespmem:s13], [sflag:$0x3] =	stream.linear.gather [hbm4b:s8+s3], $0x80, $0x38;
	[tilespmem:$0x1C0C0] =	vst v63  }
0x24: {  	_ =	swait.ge [sflag:s12], $0x80  }
0x25: {  	[sflag:s12] =	ssyncset.done $0x0  }
0x26: {  	[sflag:s12] =	ssyncadd.s32 $0xFFFFFF80  }
0x27: {  	v0 =	vld [tilespmem:$0x1C040];
	_ =	sdelay $0x4  }
0x28: {  	v0 =	vxor.u32 $0x80000000, v0  }
0x29: {  	(xrf0) =	vmax.scan.msk.u32 $0xffff, v0;
	_ =	sdelay $0x5  }
0x2a: {  	v0, _, _ =	vpop (xrf0)  }
0x2b: {  	(v2sf) =	vpush v0, $0xF;
	_ =	sdelay $0xe  }
0x2c: {  	s20 =	spop (v2sf)  }
0x2d: {  	s21 =	sxor.u32 $0x80000000, s20  }
0x2e: {  	p0 =	sgt.s32 s21, $0x0  }
.Ltmp2:
0x2f: {  	_ = 	snop;
	(pc) =	sbr.rel @!p0 .LBB2_2-.Ltmp2, $1  }
0x30: {  	_ =	sdelay $0x3  }
0x31: {  	[tilespmem:s15], [sflag:$0x1] =	stream.indirect.gather [hbm4b:s4+s14], $0x80, s3, s14, $0xb8;
	[tilespmem:$0x1C0C0] =	vst v63  }
0x32: {  	_ = 	snop  }
0x33: {  	[tilespmem:s16], [sflag:$0x2] =	stream.indirect.gather [hbm4b:s4+s14], $0x80, s14, s14, $0xb8;
	[tilespmem:$0x1C0C0] =	vst v63  }
0x34: {  	[bflag:$0x0] =	sbarrier.arrive $0xFFFF  }
0x35: {  	p0 =	slt.s32 s21, $0x50;
	_ =	swait.ge [sflag:s17], $0x4000  }
0x36: {  	s21 =	simm.s32 @!p0 $0x50;
	[sflag:s17] =	ssyncset.done $0x0  }
0x37: {  	s22 =	simm.s32 $0x5000;
	s20 =	sshll.u32 s21, $0x1;
	[sflag:s17] =	ssyncadd.s32 $0xFFFFC000  }
0x38: {  	[spmem:s2] =	stream.indirect.scatter.add.f32 [tilespmem:s15], [sflag:$0x3], $0x80, s22, s14, $0xb8;
	[tilespmem:$0x1C0C0] =	vst v63  }
0x39: {  	p0 =	sle.s32 s20, $0x2;
	_ =	swait.ge [sflag:s12], $0x4000  }
0x3a: {  	s21 =	sadd.s32 $0xFFFFFFFF, s21;
	s23 =	simm.s32 @!p0 $0x80;
	[sflag:s12] =	ssyncset.done $0x0  }
0x3b: {  	s24 =	simm.s32 @!p0 $0xA000;
	s22 =	simm.s32 @!p0 $0x100;
	[sflag:s12] =	ssyncadd.s32 $0xFFFFC000  }
0x3c: {  	[tilespmem:s24], [sflag:$0x1] =	stream.indirect.gather @!p0 [hbm4b:s4+s23], $0x80, s22, s23, $0xb8;
	[tilespmem:$0x1C0C0] =	vst v63  }
0x3d: {  	p0 =	sne.s32 s21, $0x0;
	_ =	swait.ge [sflag:s18], $0x4000  }
.Ltmp3:
0x3e: {  	[sflag:s18] =	ssyncset.done $0x0;
	(pc) =	sbr.rel @!p0 .LBB2_5-.Ltmp3, $4  }
0x3f: {  	s31 =	simm.s32 $0x5080;
	p1 =	sle.s32 s20, $0x3;
	[sflag:s18] =	ssyncadd.s32 $0xFFFFC000  }
0x40: {  	[spmem:s2] =	stream.indirect.scatter.add.f32 [tilespmem:s16], [sflag:$0x3], $0x80, s31, s14, $0xb8;
	[tilespmem:$0x1C0C0] =	vst v63  }
0x41: {  	s25 =	simm.s32 @!p1 $0xE000;
	s22 =	simm.s32 $0x4;
	_ =	swait.ge [sflag:s12], $0x4000  }
0x42: {  	s23 =	simm.s32 $0x5180;
	s24 =	simm.s32 @!p1 $0x180;
	[sflag:s12] =	ssyncset.done $0x0  }
.LBB2_4:
0x43: {  	s21 =	sadd.s32 $0xFFFFFFFF, s21;
	[sflag:s12] =	ssyncadd.s32 $0xFFFFC000;
	s26 =	simm.s32 @!p1 $0x80  }
0x44: {  	[tilespmem:s25], [sflag:$0x2] =	stream.indirect.gather @!p1 [hbm4b:s4+s26], $0x80, s24, s26, $0xb8;
	[tilespmem:$0x1C0C0] =	vst v63  }
0x45: {  	p0 =	sne.s32 s21, $0x0;
	s24 =	smov.u32 s23;
	_ =	swait.ge [sflag:s17], $0x4000  }
0x46: {  	s25 =	sadd.s32 $0xFFFFFF80, s23;
	[sflag:s17] =	ssyncset.done $0x0  }
0x47: {  	[sflag:s17] =	ssyncadd.s32 $0xFFFFC000  }
0x48: {  	[spmem:s2] =	stream.indirect.scatter.add.f32 [tilespmem:s15], [sflag:$0x3], $0x80, s25, s14, $0xb8;
	[tilespmem:$0x1C0C0] =	vst v63  }
0x49: {  	p1 =	sge.s32 s22, s20;
	_ =	swait.ge [sflag:s12], $0x4000  }
0x4a: {  	s26 =	simm.s32 @!p1 $0x80;
	s25 =	sadd.s32 @!p1 $0xFFFFB080, s23;
	[sflag:s12] =	ssyncset.done $0x0  }
0x4b: {  	s28 =	simm.s32 @!p1 $0xA000;
	[sflag:s12] =	ssyncadd.s32 $0xFFFFC000  }
0x4c: {  	[tilespmem:s28], [sflag:$0x1] =	stream.indirect.gather @!p1 [hbm4b:s4+s26], $0x80, s25, s26, $0xb8;
	[tilespmem:$0x1C0C0] =	vst v63  }
0x4d: {  	_ =	swait.ge [sflag:s18], $0x4000  }
.Ltmp4:
0x4e: {  	[sflag:s18] =	ssyncset.done $0x0;
	(pc) =	sbr.rel @p0 .LBB2_4-.Ltmp4, $4  }
0x4f: {  	s25 =	sadd.s32 $0x1, s22;
	s22 =	sadd.s32 $0x2, s22;
	[sflag:s18] =	ssyncadd.s32 $0xFFFFC000  }
0x50: {  	[spmem:s2] =	stream.indirect.scatter.add.f32 [tilespmem:s16], [sflag:$0x3], $0x80, s23, s14, $0xb8;
	[tilespmem:$0x1C0C0] =	vst v63  }
0x51: {  	p1 =	sge.s32 s25, s20;
	s23 =	sadd.s32 $0x100, s23;
	_ =	swait.ge [sflag:s12], $0x4000  }
0x52: {  	s24 =	sadd.s32 @!p1 $0xFFFFB100, s24;
	s25 =	simm.s32 @!p1 $0xE000;
	[sflag:s12] =	ssyncset.done $0x0  }
.LBB2_5:
.Ltmp5:
0x53: {  	(pc) =	sbr.rel .LBB2_6-.Ltmp5, $3  }
0x54: {  	_ =	sdelay $0x1  }
0x55: {  	[sflag:s12] =	ssyncadd.s32 $0xFFFFC000;
	s20 =	simm.s32 @!p1 $0x80  }
0x56: {  	[tilespmem:s25], [sflag:$0x2] =	stream.indirect.gather @!p1 [hbm4b:s4+s20], $0x80, s24, s20, $0xb8;
	[tilespmem:$0x1C0C0] =	vst v63  }
.LBB2_7:
0x57: {  	_ =	sfence.sel $0x180000  }
0x58: {  	[bflag:$0x0] =	sbarrier.arrive $0xFFFF  }
0x59: {  	p0 =	sne.s32 s0, $0x0;
	_ =	strace $0x90000053  }
0x5a: {  	s0 =	sadd.s32 @!p0 $0x100000, s1;
	[bflag:$0x2] =	sbarrier.arrive $0xFFFF  }
0x5b: {  	[sflag:s0] =	ssyncadd.tile.s32 @!p0 $0x1;
	_ =	shalt  }
.Lfunc_end2:
_tile_overlayer_lowered:
.L_overlay_start_2:
0x5c: {  	(tag) =	ssettag $0x2  }
0x5d: {  	s0 =	rddreg [dreg:$0x0];
	s2 =	stileid.u32  }
0x5e: {  	s1 =	rddreg [dreg:$0x1];
	p0 =	sne.s32 s2, $0x0  }
0x5f: {  	s3 =	rddreg [dreg:$0x2];
	[bflag:$0x3] =	sbarrier.arrive $0xFFFF;
	s2 =	simm.s32 @!p0 $0x1C03  }
0x60: {  	[timem:s3], [sflag:s2] =	dma.local @!p0 [hbm:s0], s1  }
0x61: {  	s0 =	simm.s32 @!p0 $0x3  }
0x62: {  	_ =	swait.ge @!p0 [sflag:s0], s1  }
0x63: {  	s1 =	ssub.s32 @!p0 $0x0, s1;
	[sflag:s0] =	ssyncset.done @!p0 $0x0  }
0x64: {  	[sflag:s0] =	ssyncadd.s32 @!p0 s1  }
0x65: {  	[bflag:$0x3] =	sbarrier.arrive $0xFFFF  }
0x66: {  	_ =	shalt  }

// kernel: kernel.28.cloned.1.call-start
scs
__scs_entry_jumppad:
0x0: {  	(pc) =	sbr.rel $0x88, $3  }
0x1: {  	(tag) =	ssettag $0x0;
	lr =	simm.s32 $0x1  }
0x2: {  	[smem:$0x3F97] =	sst lr;
	_ =	strace $0xD0000000  }
0x3: {  	_ = 	snop  }
0x4: {  	_ = 	snop  }
0x5: {  	_ = 	snop  }
0x6: {  	_ = 	snop  }
0x7: {  	_ = 	snop  }
__scs_overlays_trampoline_lowered:
0x8: {  	[smem:$0x3FA6] =	sst s0  }
0x9: {  	[smem:$0x3FA7] =	sst s1  }
0xa: {  	[smem:$0x3FA8] =	sst s2  }
0xb: {  	[smem:$0x3FA9] =	sst s3  }
0xc: {  	[smem:$0x3FAA] =	sst s4  }
0xd: {  	[smem:$0x3FAB] =	sst s5  }
0xe: {  	[smem:$0x3FAC] =	sst s6  }
0xf: {  	[smem:$0x3FAD] =	sst s7  }
0x10: {  	[smem:$0x3FAE] =	sst s8  }
0x11: {  	[smem:$0x3FAF] =	sst s9;
	s0 =	simm.s32 @!p0 $0x0  }
0x12: {  	s1 =	sld [smem:$0x3F95];
	s0 =	simm.s32 @p0 $0x1  }
0x13: {  	[smem:$0x3FB0] =	sst s0;
	s0 =	simm.s32 @!p1 $0x0  }
0x14: {  	s2 =	sld [smem:$0x3F94];
	s0 =	simm.s32 @p1 $0x1  }
0x15: {  	[smem:$0x3FB1] =	sst s0;
	s0 =	simm.s32 @!p2 $0x0  }
0x16: {  	s3 =	sld [smem:$0x3FDB];
	s0 =	simm.s32 @p2 $0x1  }
0x17: {  	s4 =	simm.s32 $0x1BF5;
	[smem:$0x3FB3] =	sst s0  }
0x18: {  	s0 =	sld [smem:$0x3F96];
	_ =	swait.ge [sflag:s4], $0x0  }
0x19: {  	s7 =	sld [smem:$0x3F97]  }
0x1a: {  	s8 =	sadd.s32 $0xFFFFE003, lr  }
0x1b: {  	s9 =	sadd.s32 $0xFFFFFEF7, lr;
	s5 =	simm.s32 $0xFFFFFFFF;
	p2 =	slt.u32 s8, $0xFFFFF086  }
0x1c: {  	p1 =	slt.u32 s9, $0xF7A;
	s5 =	simm.s32 @!p2 $0x0  }
0x1d: {  	s5 =	simm.s32 @p1 $0x1;
	p0 =	seq.s32 s7, s2  }
0x1e: {  	s7 =	smul.u32 @!p0 $0xF7A, s2;
	p2 =	seq.s32 @!p0 s5, $0x0  }
0x1f: {  	s9 =	smul.u32 $0xF7A, s1;
	s8 =	simm.s32 @!p0 $0x1BF5;
	p2 =	por !p2, p0  }
0x20: {  	[sflag:s8] =	ssyncset.s32 @!p0 $0xFFFFF086;
	s6 =	sadd.s32 @!p0 s3, s7;
	s7 =	simm.s32 @!p0 $0x108  }
0x21: {  	s3 =	sadd.s32 s3, s9;
	s6 =	sadd.s32 @!p0 $0x88, s6;
	s7 =	simm.s32 @p2 $0x1082  }
0x22: {  	[simem:s7], [sflag:s8] =	dma.local @!p0 [hbm:s6], $0xF7A  }
0x23: {  	s9 =	sor.u32 $0xD0000000, s2;
	s6 =	simm.s32 $0x108;
	_ =	swait.ge @!p0 [sflag:s8], $0x0  }
0x24: {  	s3 =	sadd.s32 $0x88, s3;
	s6 =	simm.s32 @!p1 $0x1082;
	[sflag:s4] =	ssyncset.s32 $0xFFFFF086  }
0x25: {  	[simem:s6], [sflag:s4] =	dma.local [hbm:s3], $0xF7A  }
0x26: {  	[smem:$0x3F97] =	sst s1;
	(tag) =	ssettag s2;
	_ =	strace s9  }
0x27: {  	s1 =	sld [smem:$0x3FA7]  }
0x28: {  	s2 =	sld [smem:$0x3FA8]  }
0x29: {  	s4 =	sld [smem:$0x3FAA]  }
0x2a: {  	p0 =	seq.s32 s5, $0x0;
	s5 =	sld [smem:$0x3FAB]  }
0x2b: {  	s6 =	sld [smem:$0x3FAC]  }
0x2c: {  	s7 =	sld [smem:$0x3FAD]  }
0x2d: {  	s3 =	simm.s32 $0x108;
	s8 =	sld [smem:$0x3FAE]  }
0x2e: {  	s3 =	simm.s32 @!p0 $0x1082;
	s9 =	sld [smem:$0x3FAF]  }
0x2f: {  	lr =	sadd.s32 s0, s3;
	s0 =	sld [smem:$0x3FA6]  }
0x30: {  	s3 =	sld [smem:$0x3FA9]  }
0x31: {  	[smem:$0x3FB2] =	sst s10  }
0x32: {  	s10 =	sld [smem:$0x3FB0];
	_ =	sdelay $0x3  }
0x33: {  	p0 =	seq.s32 s10, $0x1;
	s10 =	sld [smem:$0x3FB2];
	_ =	sdelay $0x3  }
0x34: {  	[smem:$0x3FB2] =	sst s10  }
0x35: {  	s10 =	sld [smem:$0x3FB1];
	_ =	sdelay $0x3  }
0x36: {  	p1 =	seq.s32 s10, $0x1;
	s10 =	sld [smem:$0x3FB2];
	_ =	sdelay $0x3  }
0x37: {  	[smem:$0x3FB2] =	sst s10  }
0x38: {  	s10 =	sld [smem:$0x3FB3]  }
0x39: {  	_ = 	snop;
	(pc) =	sbr.ind lr, $3  }
0x3a: {  	_ = 	snop  }
0x3b: {  	_ = 	snop  }
0x3c: {  	p2 =	seq.s32 s10, $0x1;
	s10 =	sld [smem:$0x3FB2]  }
0x3d: {  	_ =	shalt  }
0x3e: {  	_ =	shalt  }
0x3f: {  	_ =	shalt  }
0x40: {  	_ =	shalt  }
0x41: {  	_ =	shalt  }
0x42: {  	_ =	shalt  }
0x43: {  	_ =	shalt  }
0x44: {  	_ =	shalt  }
0x45: {  	_ =	shalt  }
0x46: {  	_ =	shalt  }
0x47: {  	_ =	shalt  }
0x48: {  	_ =	shalt  }
0x49: {  	_ =	shalt  }
0x4a: {  	_ =	shalt  }
0x4b: {  	_ =	shalt  }
0x4c: {  	_ =	shalt  }
0x4d: {  	_ =	shalt  }
0x4e: {  	_ =	shalt  }
0x4f: {  	_ =	shalt  }
0x50: {  	_ =	shalt  }
0x51: {  	_ =	shalt  }
0x52: {  	_ =	shalt  }
0x53: {  	_ =	shalt  }
0x54: {  	_ =	shalt  }
0x55: {  	_ =	shalt  }
0x56: {  	_ =	shalt  }
0x57: {  	_ =	shalt  }
0x58: {  	_ =	shalt  }
0x59: {  	_ =	shalt  }
0x5a: {  	_ =	shalt  }
0x5b: {  	_ =	shalt  }
0x5c: {  	_ =	shalt  }
0x5d: {  	_ =	shalt  }
0x5e: {  	_ =	shalt  }
0x5f: {  	_ =	shalt  }
0x60: {  	_ =	shalt  }
0x61: {  	_ =	shalt  }
0x62: {  	_ =	shalt  }
0x63: {  	_ =	shalt  }
0x64: {  	_ =	shalt  }
0x65: {  	_ =	shalt  }
0x66: {  	_ =	shalt  }
0x67: {  	_ =	shalt  }
0x68: {  	_ =	shalt  }
0x69: {  	_ =	shalt  }
0x6a: {  	_ =	shalt  }
0x6b: {  	_ =	shalt  }
0x6c: {  	_ =	shalt  }
0x6d: {  	_ =	shalt  }
0x6e: {  	_ =	shalt  }
0x6f: {  	_ =	shalt  }
0x70: {  	_ =	shalt  }
0x71: {  	_ =	shalt  }
0x72: {  	_ =	shalt  }
0x73: {  	_ =	shalt  }
0x74: {  	_ =	shalt  }
0x75: {  	_ =	shalt  }
0x76: {  	_ =	shalt  }
0x77: {  	_ =	shalt  }
0x78: {  	_ =	shalt  }
0x79: {  	_ =	shalt  }
0x7a: {  	_ =	shalt  }
0x7b: {  	_ =	shalt  }
0x7c: {  	_ =	shalt  }
0x7d: {  	_ =	shalt  }
0x7e: {  	_ =	shalt  }
0x7f: {  	_ =	shalt  }
0x80: {  	_ =	shalt  }
0x81: {  	_ =	shalt  }
0x82: {  	_ =	shalt  }
0x83: {  	_ =	shalt  }
0x84: {  	_ =	shalt  }
0x85: {  	_ =	shalt  }
0x86: {  	_ =	shalt  }
0x87: {  	_ =	shalt  }
.Lfunc_end0:
.L_simem_size_0:
called_computation.5_lowered:
.L_overlay_start_0:
0x88: {  	s2 =	sld [smem:$0x3FD9]  }
0x89: {  	s3 =	sld [smem:$0x3FFE];
	_ =	sdelay $0x1  }
0x8a: {  	s1 =	srdreg.scid  }
0x8b: {  	s0 =	sand.u32 $0x1, s1  }
0x8c: {  	s17 =	sshll.u32 s0, $0xA;
	s2 =	sadd.s32 s3, s2  }
0x8d: {  	s2 =	sadd.s32 s2, s17  }
0x8e: {  	[smem:$0x3FBE] =	sst s2  }
0x8f: {  	_ = 	snop  }
0x90: {  	s2 =	sld [smem:$0x3FD0];
	(tm) =	ssettm $0x1  }
0x91: {  	s18 =	sld [smem:$0x3FFB];
	_ =	sdelay $0x3  }
0x92: {  	_ =	strace s18  }
0x93: {  	s3 =	sld [smem:$0x3FFC];
	_ =	sdelay $0x3  }
0x94: {  	_ =	strace s3  }
0x95: {  	s3 =	sld [smem:$0x3FFD];
	_ =	sdelay $0x3  }
0x96: {  	_ =	strace s3  }
0x97: {  	_ =	strace $0x8FFFFFFF  }
0x98: {  	s19 =	sld [smem:$0x3FDB];
	_ =	sdelay $0x1  }
0x99: {  	s4 =	simm.s32 $_scs_section_size  }
0x9a: {  	s5 =	simm.s32 $_size__tile_overlayer_lowered;
	s6 =	simm.s32 $_tile_overlayer_lowered  }
0x9b: {  	s22 =	simm.s32 $0x1BFF;
	s21 =	sshll.u32 s6, $0x1;
	s3 =	sadd.s32 s4, s19  }
0x9c: {  	s7 =	simm.s32 $0x0;
	s20 =	sshll.u32 s5, $0x1;
	s5 =	sadd.s32 s21, s3  }
0x9d: {  	[timem:s7], [sflag:s22] =	dma.local [hbm:s5], s20  }
0x9e: {  	_ =	swait.ge [sflag:s22], s20  }
0x9f: {  	s4 =	ssub.s32 $0x0, s20;
	[sflag:s22] =	ssyncset.done $0x0  }
0xa0: {  	[sflag:s22] =	ssyncadd.s32 s4;
	_ =	sdelay $0x1  }
0xa1: {  	s23 =	simm.s32 $0x1B8B  }
0xa2: {  	_ =	swait.ge [sflag:s23], $0x1  }
0xa3: {  	[sflag:s23] =	ssyncset.done $0x0  }
0xa4: {  	s25 =	simm.s32 $0x1B8E;
	s24 =	sld [smem:$0x3FFE];
	[sflag:s23] =	ssyncadd.s32 $0xFFFFFFFF  }
0xa5: {  	s26 =	simm.s32 $execute0_lowered;
	[smem:$0x3FD2] =	sst s25  }
0xa6: {  	s5 =	sshll.u32 s26, $0x1;
	_ =	strace $0x80000055;
	[dreg:$0x1] =	wrdreg $0xFFFFFFFF  }
0xa7: {  	s28 =	simm.s32 $_size_execute0_lowered;
	s3 =	sadd.s32 s3, s5;
	[dreg:$0x0] =	wrdreg $0x0  }
0xa8: {  	s5 =	sshll.u32 s28, $0x1;
	[dreg:$0x2] =	wrdreg s3  }
0xa9: {  	[dreg:$0x3] =	wrdreg s5  }
0xaa: {  	[dreg:$0x4] =	wrdreg $0xC0  }
0xab: {  	_ =	task [dreg:s7], $0x5FFFF  }
0xac: {  	[dreg:$0x1] =	wrdreg $0xFFFFFFFF  }
0xad: {  	[dreg:$0x0] =	wrdreg $0x60  }
0xae: {  	[dreg:$0x2] =	wrdreg s24  }
0xaf: {  	[dreg:$0x3] =	wrdreg s2  }
0xb0: {  	[dreg:$0x4] =	wrdreg $0x120000  }
0xb1: {  	[dreg:$0x5] =	wrdreg $0x9  }
0xb2: {  	_ =	task.clear_ibuf [dreg:s7], $0x6FFFF;
	_ =	strace $0x90000055  }
0xb3: {  	s29 =	simm.s32 $0x9;
	_ =	strace $0x80000057  }
0xb4: {  	_ =	swait.ge [sflag:s29], $0x1  }
0xb5: {  	[sflag:s29] =	ssyncadd.s32 $0xFFFFFFFF  }
0xb6: {  	_ =	strace $0x90000057  }
0xb7: {  	_ =	sfence  }
0xb8: {  	s30 =	sld [smem:$0x0];
	_ =	sdelay $0x2  }
0xb9: {  	s31 =	sshll.u32 s1, $0xD;
	s1 =	sshrl.u32 s1, $0x2  }
0xba: {  	s3 =	sand.u32 $0x4000, s31;
	s1 =	sadd.s32 s1, s30  }
0xbb: {  	s0 =	sor.u32 s3, s0;
	s1 =	sshll.u32 s1, $0x11  }
0xbc: {  	s0 =	sor.u32 s1, s0  }
0xbd: {  	s0 =	sadd.s32 $0x8F2B, s0  }
0xbe: {  	[sflag:s0] =	ssyncadd.remote.s32 $0x1  }
0xbf: {  	_ =	sfence.sel $0xFFFF  }
0xc0: {  	[dreg:$0x0] =	wrdreg $0xFFFFFFFF;
	(pc) =	sbr.abs _section_cstart, $3  }
0xc1: {  	[dreg:$0x1] =	wrdreg $0xFFFFFFFF  }
0xc2: {  	_ =	task.clear_ibuf [dreg:s7], $0x2FFFF;
	_ =	strace $0x9FFFFFFF  }
0xc3: {  	(tm) =	ssettm $0x7FFFFFFF  }
tec
execute0_lowered:
.L_overlay_start_1:
0x0: {  	(tag) =	ssettag $0x1  }
0x1: {  	s5 =	rddreg [dreg:$0x0]  }
0x2: {  	s8 =	rddreg [dreg:$0x1]  }
0x3: {  	s2 =	rddreg [dreg:$0x2]  }
0x4: {  	s0 =	srdreg.scid;
	s1 =	rddreg [dreg:$0x3]  }
0x5: {  	s3 =	simm.s32 $0x0;
	s15 =	simm.s32 $0xA000;
	s9 =	sand.u32 $0x1, s0  }
0x6: {  	s16 =	simm.s32 $0xE000;
	s0 =	stileid.u32;
	s6 =	smul.u32 $0xA0000, s9  }
0x7: {  	s17 =	simm.s32 $0x1;
	s18 =	simm.s32 $0x2;
	s7 =	smul.u32 $0xA000, s0  }
0x8: {  	s19 =	simm.s32 $0x0;
	[smem:$0x7FF] =	sst s3;
	s10 =	smul.u32 $0x1400, s9  }
0x9: {  	s4 =	sadd.s32 $0x4C00, s5;
	s11 =	smul.u32 $0x140, s0;
	_ =	strace $0x80000056  }
0xa: {  	s24 =	smul.u32 $0x28000, s0;
	s28 =	ssub.s32 $0x2, s9;
	s30 =	sshll.u32 s0, $0x6  }
0xb: {  	s31 =	sshll.u32 s0, $0x4;
	s9 =	sshll.u32 s9, $0x8;
	s29 =	sshrl.u32 s28, $0x1  }
0xc: {  	s8 =	sadd.s32 s8, s31;
	s6 =	sadd.s32 s7, s6;
	s23 =	sadd.s32 s11, s10  }
0xd: {  	s10 =	sshrl.u32 s24, $0x2;
	s13 =	ssub.s32 s28, s29;
	s8 =	sadd.s32 s9, s8  }
.Ltmp0:
0xe: {  	s6 =	sshrl.u32 s6, $0x3;
	s26 =	sshll.u32 s23, $0x4;
	(pc) =	sbr.rel .LBB2_1-.Ltmp0, $4  }
0xf: {  	s14 =	sadd.s32 s10, s2;
	s10 =	smax.u32 s13, $0x1;
	s13 =	simm.s32 $0x1C040  }
0x10: {  	s25 =	sadd.s32 s6, s5;
	s12 =	sadd.s32 s26, s5;
	s5 =	sadd.s32 s4, s26  }
0x11: {  	s6 =	sor.u32 $0x1C03, s30;
	s11 =	sshrl.u32 s14, $0x3;
	s14 =	simm.s32 $0x80  }
0x12: {  	s7 =	sadd.s32 $0x60A00, s25;
	s9 =	sadd.s32 $0x2CC00, s12;
	s12 =	simm.s32 $0x3  }
.LBB2_2:
0x13: {  	[bflag:$0x0] =	sbarrier.arrive $0xFFFF  }
.LBB2_6:
0x14: {  	s19 =	sadd.s32 $0x1, s19  }
0x15: {  	p0 =	sne.s32 s19, s10  }
.Ltmp1:
0x16: {  	[bflag:$0x0] =	sbarrier.arrive $0xFFFF;
	(pc) =	sbr.rel @!p0 .LBB2_7-.Ltmp1, $4  }
0x17: {  	[hbm:s9], [sflag:s6] =	dma.local [spmem:s11], $0x1400  }
0x18: {  	_ =	swait.ge [sflag:s12], $0x1400  }
0x19: {  	[sflag:s12] =	ssyncset.done $0x0  }
0x1a: {  	[sflag:s12] =	ssyncadd.s32 $0xFFFFEC00  }
.LBB2_1:
0x1b: {  	[spmem:s11], [sflag:s6] =	dma.local [hbm:s5], $0x1400  }
0x1c: {  	_ =	swait.ge [sflag:s12], $0x1400  }
0x1d: {  	[sflag:s12] =	ssyncset.done $0x0  }
0x1e: {  	[sflag:s12] =	ssyncadd.s32 $0xFFFFEC00  }
0x1f: {  	[tilespmem:s3], [sflag:$0x3] =	stream.linear.gather [hbm4b:s7+s3], $0xA000, $0x38;
	[tilespmem:$0x1C0C0] =	vst v63  }
0x20: {  	_ =	swait.ge [sflag:s12], $0xA000  }
0x21: {  	[sflag:s12] =	ssyncset.done $0x0  }
0x22: {  	[sflag:s12] =	ssyncadd.s32 $0xFFFF6000  }
0x23: {  	[tilespmem:s13], [sflag:$0x3] =	stream.linear.gather [hbm4b:s8+s3], $0x80, $0x38;
	[tilespmem:$0x1C0C0] =	vst v63  }
0x24: {  	_ =	swait.ge [sflag:s12], $0x80  }
0x25: {  	[sflag:s12] =	ssyncset.done $0x0  }
0x26: {  	[sflag:s12] =	ssyncadd.s32 $0xFFFFFF80  }
0x27: {  	v0 =	vld [tilespmem:$0x1C040];
	_ =	sdelay $0x4  }
0x28: {  	v0 =	vxor.u32 $0x80000000, v0  }
0x29: {  	(xrf0) =	vmax.scan.msk.u32 $0xffff, v0;
	_ =	sdelay $0x5  }
0x2a: {  	v0, _, _ =	vpop (xrf0)  }
0x2b: {  	(v2sf) =	vpush v0, $0xF;
	_ =	sdelay $0xe  }
0x2c: {  	s20 =	spop (v2sf)  }
0x2d: {  	s21 =	sxor.u32 $0x80000000, s20  }
0x2e: {  	p0 =	sgt.s32 s21, $0x0  }
.Ltmp2:
0x2f: {  	_ = 	snop;
	(pc) =	sbr.rel @!p0 .LBB2_2-.Ltmp2, $1  }
0x30: {  	_ =	sdelay $0x3  }
0x31: {  	[tilespmem:s15], [sflag:$0x1] =	stream.indirect.gather [hbm4b:s4+s14], $0x80, s3, s14, $0xb8;
	[tilespmem:$0x1C0C0] =	vst v63  }
0x32: {  	_ = 	snop  }
0x33: {  	[tilespmem:s16], [sflag:$0x2] =	stream.indirect.gather [hbm4b:s4+s14], $0x80, s14, s14, $0xb8;
	[tilespmem:$0x1C0C0] =	vst v63  }
0x34: {  	[bflag:$0x0] =	sbarrier.arrive $0xFFFF  }
0x35: {  	p0 =	slt.s32 s21, $0x50;
	_ =	swait.ge [sflag:s17], $0x4000  }
0x36: {  	s21 =	simm.s32 @!p0 $0x50;
	[sflag:s17] =	ssyncset.done $0x0  }
0x37: {  	s22 =	simm.s32 $0x5000;
	s20 =	sshll.u32 s21, $0x1;
	[sflag:s17] =	ssyncadd.s32 $0xFFFFC000  }
0x38: {  	[spmem:s2] =	stream.indirect.scatter.add.f32 [tilespmem:s15], [sflag:$0x3], $0x80, s22, s14, $0xb8;
	[tilespmem:$0x1C0C0] =	vst v63  }
0x39: {  	p0 =	sle.s32 s20, $0x2;
	_ =	swait.ge [sflag:s12], $0x4000  }
0x3a: {  	s21 =	sadd.s32 $0xFFFFFFFF, s21;
	s23 =	simm.s32 @!p0 $0x80;
	[sflag:s12] =	ssyncset.done $0x0  }
0x3b: {  	s24 =	simm.s32 @!p0 $0xA000;
	s22 =	simm.s32 @!p0 $0x100;
	[sflag:s12] =	ssyncadd.s32 $0xFFFFC000  }
0x3c: {  	[tilespmem:s24], [sflag:$0x1] =	stream.indirect.gather @!p0 [hbm4b:s4+s23], $0x80, s22, s23, $0xb8;
	[tilespmem:$0x1C0C0] =	vst v63  }
0x3d: {  	p0 =	sne.s32 s21, $0x0;
	_ =	swait.ge [sflag:s18], $0x4000  }
.Ltmp3:
0x3e: {  	[sflag:s18] =	ssyncset.done $0x0;
	(pc) =	sbr.rel @!p0 .LBB2_5-.Ltmp3, $4  }
0x3f: {  	s31 =	simm.s32 $0x5080;
	p1 =	sle.s32 s20, $0x3;
	[sflag:s18] =	ssyncadd.s32 $0xFFFFC000  }
0x40: {  	[spmem:s2] =	stream.indirect.scatter.add.f32 [tilespmem:s16], [sflag:$0x3], $0x80, s31, s14, $0xb8;
	[tilespmem:$0x1C0C0] =	vst v63  }
0x41: {  	s25 =	simm.s32 @!p1 $0xE000;
	s22 =	simm.s32 $0x4;
	_ =	swait.ge [sflag:s12], $0x4000  }
0x42: {  	s23 =	simm.s32 $0x5180;
	s24 =	simm.s32 @!p1 $0x180;
	[sflag:s12] =	ssyncset.done $0x0  }
.LBB2_4:
0x43: {  	s21 =	sadd.s32 $0xFFFFFFFF, s21;
	[sflag:s12] =	ssyncadd.s32 $0xFFFFC000;
	s26 =	simm.s32 @!p1 $0x80  }
0x44: {  	[tilespmem:s25], [sflag:$0x2] =	stream.indirect.gather @!p1 [hbm4b:s4+s26], $0x80, s24, s26, $0xb8;
	[tilespmem:$0x1C0C0] =	vst v63  }
0x45: {  	p0 =	sne.s32 s21, $0x0;
	s24 =	smov.u32 s23;
	_ =	swait.ge [sflag:s17], $0x4000  }
0x46: {  	s25 =	sadd.s32 $0xFFFFFF80, s23;
	[sflag:s17] =	ssyncset.done $0x0  }
0x47: {  	[sflag:s17] =	ssyncadd.s32 $0xFFFFC000  }
0x48: {  	[spmem:s2] =	stream.indirect.scatter.add.f32 [tilespmem:s15], [sflag:$0x3], $0x80, s25, s14, $0xb8;
	[tilespmem:$0x1C0C0] =	vst v63  }
0x49: {  	p1 =	sge.s32 s22, s20;
	_ =	swait.ge [sflag:s12], $0x4000  }
0x4a: {  	s26 =	simm.s32 @!p1 $0x80;
	s25 =	sadd.s32 @!p1 $0xFFFFB080, s23;
	[sflag:s12] =	ssyncset.done $0x0  }
0x4b: {  	s28 =	simm.s32 @!p1 $0xA000;
	[sflag:s12] =	ssyncadd.s32 $0xFFFFC000  }
0x4c: {  	[tilespmem:s28], [sflag:$0x1] =	stream.indirect.gather @!p1 [hbm4b:s4+s26], $0x80, s25, s26, $0xb8;
	[tilespmem:$0x1C0C0] =	vst v63  }
0x4d: {  	_ =	swait.ge [sflag:s18], $0x4000  }
.Ltmp4:
0x4e: {  	[sflag:s18] =	ssyncset.done $0x0;
	(pc) =	sbr.rel @p0 .LBB2_4-.Ltmp4, $4  }
0x4f: {  	s25 =	sadd.s32 $0x1, s22;
	s22 =	sadd.s32 $0x2, s22;
	[sflag:s18] =	ssyncadd.s32 $0xFFFFC000  }
0x50: {  	[spmem:s2] =	stream.indirect.scatter.add.f32 [tilespmem:s16], [sflag:$0x3], $0x80, s23, s14, $0xb8;
	[tilespmem:$0x1C0C0] =	vst v63  }
0x51: {  	p1 =	sge.s32 s25, s20;
	s23 =	sadd.s32 $0x100, s23;
	_ =	swait.ge [sflag:s12], $0x4000  }
0x52: {  	s24 =	sadd.s32 @!p1 $0xFFFFB100, s24;
	s25 =	simm.s32 @!p1 $0xE000;
	[sflag:s12] =	ssyncset.done $0x0  }
.LBB2_5:
.Ltmp5:
0x53: {  	(pc) =	sbr.rel .LBB2_6-.Ltmp5, $3  }
0x54: {  	_ =	sdelay $0x1  }
0x55: {  	[sflag:s12] =	ssyncadd.s32 $0xFFFFC000;
	s20 =	simm.s32 @!p1 $0x80  }
0x56: {  	[tilespmem:s25], [sflag:$0x2] =	stream.indirect.gather @!p1 [hbm4b:s4+s20], $0x80, s24, s20, $0xb8;
	[tilespmem:$0x1C0C0] =	vst v63  }
.LBB2_7:
0x57: {  	_ =	sfence.sel $0x180000  }
0x58: {  	[bflag:$0x0] =	sbarrier.arrive $0xFFFF  }
0x59: {  	p0 =	sne.s32 s0, $0x0;
	_ =	strace $0x90000056  }
0x5a: {  	s0 =	sadd.s32 @!p0 $0x100000, s1;
	[bflag:$0x2] =	sbarrier.arrive $0xFFFF  }
0x5b: {  	[sflag:s0] =	ssyncadd.tile.s32 @!p0 $0x1;
	_ =	shalt  }
.Lfunc_end2:
_tile_overlayer_lowered:
.L_overlay_start_2:
0x5c: {  	(tag) =	ssettag $0x2  }
0x5d: {  	s0 =	rddreg [dreg:$0x0];
	s2 =	stileid.u32  }
0x5e: {  	s1 =	rddreg [dreg:$0x1];
	p0 =	sne.s32 s2, $0x0  }
0x5f: {  	s3 =	rddreg [dreg:$0x2];
	[bflag:$0x3] =	sbarrier.arrive $0xFFFF;
	s2 =	simm.s32 @!p0 $0x1C03  }
0x60: {  	[timem:s3], [sflag:s2] =	dma.local @!p0 [hbm:s0], s1  }
0x61: {  	s0 =	simm.s32 @!p0 $0x3  }
0x62: {  	_ =	swait.ge @!p0 [sflag:s0], s1  }
0x63: {  	s1 =	ssub.s32 @!p0 $0x0, s1;
	[sflag:s0] =	ssyncset.done @!p0 $0x0  }
0x64: {  	[sflag:s0] =	ssyncadd.s32 @!p0 s1  }
0x65: {  	[bflag:$0x3] =	sbarrier.arrive $0xFFFF  }
0x66: {  	_ =	shalt  }

</sc_bundles>
